<compile_context>
chip_gen: v7x
topology: tpu7x:2x2x1
jax: 0.10.2.dev20260603
libtpu: 0.0.44.dev20260713+nightly
codegen_flags: <defaults>
</compile_context>

<pallas_src>
import functools

import jax
import jax.numpy as jnp
from jax import lax
from jax.experimental import pallas as pl
from jax.experimental.pallas import tpu as pltpu
from jax.experimental.pallas import tpu_sc as plsc

G1 = 34
PLANE = G1 * G1
NPLANES = 4 * G1
V = NPLANES * PLANE
V_PAD = 158464
VT = V_PAD // 16
SUBZ = 1238
DUMMY = 158407

NCHUNK = 33

N_PROC = 100352
BR = 1024
NBLK = N_PROC // BR
PT = N_PROC // 16
SR = 7
PR = 896
NW4 = 28
PW = N_PROC // NW4


@functools.cache
def _mesh():
    return plsc.VectorSubcoreMesh(core_axis_name="c", subcore_axis_name="s")


_PI_HI = 3.1415927410125732
_PI_LO = -8.742278012618954e-08
_S1, _S3, _S5, _S7, _S9 = (0.999999997, -0.1666666, 8.33309755e-3,
                           -1.98124848e-4, 2.61290035e-6)
_C0, _C2, _C4, _C6, _C8, _C10 = (1.0, -0.499999995, 4.16666419e-2,
                                 -1.38884323e-3, 2.47637666e-5,
                                 -2.61149497e-7)


def _sincos(x):
    n = jnp.floor(x * (1.0 / jnp.pi) + 0.5)
    r = (x - n * _PI_HI) - n * _PI_LO
    sign = 1.0 - 2.0 * (n - 2.0 * jnp.floor(0.5 * n))
    s = r * r
    sp = ((((_S9 * s + _S7) * s + _S5) * s + _S3) * s + _S1) * r
    cp = ((((_C10 * s + _C8) * s + _C6) * s + _C4) * s + _C2) * s + _C0
    return sign * sp, sign * cp


def _pos_of(ct_blk, wpos_ref):
    return lax.dot_general(ct_blk, wpos_ref[...], (((0,), (0,)), ((), ())),
                           preferred_element_type=jnp.float32)


def _ids_of(ct_blk, invs):
    sx = jnp.floor(ct_blk[0] * invs)
    sy = jnp.floor(ct_blk[1] * invs)
    sz = jnp.floor(ct_blk[2] * invs)
    return ((ct_blk[3] * G1 + sx + 1.0) * G1 + sy + 1.0) * G1 + sz + 1.0


def _k1_body(f_ref, ct_ref, s_ref, wpre_ref, g_ref, b_ref, wpos_ref,
             o_ref, oid_ref):
    h = jnp.dot(f_ref[...], wpre_ref[...], preferred_element_type=jnp.float32)
    mu = jnp.mean(h, axis=1, keepdims=True)
    xc = h - mu
    var = jnp.mean(xc * xc, axis=1, keepdims=True)
    F = xc * lax.rsqrt(var + 1e-6) * g_ref[...] + b_ref[...]
    ct = ct_ref[...]
    pos = _pos_of(ct, wpos_ref)
    sw, cw = _sincos(pos)
    o_ref[...] = jnp.stack([F * cw, F * sw], axis=0)
    idsf = _ids_of(ct, s_ref[0, 0])
    oid_ref[...] = idsf.astype(jnp.int32).reshape(BR // 128, 128)


def _k1(feats, ctf, invs, wpreT, gamma, beta, wpos4):
    return pl.pallas_call(
        _k1_body,
        grid=(NBLK,),
        in_specs=[
            pl.BlockSpec((BR, 128), lambda i: (i, 0)),
            pl.BlockSpec((4, BR), lambda i: (0, i)),
            pl.BlockSpec((1, 1), lambda i: (0, 0)),
            pl.BlockSpec((128, 128), lambda i: (0, 0)),
            pl.BlockSpec((1, 128), lambda i: (0, 0)),
            pl.BlockSpec((1, 128), lambda i: (0, 0)),
            pl.BlockSpec((4, 128), lambda i: (0, 0)),
        ],
        out_specs=[
            pl.BlockSpec((2, BR, 128), lambda i: (0, i, 0)),
            pl.BlockSpec((BR // 128, 128), lambda i: (i, 0)),
        ],
        out_shape=[
            jax.ShapeDtypeStruct((2, N_PROC, 128), jnp.float32),
            jax.ShapeDtypeStruct((N_PROC // 128, 128), jnp.int32),
        ],
    )(feats, ctf, invs, wpreT, gamma, beta, wpos4)


def _shift1(a, k):
    z = list(a.shape)
    z[-2] = abs(k)
    zer = jnp.zeros(z, a.dtype)
    if k > 0:
        return jnp.concatenate([a[..., k:, :], zer], axis=-2)
    return jnp.concatenate([zer, a[..., :k, :]], axis=-2)


def _box_zy(x):
    s = x + _shift1(x, 1) + _shift1(x, -1)
    return s + _shift1(s, G1) + _shift1(s, -G1)


def _k3_body(g_ref, c_ref, o_ref, scrf, scrc):
    s = _box_zy(g_ref[...])
    t = _box_zy(c_ref[...])
    s0 = s[:, :PLANE]
    s1 = s[:, PLANE:]
    t0 = t[:PLANE]
    t1 = t[PLANE:]
    outf0 = scrf[2] + scrf[0] + scrf[1]
    outf1 = scrf[0] + scrf[1] + s0
    outc0 = scrc[2] + scrc[0] + scrc[1]
    outc1 = scrc[0] + scrc[1] + t0
    a0 = outf0 / outc0[None, :, 0:1]
    a1 = outf1 / outc1[None, :, 0:1]
    o_ref[...] = jnp.concatenate([a0, a1], axis=1)
    scrf[2] = scrf[1]
    scrf[0] = s0
    scrf[1] = s1
    scrc[2] = scrc[1]
    scrc[0] = t0
    scrc[1] = t1


def _k3(grid3, gc):
    nblk = NPLANES // 2
    return pl.pallas_call(
        _k3_body,
        grid=(nblk + 1,),
        in_specs=[
            pl.BlockSpec((2, 2 * PLANE, 128),
                         lambda i: (0, jnp.minimum(i, nblk - 1), 0)),
            pl.BlockSpec((2 * PLANE, 8),
                         lambda i: (jnp.minimum(i, nblk - 1), 0)),
        ],
        out_specs=pl.BlockSpec((2, 2 * PLANE, 128),
                               lambda i: (0, jnp.maximum(i - 1, 0), 0)),
        out_shape=jax.ShapeDtypeStruct((2, V_PAD, 128), jnp.float32),
        scratch_shapes=[
            pltpu.VMEM((3, 2, PLANE, 128), jnp.float32),
            pltpu.VMEM((3, PLANE, 8), jnp.float32),
        ],
    )(grid3, gc)


def _k5_body(lo_ref, hi_ref, ct_ref, wpos_ref, o_ref):
    pos = _pos_of(ct_ref[...], wpos_ref)
    sw, cw = _sincos(pos)
    o_ref[...] = lo_ref[...] * cw + hi_ref[...] * sw


def _k5(lo, hi, ctf, wpos4, n):
    return pl.pallas_call(
        _k5_body,
        grid=(NBLK,),
        in_specs=[
            pl.BlockSpec((BR, 128), lambda i: (i, 0)),
            pl.BlockSpec((BR, 128), lambda i: (i, 0)),
            pl.BlockSpec((4, BR), lambda i: (0, i)),
            pl.BlockSpec((4, 128), lambda i: (0, 0)),
        ],
        out_specs=pl.BlockSpec((BR, 128), lambda i: (i, 0)),
        out_shape=jax.ShapeDtypeStruct((n, 128), jnp.float32),
    )(lo, hi, ctf, wpos4)


def _k2_body(fw_hbm, idx_hbm, zz_hbm, ones_hbm, grid_hbm, gc_hbm,
             spg, zbuf, ibuf, vbufa, vbufb, onesbuf, obuf, obufb,
             sema, semb, sems):
    c = lax.axis_index("c")
    s = lax.axis_index("s")
    pltpu.sync_copy(zz_hbm, zbuf)
    pltpu.sync_copy(ones_hbm, onesbuf)
    pltpu.sync_copy(idx_hbm.at[pl.ds(s * 49, 49)], ibuf)
    row0 = s * VT
    p_base = s * PT

    def chunk_iter(jj, carry):
        chunk = jj * 2 + c
        valid = chunk < NCHUNK
        is_cnt = chunk == NCHUNK - 1
        half = chunk // 16
        col0 = (chunk % 16) * 8

        def _src(r):
            return fw_hbm.at[half, pl.ds(p_base + r * PR, PR),
                             pl.ds(col0, 8)]

        def _start(r, buf, sem):
            pltpu.async_copy(_src(r), buf, sem)

        def _wait(r, buf, sem):
            pltpu.make_async_copy(_src(r), buf, sem).wait()

        def _scat(r, buf):
            for q in range(7):
                pltpu.async_copy(buf.at[pl.ds(q * 128, 128)],
                                 spg.at[ibuf.at[r * 7 + q]], sems, add=True)
            for q in range(7):
                pltpu.make_async_copy(buf.at[pl.ds(q * 128, 128)],
                                      spg.at[ibuf.at[r * 7 + q]],
                                      sems).wait()

        @pl.when(valid)
        def _zero():
            for r in range(8):
                pltpu.async_copy(zbuf, spg.at[pl.ds(row0 + r * SUBZ, SUBZ)],
                                 sems)
            for r in range(8):
                pltpu.make_async_copy(zbuf,
                                      spg.at[pl.ds(row0 + r * SUBZ, SUBZ)],
                                      sems).wait()

        plsc.subcore_barrier()

        @pl.when(valid & jnp.logical_not(is_cnt))
        def _scatter():
            _start(0, vbufa, sema)

            def pair(g, cc):
                r = g * 2
                _start(r + 1, vbufb, semb)
                _wait(r, vbufa, sema)
                _scat(r, vbufa)
                _start(r + 2, vbufa, sema)
                _wait(r + 1, vbufb, semb)
                _scat(r + 1, vbufb)
                return cc
            lax.fori_loop(0, SR // 2, pair, 0)
            _wait(SR - 1, vbufa, sema)
            _scat(SR - 1, vbufa)

        @pl.when(is_cnt)
        def _scatter_ones():
            def sc1(r, cc):
                for q in range(7):
                    pltpu.async_copy(onesbuf, spg.at[ibuf.at[r * 7 + q]],
                                     sems, add=True)
                for q in range(7):
                    pltpu.make_async_copy(onesbuf,
                                          spg.at[ibuf.at[r * 7 + q]],
                                          sems).wait()
                return cc
            lax.fori_loop(0, 7, sc1, 0)

        plsc.subcore_barrier()

        def _ro_start(r, buf, sem):
            pltpu.async_copy(spg.at[pl.ds(row0 + r * SUBZ, SUBZ)], buf, sem)

        def _ro_wait(r, buf, sem):
            pltpu.make_async_copy(spg.at[pl.ds(row0 + r * SUBZ, SUBZ)],
                                  buf, sem).wait()

        @pl.when(valid & jnp.logical_not(is_cnt))
        def _readout():
            def _fl(r, buf):
                pltpu.sync_copy(buf, grid_hbm.at[half,
                                                 pl.ds(row0 + r * SUBZ, SUBZ),
                                                 pl.ds(col0, 8)])
            _ro_start(0, obuf, sema)

            def rp(g, cc):
                r = g * 2
                _ro_start(r + 1, obufb, semb)
                _ro_wait(r, obuf, sema)
                _fl(r, obuf)
                _ro_start(r + 2, obuf, sema)
                _ro_wait(r + 1, obufb, semb)
                _fl(r + 1, obufb)
                return cc
            lax.fori_loop(0, 3, rp, 0)
            _ro_start(7, obufb, semb)
            _ro_wait(6, obuf, sema)
            _fl(6, obuf)
            _ro_wait(7, obufb, semb)
            _fl(7, obufb)

        @pl.when(is_cnt)
        def _readout_cnt():
            def ro(r, cc):
                _ro_wait(r, obuf, sema)
                pltpu.sync_copy(obuf, gc_hbm.at[pl.ds(row0 + r * SUBZ, SUBZ)])

                @pl.when(r < 7)
                def _():
                    _ro_start(r + 1, obuf, sema)
                return cc
            _ro_start(0, obuf, sema)
            lax.fori_loop(0, 8, ro, 0)

        plsc.subcore_barrier()
        return carry

    lax.fori_loop(0, 17, chunk_iter, 0)


@functools.cache
def _k2():
    return pl.kernel(
        _k2_body,
        out_type=[
            jax.ShapeDtypeStruct((2, V_PAD, 128), jnp.float32),
            jax.ShapeDtypeStruct((V_PAD, 8), jnp.float32),
        ],
        mesh=_mesh(),
        compiler_params=pltpu.CompilerParams(use_tc_tiling_on_sc=False),
        scratch_types=[
            pltpu.VMEM_SHARED((V_PAD, 8), jnp.float32),
            pltpu.VMEM((SUBZ, 8), jnp.float32),
            pltpu.VMEM((49, 128), jnp.int32),
            pltpu.VMEM((PR, 8), jnp.float32),
            pltpu.VMEM((PR, 8), jnp.float32),
            pltpu.VMEM((128, 8), jnp.float32),
            pltpu.VMEM((SUBZ, 8), jnp.float32),
            pltpu.VMEM((SUBZ, 8), jnp.float32),
            pltpu.SemaphoreType.DMA,
            pltpu.SemaphoreType.DMA,
            pltpu.SemaphoreType.DMA,
        ],
    )


def _k4_body(anorm_hbm, idx_hbm, lo_hbm, hi_hbm,
             ibuf, ibuf2, rbufa, rbufb, sema, semb):
    c = lax.axis_index("c")
    s = lax.axis_index("s")
    wid = s * 2 + c

    @pl.when(wid < NW4)
    def _work():
        base = wid * PW
        nch = PW // 128
        off = lax.rem(wid * nch, 8)
        abase = pl.multiple_of(wid * nch - off, 8)
        pltpu.sync_copy(idx_hbm.at[pl.ds(abase, 32)], ibuf)

        def addv(i, cc):
            for q in range(8):
                ibuf2[i, pl.ds(q * 16, 16)] = (
                    ibuf[i, pl.ds(q * 16, 16)] + V_PAD)
            return cc
        lax.fori_loop(0, 32, addv, 0)

        def _start(k, buf, sem):
            pltpu.async_copy(anorm_hbm.at[ibuf.at[off + k]], buf.at[0], sem)
            pltpu.async_copy(anorm_hbm.at[ibuf2.at[off + k]], buf.at[1], sem)

        def _wait(k, buf, sem):
            pltpu.make_async_copy(anorm_hbm.at[ibuf.at[off + k]],
                                  buf.at[0], sem).wait()
            pltpu.make_async_copy(anorm_hbm.at[ibuf2.at[off + k]],
                                  buf.at[1], sem).wait()

        def _flush(k, buf):
            pltpu.sync_copy(buf.at[0], lo_hbm.at[pl.ds(base + k * 128, 128)])
            pltpu.sync_copy(buf.at[1], hi_hbm.at[pl.ds(base + k * 128, 128)])

        _start(0, rbufa, sema)

        def pair(g, carry):
            j = g * 2
            _start(j + 1, rbufb, semb)
            _wait(j, rbufa, sema)
            _flush(j, rbufa)
            _start(j + 2, rbufa, sema)
            _wait(j + 1, rbufb, semb)
            _flush(j + 1, rbufb)
            return carry

        lax.fori_loop(0, nch // 2 - 1, pair, 0)
        _start(nch - 1, rbufb, semb)
        _wait(nch - 2, rbufa, sema)
        _flush(nch - 2, rbufa)
        _wait(nch - 1, rbufb, semb)
        _flush(nch - 1, rbufb)


@functools.cache
def _k4():
    return pl.kernel(
        _k4_body,
        out_type=[
            jax.ShapeDtypeStruct((N_PROC, 128), jnp.float32),
            jax.ShapeDtypeStruct((N_PROC, 128), jnp.float32),
        ],
        mesh=_mesh(),
        compiler_params=pltpu.CompilerParams(use_tc_tiling_on_sc=True),
        scratch_types=[
            pltpu.VMEM((32, 128), jnp.int32),
            pltpu.VMEM((32, 128), jnp.int32),
            pltpu.VMEM((2, 128, 128), jnp.float32),
            pltpu.VMEM((2, 128, 128), jnp.float32),
            pltpu.SemaphoreType.DMA,
            pltpu.SemaphoreType.DMA,
        ],
    )


def kernel(feats, coords, W_pre, ln_gamma, ln_beta, W_pos, stride):
    n = feats.shape[0]
    ctf = coords.T.astype(jnp.float32)
    padcol = jnp.tile(jnp.array([[0.0], [0.0], [0.0], [4.0]], jnp.float32),
                      (1, N_PROC - n))
    ctf = jnp.concatenate([ctf, padcol], axis=1)
    invs = jnp.reshape(1.0 / jnp.asarray(stride, jnp.float32), (1, 1))
    wpreT = W_pre.T
    wpos4 = jnp.pad(W_pos.T.astype(jnp.float32), ((0, 1), (0, 0)))
    gamma = ln_gamma.reshape(1, 128)
    beta = ln_beta.reshape(1, 128)
    zz = jnp.zeros((SUBZ, 8), jnp.float32)
    cones = jnp.zeros((128, 8), jnp.float32).at[:, 0].set(1.0)

    fw, idx2 = _k1(feats, ctf, invs, wpreT, gamma, beta, wpos4)
    grid3, gc = _k2()(fw, idx2, zz, cones)
    anorm3 = _k3(grid3, gc)
    anorm2 = anorm3.reshape(2 * V_PAD, 128)
    lo, hi = _k4()(anorm2, idx2)
    return _k5(lo, hi, ctf, wpos4, n)

# --- scband reference (transcript-rebuilt; emitter-appended) ---
"""Pipeline reference for scband-tselkblock-no-tail-norm-64613488001621 (READ-ONLY COPY).

The authoritative reference and input builder live on the scoring server;
editing this copy changes nothing except your own understanding.
"""

import jax, jax.numpy as jnp
import numpy as np


def _encode(c3, b, base=300):
    x = c3[:, 0].astype(jnp.int64) + 1
    y = c3[:, 1].astype(jnp.int64) + 1
    z = c3[:, 2].astype(jnp.int64) + 1
    return ((b.astype(jnp.int64) * base + x) * base + y) * base + z


def setup_inputs(seed: int = 0):
    key = jax.random.key(seed)
    ks = jax.random.split(key, 6)
    N, inc = 100000, 128
    feats = jax.random.normal(ks[0], (N, inc), dtype=jnp.float32)
    xyz = jax.random.randint(ks[1], (N, 3), 0, 128, dtype=jnp.int32)
    b = jax.random.randint(ks[2], (N, 1), 0, 4, dtype=jnp.int32)
    coords = jnp.concatenate([xyz, b], axis=1)
    W_pre = jax.random.normal(ks[3], (inc, inc), dtype=jnp.float32) / jnp.sqrt(float(inc))
    ln_gamma = jnp.ones((inc,), jnp.float32)
    ln_beta = jnp.zeros((inc,), jnp.float32)
    W_pos = jax.random.normal(ks[4], (inc, 3), dtype=jnp.float32) * 0.1
    return {"feats": feats, "coords": coords, "W_pre": W_pre, "ln_gamma": ln_gamma, "ln_beta": ln_beta, "W_pos": W_pos, "stride": 4}


def reference(feats, coords, W_pre, ln_gamma, ln_beta, W_pos, stride):
    inc = feats.shape[1]
    # pre_mix: Linear(inc, inc, bias=False) + LayerNorm(eps=1e-6)
    h = feats @ W_pre.T
    mu = jnp.mean(h, axis=-1, keepdims=True)
    var = jnp.var(h, axis=-1, keepdims=True)
    F_input = (h - mu) / jnp.sqrt(var + 1e-6) * ln_gamma + ln_beta
    # pos_weight: Linear(3, inc, bias=False) on xyz coords, baseop='cos'
    pos = coords[:, :3].astype(jnp.float32) @ W_pos.T
    sw = jnp.sin(pos)
    cw = jnp.cos(pos)
    Fw = jnp.concatenate([F_input * cw, F_input * sw], axis=1)
    # large_to_small: voxelize (downsample by stride), spvoxelize = segment mean
    small_c3 = coords[:, :3] // stride
    bcol = coords[:, 3]
    keys = _encode(small_c3, bcol)
    uk, inv = jnp.unique(keys, return_inverse=True, size=keys.shape[0],
                         fill_value=jnp.iinfo(keys.dtype).max)
    inv = inv.reshape(-1)
    M = int(uk.shape[0])
    counts = jnp.bincount(inv, length=M).astype(jnp.float32)
    sums = jax.ops.segment_sum(Fw, inv, num_segments=M)
    small_F = sums / jnp.maximum(counts, 1.0)[:, None]
    small_c = jnp.zeros((M, 3), jnp.int32).at[inv].set(small_c3)
    small_b = jnp.zeros((M,), jnp.int32).at[inv].set(bcol)
    # small_to_large_v2: sum over 3x3x3 voxel neighborhood of (sum_feats, count), spdevoxelize
    f = jnp.concatenate([small_F, jnp.ones((M, 1), jnp.float32)], axis=1) * counts[:, None]
    acc = jnp.zeros_like(f)
    for dx in (-1, 0, 1):
        for dy in (-1, 0, 1):
            for dz in (-1, 0, 1):
                nc = small_c + jnp.array([dx, dy, dz], jnp.int32)
                nk = _encode(nc, small_b)
                p = jnp.clip(jnp.searchsorted(uk, nk), 0, M - 1)
                valid = (uk[p] == nk).astype(jnp.float32)[:, None]
                acc = acc + f[p] * valid
    new_feat = acc[:, :-1] / acc[:, -1:]
    large = new_feat[inv]
    out = large[:, :inc] * cw + large[:, inc:] * sw
    return out

if __name__ == "__main__":
    import jax
    _d = setup_inputs()
    print(jax.jit(kernel)(*tuple(_d.values())))

</pallas_src>

<mosaic_0001>
#map = affine_map<(d0, d1) -> (0, 0)>
module attributes {stable_mosaic.version = 14 : i64} {
  func.func @_k4_body(%arg0: i32, %arg1: i32, %arg2: memref<316928x128xf32, #tpu.memory_space<hbm>>, %arg3: memref<784x128xi32, #tpu.memory_space<hbm>>, %arg4: memref<100352x128xf32, #tpu.memory_space<hbm>>, %arg5: memref<100352x128xf32, #tpu.memory_space<hbm>>, %arg6: memref<32x128xi32, #tpu.memory_space<vmem>>, %arg7: memref<32x128xi32, #tpu.memory_space<vmem>>, %arg8: memref<2x128x128xf32, #tpu.memory_space<vmem>>, %arg9: memref<2x128x128xf32, #tpu.memory_space<vmem>>, %arg10: memref<!tpu.dma_semaphore, #tpu.memory_space<semaphore_mem>>, %arg11: memref<!tpu.dma_semaphore, #tpu.memory_space<semaphore_mem>>) attributes {dimension_semantics = [#tpu.dimension_semantics<core_parallel>, #tpu.dimension_semantics<subcore_parallel>], iteration_bounds = array<i64: 2, 16>, scalar_prefetch = 0 : i64, scratch_operands = 6 : i64, tpu.core_type = #tpu.core_type<sc_vector_subcore>, window_params = [{transform_indices = #map}, {transform_indices = #map}, {transform_indices = #map}, {transform_indices = #map}]} {
    %mul3A = arith.constant 2 : i32
    %mul3A_0 = arith.muli %arg1, %mul3A : i32
    %add3A = arith.addi %mul3A_0, %arg0 : i32
    %lt3A = arith.constant 28 : i32
    %lt3A_1 = arith.cmpi slt, %add3A, %lt3A : i32
    %convert_element_type3A = arith.extui %lt3A_1 : i1 to i32
    %cond3A = arith.constant 0 : i32
    %cond3A_2 = arith.cmpi ne, %convert_element_type3A, %cond3A : i32
    scf.if %cond3A_2 {
      %mul3A_3 = arith.constant 3584 : i32
      %mul3A_4 = arith.muli %add3A, %mul3A_3 : i32
      %mul3A_5 = arith.constant 28 : i32
      %mul3A_6 = arith.muli %add3A, %mul3A_5 : i32
      %rem3A = arith.constant 8 : i32
      %rem3A_7 = arith.remsi %mul3A_6, %rem3A : i32
      %mul3A_8 = arith.constant 28 : i32
      %mul3A_9 = arith.muli %add3A, %mul3A_8 : i32
      %sub3A = arith.subi %mul3A_9, %rem3A_7 : i32
      %multiple_of3A = tpu.assume_multiple %sub3A, 8 : i32
      "tpu.region"() ({
        %run_scoped3A_134 = tpu.sem_alloc : memref<!tpu.dma_semaphore, #tpu.memory_space<semaphore_mem>>
        %dma_start3A_135 = arith.constant 0 : i32
        %dma_start3A_136 = tpu.memref_slice %arg3[%multiple_of3A, %dma_start3A_135] : memref<784x128xi32, #tpu.memory_space<hbm>> -> memref<32x128xi32, #tpu.memory_space<hbm>>
        %dma_start3A_137 = arith.constant 0 : i32
        %dma_start3A_138 = tpu.memref_slice %arg3[%multiple_of3A, %dma_start3A_137] : memref<784x128xi32, #tpu.memory_space<hbm>> -> memref<32x128xi32, #tpu.memory_space<hbm>>
        tpu.enqueue_dma source(%dma_start3A_138 : memref<32x128xi32, #tpu.memory_space<hbm>>) target(%arg6 : memref<32x128xi32, #tpu.memory_space<vmem>>) target_semaphore(%run_scoped3A_134 : memref<!tpu.dma_semaphore, #tpu.memory_space<semaphore_mem>>)
        %dma_wait3A_139 = arith.constant 0 : i32
        %dma_wait3A_140 = tpu.memref_slice %arg3[%multiple_of3A, %dma_wait3A_139] : memref<784x128xi32, #tpu.memory_space<hbm>> -> memref<32x128xi32, #tpu.memory_space<hbm>>
        %dma_wait3A_141 = arith.constant 0 : i32
        %dma_wait3A_142 = tpu.memref_slice %arg3[%multiple_of3A, %dma_wait3A_141] : memref<784x128xi32, #tpu.memory_space<hbm>> -> memref<32x128xi32, #tpu.memory_space<hbm>>
        tpu.wait_dma2 semaphore(%run_scoped3A_134 : memref<!tpu.dma_semaphore, #tpu.memory_space<semaphore_mem>>) src(%dma_wait3A_142 : memref<32x128xi32, #tpu.memory_space<hbm>>) dst(%arg6 : memref<32x128xi32, #tpu.memory_space<vmem>>)
        tpu.yield
      }) : () -> ()
      %scan3A = arith.constant 0 : i32
      %scan3A_10 = arith.constant 0 : i32
      %scan3A_11 = arith.constant 32 : i32
      %scan3A_12 = arith.addi %scan3A_10, %scan3A_11 : i32
      %scan3A_13 = arith.constant 1 : i32
      scf.for %scan3A_134 = %scan3A_10 to %scan3A_12 step %scan3A_13  : i32 {
        %get3A = arith.index_cast %scan3A_134 : i32 to index
        %get3A_135 = arith.constant 0 : index
        %get3A_136 = tpu.vector_load %arg6[%get3A, %get3A_135] {strides = array<i32>} : memref<32x128xi32, #tpu.memory_space<vmem>>, vector<1x16xi32>,
        %get3A_137 = vector.shape_cast %get3A_136 : vector<1x16xi32> to vector<16xi32>
        %add3A_138 = arith.constant 158464 : i32
        %add3A_139 = vector.broadcast %add3A_138 : i32 to vector<16xi32>
        %add3A_140 = arith.addi %get3A_137, %add3A_139 : vector<16xi32>
        %swap3A = arith.index_cast %scan3A_134 : i32 to index
        %swap3A_141 = arith.constant 0 : index
        %swap3A_142 = tpu.vector_load %arg7[%swap3A, %swap3A_141] {strides = array<i32>} : memref<32x128xi32, #tpu.memory_space<vmem>>, vector<1x16xi32>,
        %swap3A_143 = vector.shape_cast %swap3A_142 : vector<1x16xi32> to vector<16xi32>
        %swap3A_144 = vector.shape_cast %add3A_140 : vector<16xi32> to vector<1x16xi32>
        tpu.vector_store %arg7[%swap3A, %swap3A_141], %swap3A_144 {strides = array<i32>} : memref<32x128xi32, #tpu.memory_space<vmem>>, vector<1x16xi32>,
        %get3A_145 = arith.index_cast %scan3A_134 : i32 to index
        %get3A_146 = arith.constant 16 : index
        %get3A_147 = tpu.vector_load %arg6[%get3A_145, %get3A_146] {strides = array<i32>} : memref<32x128xi32, #tpu.memory_space<vmem>>, vector<1x16xi32>,
        %get3A_148 = vector.shape_cast %get3A_147 : vector<1x16xi32> to vector<16xi32>
        %add3A_149 = arith.constant 158464 : i32
        %add3A_150 = vector.broadcast %add3A_149 : i32 to vector<16xi32>
        %add3A_151 = arith.addi %get3A_148, %add3A_150 : vector<16xi32>
        %swap3A_152 = arith.index_cast %scan3A_134 : i32 to index
        %swap3A_153 = arith.constant 16 : index
        %swap3A_154 = tpu.vector_load %arg7[%swap3A_152, %swap3A_153] {strides = array<i32>} : memref<32x128xi32, #tpu.memory_space<vmem>>, vector<1x16xi32>,
        %swap3A_155 = vector.shape_cast %swap3A_154 : vector<1x16xi32> to vector<16xi32>
        %swap3A_156 = vector.shape_cast %add3A_151 : vector<16xi32> to vector<1x16xi32>
        tpu.vector_store %arg7[%swap3A_152, %swap3A_153], %swap3A_156 {strides = array<i32>} : memref<32x128xi32, #tpu.memory_space<vmem>>, vector<1x16xi32>,
        %get3A_157 = arith.index_cast %scan3A_134 : i32 to index
        %get3A_158 = arith.constant 32 : index
        %get3A_159 = tpu.vector_load %arg6[%get3A_157, %get3A_158] {strides = array<i32>} : memref<32x128xi32, #tpu.memory_space<vmem>>, vector<1x16xi32>,
        %get3A_160 = vector.shape_cast %get3A_159 : vector<1x16xi32> to vector<16xi32>
        %add3A_161 = arith.constant 158464 : i32
        %add3A_162 = vector.broadcast %add3A_161 : i32 to vector<16xi32>
        %add3A_163 = arith.addi %get3A_160, %add3A_162 : vector<16xi32>
        %swap3A_164 = arith.index_cast %scan3A_134 : i32 to index
        %swap3A_165 = arith.constant 32 : index
        %swap3A_166 = tpu.vector_load %arg7[%swap3A_164, %swap3A_165] {strides = array<i32>} : memref<32x128xi32, #tpu.memory_space<vmem>>, vector<1x16xi32>,
        %swap3A_167 = vector.shape_cast %swap3A_166 : vector<1x16xi32> to vector<16xi32>
        %swap3A_168 = vector.shape_cast %add3A_163 : vector<16xi32> to vector<1x16xi32>
        tpu.vector_store %arg7[%swap3A_164, %swap3A_165], %swap3A_168 {strides = array<i32>} : memref<32x128xi32, #tpu.memory_space<vmem>>, vector<1x16xi32>,
        %get3A_169 = arith.index_cast %scan3A_134 : i32 to index
        %get3A_170 = arith.constant 48 : index
        %get3A_171 = tpu.vector_load %arg6[%get3A_169, %get3A_170] {strides = array<i32>} : memref<32x128xi32, #tpu.memory_space<vmem>>, vector<1x16xi32>,
        %get3A_172 = vector.shape_cast %get3A_171 : vector<1x16xi32> to vector<16xi32>
        %add3A_173 = arith.constant 158464 : i32
        %add3A_174 = vector.broadcast %add3A_173 : i32 to vector<16xi32>
        %add3A_175 = arith.addi %get3A_172, %add3A_174 : vector<16xi32>
        %swap3A_176 = arith.index_cast %scan3A_134 : i32 to index
        %swap3A_177 = arith.constant 48 : index
        %swap3A_178 = tpu.vector_load %arg7[%swap3A_176, %swap3A_177] {strides = array<i32>} : memref<32x128xi32, #tpu.memory_space<vmem>>, vector<1x16xi32>,
        %swap3A_179 = vector.shape_cast %swap3A_178 : vector<1x16xi32> to vector<16xi32>
        %swap3A_180 = vector.shape_cast %add3A_175 : vector<16xi32> to vector<1x16xi32>
        tpu.vector_store %arg7[%swap3A_176, %swap3A_177], %swap3A_180 {strides = array<i32>} : memref<32x128xi32, #tpu.memory_space<vmem>>, vector<1x16xi32>,
        %get3A_181 = arith.index_cast %scan3A_134 : i32 to index
        %get3A_182 = arith.constant 64 : index
        %get3A_183 = tpu.vector_load %arg6[%get3A_181, %get3A_182] {strides = array<i32>} : memref<32x128xi32, #tpu.memory_space<vmem>>, vector<1x16xi32>,
        %get3A_184 = vector.shape_cast %get3A_183 : vector<1x16xi32> to vector<16xi32>
        %add3A_185 = arith.constant 158464 : i32
        %add3A_186 = vector.broadcast %add3A_185 : i32 to vector<16xi32>
        %add3A_187 = arith.addi %get3A_184, %add3A_186 : vector<16xi32>
        %swap3A_188 = arith.index_cast %scan3A_134 : i32 to index
        %swap3A_189 = arith.constant 64 : index
        %swap3A_190 = tpu.vector_load %arg7[%swap3A_188, %swap3A_189] {strides = array<i32>} : memref<32x128xi32, #tpu.memory_space<vmem>>, vector<1x16xi32>,
        %swap3A_191 = vector.shape_cast %swap3A_190 : vector<1x16xi32> to vector<16xi32>
        %swap3A_192 = vector.shape_cast %add3A_187 : vector<16xi32> to vector<1x16xi32>
        tpu.vector_store %arg7[%swap3A_188, %swap3A_189], %swap3A_192 {strides = array<i32>} : memref<32x128xi32, #tpu.memory_space<vmem>>, vector<1x16xi32>,
        %get3A_193 = arith.index_cast %scan3A_134 : i32 to index
        %get3A_194 = arith.constant 80 : index
        %get3A_195 = tpu.vector_load %arg6[%get3A_193, %get3A_194] {strides = array<i32>} : memref<32x128xi32, #tpu.memory_space<vmem>>, vector<1x16xi32>,
        %get3A_196 = vector.shape_cast %get3A_195 : vector<1x16xi32> to vector<16xi32>
        %add3A_197 = arith.constant 158464 : i32
        %add3A_198 = vector.broadcast %add3A_197 : i32 to vector<16xi32>
        %add3A_199 = arith.addi %get3A_196, %add3A_198 : vector<16xi32>
        %swap3A_200 = arith.index_cast %scan3A_134 : i32 to index
        %swap3A_201 = arith.constant 80 : index
        %swap3A_202 = tpu.vector_load %arg7[%swap3A_200, %swap3A_201] {strides = array<i32>} : memref<32x128xi32, #tpu.memory_space<vmem>>, vector<1x16xi32>,
        %swap3A_203 = vector.shape_cast %swap3A_202 : vector<1x16xi32> to vector<16xi32>
        %swap3A_204 = vector.shape_cast %add3A_199 : vector<16xi32> to vector<1x16xi32>
        tpu.vector_store %arg7[%swap3A_200, %swap3A_201], %swap3A_204 {strides = array<i32>} : memref<32x128xi32, #tpu.memory_space<vmem>>, vector<1x16xi32>,
        %get3A_205 = arith.index_cast %scan3A_134 : i32 to index
        %get3A_206 = arith.constant 96 : index
        %get3A_207 = tpu.vector_load %arg6[%get3A_205, %get3A_206] {strides = array<i32>} : memref<32x128xi32, #tpu.memory_space<vmem>>, vector<1x16xi32>,
        %get3A_208 = vector.shape_cast %get3A_207 : vector<1x16xi32> to vector<16xi32>
        %add3A_209 = arith.constant 158464 : i32
        %add3A_210 = vector.broadcast %add3A_209 : i32 to vector<16xi32>
        %add3A_211 = arith.addi %get3A_208, %add3A_210 : vector<16xi32>
        %swap3A_212 = arith.index_cast %scan3A_134 : i32 to index
        %swap3A_213 = arith.constant 96 : index
        %swap3A_214 = tpu.vector_load %arg7[%swap3A_212, %swap3A_213] {strides = array<i32>} : memref<32x128xi32, #tpu.memory_space<vmem>>, vector<1x16xi32>,
        %swap3A_215 = vector.shape_cast %swap3A_214 : vector<1x16xi32> to vector<16xi32>
        %swap3A_216 = vector.shape_cast %add3A_211 : vector<16xi32> to vector<1x16xi32>
        tpu.vector_store %arg7[%swap3A_212, %swap3A_213], %swap3A_216 {strides = array<i32>} : memref<32x128xi32, #tpu.memory_space<vmem>>, vector<1x16xi32>,
        %get3A_217 = arith.index_cast %scan3A_134 : i32 to index
        %get3A_218 = arith.constant 112 : index
        %get3A_219 = tpu.vector_load %arg6[%get3A_217, %get3A_218] {strides = array<i32>} : memref<32x128xi32, #tpu.memory_space<vmem>>, vector<1x16xi32>,
        %get3A_220 = vector.shape_cast %get3A_219 : vector<1x16xi32> to vector<16xi32>
        %add3A_221 = arith.constant 158464 : i32
        %add3A_222 = vector.broadcast %add3A_221 : i32 to vector<16xi32>
        %add3A_223 = arith.addi %get3A_220, %add3A_222 : vector<16xi32>
        %swap3A_224 = arith.index_cast %scan3A_134 : i32 to index
        %swap3A_225 = arith.constant 112 : index
        %swap3A_226 = tpu.vector_load %arg7[%swap3A_224, %swap3A_225] {strides = array<i32>} : memref<32x128xi32, #tpu.memory_space<vmem>>, vector<1x16xi32>,
        %swap3A_227 = vector.shape_cast %swap3A_226 : vector<1x16xi32> to vector<16xi32>
        %swap3A_228 = vector.shape_cast %add3A_223 : vector<16xi32> to vector<1x16xi32>
        tpu.vector_store %arg7[%swap3A_224, %swap3A_225], %swap3A_228 {strides = array<i32>} : memref<32x128xi32, #tpu.memory_space<vmem>>, vector<1x16xi32>,
      }
      %scan3A_14 = arith.constant 32 : i32
      %add3A_15 = arith.constant 0 : i32
      %add3A_16 = arith.addi %rem3A_7, %add3A_15 : i32
      %dma_start3A = arith.constant 0 : i32
      %dma_start3A_17 = arith.constant 0 : i32
      %dma_start3A_18 = arith.constant 0 : i32
      %dma_start3A_19 = tpu.memref_slice %arg8[%dma_start3A, %dma_start3A_17, %dma_start3A_18] : memref<2x128x128xf32, #tpu.memory_space<vmem>> -> memref<1x128x128xf32, #tpu.memory_space<vmem>>
      %dma_start3A_20 = tpu.memref_squeeze %dma_start3A_19 : memref<1x128x128xf32, #tpu.memory_space<vmem>> -> memref<128x128xf32, #tpu.memory_space<vmem>>
      %dma_start3A_21 = arith.constant 0 : i32
      %dma_start3A_22 = tpu.memref_slice %arg6[%add3A_16, %dma_start3A_21] : memref<32x128xi32, #tpu.memory_space<vmem>> -> memref<1x128xi32, #tpu.memory_space<vmem>>
      %dma_start3A_23 = tpu.memref_squeeze %dma_start3A_22 : memref<1x128xi32, #tpu.memory_space<vmem>> -> memref<128xi32, #tpu.memory_space<vmem>>
      %dma_start3A_24 = arith.constant 0 : i32
      %dma_start3A_25 = arith.constant 0 : i32
      %dma_start3A_26 = tpu.memref_slice %arg2[%dma_start3A_24, %dma_start3A_25] : memref<316928x128xf32, #tpu.memory_space<hbm>> -> memref<316928x128xf32, #tpu.memory_space<hbm>>
      tpu.enqueue_indirect_dma source(%dma_start3A_26 : memref<316928x128xf32, #tpu.memory_space<hbm>>) target(%dma_start3A_20 : memref<128x128xf32, #tpu.memory_space<vmem>>) offsets(%dma_start3A_23 : memref<128xi32, #tpu.memory_space<vmem>>) semaphore(%arg10 : memref<!tpu.dma_semaphore, #tpu.memory_space<semaphore_mem>>)
      %add3A_27 = arith.constant 0 : i32
      %add3A_28 = arith.addi %rem3A_7, %add3A_27 : i32
      %dma_start3A_29 = arith.constant 1 : i32
      %dma_start3A_30 = arith.constant 0 : i32
      %dma_start3A_31 = arith.constant 0 : i32
      %dma_start3A_32 = tpu.memref_slice %arg8[%dma_start3A_29, %dma_start3A_30, %dma_start3A_31] : memref<2x128x128xf32, #tpu.memory_space<vmem>> -> memref<1x128x128xf32, #tpu.memory_space<vmem>>
      %dma_start3A_33 = tpu.memref_squeeze %dma_start3A_32 : memref<1x128x128xf32, #tpu.memory_space<vmem>> -> memref<128x128xf32, #tpu.memory_space<vmem>>
      %dma_start3A_34 = arith.constant 0 : i32
      %dma_start3A_35 = tpu.memref_slice %arg7[%add3A_28, %dma_start3A_34] : memref<32x128xi32, #tpu.memory_space<vmem>> -> memref<1x128xi32, #tpu.memory_space<vmem>>
      %dma_start3A_36 = tpu.memref_squeeze %dma_start3A_35 : memref<1x128xi32, #tpu.memory_space<vmem>> -> memref<128xi32, #tpu.memory_space<vmem>>
      %dma_start3A_37 = arith.constant 0 : i32
      %dma_start3A_38 = arith.constant 0 : i32
      %dma_start3A_39 = tpu.memref_slice %arg2[%dma_start3A_37, %dma_start3A_38] : memref<316928x128xf32, #tpu.memory_space<hbm>> -> memref<316928x128xf32, #tpu.memory_space<hbm>>
      tpu.enqueue_indirect_dma source(%dma_start3A_39 : memref<316928x128xf32, #tpu.memory_space<hbm>>) target(%dma_start3A_33 : memref<128x128xf32, #tpu.memory_space<vmem>>) offsets(%dma_start3A_36 : memref<128xi32, #tpu.memory_space<vmem>>) semaphore(%arg10 : memref<!tpu.dma_semaphore, #tpu.memory_space<semaphore_mem>>)
      %scan3A_40 = arith.constant 0 : i32
      %scan3A_41 = arith.constant 0 : i32
      %scan3A_42 = arith.constant 13 : i32
      %scan3A_43 = arith.addi %scan3A_41, %scan3A_42 : i32
      %scan3A_44 = arith.constant 1 : i32
      scf.for %scan3A_134 = %scan3A_41 to %scan3A_43 step %scan3A_44  : i32 {
        %mul3A_135 = arith.constant 2 : i32
        %mul3A_136 = arith.muli %scan3A_134, %mul3A_135 : i32
        %add3A_137 = arith.constant 1 : i32
        %add3A_138 = arith.addi %mul3A_136, %add3A_137 : i32
        %add3A_139 = arith.addi %rem3A_7, %add3A_138 : i32
        %dma_start3A_140 = arith.constant 0 : i32
        %dma_start3A_141 = arith.constant 0 : i32
        %dma_start3A_142 = arith.constant 0 : i32
        %dma_start3A_143 = tpu.memref_slice %arg9[%dma_start3A_140, %dma_start3A_141, %dma_start3A_142] : memref<2x128x128xf32, #tpu.memory_space<vmem>> -> memref<1x128x128xf32, #tpu.memory_space<vmem>>
        %dma_start3A_144 = tpu.memref_squeeze %dma_start3A_143 : memref<1x128x128xf32, #tpu.memory_space<vmem>> -> memref<128x128xf32, #tpu.memory_space<vmem>>
        %dma_start3A_145 = arith.constant 0 : i32
        %dma_start3A_146 = tpu.memref_slice %arg6[%add3A_139, %dma_start3A_145] : memref<32x128xi32, #tpu.memory_space<vmem>> -> memref<1x128xi32, #tpu.memory_space<vmem>>
        %dma_start3A_147 = tpu.memref_squeeze %dma_start3A_146 : memref<1x128xi32, #tpu.memory_space<vmem>> -> memref<128xi32, #tpu.memory_space<vmem>>
        %dma_start3A_148 = arith.constant 0 : i32
        %dma_start3A_149 = arith.constant 0 : i32
        %dma_start3A_150 = tpu.memref_slice %arg2[%dma_start3A_148, %dma_start3A_149] : memref<316928x128xf32, #tpu.memory_space<hbm>> -> memref<316928x128xf32, #tpu.memory_space<hbm>>
        tpu.enqueue_indirect_dma source(%dma_start3A_150 : memref<316928x128xf32, #tpu.memory_space<hbm>>) target(%dma_start3A_144 : memref<128x128xf32, #tpu.memory_space<vmem>>) offsets(%dma_start3A_147 : memref<128xi32, #tpu.memory_space<vmem>>) semaphore(%arg11 : memref<!tpu.dma_semaphore, #tpu.memory_space<semaphore_mem>>)
        %add3A_151 = arith.addi %rem3A_7, %add3A_138 : i32
        %dma_start3A_152 = arith.constant 1 : i32
        %dma_start3A_153 = arith.constant 0 : i32
        %dma_start3A_154 = arith.constant 0 : i32
        %dma_start3A_155 = tpu.memref_slice %arg9[%dma_start3A_152, %dma_start3A_153, %dma_start3A_154] : memref<2x128x128xf32, #tpu.memory_space<vmem>> -> memref<1x128x128xf32, #tpu.memory_space<vmem>>
        %dma_start3A_156 = tpu.memref_squeeze %dma_start3A_155 : memref<1x128x128xf32, #tpu.memory_space<vmem>> -> memref<128x128xf32, #tpu.memory_space<vmem>>
        %dma_start3A_157 = arith.constant 0 : i32
        %dma_start3A_158 = tpu.memref_slice %arg7[%add3A_151, %dma_start3A_157] : memref<32x128xi32, #tpu.memory_space<vmem>> -> memref<1x128xi32, #tpu.memory_space<vmem>>
        %dma_start3A_159 = tpu.memref_squeeze %dma_start3A_158 : memref<1x128xi32, #tpu.memory_space<vmem>> -> memref<128xi32, #tpu.memory_space<vmem>>
        %dma_start3A_160 = arith.constant 0 : i32
        %dma_start3A_161 = arith.constant 0 : i32
        %dma_start3A_162 = tpu.memref_slice %arg2[%dma_start3A_160, %dma_start3A_161] : memref<316928x128xf32, #tpu.memory_space<hbm>> -> memref<316928x128xf32, #tpu.memory_space<hbm>>
        tpu.enqueue_indirect_dma source(%dma_start3A_162 : memref<316928x128xf32, #tpu.memory_space<hbm>>) target(%dma_start3A_156 : memref<128x128xf32, #tpu.memory_space<vmem>>) offsets(%dma_start3A_159 : memref<128xi32, #tpu.memory_space<vmem>>) semaphore(%arg11 : memref<!tpu.dma_semaphore, #tpu.memory_space<semaphore_mem>>)
        %add3A_163 = arith.addi %rem3A_7, %mul3A_136 : i32
        %dma_wait3A_164 = arith.constant 0 : i32
        %dma_wait3A_165 = arith.constant 0 : i32
        %dma_wait3A_166 = arith.constant 0 : i32
        %dma_wait3A_167 = tpu.memref_slice %arg8[%dma_wait3A_164, %dma_wait3A_165, %dma_wait3A_166] : memref<2x128x128xf32, #tpu.memory_space<vmem>> -> memref<1x128x128xf32, #tpu.memory_space<vmem>>
        %dma_wait3A_168 = tpu.memref_squeeze %dma_wait3A_167 : memref<1x128x128xf32, #tpu.memory_space<vmem>> -> memref<128x128xf32, #tpu.memory_space<vmem>>
        %dma_wait3A_169 = arith.constant 0 : i32
        %dma_wait3A_170 = tpu.memref_slice %arg6[%add3A_163, %dma_wait3A_169] : memref<32x128xi32, #tpu.memory_space<vmem>> -> memref<1x128xi32, #tpu.memory_space<vmem>>
        %dma_wait3A_171 = tpu.memref_squeeze %dma_wait3A_170 : memref<1x128xi32, #tpu.memory_space<vmem>> -> memref<128xi32, #tpu.memory_space<vmem>>
        %dma_wait3A_172 = arith.constant 0 : i32
        %dma_wait3A_173 = arith.constant 0 : i32
        %dma_wait3A_174 = tpu.memref_slice %arg2[%dma_wait3A_172, %dma_wait3A_173] : memref<316928x128xf32, #tpu.memory_space<hbm>> -> memref<316928x128xf32, #tpu.memory_space<hbm>>
        tpu.wait_indirect_dma semaphore(%arg10 : memref<!tpu.dma_semaphore, #tpu.memory_space<semaphore_mem>>) src(%dma_wait3A_174 : memref<316928x128xf32, #tpu.memory_space<hbm>>) dst(%dma_wait3A_168 : memref<128x128xf32, #tpu.memory_space<vmem>>)
        %add3A_175 = arith.addi %rem3A_7, %mul3A_136 : i32
        %dma_wait3A_176 = arith.constant 1 : i32
        %dma_wait3A_177 = arith.constant 0 : i32
        %dma_wait3A_178 = arith.constant 0 : i32
        %dma_wait3A_179 = tpu.memref_slice %arg8[%dma_wait3A_176, %dma_wait3A_177, %dma_wait3A_178] : memref<2x128x128xf32, #tpu.memory_space<vmem>> -> memref<1x128x128xf32, #tpu.memory_space<vmem>>
        %dma_wait3A_180 = tpu.memref_squeeze %dma_wait3A_179 : memref<1x128x128xf32, #tpu.memory_space<vmem>> -> memref<128x128xf32, #tpu.memory_space<vmem>>
        %dma_wait3A_181 = arith.constant 0 : i32
        %dma_wait3A_182 = tpu.memref_slice %arg7[%add3A_175, %dma_wait3A_181] : memref<32x128xi32, #tpu.memory_space<vmem>> -> memref<1x128xi32, #tpu.memory_space<vmem>>
        %dma_wait3A_183 = tpu.memref_squeeze %dma_wait3A_182 : memref<1x128xi32, #tpu.memory_space<vmem>> -> memref<128xi32, #tpu.memory_space<vmem>>
        %dma_wait3A_184 = arith.constant 0 : i32
        %dma_wait3A_185 = arith.constant 0 : i32
        %dma_wait3A_186 = tpu.memref_slice %arg2[%dma_wait3A_184, %dma_wait3A_185] : memref<316928x128xf32, #tpu.memory_space<hbm>> -> memref<316928x128xf32, #tpu.memory_space<hbm>>
        tpu.wait_indirect_dma semaphore(%arg10 : memref<!tpu.dma_semaphore, #tpu.memory_space<semaphore_mem>>) src(%dma_wait3A_186 : memref<316928x128xf32, #tpu.memory_space<hbm>>) dst(%dma_wait3A_180 : memref<128x128xf32, #tpu.memory_space<vmem>>)
        %mul3A_187 = arith.constant 128 : i32
        %mul3A_188 = arith.muli %mul3A_136, %mul3A_187 : i32
        %add3A_189 = arith.addi %mul3A_4, %mul3A_188 : i32
        %run_scoped3A_190 = arith.constant 0 : i32
        "tpu.region"() ({
          %run_scoped3A_257 = tpu.sem_alloc : memref<!tpu.dma_semaphore, #tpu.memory_space<semaphore_mem>>
          %dma_start3A_258 = arith.constant 0 : i32
          %dma_start3A_259 = arith.constant 0 : i32
          %dma_start3A_260 = tpu.memref_slice %arg8[%run_scoped3A_190, %dma_start3A_258, %dma_start3A_259] : memref<2x128x128xf32, #tpu.memory_space<vmem>> -> memref<1x128x128xf32, #tpu.memory_space<vmem>>
          %dma_start3A_261 = tpu.memref_squeeze %dma_start3A_260 : memref<1x128x128xf32, #tpu.memory_space<vmem>> -> memref<128x128xf32, #tpu.memory_space<vmem>>
          %dma_start3A_262 = arith.constant 0 : i32
          %dma_start3A_263 = tpu.memref_slice %arg4[%add3A_189, %dma_start3A_262] : memref<100352x128xf32, #tpu.memory_space<hbm>> -> memref<128x128xf32, #tpu.memory_space<hbm>>
          %dma_start3A_264 = arith.constant 0 : i32
          %dma_start3A_265 = tpu.memref_slice %arg4[%add3A_189, %dma_start3A_264] : memref<100352x128xf32, #tpu.memory_space<hbm>> -> memref<128x128xf32, #tpu.memory_space<hbm>>
          %dma_start3A_266 = arith.constant 0 : i32
          %dma_start3A_267 = arith.constant 0 : i32
          %dma_start3A_268 = tpu.memref_slice %arg8[%run_scoped3A_190, %dma_start3A_266, %dma_start3A_267] : memref<2x128x128xf32, #tpu.memory_space<vmem>> -> memref<1x128x128xf32, #tpu.memory_space<vmem>>
          %dma_start3A_269 = tpu.memref_squeeze %dma_start3A_268 : memref<1x128x128xf32, #tpu.memory_space<vmem>> -> memref<128x128xf32, #tpu.memory_space<vmem>>
          tpu.enqueue_dma source(%dma_start3A_269 : memref<128x128xf32, #tpu.memory_space<vmem>>) target(%dma_start3A_265 : memref<128x128xf32, #tpu.memory_space<hbm>>) target_semaphore(%run_scoped3A_257 : memref<!tpu.dma_semaphore, #tpu.memory_space<semaphore_mem>>)
          %dma_wait3A_270 = arith.constant 0 : i32
          %dma_wait3A_271 = arith.constant 0 : i32
          %dma_wait3A_272 = tpu.memref_slice %arg8[%run_scoped3A_190, %dma_wait3A_270, %dma_wait3A_271] : memref<2x128x128xf32, #tpu.memory_space<vmem>> -> memref<1x128x128xf32, #tpu.memory_space<vmem>>
          %dma_wait3A_273 = tpu.memref_squeeze %dma_wait3A_272 : memref<1x128x128xf32, #tpu.memory_space<vmem>> -> memref<128x128xf32, #tpu.memory_space<vmem>>
          %dma_wait3A_274 = arith.constant 0 : i32
          %dma_wait3A_275 = tpu.memref_slice %arg4[%add3A_189, %dma_wait3A_274] : memref<100352x128xf32, #tpu.memory_space<hbm>> -> memref<128x128xf32, #tpu.memory_space<hbm>>
          %dma_wait3A_276 = arith.constant 0 : i32
          %dma_wait3A_277 = tpu.memref_slice %arg4[%add3A_189, %dma_wait3A_276] : memref<100352x128xf32, #tpu.memory_space<hbm>> -> memref<128x128xf32, #tpu.memory_space<hbm>>
          %dma_wait3A_278 = arith.constant 0 : i32
          %dma_wait3A_279 = arith.constant 0 : i32
          %dma_wait3A_280 = tpu.memref_slice %arg8[%run_scoped3A_190, %dma_wait3A_278, %dma_wait3A_279] : memref<2x128x128xf32, #tpu.memory_space<vmem>> -> memref<1x128x128xf32, #tpu.memory_space<vmem>>
          %dma_wait3A_281 = tpu.memref_squeeze %dma_wait3A_280 : memref<1x128x128xf32, #tpu.memory_space<vmem>> -> memref<128x128xf32, #tpu.memory_space<vmem>>
          tpu.wait_dma2 semaphore(%run_scoped3A_257 : memref<!tpu.dma_semaphore, #tpu.memory_space<semaphore_mem>>) src(%dma_wait3A_281 : memref<128x128xf32, #tpu.memory_space<vmem>>) dst(%dma_wait3A_277 : memref<128x128xf32, #tpu.memory_space<hbm>>)
          tpu.yield
        }) : () -> ()
        %mul3A_191 = arith.constant 128 : i32
        %mul3A_192 = arith.muli %mul3A_136, %mul3A_191 : i32
        %add3A_193 = arith.addi %mul3A_4, %mul3A_192 : i32
        %run_scoped3A_194 = arith.constant 1 : i32
        "tpu.region"() ({
          %run_scoped3A_257 = tpu.sem_alloc : memref<!tpu.dma_semaphore, #tpu.memory_space<semaphore_mem>>
          %dma_start3A_258 = arith.constant 0 : i32
          %dma_start3A_259 = arith.constant 0 : i32
          %dma_start3A_260 = tpu.memref_slice %arg8[%run_scoped3A_194, %dma_start3A_258, %dma_start3A_259] : memref<2x128x128xf32, #tpu.memory_space<vmem>> -> memref<1x128x128xf32, #tpu.memory_space<vmem>>
          %dma_start3A_261 = tpu.memref_squeeze %dma_start3A_260 : memref<1x128x128xf32, #tpu.memory_space<vmem>> -> memref<128x128xf32, #tpu.memory_space<vmem>>
          %dma_start3A_262 = arith.constant 0 : i32
          %dma_start3A_263 = tpu.memref_slice %arg5[%add3A_193, %dma_start3A_262] : memref<100352x128xf32, #tpu.memory_space<hbm>> -> memref<128x128xf32, #tpu.memory_space<hbm>>
          %dma_start3A_264 = arith.constant 0 : i32
          %dma_start3A_265 = tpu.memref_slice %arg5[%add3A_193, %dma_start3A_264] : memref<100352x128xf32, #tpu.memory_space<hbm>> -> memref<128x128xf32, #tpu.memory_space<hbm>>
          %dma_start3A_266 = arith.constant 0 : i32
          %dma_start3A_267 = arith.constant 0 : i32
          %dma_start3A_268 = tpu.memref_slice %arg8[%run_scoped3A_194, %dma_start3A_266, %dma_start3A_267] : memref<2x128x128xf32, #tpu.memory_space<vmem>> -> memref<1x128x128xf32, #tpu.memory_space<vmem>>
          %dma_start3A_269 = tpu.memref_squeeze %dma_start3A_268 : memref<1x128x128xf32, #tpu.memory_space<vmem>> -> memref<128x128xf32, #tpu.memory_space<vmem>>
          tpu.enqueue_dma source(%dma_start3A_269 : memref<128x128xf32, #tpu.memory_space<vmem>>) target(%dma_start3A_265 : memref<128x128xf32, #tpu.memory_space<hbm>>) target_semaphore(%run_scoped3A_257 : memref<!tpu.dma_semaphore, #tpu.memory_space<semaphore_mem>>)
          %dma_wait3A_270 = arith.constant 0 : i32
          %dma_wait3A_271 = arith.constant 0 : i32
          %dma_wait3A_272 = tpu.memref_slice %arg8[%run_scoped3A_194, %dma_wait3A_270, %dma_wait3A_271] : memref<2x128x128xf32, #tpu.memory_space<vmem>> -> memref<1x128x128xf32, #tpu.memory_space<vmem>>
          %dma_wait3A_273 = tpu.memref_squeeze %dma_wait3A_272 : memref<1x128x128xf32, #tpu.memory_space<vmem>> -> memref<128x128xf32, #tpu.memory_space<vmem>>
          %dma_wait3A_274 = arith.constant 0 : i32
          %dma_wait3A_275 = tpu.memref_slice %arg5[%add3A_193, %dma_wait3A_274] : memref<100352x128xf32, #tpu.memory_space<hbm>> -> memref<128x128xf32, #tpu.memory_space<hbm>>
          %dma_wait3A_276 = arith.constant 0 : i32
          %dma_wait3A_277 = tpu.memref_slice %arg5[%add3A_193, %dma_wait3A_276] : memref<100352x128xf32, #tpu.memory_space<hbm>> -> memref<128x128xf32, #tpu.memory_space<hbm>>
          %dma_wait3A_278 = arith.constant 0 : i32
          %dma_wait3A_279 = arith.constant 0 : i32
          %dma_wait3A_280 = tpu.memref_slice %arg8[%run_scoped3A_194, %dma_wait3A_278, %dma_wait3A_279] : memref<2x128x128xf32, #tpu.memory_space<vmem>> -> memref<1x128x128xf32, #tpu.memory_space<vmem>>
          %dma_wait3A_281 = tpu.memref_squeeze %dma_wait3A_280 : memref<1x128x128xf32, #tpu.memory_space<vmem>> -> memref<128x128xf32, #tpu.memory_space<vmem>>
          tpu.wait_dma2 semaphore(%run_scoped3A_257 : memref<!tpu.dma_semaphore, #tpu.memory_space<semaphore_mem>>) src(%dma_wait3A_281 : memref<128x128xf32, #tpu.memory_space<vmem>>) dst(%dma_wait3A_277 : memref<128x128xf32, #tpu.memory_space<hbm>>)
          tpu.yield
        }) : () -> ()
        %add3A_195 = arith.constant 2 : i32
        %add3A_196 = arith.addi %mul3A_136, %add3A_195 : i32
        %add3A_197 = arith.addi %rem3A_7, %add3A_196 : i32
        %dma_start3A_198 = arith.constant 0 : i32
        %dma_start3A_199 = arith.constant 0 : i32
        %dma_start3A_200 = arith.constant 0 : i32
        %dma_start3A_201 = tpu.memref_slice %arg8[%dma_start3A_198, %dma_start3A_199, %dma_start3A_200] : memref<2x128x128xf32, #tpu.memory_space<vmem>> -> memref<1x128x128xf32, #tpu.memory_space<vmem>>
        %dma_start3A_202 = tpu.memref_squeeze %dma_start3A_201 : memref<1x128x128xf32, #tpu.memory_space<vmem>> -> memref<128x128xf32, #tpu.memory_space<vmem>>
        %dma_start3A_203 = arith.constant 0 : i32
        %dma_start3A_204 = tpu.memref_slice %arg6[%add3A_197, %dma_start3A_203] : memref<32x128xi32, #tpu.memory_space<vmem>> -> memref<1x128xi32, #tpu.memory_space<vmem>>
        %dma_start3A_205 = tpu.memref_squeeze %dma_start3A_204 : memref<1x128xi32, #tpu.memory_space<vmem>> -> memref<128xi32, #tpu.memory_space<vmem>>
        %dma_start3A_206 = arith.constant 0 : i32
        %dma_start3A_207 = arith.constant 0 : i32
        %dma_start3A_208 = tpu.memref_slice %arg2[%dma_start3A_206, %dma_start3A_207] : memref<316928x128xf32, #tpu.memory_space<hbm>> -> memref<316928x128xf32, #tpu.memory_space<hbm>>
        tpu.enqueue_indirect_dma source(%dma_start3A_208 : memref<316928x128xf32, #tpu.memory_space<hbm>>) target(%dma_start3A_202 : memref<128x128xf32, #tpu.memory_space<vmem>>) offsets(%dma_start3A_205 : memref<128xi32, #tpu.memory_space<vmem>>) semaphore(%arg10 : memref<!tpu.dma_semaphore, #tpu.memory_space<semaphore_mem>>)
        %add3A_209 = arith.addi %rem3A_7, %add3A_196 : i32
        %dma_start3A_210 = arith.constant 1 : i32
        %dma_start3A_211 = arith.constant 0 : i32
        %dma_start3A_212 = arith.constant 0 : i32
        %dma_start3A_213 = tpu.memref_slice %arg8[%dma_start3A_210, %dma_start3A_211, %dma_start3A_212] : memref<2x128x128xf32, #tpu.memory_space<vmem>> -> memref<1x128x128xf32, #tpu.memory_space<vmem>>
        %dma_start3A_214 = tpu.memref_squeeze %dma_start3A_213 : memref<1x128x128xf32, #tpu.memory_space<vmem>> -> memref<128x128xf32, #tpu.memory_space<vmem>>
        %dma_start3A_215 = arith.constant 0 : i32
        %dma_start3A_216 = tpu.memref_slice %arg7[%add3A_209, %dma_start3A_215] : memref<32x128xi32, #tpu.memory_space<vmem>> -> memref<1x128xi32, #tpu.memory_space<vmem>>
        %dma_start3A_217 = tpu.memref_squeeze %dma_start3A_216 : memref<1x128xi32, #tpu.memory_space<vmem>> -> memref<128xi32, #tpu.memory_space<vmem>>
        %dma_start3A_218 = arith.constant 0 : i32
        %dma_start3A_219 = arith.constant 0 : i32
        %dma_start3A_220 = tpu.memref_slice %arg2[%dma_start3A_218, %dma_start3A_219] : memref<316928x128xf32, #tpu.memory_space<hbm>> -> memref<316928x128xf32, #tpu.memory_space<hbm>>
        tpu.enqueue_indirect_dma source(%dma_start3A_220 : memref<316928x128xf32, #tpu.memory_space<hbm>>) target(%dma_start3A_214 : memref<128x128xf32, #tpu.memory_space<vmem>>) offsets(%dma_start3A_217 : memref<128xi32, #tpu.memory_space<vmem>>) semaphore(%arg10 : memref<!tpu.dma_semaphore, #tpu.memory_space<semaphore_mem>>)
        %add3A_221 = arith.constant 1 : i32
        %add3A_222 = arith.addi %mul3A_136, %add3A_221 : i32
        %add3A_223 = arith.addi %rem3A_7, %add3A_222 : i32
        %dma_wait3A_224 = arith.constant 0 : i32
        %dma_wait3A_225 = arith.constant 0 : i32
        %dma_wait3A_226 = arith.constant 0 : i32
        %dma_wait3A_227 = tpu.memref_slice %arg9[%dma_wait3A_224, %dma_wait3A_225, %dma_wait3A_226] : memref<2x128x128xf32, #tpu.memory_space<vmem>> -> memref<1x128x128xf32, #tpu.memory_space<vmem>>
        %dma_wait3A_228 = tpu.memref_squeeze %dma_wait3A_227 : memref<1x128x128xf32, #tpu.memory_space<vmem>> -> memref<128x128xf32, #tpu.memory_space<vmem>>
        %dma_wait3A_229 = arith.constant 0 : i32
        %dma_wait3A_230 = tpu.memref_slice %arg6[%add3A_223, %dma_wait3A_229] : memref<32x128xi32, #tpu.memory_space<vmem>> -> memref<1x128xi32, #tpu.memory_space<vmem>>
        %dma_wait3A_231 = tpu.memref_squeeze %dma_wait3A_230 : memref<1x128xi32, #tpu.memory_space<vmem>> -> memref<128xi32, #tpu.memory_space<vmem>>
        %dma_wait3A_232 = arith.constant 0 : i32
        %dma_wait3A_233 = arith.constant 0 : i32
        %dma_wait3A_234 = tpu.memref_slice %arg2[%dma_wait3A_232, %dma_wait3A_233] : memref<316928x128xf32, #tpu.memory_space<hbm>> -> memref<316928x128xf32, #tpu.memory_space<hbm>>
        tpu.wait_indirect_dma semaphore(%arg11 : memref<!tpu.dma_semaphore, #tpu.memory_space<semaphore_mem>>) src(%dma_wait3A_234 : memref<316928x128xf32, #tpu.memory_space<hbm>>) dst(%dma_wait3A_228 : memref<128x128xf32, #tpu.memory_space<vmem>>)
        %add3A_235 = arith.addi %rem3A_7, %add3A_222 : i32
        %dma_wait3A_236 = arith.constant 1 : i32
        %dma_wait3A_237 = arith.constant 0 : i32
        %dma_wait3A_238 = arith.constant 0 : i32
        %dma_wait3A_239 = tpu.memref_slice %arg9[%dma_wait3A_236, %dma_wait3A_237, %dma_wait3A_238] : memref<2x128x128xf32, #tpu.memory_space<vmem>> -> memref<1x128x128xf32, #tpu.memory_space<vmem>>
        %dma_wait3A_240 = tpu.memref_squeeze %dma_wait3A_239 : memref<1x128x128xf32, #tpu.memory_space<vmem>> -> memref<128x128xf32, #tpu.memory_space<vmem>>
        %dma_wait3A_241 = arith.constant 0 : i32
        %dma_wait3A_242 = tpu.memref_slice %arg7[%add3A_235, %dma_wait3A_241] : memref<32x128xi32, #tpu.memory_space<vmem>> -> memref<1x128xi32, #tpu.memory_space<vmem>>
        %dma_wait3A_243 = tpu.memref_squeeze %dma_wait3A_242 : memref<1x128xi32, #tpu.memory_space<vmem>> -> memref<128xi32, #tpu.memory_space<vmem>>
        %dma_wait3A_244 = arith.constant 0 : i32
        %dma_wait3A_245 = arith.constant 0 : i32
        %dma_wait3A_246 = tpu.memref_slice %arg2[%dma_wait3A_244, %dma_wait3A_245] : memref<316928x128xf32, #tpu.memory_space<hbm>> -> memref<316928x128xf32, #tpu.memory_space<hbm>>
        tpu.wait_indirect_dma semaphore(%arg11 : memref<!tpu.dma_semaphore, #tpu.memory_space<semaphore_mem>>) src(%dma_wait3A_246 : memref<316928x128xf32, #tpu.memory_space<hbm>>) dst(%dma_wait3A_240 : memref<128x128xf32, #tpu.memory_space<vmem>>)
        %add3A_247 = arith.constant 1 : i32
        %add3A_248 = arith.addi %mul3A_136, %add3A_247 : i32
        %mul3A_249 = arith.constant 128 : i32
        %mul3A_250 = arith.muli %add3A_248, %mul3A_249 : i32
        %add3A_251 = arith.addi %mul3A_4, %mul3A_250 : i32
        %run_scoped3A_252 = arith.constant 0 : i32
        "tpu.region"() ({
          %run_scoped3A_257 = tpu.sem_alloc : memref<!tpu.dma_semaphore, #tpu.memory_space<semaphore_mem>>
          %dma_start3A_258 = arith.constant 0 : i32
          %dma_start3A_259 = arith.constant 0 : i32
          %dma_start3A_260 = tpu.memref_slice %arg9[%run_scoped3A_252, %dma_start3A_258, %dma_start3A_259] : memref<2x128x128xf32, #tpu.memory_space<vmem>> -> memref<1x128x128xf32, #tpu.memory_space<vmem>>
          %dma_start3A_261 = tpu.memref_squeeze %dma_start3A_260 : memref<1x128x128xf32, #tpu.memory_space<vmem>> -> memref<128x128xf32, #tpu.memory_space<vmem>>
          %dma_start3A_262 = arith.constant 0 : i32
          %dma_start3A_263 = tpu.memref_slice %arg4[%add3A_251, %dma_start3A_262] : memref<100352x128xf32, #tpu.memory_space<hbm>> -> memref<128x128xf32, #tpu.memory_space<hbm>>
          %dma_start3A_264 = arith.constant 0 : i32
          %dma_start3A_265 = tpu.memref_slice %arg4[%add3A_251, %dma_start3A_264] : memref<100352x128xf32, #tpu.memory_space<hbm>> -> memref<128x128xf32, #tpu.memory_space<hbm>>
          %dma_start3A_266 = arith.constant 0 : i32
          %dma_start3A_267 = arith.constant 0 : i32
          %dma_start3A_268 = tpu.memref_slice %arg9[%run_scoped3A_252, %dma_start3A_266, %dma_start3A_267] : memref<2x128x128xf32, #tpu.memory_space<vmem>> -> memref<1x128x128xf32, #tpu.memory_space<vmem>>
          %dma_start3A_269 = tpu.memref_squeeze %dma_start3A_268 : memref<1x128x128xf32, #tpu.memory_space<vmem>> -> memref<128x128xf32, #tpu.memory_space<vmem>>
          tpu.enqueue_dma source(%dma_start3A_269 : memref<128x128xf32, #tpu.memory_space<vmem>>) target(%dma_start3A_265 : memref<128x128xf32, #tpu.memory_space<hbm>>) target_semaphore(%run_scoped3A_257 : memref<!tpu.dma_semaphore, #tpu.memory_space<semaphore_mem>>)
          %dma_wait3A_270 = arith.constant 0 : i32
          %dma_wait3A_271 = arith.constant 0 : i32
          %dma_wait3A_272 = tpu.memref_slice %arg9[%run_scoped3A_252, %dma_wait3A_270, %dma_wait3A_271] : memref<2x128x128xf32, #tpu.memory_space<vmem>> -> memref<1x128x128xf32, #tpu.memory_space<vmem>>
          %dma_wait3A_273 = tpu.memref_squeeze %dma_wait3A_272 : memref<1x128x128xf32, #tpu.memory_space<vmem>> -> memref<128x128xf32, #tpu.memory_space<vmem>>
          %dma_wait3A_274 = arith.constant 0 : i32
          %dma_wait3A_275 = tpu.memref_slice %arg4[%add3A_251, %dma_wait3A_274] : memref<100352x128xf32, #tpu.memory_space<hbm>> -> memref<128x128xf32, #tpu.memory_space<hbm>>
          %dma_wait3A_276 = arith.constant 0 : i32
          %dma_wait3A_277 = tpu.memref_slice %arg4[%add3A_251, %dma_wait3A_276] : memref<100352x128xf32, #tpu.memory_space<hbm>> -> memref<128x128xf32, #tpu.memory_space<hbm>>
          %dma_wait3A_278 = arith.constant 0 : i32
          %dma_wait3A_279 = arith.constant 0 : i32
          %dma_wait3A_280 = tpu.memref_slice %arg9[%run_scoped3A_252, %dma_wait3A_278, %dma_wait3A_279] : memref<2x128x128xf32, #tpu.memory_space<vmem>> -> memref<1x128x128xf32, #tpu.memory_space<vmem>>
          %dma_wait3A_281 = tpu.memref_squeeze %dma_wait3A_280 : memref<1x128x128xf32, #tpu.memory_space<vmem>> -> memref<128x128xf32, #tpu.memory_space<vmem>>
          tpu.wait_dma2 semaphore(%run_scoped3A_257 : memref<!tpu.dma_semaphore, #tpu.memory_space<semaphore_mem>>) src(%dma_wait3A_281 : memref<128x128xf32, #tpu.memory_space<vmem>>) dst(%dma_wait3A_277 : memref<128x128xf32, #tpu.memory_space<hbm>>)
          tpu.yield
        }) : () -> ()
        %mul3A_253 = arith.constant 128 : i32
        %mul3A_254 = arith.muli %add3A_248, %mul3A_253 : i32
        %add3A_255 = arith.addi %mul3A_4, %mul3A_254 : i32
        %run_scoped3A_256 = arith.constant 1 : i32
        "tpu.region"() ({
          %run_scoped3A_257 = tpu.sem_alloc : memref<!tpu.dma_semaphore, #tpu.memory_space<semaphore_mem>>
          %dma_start3A_258 = arith.constant 0 : i32
          %dma_start3A_259 = arith.constant 0 : i32
          %dma_start3A_260 = tpu.memref_slice %arg9[%run_scoped3A_256, %dma_start3A_258, %dma_start3A_259] : memref<2x128x128xf32, #tpu.memory_space<vmem>> -> memref<1x128x128xf32, #tpu.memory_space<vmem>>
          %dma_start3A_261 = tpu.memref_squeeze %dma_start3A_260 : memref<1x128x128xf32, #tpu.memory_space<vmem>> -> memref<128x128xf32, #tpu.memory_space<vmem>>
          %dma_start3A_262 = arith.constant 0 : i32
          %dma_start3A_263 = tpu.memref_slice %arg5[%add3A_255, %dma_start3A_262] : memref<100352x128xf32, #tpu.memory_space<hbm>> -> memref<128x128xf32, #tpu.memory_space<hbm>>
          %dma_start3A_264 = arith.constant 0 : i32
          %dma_start3A_265 = tpu.memref_slice %arg5[%add3A_255, %dma_start3A_264] : memref<100352x128xf32, #tpu.memory_space<hbm>> -> memref<128x128xf32, #tpu.memory_space<hbm>>
          %dma_start3A_266 = arith.constant 0 : i32
          %dma_start3A_267 = arith.constant 0 : i32
          %dma_start3A_268 = tpu.memref_slice %arg9[%run_scoped3A_256, %dma_start3A_266, %dma_start3A_267] : memref<2x128x128xf32, #tpu.memory_space<vmem>> -> memref<1x128x128xf32, #tpu.memory_space<vmem>>
          %dma_start3A_269 = tpu.memref_squeeze %dma_start3A_268 : memref<1x128x128xf32, #tpu.memory_space<vmem>> -> memref<128x128xf32, #tpu.memory_space<vmem>>
          tpu.enqueue_dma source(%dma_start3A_269 : memref<128x128xf32, #tpu.memory_space<vmem>>) target(%dma_start3A_265 : memref<128x128xf32, #tpu.memory_space<hbm>>) target_semaphore(%run_scoped3A_257 : memref<!tpu.dma_semaphore, #tpu.memory_space<semaphore_mem>>)
          %dma_wait3A_270 = arith.constant 0 : i32
          %dma_wait3A_271 = arith.constant 0 : i32
          %dma_wait3A_272 = tpu.memref_slice %arg9[%run_scoped3A_256, %dma_wait3A_270, %dma_wait3A_271] : memref<2x128x128xf32, #tpu.memory_space<vmem>> -> memref<1x128x128xf32, #tpu.memory_space<vmem>>
          %dma_wait3A_273 = tpu.memref_squeeze %dma_wait3A_272 : memref<1x128x128xf32, #tpu.memory_space<vmem>> -> memref<128x128xf32, #tpu.memory_space<vmem>>
          %dma_wait3A_274 = arith.constant 0 : i32
          %dma_wait3A_275 = tpu.memref_slice %arg5[%add3A_255, %dma_wait3A_274] : memref<100352x128xf32, #tpu.memory_space<hbm>> -> memref<128x128xf32, #tpu.memory_space<hbm>>
          %dma_wait3A_276 = arith.constant 0 : i32
          %dma_wait3A_277 = tpu.memref_slice %arg5[%add3A_255, %dma_wait3A_276] : memref<100352x128xf32, #tpu.memory_space<hbm>> -> memref<128x128xf32, #tpu.memory_space<hbm>>
          %dma_wait3A_278 = arith.constant 0 : i32
          %dma_wait3A_279 = arith.constant 0 : i32
          %dma_wait3A_280 = tpu.memref_slice %arg9[%run_scoped3A_256, %dma_wait3A_278, %dma_wait3A_279] : memref<2x128x128xf32, #tpu.memory_space<vmem>> -> memref<1x128x128xf32, #tpu.memory_space<vmem>>
          %dma_wait3A_281 = tpu.memref_squeeze %dma_wait3A_280 : memref<1x128x128xf32, #tpu.memory_space<vmem>> -> memref<128x128xf32, #tpu.memory_space<vmem>>
          tpu.wait_dma2 semaphore(%run_scoped3A_257 : memref<!tpu.dma_semaphore, #tpu.memory_space<semaphore_mem>>) src(%dma_wait3A_281 : memref<128x128xf32, #tpu.memory_space<vmem>>) dst(%dma_wait3A_277 : memref<128x128xf32, #tpu.memory_space<hbm>>)
          tpu.yield
        }) : () -> ()
      }
      %scan3A_45 = arith.constant 13 : i32
      %add3A_46 = arith.constant 27 : i32
      %add3A_47 = arith.addi %rem3A_7, %add3A_46 : i32
      %dma_start3A_48 = arith.constant 0 : i32
      %dma_start3A_49 = arith.constant 0 : i32
      %dma_start3A_50 = arith.constant 0 : i32
      %dma_start3A_51 = tpu.memref_slice %arg9[%dma_start3A_48, %dma_start3A_49, %dma_start3A_50] : memref<2x128x128xf32, #tpu.memory_space<vmem>> -> memref<1x128x128xf32, #tpu.memory_space<vmem>>
      %dma_start3A_52 = tpu.memref_squeeze %dma_start3A_51 : memref<1x128x128xf32, #tpu.memory_space<vmem>> -> memref<128x128xf32, #tpu.memory_space<vmem>>
      %dma_start3A_53 = arith.constant 0 : i32
      %dma_start3A_54 = tpu.memref_slice %arg6[%add3A_47, %dma_start3A_53] : memref<32x128xi32, #tpu.memory_space<vmem>> -> memref<1x128xi32, #tpu.memory_space<vmem>>
      %dma_start3A_55 = tpu.memref_squeeze %dma_start3A_54 : memref<1x128xi32, #tpu.memory_space<vmem>> -> memref<128xi32, #tpu.memory_space<vmem>>
      %dma_start3A_56 = arith.constant 0 : i32
      %dma_start3A_57 = arith.constant 0 : i32
      %dma_start3A_58 = tpu.memref_slice %arg2[%dma_start3A_56, %dma_start3A_57] : memref<316928x128xf32, #tpu.memory_space<hbm>> -> memref<316928x128xf32, #tpu.memory_space<hbm>>
      tpu.enqueue_indirect_dma source(%dma_start3A_58 : memref<316928x128xf32, #tpu.memory_space<hbm>>) target(%dma_start3A_52 : memref<128x128xf32, #tpu.memory_space<vmem>>) offsets(%dma_start3A_55 : memref<128xi32, #tpu.memory_space<vmem>>) semaphore(%arg11 : memref<!tpu.dma_semaphore, #tpu.memory_space<semaphore_mem>>)
      %add3A_59 = arith.constant 27 : i32
      %add3A_60 = arith.addi %rem3A_7, %add3A_59 : i32
      %dma_start3A_61 = arith.constant 1 : i32
      %dma_start3A_62 = arith.constant 0 : i32
      %dma_start3A_63 = arith.constant 0 : i32
      %dma_start3A_64 = tpu.memref_slice %arg9[%dma_start3A_61, %dma_start3A_62, %dma_start3A_63] : memref<2x128x128xf32, #tpu.memory_space<vmem>> -> memref<1x128x128xf32, #tpu.memory_space<vmem>>
      %dma_start3A_65 = tpu.memref_squeeze %dma_start3A_64 : memref<1x128x128xf32, #tpu.memory_space<vmem>> -> memref<128x128xf32, #tpu.memory_space<vmem>>
      %dma_start3A_66 = arith.constant 0 : i32
      %dma_start3A_67 = tpu.memref_slice %arg7[%add3A_60, %dma_start3A_66] : memref<32x128xi32, #tpu.memory_space<vmem>> -> memref<1x128xi32, #tpu.memory_space<vmem>>
      %dma_start3A_68 = tpu.memref_squeeze %dma_start3A_67 : memref<1x128xi32, #tpu.memory_space<vmem>> -> memref<128xi32, #tpu.memory_space<vmem>>
      %dma_start3A_69 = arith.constant 0 : i32
      %dma_start3A_70 = arith.constant 0 : i32
      %dma_start3A_71 = tpu.memref_slice %arg2[%dma_start3A_69, %dma_start3A_70] : memref<316928x128xf32, #tpu.memory_space<hbm>> -> memref<316928x128xf32, #tpu.memory_space<hbm>>
      tpu.enqueue_indirect_dma source(%dma_start3A_71 : memref<316928x128xf32, #tpu.memory_space<hbm>>) target(%dma_start3A_65 : memref<128x128xf32, #tpu.memory_space<vmem>>) offsets(%dma_start3A_68 : memref<128xi32, #tpu.memory_space<vmem>>) semaphore(%arg11 : memref<!tpu.dma_semaphore, #tpu.memory_space<semaphore_mem>>)
      %add3A_72 = arith.constant 26 : i32
      %add3A_73 = arith.addi %rem3A_7, %add3A_72 : i32
      %dma_wait3A = arith.constant 0 : i32
      %dma_wait3A_74 = arith.constant 0 : i32
      %dma_wait3A_75 = arith.constant 0 : i32
      %dma_wait3A_76 = tpu.memref_slice %arg8[%dma_wait3A, %dma_wait3A_74, %dma_wait3A_75] : memref<2x128x128xf32, #tpu.memory_space<vmem>> -> memref<1x128x128xf32, #tpu.memory_space<vmem>>
      %dma_wait3A_77 = tpu.memref_squeeze %dma_wait3A_76 : memref<1x128x128xf32, #tpu.memory_space<vmem>> -> memref<128x128xf32, #tpu.memory_space<vmem>>
      %dma_wait3A_78 = arith.constant 0 : i32
      %dma_wait3A_79 = tpu.memref_slice %arg6[%add3A_73, %dma_wait3A_78] : memref<32x128xi32, #tpu.memory_space<vmem>> -> memref<1x128xi32, #tpu.memory_space<vmem>>
      %dma_wait3A_80 = tpu.memref_squeeze %dma_wait3A_79 : memref<1x128xi32, #tpu.memory_space<vmem>> -> memref<128xi32, #tpu.memory_space<vmem>>
      %dma_wait3A_81 = arith.constant 0 : i32
      %dma_wait3A_82 = arith.constant 0 : i32
      %dma_wait3A_83 = tpu.memref_slice %arg2[%dma_wait3A_81, %dma_wait3A_82] : memref<316928x128xf32, #tpu.memory_space<hbm>> -> memref<316928x128xf32, #tpu.memory_space<hbm>>
      tpu.wait_indirect_dma semaphore(%arg10 : memref<!tpu.dma_semaphore, #tpu.memory_space<semaphore_mem>>) src(%dma_wait3A_83 : memref<316928x128xf32, #tpu.memory_space<hbm>>) dst(%dma_wait3A_77 : memref<128x128xf32, #tpu.memory_space<vmem>>)
      %add3A_84 = arith.constant 26 : i32
      %add3A_85 = arith.addi %rem3A_7, %add3A_84 : i32
      %dma_wait3A_86 = arith.constant 1 : i32
      %dma_wait3A_87 = arith.constant 0 : i32
      %dma_wait3A_88 = arith.constant 0 : i32
      %dma_wait3A_89 = tpu.memref_slice %arg8[%dma_wait3A_86, %dma_wait3A_87, %dma_wait3A_88] : memref<2x128x128xf32, #tpu.memory_space<vmem>> -> memref<1x128x128xf32, #tpu.memory_space<vmem>>
      %dma_wait3A_90 = tpu.memref_squeeze %dma_wait3A_89 : memref<1x128x128xf32, #tpu.memory_space<vmem>> -> memref<128x128xf32, #tpu.memory_space<vmem>>
      %dma_wait3A_91 = arith.constant 0 : i32
      %dma_wait3A_92 = tpu.memref_slice %arg7[%add3A_85, %dma_wait3A_91] : memref<32x128xi32, #tpu.memory_space<vmem>> -> memref<1x128xi32, #tpu.memory_space<vmem>>
      %dma_wait3A_93 = tpu.memref_squeeze %dma_wait3A_92 : memref<1x128xi32, #tpu.memory_space<vmem>> -> memref<128xi32, #tpu.memory_space<vmem>>
      %dma_wait3A_94 = arith.constant 0 : i32
      %dma_wait3A_95 = arith.constant 0 : i32
      %dma_wait3A_96 = tpu.memref_slice %arg2[%dma_wait3A_94, %dma_wait3A_95] : memref<316928x128xf32, #tpu.memory_space<hbm>> -> memref<316928x128xf32, #tpu.memory_space<hbm>>
      tpu.wait_indirect_dma semaphore(%arg10 : memref<!tpu.dma_semaphore, #tpu.memory_space<semaphore_mem>>) src(%dma_wait3A_96 : memref<316928x128xf32, #tpu.memory_space<hbm>>) dst(%dma_wait3A_90 : memref<128x128xf32, #tpu.memory_space<vmem>>)
      %add3A_97 = arith.constant 3328 : i32
      %add3A_98 = arith.addi %mul3A_4, %add3A_97 : i32
      %run_scoped3A = arith.constant 0 : i32
      "tpu.region"() ({
        %run_scoped3A_134 = tpu.sem_alloc : memref<!tpu.dma_semaphore, #tpu.memory_space<semaphore_mem>>
        %dma_start3A_135 = arith.constant 0 : i32
        %dma_start3A_136 = arith.constant 0 : i32
        %dma_start3A_137 = tpu.memref_slice %arg8[%run_scoped3A, %dma_start3A_135, %dma_start3A_136] : memref<2x128x128xf32, #tpu.memory_space<vmem>> -> memref<1x128x128xf32, #tpu.memory_space<vmem>>
        %dma_start3A_138 = tpu.memref_squeeze %dma_start3A_137 : memref<1x128x128xf32, #tpu.memory_space<vmem>> -> memref<128x128xf32, #tpu.memory_space<vmem>>
        %dma_start3A_139 = arith.constant 0 : i32
        %dma_start3A_140 = tpu.memref_slice %arg4[%add3A_98, %dma_start3A_139] : memref<100352x128xf32, #tpu.memory_space<hbm>> -> memref<128x128xf32, #tpu.memory_space<hbm>>
        %dma_start3A_141 = arith.constant 0 : i32
        %dma_start3A_142 = tpu.memref_slice %arg4[%add3A_98, %dma_start3A_141] : memref<100352x128xf32, #tpu.memory_space<hbm>> -> memref<128x128xf32, #tpu.memory_space<hbm>>
        %dma_start3A_143 = arith.constant 0 : i32
        %dma_start3A_144 = arith.constant 0 : i32
        %dma_start3A_145 = tpu.memref_slice %arg8[%run_scoped3A, %dma_start3A_143, %dma_start3A_144] : memref<2x128x128xf32, #tpu.memory_space<vmem>> -> memref<1x128x128xf32, #tpu.memory_space<vmem>>
        %dma_start3A_146 = tpu.memref_squeeze %dma_start3A_145 : memref<1x128x128xf32, #tpu.memory_space<vmem>> -> memref<128x128xf32, #tpu.memory_space<vmem>>
        tpu.enqueue_dma source(%dma_start3A_146 : memref<128x128xf32, #tpu.memory_space<vmem>>) target(%dma_start3A_142 : memref<128x128xf32, #tpu.memory_space<hbm>>) target_semaphore(%run_scoped3A_134 : memref<!tpu.dma_semaphore, #tpu.memory_space<semaphore_mem>>)
        %dma_wait3A_147 = arith.constant 0 : i32
        %dma_wait3A_148 = arith.constant 0 : i32
        %dma_wait3A_149 = tpu.memref_slice %arg8[%run_scoped3A, %dma_wait3A_147, %dma_wait3A_148] : memref<2x128x128xf32, #tpu.memory_space<vmem>> -> memref<1x128x128xf32, #tpu.memory_space<vmem>>
        %dma_wait3A_150 = tpu.memref_squeeze %dma_wait3A_149 : memref<1x128x128xf32, #tpu.memory_space<vmem>> -> memref<128x128xf32, #tpu.memory_space<vmem>>
        %dma_wait3A_151 = arith.constant 0 : i32
        %dma_wait3A_152 = tpu.memref_slice %arg4[%add3A_98, %dma_wait3A_151] : memref<100352x128xf32, #tpu.memory_space<hbm>> -> memref<128x128xf32, #tpu.memory_space<hbm>>
        %dma_wait3A_153 = arith.constant 0 : i32
        %dma_wait3A_154 = tpu.memref_slice %arg4[%add3A_98, %dma_wait3A_153] : memref<100352x128xf32, #tpu.memory_space<hbm>> -> memref<128x128xf32, #tpu.memory_space<hbm>>
        %dma_wait3A_155 = arith.constant 0 : i32
        %dma_wait3A_156 = arith.constant 0 : i32
        %dma_wait3A_157 = tpu.memref_slice %arg8[%run_scoped3A, %dma_wait3A_155, %dma_wait3A_156] : memref<2x128x128xf32, #tpu.memory_space<vmem>> -> memref<1x128x128xf32, #tpu.memory_space<vmem>>
        %dma_wait3A_158 = tpu.memref_squeeze %dma_wait3A_157 : memref<1x128x128xf32, #tpu.memory_space<vmem>> -> memref<128x128xf32, #tpu.memory_space<vmem>>
        tpu.wait_dma2 semaphore(%run_scoped3A_134 : memref<!tpu.dma_semaphore, #tpu.memory_space<semaphore_mem>>) src(%dma_wait3A_158 : memref<128x128xf32, #tpu.memory_space<vmem>>) dst(%dma_wait3A_154 : memref<128x128xf32, #tpu.memory_space<hbm>>)
        tpu.yield
      }) : () -> ()
      %add3A_99 = arith.constant 3328 : i32
      %add3A_100 = arith.addi %mul3A_4, %add3A_99 : i32
      %run_scoped3A_101 = arith.constant 1 : i32
      "tpu.region"() ({
        %run_scoped3A_134 = tpu.sem_alloc : memref<!tpu.dma_semaphore, #tpu.memory_space<semaphore_mem>>
        %dma_start3A_135 = arith.constant 0 : i32
        %dma_start3A_136 = arith.constant 0 : i32
        %dma_start3A_137 = tpu.memref_slice %arg8[%run_scoped3A_101, %dma_start3A_135, %dma_start3A_136] : memref<2x128x128xf32, #tpu.memory_space<vmem>> -> memref<1x128x128xf32, #tpu.memory_space<vmem>>
        %dma_start3A_138 = tpu.memref_squeeze %dma_start3A_137 : memref<1x128x128xf32, #tpu.memory_space<vmem>> -> memref<128x128xf32, #tpu.memory_space<vmem>>
        %dma_start3A_139 = arith.constant 0 : i32
        %dma_start3A_140 = tpu.memref_slice %arg5[%add3A_100, %dma_start3A_139] : memref<100352x128xf32, #tpu.memory_space<hbm>> -> memref<128x128xf32, #tpu.memory_space<hbm>>
        %dma_start3A_141 = arith.constant 0 : i32
        %dma_start3A_142 = tpu.memref_slice %arg5[%add3A_100, %dma_start3A_141] : memref<100352x128xf32, #tpu.memory_space<hbm>> -> memref<128x128xf32, #tpu.memory_space<hbm>>
        %dma_start3A_143 = arith.constant 0 : i32
        %dma_start3A_144 = arith.constant 0 : i32
        %dma_start3A_145 = tpu.memref_slice %arg8[%run_scoped3A_101, %dma_start3A_143, %dma_start3A_144] : memref<2x128x128xf32, #tpu.memory_space<vmem>> -> memref<1x128x128xf32, #tpu.memory_space<vmem>>
        %dma_start3A_146 = tpu.memref_squeeze %dma_start3A_145 : memref<1x128x128xf32, #tpu.memory_space<vmem>> -> memref<128x128xf32, #tpu.memory_space<vmem>>
        tpu.enqueue_dma source(%dma_start3A_146 : memref<128x128xf32, #tpu.memory_space<vmem>>) target(%dma_start3A_142 : memref<128x128xf32, #tpu.memory_space<hbm>>) target_semaphore(%run_scoped3A_134 : memref<!tpu.dma_semaphore, #tpu.memory_space<semaphore_mem>>)
        %dma_wait3A_147 = arith.constant 0 : i32
        %dma_wait3A_148 = arith.constant 0 : i32
        %dma_wait3A_149 = tpu.memref_slice %arg8[%run_scoped3A_101, %dma_wait3A_147, %dma_wait3A_148] : memref<2x128x128xf32, #tpu.memory_space<vmem>> -> memref<1x128x128xf32, #tpu.memory_space<vmem>>
        %dma_wait3A_150 = tpu.memref_squeeze %dma_wait3A_149 : memref<1x128x128xf32, #tpu.memory_space<vmem>> -> memref<128x128xf32, #tpu.memory_space<vmem>>
        %dma_wait3A_151 = arith.constant 0 : i32
        %dma_wait3A_152 = tpu.memref_slice %arg5[%add3A_100, %dma_wait3A_151] : memref<100352x128xf32, #tpu.memory_space<hbm>> -> memref<128x128xf32, #tpu.memory_space<hbm>>
        %dma_wait3A_153 = arith.constant 0 : i32
        %dma_wait3A_154 = tpu.memref_slice %arg5[%add3A_100, %dma_wait3A_153] : memref<100352x128xf32, #tpu.memory_space<hbm>> -> memref<128x128xf32, #tpu.memory_space<hbm>>
        %dma_wait3A_155 = arith.constant 0 : i32
        %dma_wait3A_156 = arith.constant 0 : i32
        %dma_wait3A_157 = tpu.memref_slice %arg8[%run_scoped3A_101, %dma_wait3A_155, %dma_wait3A_156] : memref<2x128x128xf32, #tpu.memory_space<vmem>> -> memref<1x128x128xf32, #tpu.memory_space<vmem>>
        %dma_wait3A_158 = tpu.memref_squeeze %dma_wait3A_157 : memref<1x128x128xf32, #tpu.memory_space<vmem>> -> memref<128x128xf32, #tpu.memory_space<vmem>>
        tpu.wait_dma2 semaphore(%run_scoped3A_134 : memref<!tpu.dma_semaphore, #tpu.memory_space<semaphore_mem>>) src(%dma_wait3A_158 : memref<128x128xf32, #tpu.memory_space<vmem>>) dst(%dma_wait3A_154 : memref<128x128xf32, #tpu.memory_space<hbm>>)
        tpu.yield
      }) : () -> ()
      %add3A_102 = arith.constant 27 : i32
      %add3A_103 = arith.addi %rem3A_7, %add3A_102 : i32
      %dma_wait3A_104 = arith.constant 0 : i32
      %dma_wait3A_105 = arith.constant 0 : i32
      %dma_wait3A_106 = arith.constant 0 : i32
      %dma_wait3A_107 = tpu.memref_slice %arg9[%dma_wait3A_104, %dma_wait3A_105, %dma_wait3A_106] : memref<2x128x128xf32, #tpu.memory_space<vmem>> -> memref<1x128x128xf32, #tpu.memory_space<vmem>>
      %dma_wait3A_108 = tpu.memref_squeeze %dma_wait3A_107 : memref<1x128x128xf32, #tpu.memory_space<vmem>> -> memref<128x128xf32, #tpu.memory_space<vmem>>
      %dma_wait3A_109 = arith.constant 0 : i32
      %dma_wait3A_110 = tpu.memref_slice %arg6[%add3A_103, %dma_wait3A_109] : memref<32x128xi32, #tpu.memory_space<vmem>> -> memref<1x128xi32, #tpu.memory_space<vmem>>
      %dma_wait3A_111 = tpu.memref_squeeze %dma_wait3A_110 : memref<1x128xi32, #tpu.memory_space<vmem>> -> memref<128xi32, #tpu.memory_space<vmem>>
      %dma_wait3A_112 = arith.constant 0 : i32
      %dma_wait3A_113 = arith.constant 0 : i32
      %dma_wait3A_114 = tpu.memref_slice %arg2[%dma_wait3A_112, %dma_wait3A_113] : memref<316928x128xf32, #tpu.memory_space<hbm>> -> memref<316928x128xf32, #tpu.memory_space<hbm>>
      tpu.wait_indirect_dma semaphore(%arg11 : memref<!tpu.dma_semaphore, #tpu.memory_space<semaphore_mem>>) src(%dma_wait3A_114 : memref<316928x128xf32, #tpu.memory_space<hbm>>) dst(%dma_wait3A_108 : memref<128x128xf32, #tpu.memory_space<vmem>>)
      %add3A_115 = arith.constant 27 : i32
      %add3A_116 = arith.addi %rem3A_7, %add3A_115 : i32
      %dma_wait3A_117 = arith.constant 1 : i32
      %dma_wait3A_118 = arith.constant 0 : i32
      %dma_wait3A_119 = arith.constant 0 : i32
      %dma_wait3A_120 = tpu.memref_slice %arg9[%dma_wait3A_117, %dma_wait3A_118, %dma_wait3A_119] : memref<2x128x128xf32, #tpu.memory_space<vmem>> -> memref<1x128x128xf32, #tpu.memory_space<vmem>>
      %dma_wait3A_121 = tpu.memref_squeeze %dma_wait3A_120 : memref<1x128x128xf32, #tpu.memory_space<vmem>> -> memref<128x128xf32, #tpu.memory_space<vmem>>
      %dma_wait3A_122 = arith.constant 0 : i32
      %dma_wait3A_123 = tpu.memref_slice %arg7[%add3A_116, %dma_wait3A_122] : memref<32x128xi32, #tpu.memory_space<vmem>> -> memref<1x128xi32, #tpu.memory_space<vmem>>
      %dma_wait3A_124 = tpu.memref_squeeze %dma_wait3A_123 : memref<1x128xi32, #tpu.memory_space<vmem>> -> memref<128xi32, #tpu.memory_space<vmem>>
      %dma_wait3A_125 = arith.constant 0 : i32
      %dma_wait3A_126 = arith.constant 0 : i32
      %dma_wait3A_127 = tpu.memref_slice %arg2[%dma_wait3A_125, %dma_wait3A_126] : memref<316928x128xf32, #tpu.memory_space<hbm>> -> memref<316928x128xf32, #tpu.memory_space<hbm>>
      tpu.wait_indirect_dma semaphore(%arg11 : memref<!tpu.dma_semaphore, #tpu.memory_space<semaphore_mem>>) src(%dma_wait3A_127 : memref<316928x128xf32, #tpu.memory_space<hbm>>) dst(%dma_wait3A_121 : memref<128x128xf32, #tpu.memory_space<vmem>>)
      %add3A_128 = arith.constant 3456 : i32
      %add3A_129 = arith.addi %mul3A_4, %add3A_128 : i32
      %run_scoped3A_130 = arith.constant 0 : i32
      "tpu.region"() ({
        %run_scoped3A_134 = tpu.sem_alloc : memref<!tpu.dma_semaphore, #tpu.memory_space<semaphore_mem>>
        %dma_start3A_135 = arith.constant 0 : i32
        %dma_start3A_136 = arith.constant 0 : i32
        %dma_start3A_137 = tpu.memref_slice %arg9[%run_scoped3A_130, %dma_start3A_135, %dma_start3A_136] : memref<2x128x128xf32, #tpu.memory_space<vmem>> -> memref<1x128x128xf32, #tpu.memory_space<vmem>>
        %dma_start3A_138 = tpu.memref_squeeze %dma_start3A_137 : memref<1x128x128xf32, #tpu.memory_space<vmem>> -> memref<128x128xf32, #tpu.memory_space<vmem>>
        %dma_start3A_139 = arith.constant 0 : i32
        %dma_start3A_140 = tpu.memref_slice %arg4[%add3A_129, %dma_start3A_139] : memref<100352x128xf32, #tpu.memory_space<hbm>> -> memref<128x128xf32, #tpu.memory_space<hbm>>
        %dma_start3A_141 = arith.constant 0 : i32
        %dma_start3A_142 = tpu.memref_slice %arg4[%add3A_129, %dma_start3A_141] : memref<100352x128xf32, #tpu.memory_space<hbm>> -> memref<128x128xf32, #tpu.memory_space<hbm>>
        %dma_start3A_143 = arith.constant 0 : i32
        %dma_start3A_144 = arith.constant 0 : i32
        %dma_start3A_145 = tpu.memref_slice %arg9[%run_scoped3A_130, %dma_start3A_143, %dma_start3A_144] : memref<2x128x128xf32, #tpu.memory_space<vmem>> -> memref<1x128x128xf32, #tpu.memory_space<vmem>>
        %dma_start3A_146 = tpu.memref_squeeze %dma_start3A_145 : memref<1x128x128xf32, #tpu.memory_space<vmem>> -> memref<128x128xf32, #tpu.memory_space<vmem>>
        tpu.enqueue_dma source(%dma_start3A_146 : memref<128x128xf32, #tpu.memory_space<vmem>>) target(%dma_start3A_142 : memref<128x128xf32, #tpu.memory_space<hbm>>) target_semaphore(%run_scoped3A_134 : memref<!tpu.dma_semaphore, #tpu.memory_space<semaphore_mem>>)
        %dma_wait3A_147 = arith.constant 0 : i32
        %dma_wait3A_148 = arith.constant 0 : i32
        %dma_wait3A_149 = tpu.memref_slice %arg9[%run_scoped3A_130, %dma_wait3A_147, %dma_wait3A_148] : memref<2x128x128xf32, #tpu.memory_space<vmem>> -> memref<1x128x128xf32, #tpu.memory_space<vmem>>
        %dma_wait3A_150 = tpu.memref_squeeze %dma_wait3A_149 : memref<1x128x128xf32, #tpu.memory_space<vmem>> -> memref<128x128xf32, #tpu.memory_space<vmem>>
        %dma_wait3A_151 = arith.constant 0 : i32
        %dma_wait3A_152 = tpu.memref_slice %arg4[%add3A_129, %dma_wait3A_151] : memref<100352x128xf32, #tpu.memory_space<hbm>> -> memref<128x128xf32, #tpu.memory_space<hbm>>
        %dma_wait3A_153 = arith.constant 0 : i32
        %dma_wait3A_154 = tpu.memref_slice %arg4[%add3A_129, %dma_wait3A_153] : memref<100352x128xf32, #tpu.memory_space<hbm>> -> memref<128x128xf32, #tpu.memory_space<hbm>>
        %dma_wait3A_155 = arith.constant 0 : i32
        %dma_wait3A_156 = arith.constant 0 : i32
        %dma_wait3A_157 = tpu.memref_slice %arg9[%run_scoped3A_130, %dma_wait3A_155, %dma_wait3A_156] : memref<2x128x128xf32, #tpu.memory_space<vmem>> -> memref<1x128x128xf32, #tpu.memory_space<vmem>>
        %dma_wait3A_158 = tpu.memref_squeeze %dma_wait3A_157 : memref<1x128x128xf32, #tpu.memory_space<vmem>> -> memref<128x128xf32, #tpu.memory_space<vmem>>
        tpu.wait_dma2 semaphore(%run_scoped3A_134 : memref<!tpu.dma_semaphore, #tpu.memory_space<semaphore_mem>>) src(%dma_wait3A_158 : memref<128x128xf32, #tpu.memory_space<vmem>>) dst(%dma_wait3A_154 : memref<128x128xf32, #tpu.memory_space<hbm>>)
        tpu.yield
      }) : () -> ()
      %add3A_131 = arith.constant 3456 : i32
      %add3A_132 = arith.addi %mul3A_4, %add3A_131 : i32
      %run_scoped3A_133 = arith.constant 1 : i32
      "tpu.region"() ({
        %run_scoped3A_134 = tpu.sem_alloc : memref<!tpu.dma_semaphore, #tpu.memory_space<semaphore_mem>>
        %dma_start3A_135 = arith.constant 0 : i32
        %dma_start3A_136 = arith.constant 0 : i32
        %dma_start3A_137 = tpu.memref_slice %arg9[%run_scoped3A_133, %dma_start3A_135, %dma_start3A_136] : memref<2x128x128xf32, #tpu.memory_space<vmem>> -> memref<1x128x128xf32, #tpu.memory_space<vmem>>
        %dma_start3A_138 = tpu.memref_squeeze %dma_start3A_137 : memref<1x128x128xf32, #tpu.memory_space<vmem>> -> memref<128x128xf32, #tpu.memory_space<vmem>>
        %dma_start3A_139 = arith.constant 0 : i32
        %dma_start3A_140 = tpu.memref_slice %arg5[%add3A_132, %dma_start3A_139] : memref<100352x128xf32, #tpu.memory_space<hbm>> -> memref<128x128xf32, #tpu.memory_space<hbm>>
        %dma_start3A_141 = arith.constant 0 : i32
        %dma_start3A_142 = tpu.memref_slice %arg5[%add3A_132, %dma_start3A_141] : memref<100352x128xf32, #tpu.memory_space<hbm>> -> memref<128x128xf32, #tpu.memory_space<hbm>>
        %dma_start3A_143 = arith.constant 0 : i32
        %dma_start3A_144 = arith.constant 0 : i32
        %dma_start3A_145 = tpu.memref_slice %arg9[%run_scoped3A_133, %dma_start3A_143, %dma_start3A_144] : memref<2x128x128xf32, #tpu.memory_space<vmem>> -> memref<1x128x128xf32, #tpu.memory_space<vmem>>
        %dma_start3A_146 = tpu.memref_squeeze %dma_start3A_145 : memref<1x128x128xf32, #tpu.memory_space<vmem>> -> memref<128x128xf32, #tpu.memory_space<vmem>>
        tpu.enqueue_dma source(%dma_start3A_146 : memref<128x128xf32, #tpu.memory_space<vmem>>) target(%dma_start3A_142 : memref<128x128xf32, #tpu.memory_space<hbm>>) target_semaphore(%run_scoped3A_134 : memref<!tpu.dma_semaphore, #tpu.memory_space<semaphore_mem>>)
        %dma_wait3A_147 = arith.constant 0 : i32
        %dma_wait3A_148 = arith.constant 0 : i32
        %dma_wait3A_149 = tpu.memref_slice %arg9[%run_scoped3A_133, %dma_wait3A_147, %dma_wait3A_148] : memref<2x128x128xf32, #tpu.memory_space<vmem>> -> memref<1x128x128xf32, #tpu.memory_space<vmem>>
        %dma_wait3A_150 = tpu.memref_squeeze %dma_wait3A_149 : memref<1x128x128xf32, #tpu.memory_space<vmem>> -> memref<128x128xf32, #tpu.memory_space<vmem>>
        %dma_wait3A_151 = arith.constant 0 : i32
        %dma_wait3A_152 = tpu.memref_slice %arg5[%add3A_132, %dma_wait3A_151] : memref<100352x128xf32, #tpu.memory_space<hbm>> -> memref<128x128xf32, #tpu.memory_space<hbm>>
        %dma_wait3A_153 = arith.constant 0 : i32
        %dma_wait3A_154 = tpu.memref_slice %arg5[%add3A_132, %dma_wait3A_153] : memref<100352x128xf32, #tpu.memory_space<hbm>> -> memref<128x128xf32, #tpu.memory_space<hbm>>
        %dma_wait3A_155 = arith.constant 0 : i32
        %dma_wait3A_156 = arith.constant 0 : i32
        %dma_wait3A_157 = tpu.memref_slice %arg9[%run_scoped3A_133, %dma_wait3A_155, %dma_wait3A_156] : memref<2x128x128xf32, #tpu.memory_space<vmem>> -> memref<1x128x128xf32, #tpu.memory_space<vmem>>
        %dma_wait3A_158 = tpu.memref_squeeze %dma_wait3A_157 : memref<1x128x128xf32, #tpu.memory_space<vmem>> -> memref<128x128xf32, #tpu.memory_space<vmem>>
        tpu.wait_dma2 semaphore(%run_scoped3A_134 : memref<!tpu.dma_semaphore, #tpu.memory_space<semaphore_mem>>) src(%dma_wait3A_158 : memref<128x128xf32, #tpu.memory_space<vmem>>) dst(%dma_wait3A_154 : memref<128x128xf32, #tpu.memory_space<hbm>>)
        tpu.yield
      }) : () -> ()
    } else {
    }
    return
  }
}

#map = affine_map<(d0, d1) -> (0, 0, 0)>
#map1 = affine_map<(d0, d1) -> (0, 0)>
module attributes {stable_mosaic.version = 14 : i64} {
  func.func @_k2_body(%arg0: i32, %arg1: i32, %arg2: memref<2x100352x128xf32, #tpu.memory_space<hbm>>, %arg3: memref<784x128xi32, #tpu.memory_space<hbm>>, %arg4: memref<1238x8xf32, #tpu.memory_space<hbm>>, %arg5: memref<128x8xf32, #tpu.memory_space<hbm>>, %arg6: memref<2x158464x128xf32, #tpu.memory_space<hbm>>, %arg7: memref<158464x8xf32, #tpu.memory_space<hbm>>, %arg8: memref<158464x8xf32, #tpu.memory_space<vmem_shared>>, %arg9: memref<1238x8xf32, #tpu.memory_space<vmem>>, %arg10: memref<49x128xi32, #tpu.memory_space<vmem>>, %arg11: memref<896x8xf32, #tpu.memory_space<vmem>>, %arg12: memref<896x8xf32, #tpu.memory_space<vmem>>, %arg13: memref<128x8xf32, #tpu.memory_space<vmem>>, %arg14: memref<1238x8xf32, #tpu.memory_space<vmem>>, %arg15: memref<1238x8xf32, #tpu.memory_space<vmem>>, %arg16: memref<!tpu.dma_semaphore, #tpu.memory_space<semaphore_mem>>, %arg17: memref<!tpu.dma_semaphore, #tpu.memory_space<semaphore_mem>>, %arg18: memref<!tpu.dma_semaphore, #tpu.memory_space<semaphore_mem>>) attributes {dimension_semantics = [#tpu.dimension_semantics<core_parallel>, #tpu.dimension_semantics<subcore_parallel>], iteration_bounds = array<i64: 2, 16>, scalar_prefetch = 0 : i64, scratch_operands = 11 : i64, tpu.core_type = #tpu.core_type<sc_vector_subcore>, window_params = [{transform_indices = #map}, {transform_indices = #map1}, {transform_indices = #map1}, {transform_indices = #map1}, {transform_indices = #map}, {transform_indices = #map1}]} {
    "tpu.region"() ({
      %run_scoped3A = tpu.sem_alloc : memref<!tpu.dma_semaphore, #tpu.memory_space<semaphore_mem>>
      tpu.enqueue_dma source(%arg4 : memref<1238x8xf32, #tpu.memory_space<hbm>>) target(%arg9 : memref<1238x8xf32, #tpu.memory_space<vmem>>) target_semaphore(%run_scoped3A : memref<!tpu.dma_semaphore, #tpu.memory_space<semaphore_mem>>)
      tpu.wait_dma2 semaphore(%run_scoped3A : memref<!tpu.dma_semaphore, #tpu.memory_space<semaphore_mem>>) src(%arg4 : memref<1238x8xf32, #tpu.memory_space<hbm>>) dst(%arg9 : memref<1238x8xf32, #tpu.memory_space<vmem>>)
      tpu.yield
    }) : () -> ()
    "tpu.region"() ({
      %run_scoped3A = tpu.sem_alloc : memref<!tpu.dma_semaphore, #tpu.memory_space<semaphore_mem>>
      tpu.enqueue_dma source(%arg5 : memref<128x8xf32, #tpu.memory_space<hbm>>) target(%arg13 : memref<128x8xf32, #tpu.memory_space<vmem>>) target_semaphore(%run_scoped3A : memref<!tpu.dma_semaphore, #tpu.memory_space<semaphore_mem>>)
      tpu.wait_dma2 semaphore(%run_scoped3A : memref<!tpu.dma_semaphore, #tpu.memory_space<semaphore_mem>>) src(%arg5 : memref<128x8xf32, #tpu.memory_space<hbm>>) dst(%arg13 : memref<128x8xf32, #tpu.memory_space<vmem>>)
      tpu.yield
    }) : () -> ()
    %mul3A = arith.constant 49 : i32
    %mul3A_0 = arith.muli %arg1, %mul3A : i32
    "tpu.region"() ({
      %run_scoped3A = tpu.sem_alloc : memref<!tpu.dma_semaphore, #tpu.memory_space<semaphore_mem>>
      %dma_start3A = arith.constant 0 : i32
      %dma_start3A_10 = tpu.memref_slice %arg3[%mul3A_0, %dma_start3A] : memref<784x128xi32, #tpu.memory_space<hbm>> -> memref<49x128xi32, #tpu.memory_space<hbm>>
      %dma_start3A_11 = arith.constant 0 : i32
      %dma_start3A_12 = tpu.memref_slice %arg3[%mul3A_0, %dma_start3A_11] : memref<784x128xi32, #tpu.memory_space<hbm>> -> memref<49x128xi32, #tpu.memory_space<hbm>>
      tpu.enqueue_dma source(%dma_start3A_12 : memref<49x128xi32, #tpu.memory_space<hbm>>) target(%arg10 : memref<49x128xi32, #tpu.memory_space<vmem>>) target_semaphore(%run_scoped3A : memref<!tpu.dma_semaphore, #tpu.memory_space<semaphore_mem>>)
      %dma_wait3A = arith.constant 0 : i32
      %dma_wait3A_13 = tpu.memref_slice %arg3[%mul3A_0, %dma_wait3A] : memref<784x128xi32, #tpu.memory_space<hbm>> -> memref<49x128xi32, #tpu.memory_space<hbm>>
      %dma_wait3A_14 = arith.constant 0 : i32
      %dma_wait3A_15 = tpu.memref_slice %arg3[%mul3A_0, %dma_wait3A_14] : memref<784x128xi32, #tpu.memory_space<hbm>> -> memref<49x128xi32, #tpu.memory_space<hbm>>
      tpu.wait_dma2 semaphore(%run_scoped3A : memref<!tpu.dma_semaphore, #tpu.memory_space<semaphore_mem>>) src(%dma_wait3A_15 : memref<49x128xi32, #tpu.memory_space<hbm>>) dst(%arg10 : memref<49x128xi32, #tpu.memory_space<vmem>>)
      tpu.yield
    }) : () -> ()
    %mul3A_1 = arith.constant 9904 : i32
    %mul3A_2 = arith.muli %arg1, %mul3A_1 : i32
    %mul3A_3 = arith.constant 6272 : i32
    %mul3A_4 = arith.muli %arg1, %mul3A_3 : i32
    %scan3A = arith.constant 0 : i32
    %scan3A_5 = arith.constant 0 : i32
    %scan3A_6 = arith.constant 17 : i32
    %scan3A_7 = arith.addi %scan3A_5, %scan3A_6 : i32
    %scan3A_8 = arith.constant 1 : i32
    scf.for %scan3A_10 = %scan3A_5 to %scan3A_7 step %scan3A_8  : i32 {
      %mul3A_11 = arith.constant 2 : i32
      %mul3A_12 = arith.muli %scan3A_10, %mul3A_11 : i32
      %add3A = arith.addi %mul3A_12, %arg0 : i32
      %lt3A = arith.constant 33 : i32
      %lt3A_13 = arith.cmpi slt, %add3A, %lt3A : i32
      %eq3A = arith.constant 32 : i32
      %eq3A_14 = arith.cmpi eq, %add3A, %eq3A : i32
      %jit3A = arith.constant 16 : i32
      %div3A = arith.divsi %add3A, %jit3A : i32
      %sign3A = arith.constant 0 : i32
      %sign3A_15 = arith.cmpi sgt, %add3A, %sign3A : i32
      %sign3A_16 = arith.extui %sign3A_15 : i1 to i32
      %sign3A_17 = arith.constant 0 : i32
      %sign3A_18 = arith.cmpi slt, %add3A, %sign3A_17 : i32
      %sign3A_19 = arith.extui %sign3A_18 : i1 to i32
      %sign3A_20 = arith.subi %sign3A_16, %sign3A_19 : i32
      %sign3A_21 = arith.constant 0 : i32
      %sign3A_22 = arith.cmpi sgt, %jit3A, %sign3A_21 : i32
      %sign3A_23 = arith.extui %sign3A_22 : i1 to i32
      %sign3A_24 = arith.constant 0 : i32
      %sign3A_25 = arith.cmpi slt, %jit3A, %sign3A_24 : i32
      %sign3A_26 = arith.extui %sign3A_25 : i1 to i32
      %sign3A_27 = arith.subi %sign3A_23, %sign3A_26 : i32
      %ne3A = arith.cmpi ne, %sign3A_20, %sign3A_27 : i32
      %rem3A = arith.remsi %add3A, %jit3A : i32
      %ne3A_28 = arith.constant 0 : i32
      %ne3A_29 = arith.cmpi ne, %rem3A, %ne3A_28 : i32
      %and3A = arith.andi %ne3A, %ne3A_29 : i1
      %sub3A = arith.constant 1 : i32
      %sub3A_30 = arith.subi %div3A, %sub3A : i32
      %select_n3A = arith.select %and3A, %sub3A_30, %div3A : i32
      %jit3A_31 = arith.constant 16 : i32
      %eq3A_32 = arith.constant 0 : i32
      %eq3A_33 = arith.cmpi eq, %jit3A_31, %eq3A_32 : i32
      %jit3A_34 = arith.constant 1 : i32
      %select_n3A_35 = arith.select %eq3A_33, %jit3A_34, %jit3A_31 : i32
      %rem3A_36 = arith.remsi %add3A, %select_n3A_35 : i32
      %ne3A_37 = arith.constant 0 : i32
      %ne3A_38 = arith.cmpi ne, %rem3A_36, %ne3A_37 : i32
      %lt3A_39 = arith.constant 0 : i32
      %lt3A_40 = arith.cmpi slt, %rem3A_36, %lt3A_39 : i32
      %lt3A_41 = arith.constant 0 : i32
      %lt3A_42 = arith.cmpi slt, %select_n3A_35, %lt3A_41 : i32
      %ne3A_43 = arith.xori %lt3A_40, %lt3A_42 : i1
      %and3A_44 = arith.andi %ne3A_43, %ne3A_38 : i1
      %add3A_45 = arith.addi %rem3A_36, %select_n3A_35 : i32
      %select_n3A_46 = arith.select %and3A_44, %add3A_45, %rem3A_36 : i32
      %mul3A_47 = arith.constant 8 : i32
      %mul3A_48 = arith.muli %select_n3A_46, %mul3A_47 : i32
      %convert_element_type3A = arith.extui %lt3A_13 : i1 to i32
      %cond3A = arith.constant 0 : i32
      %cond3A_49 = arith.cmpi ne, %convert_element_type3A, %cond3A : i32
      scf.if %cond3A_49 {
        %add3A_69 = arith.constant 0 : i32
        %add3A_70 = arith.addi %mul3A_2, %add3A_69 : i32
        %dma_start3A = arith.constant 0 : i32
        %dma_start3A_71 = tpu.memref_slice %arg8[%add3A_70, %dma_start3A] : memref<158464x8xf32, #tpu.memory_space<vmem_shared>> -> memref<1238x8xf32, #tpu.memory_space<vmem_shared>>
        %dma_start3A_72 = arith.constant 0 : i32
        %dma_start3A_73 = tpu.memref_slice %arg8[%add3A_70, %dma_start3A_72] : memref<158464x8xf32, #tpu.memory_space<vmem_shared>> -> memref<1238x8xf32, #tpu.memory_space<vmem_shared>>
        tpu.enqueue_dma source(%arg9 : memref<1238x8xf32, #tpu.memory_space<vmem>>) target(%dma_start3A_73 : memref<1238x8xf32, #tpu.memory_space<vmem_shared>>) target_semaphore(%arg18 : memref<!tpu.dma_semaphore, #tpu.memory_space<semaphore_mem>>)
        %add3A_74 = arith.constant 1238 : i32
        %add3A_75 = arith.addi %mul3A_2, %add3A_74 : i32
        %dma_start3A_76 = arith.constant 0 : i32
        %dma_start3A_77 = tpu.memref_slice %arg8[%add3A_75, %dma_start3A_76] : memref<158464x8xf32, #tpu.memory_space<vmem_shared>> -> memref<1238x8xf32, #tpu.memory_space<vmem_shared>>
        %dma_start3A_78 = arith.constant 0 : i32
        %dma_start3A_79 = tpu.memref_slice %arg8[%add3A_75, %dma_start3A_78] : memref<158464x8xf32, #tpu.memory_space<vmem_shared>> -> memref<1238x8xf32, #tpu.memory_space<vmem_shared>>
        tpu.enqueue_dma source(%arg9 : memref<1238x8xf32, #tpu.memory_space<vmem>>) target(%dma_start3A_79 : memref<1238x8xf32, #tpu.memory_space<vmem_shared>>) target_semaphore(%arg18 : memref<!tpu.dma_semaphore, #tpu.memory_space<semaphore_mem>>)
        %add3A_80 = arith.constant 2476 : i32
        %add3A_81 = arith.addi %mul3A_2, %add3A_80 : i32
        %dma_start3A_82 = arith.constant 0 : i32
        %dma_start3A_83 = tpu.memref_slice %arg8[%add3A_81, %dma_start3A_82] : memref<158464x8xf32, #tpu.memory_space<vmem_shared>> -> memref<1238x8xf32, #tpu.memory_space<vmem_shared>>
        %dma_start3A_84 = arith.constant 0 : i32
        %dma_start3A_85 = tpu.memref_slice %arg8[%add3A_81, %dma_start3A_84] : memref<158464x8xf32, #tpu.memory_space<vmem_shared>> -> memref<1238x8xf32, #tpu.memory_space<vmem_shared>>
        tpu.enqueue_dma source(%arg9 : memref<1238x8xf32, #tpu.memory_space<vmem>>) target(%dma_start3A_85 : memref<1238x8xf32, #tpu.memory_space<vmem_shared>>) target_semaphore(%arg18 : memref<!tpu.dma_semaphore, #tpu.memory_space<semaphore_mem>>)
        %add3A_86 = arith.constant 3714 : i32
        %add3A_87 = arith.addi %mul3A_2, %add3A_86 : i32
        %dma_start3A_88 = arith.constant 0 : i32
        %dma_start3A_89 = tpu.memref_slice %arg8[%add3A_87, %dma_start3A_88] : memref<158464x8xf32, #tpu.memory_space<vmem_shared>> -> memref<1238x8xf32, #tpu.memory_space<vmem_shared>>
        %dma_start3A_90 = arith.constant 0 : i32
        %dma_start3A_91 = tpu.memref_slice %arg8[%add3A_87, %dma_start3A_90] : memref<158464x8xf32, #tpu.memory_space<vmem_shared>> -> memref<1238x8xf32, #tpu.memory_space<vmem_shared>>
        tpu.enqueue_dma source(%arg9 : memref<1238x8xf32, #tpu.memory_space<vmem>>) target(%dma_start3A_91 : memref<1238x8xf32, #tpu.memory_space<vmem_shared>>) target_semaphore(%arg18 : memref<!tpu.dma_semaphore, #tpu.memory_space<semaphore_mem>>)
        %add3A_92 = arith.constant 4952 : i32
        %add3A_93 = arith.addi %mul3A_2, %add3A_92 : i32
        %dma_start3A_94 = arith.constant 0 : i32
        %dma_start3A_95 = tpu.memref_slice %arg8[%add3A_93, %dma_start3A_94] : memref<158464x8xf32, #tpu.memory_space<vmem_shared>> -> memref<1238x8xf32, #tpu.memory_space<vmem_shared>>
        %dma_start3A_96 = arith.constant 0 : i32
        %dma_start3A_97 = tpu.memref_slice %arg8[%add3A_93, %dma_start3A_96] : memref<158464x8xf32, #tpu.memory_space<vmem_shared>> -> memref<1238x8xf32, #tpu.memory_space<vmem_shared>>
        tpu.enqueue_dma source(%arg9 : memref<1238x8xf32, #tpu.memory_space<vmem>>) target(%dma_start3A_97 : memref<1238x8xf32, #tpu.memory_space<vmem_shared>>) target_semaphore(%arg18 : memref<!tpu.dma_semaphore, #tpu.memory_space<semaphore_mem>>)
        %add3A_98 = arith.constant 6190 : i32
        %add3A_99 = arith.addi %mul3A_2, %add3A_98 : i32
        %dma_start3A_100 = arith.constant 0 : i32
        %dma_start3A_101 = tpu.memref_slice %arg8[%add3A_99, %dma_start3A_100] : memref<158464x8xf32, #tpu.memory_space<vmem_shared>> -> memref<1238x8xf32, #tpu.memory_space<vmem_shared>>
        %dma_start3A_102 = arith.constant 0 : i32
        %dma_start3A_103 = tpu.memref_slice %arg8[%add3A_99, %dma_start3A_102] : memref<158464x8xf32, #tpu.memory_space<vmem_shared>> -> memref<1238x8xf32, #tpu.memory_space<vmem_shared>>
        tpu.enqueue_dma source(%arg9 : memref<1238x8xf32, #tpu.memory_space<vmem>>) target(%dma_start3A_103 : memref<1238x8xf32, #tpu.memory_space<vmem_shared>>) target_semaphore(%arg18 : memref<!tpu.dma_semaphore, #tpu.memory_space<semaphore_mem>>)
        %add3A_104 = arith.constant 7428 : i32
        %add3A_105 = arith.addi %mul3A_2, %add3A_104 : i32
        %dma_start3A_106 = arith.constant 0 : i32
        %dma_start3A_107 = tpu.memref_slice %arg8[%add3A_105, %dma_start3A_106] : memref<158464x8xf32, #tpu.memory_space<vmem_shared>> -> memref<1238x8xf32, #tpu.memory_space<vmem_shared>>
        %dma_start3A_108 = arith.constant 0 : i32
        %dma_start3A_109 = tpu.memref_slice %arg8[%add3A_105, %dma_start3A_108] : memref<158464x8xf32, #tpu.memory_space<vmem_shared>> -> memref<1238x8xf32, #tpu.memory_space<vmem_shared>>
        tpu.enqueue_dma source(%arg9 : memref<1238x8xf32, #tpu.memory_space<vmem>>) target(%dma_start3A_109 : memref<1238x8xf32, #tpu.memory_space<vmem_shared>>) target_semaphore(%arg18 : memref<!tpu.dma_semaphore, #tpu.memory_space<semaphore_mem>>)
        %add3A_110 = arith.constant 8666 : i32
        %add3A_111 = arith.addi %mul3A_2, %add3A_110 : i32
        %dma_start3A_112 = arith.constant 0 : i32
        %dma_start3A_113 = tpu.memref_slice %arg8[%add3A_111, %dma_start3A_112] : memref<158464x8xf32, #tpu.memory_space<vmem_shared>> -> memref<1238x8xf32, #tpu.memory_space<vmem_shared>>
        %dma_start3A_114 = arith.constant 0 : i32
        %dma_start3A_115 = tpu.memref_slice %arg8[%add3A_111, %dma_start3A_114] : memref<158464x8xf32, #tpu.memory_space<vmem_shared>> -> memref<1238x8xf32, #tpu.memory_space<vmem_shared>>
        tpu.enqueue_dma source(%arg9 : memref<1238x8xf32, #tpu.memory_space<vmem>>) target(%dma_start3A_115 : memref<1238x8xf32, #tpu.memory_space<vmem_shared>>) target_semaphore(%arg18 : memref<!tpu.dma_semaphore, #tpu.memory_space<semaphore_mem>>)
        %add3A_116 = arith.constant 0 : i32
        %add3A_117 = arith.addi %mul3A_2, %add3A_116 : i32
        %dma_wait3A = arith.constant 0 : i32
        %dma_wait3A_118 = tpu.memref_slice %arg8[%add3A_117, %dma_wait3A] : memref<158464x8xf32, #tpu.memory_space<vmem_shared>> -> memref<1238x8xf32, #tpu.memory_space<vmem_shared>>
        %dma_wait3A_119 = arith.constant 0 : i32
        %dma_wait3A_120 = tpu.memref_slice %arg8[%add3A_117, %dma_wait3A_119] : memref<158464x8xf32, #tpu.memory_space<vmem_shared>> -> memref<1238x8xf32, #tpu.memory_space<vmem_shared>>
        tpu.wait_dma2 semaphore(%arg18 : memref<!tpu.dma_semaphore, #tpu.memory_space<semaphore_mem>>) src(%arg9 : memref<1238x8xf32, #tpu.memory_space<vmem>>) dst(%dma_wait3A_120 : memref<1238x8xf32, #tpu.memory_space<vmem_shared>>)
        %add3A_121 = arith.constant 1238 : i32
        %add3A_122 = arith.addi %mul3A_2, %add3A_121 : i32
        %dma_wait3A_123 = arith.constant 0 : i32
        %dma_wait3A_124 = tpu.memref_slice %arg8[%add3A_122, %dma_wait3A_123] : memref<158464x8xf32, #tpu.memory_space<vmem_shared>> -> memref<1238x8xf32, #tpu.memory_space<vmem_shared>>
        %dma_wait3A_125 = arith.constant 0 : i32
        %dma_wait3A_126 = tpu.memref_slice %arg8[%add3A_122, %dma_wait3A_125] : memref<158464x8xf32, #tpu.memory_space<vmem_shared>> -> memref<1238x8xf32, #tpu.memory_space<vmem_shared>>
        tpu.wait_dma2 semaphore(%arg18 : memref<!tpu.dma_semaphore, #tpu.memory_space<semaphore_mem>>) src(%arg9 : memref<1238x8xf32, #tpu.memory_space<vmem>>) dst(%dma_wait3A_126 : memref<1238x8xf32, #tpu.memory_space<vmem_shared>>)
        %add3A_127 = arith.constant 2476 : i32
        %add3A_128 = arith.addi %mul3A_2, %add3A_127 : i32
        %dma_wait3A_129 = arith.constant 0 : i32
        %dma_wait3A_130 = tpu.memref_slice %arg8[%add3A_128, %dma_wait3A_129] : memref<158464x8xf32, #tpu.memory_space<vmem_shared>> -> memref<1238x8xf32, #tpu.memory_space<vmem_shared>>
        %dma_wait3A_131 = arith.constant 0 : i32
        %dma_wait3A_132 = tpu.memref_slice %arg8[%add3A_128, %dma_wait3A_131] : memref<158464x8xf32, #tpu.memory_space<vmem_shared>> -> memref<1238x8xf32, #tpu.memory_space<vmem_shared>>
        tpu.wait_dma2 semaphore(%arg18 : memref<!tpu.dma_semaphore, #tpu.memory_space<semaphore_mem>>) src(%arg9 : memref<1238x8xf32, #tpu.memory_space<vmem>>) dst(%dma_wait3A_132 : memref<1238x8xf32, #tpu.memory_space<vmem_shared>>)
        %add3A_133 = arith.constant 3714 : i32
        %add3A_134 = arith.addi %mul3A_2, %add3A_133 : i32
        %dma_wait3A_135 = arith.constant 0 : i32
        %dma_wait3A_136 = tpu.memref_slice %arg8[%add3A_134, %dma_wait3A_135] : memref<158464x8xf32, #tpu.memory_space<vmem_shared>> -> memref<1238x8xf32, #tpu.memory_space<vmem_shared>>
        %dma_wait3A_137 = arith.constant 0 : i32
        %dma_wait3A_138 = tpu.memref_slice %arg8[%add3A_134, %dma_wait3A_137] : memref<158464x8xf32, #tpu.memory_space<vmem_shared>> -> memref<1238x8xf32, #tpu.memory_space<vmem_shared>>
        tpu.wait_dma2 semaphore(%arg18 : memref<!tpu.dma_semaphore, #tpu.memory_space<semaphore_mem>>) src(%arg9 : memref<1238x8xf32, #tpu.memory_space<vmem>>) dst(%dma_wait3A_138 : memref<1238x8xf32, #tpu.memory_space<vmem_shared>>)
        %add3A_139 = arith.constant 4952 : i32
        %add3A_140 = arith.addi %mul3A_2, %add3A_139 : i32
        %dma_wait3A_141 = arith.constant 0 : i32
        %dma_wait3A_142 = tpu.memref_slice %arg8[%add3A_140, %dma_wait3A_141] : memref<158464x8xf32, #tpu.memory_space<vmem_shared>> -> memref<1238x8xf32, #tpu.memory_space<vmem_shared>>
        %dma_wait3A_143 = arith.constant 0 : i32
        %dma_wait3A_144 = tpu.memref_slice %arg8[%add3A_140, %dma_wait3A_143] : memref<158464x8xf32, #tpu.memory_space<vmem_shared>> -> memref<1238x8xf32, #tpu.memory_space<vmem_shared>>
        tpu.wait_dma2 semaphore(%arg18 : memref<!tpu.dma_semaphore, #tpu.memory_space<semaphore_mem>>) src(%arg9 : memref<1238x8xf32, #tpu.memory_space<vmem>>) dst(%dma_wait3A_144 : memref<1238x8xf32, #tpu.memory_space<vmem_shared>>)
        %add3A_145 = arith.constant 6190 : i32
        %add3A_146 = arith.addi %mul3A_2, %add3A_145 : i32
        %dma_wait3A_147 = arith.constant 0 : i32
        %dma_wait3A_148 = tpu.memref_slice %arg8[%add3A_146, %dma_wait3A_147] : memref<158464x8xf32, #tpu.memory_space<vmem_shared>> -> memref<1238x8xf32, #tpu.memory_space<vmem_shared>>
        %dma_wait3A_149 = arith.constant 0 : i32
        %dma_wait3A_150 = tpu.memref_slice %arg8[%add3A_146, %dma_wait3A_149] : memref<158464x8xf32, #tpu.memory_space<vmem_shared>> -> memref<1238x8xf32, #tpu.memory_space<vmem_shared>>
        tpu.wait_dma2 semaphore(%arg18 : memref<!tpu.dma_semaphore, #tpu.memory_space<semaphore_mem>>) src(%arg9 : memref<1238x8xf32, #tpu.memory_space<vmem>>) dst(%dma_wait3A_150 : memref<1238x8xf32, #tpu.memory_space<vmem_shared>>)
        %add3A_151 = arith.constant 7428 : i32
        %add3A_152 = arith.addi %mul3A_2, %add3A_151 : i32
        %dma_wait3A_153 = arith.constant 0 : i32
        %dma_wait3A_154 = tpu.memref_slice %arg8[%add3A_152, %dma_wait3A_153] : memref<158464x8xf32, #tpu.memory_space<vmem_shared>> -> memref<1238x8xf32, #tpu.memory_space<vmem_shared>>
        %dma_wait3A_155 = arith.constant 0 : i32
        %dma_wait3A_156 = tpu.memref_slice %arg8[%add3A_152, %dma_wait3A_155] : memref<158464x8xf32, #tpu.memory_space<vmem_shared>> -> memref<1238x8xf32, #tpu.memory_space<vmem_shared>>
        tpu.wait_dma2 semaphore(%arg18 : memref<!tpu.dma_semaphore, #tpu.memory_space<semaphore_mem>>) src(%arg9 : memref<1238x8xf32, #tpu.memory_space<vmem>>) dst(%dma_wait3A_156 : memref<1238x8xf32, #tpu.memory_space<vmem_shared>>)
        %add3A_157 = arith.constant 8666 : i32
        %add3A_158 = arith.addi %mul3A_2, %add3A_157 : i32
        %dma_wait3A_159 = arith.constant 0 : i32
        %dma_wait3A_160 = tpu.memref_slice %arg8[%add3A_158, %dma_wait3A_159] : memref<158464x8xf32, #tpu.memory_space<vmem_shared>> -> memref<1238x8xf32, #tpu.memory_space<vmem_shared>>
        %dma_wait3A_161 = arith.constant 0 : i32
        %dma_wait3A_162 = tpu.memref_slice %arg8[%add3A_158, %dma_wait3A_161] : memref<158464x8xf32, #tpu.memory_space<vmem_shared>> -> memref<1238x8xf32, #tpu.memory_space<vmem_shared>>
        tpu.wait_dma2 semaphore(%arg18 : memref<!tpu.dma_semaphore, #tpu.memory_space<semaphore_mem>>) src(%arg9 : memref<1238x8xf32, #tpu.memory_space<vmem>>) dst(%dma_wait3A_162 : memref<1238x8xf32, #tpu.memory_space<vmem_shared>>)
      } else {
      }
      %barrier3A = arith.constant 0 : index
      tpu.barrier barrier_id(%barrier3A)
      %not3A = arith.constant true
      %not3A_50 = arith.xori %eq3A_14, %not3A : i1
      %and3A_51 = arith.andi %lt3A_13, %not3A_50 : i1
      %convert_element_type3A_52 = arith.extui %and3A_51 : i1 to i32
      %cond3A_53 = arith.constant 0 : i32
      %cond3A_54 = arith.cmpi ne, %convert_element_type3A_52, %cond3A_53 : i32
      scf.if %cond3A_54 {
        %add3A_69 = arith.constant 0 : i32
        %add3A_70 = arith.addi %mul3A_4, %add3A_69 : i32
        %dma_start3A = tpu.memref_slice %arg2[%select_n3A, %add3A_70, %mul3A_48] : memref<2x100352x128xf32, #tpu.memory_space<hbm>> -> memref<1x896x8xf32, #tpu.memory_space<hbm>>
        %dma_start3A_71 = tpu.memref_squeeze %dma_start3A : memref<1x896x8xf32, #tpu.memory_space<hbm>> -> memref<896x8xf32, #tpu.memory_space<hbm>>
        %dma_start3A_72 = tpu.memref_slice %arg2[%select_n3A, %add3A_70, %mul3A_48] : memref<2x100352x128xf32, #tpu.memory_space<hbm>> -> memref<1x896x8xf32, #tpu.memory_space<hbm>>
        %dma_start3A_73 = tpu.memref_squeeze %dma_start3A_72 : memref<1x896x8xf32, #tpu.memory_space<hbm>> -> memref<896x8xf32, #tpu.memory_space<hbm>>
        tpu.enqueue_dma source(%dma_start3A_73 : memref<896x8xf32, #tpu.memory_space<hbm>>) target(%arg11 : memref<896x8xf32, #tpu.memory_space<vmem>>) target_semaphore(%arg16 : memref<!tpu.dma_semaphore, #tpu.memory_space<semaphore_mem>>)
        %scan3A_74 = arith.constant 0 : i32
        %scan3A_75 = arith.constant 0 : i32
        %scan3A_76 = arith.constant 3 : i32
        %scan3A_77 = arith.addi %scan3A_75, %scan3A_76 : i32
        %scan3A_78 = arith.constant 1 : i32
        scf.for %scan3A_225 = %scan3A_75 to %scan3A_77 step %scan3A_78  : i32 {
          %mul3A_226 = arith.constant 2 : i32
          %mul3A_227 = arith.muli %scan3A_225, %mul3A_226 : i32
          %add3A_228 = arith.constant 1 : i32
          %add3A_229 = arith.addi %mul3A_227, %add3A_228 : i32
          %mul3A_230 = arith.constant 896 : i32
          %mul3A_231 = arith.muli %add3A_229, %mul3A_230 : i32
          %add3A_232 = arith.addi %mul3A_4, %mul3A_231 : i32
          %dma_start3A_233 = tpu.memref_slice %arg2[%select_n3A, %add3A_232, %mul3A_48] : memref<2x100352x128xf32, #tpu.memory_space<hbm>> -> memref<1x896x8xf32, #tpu.memory_space<hbm>>
          %dma_start3A_234 = tpu.memref_squeeze %dma_start3A_233 : memref<1x896x8xf32, #tpu.memory_space<hbm>> -> memref<896x8xf32, #tpu.memory_space<hbm>>
          %dma_start3A_235 = tpu.memref_slice %arg2[%select_n3A, %add3A_232, %mul3A_48] : memref<2x100352x128xf32, #tpu.memory_space<hbm>> -> memref<1x896x8xf32, #tpu.memory_space<hbm>>
          %dma_start3A_236 = tpu.memref_squeeze %dma_start3A_235 : memref<1x896x8xf32, #tpu.memory_space<hbm>> -> memref<896x8xf32, #tpu.memory_space<hbm>>
          tpu.enqueue_dma source(%dma_start3A_236 : memref<896x8xf32, #tpu.memory_space<hbm>>) target(%arg12 : memref<896x8xf32, #tpu.memory_space<vmem>>) target_semaphore(%arg17 : memref<!tpu.dma_semaphore, #tpu.memory_space<semaphore_mem>>)
          %mul3A_237 = arith.constant 896 : i32
          %mul3A_238 = arith.muli %mul3A_227, %mul3A_237 : i32
          %add3A_239 = arith.addi %mul3A_4, %mul3A_238 : i32
          %dma_wait3A_240 = tpu.memref_slice %arg2[%select_n3A, %add3A_239, %mul3A_48] : memref<2x100352x128xf32, #tpu.memory_space<hbm>> -> memref<1x896x8xf32, #tpu.memory_space<hbm>>
          %dma_wait3A_241 = tpu.memref_squeeze %dma_wait3A_240 : memref<1x896x8xf32, #tpu.memory_space<hbm>> -> memref<896x8xf32, #tpu.memory_space<hbm>>
          %dma_wait3A_242 = tpu.memref_slice %arg2[%select_n3A, %add3A_239, %mul3A_48] : memref<2x100352x128xf32, #tpu.memory_space<hbm>> -> memref<1x896x8xf32, #tpu.memory_space<hbm>>
          %dma_wait3A_243 = tpu.memref_squeeze %dma_wait3A_242 : memref<1x896x8xf32, #tpu.memory_space<hbm>> -> memref<896x8xf32, #tpu.memory_space<hbm>>
          tpu.wait_dma2 semaphore(%arg16 : memref<!tpu.dma_semaphore, #tpu.memory_space<semaphore_mem>>) src(%dma_wait3A_243 : memref<896x8xf32, #tpu.memory_space<hbm>>) dst(%arg11 : memref<896x8xf32, #tpu.memory_space<vmem>>)
          %mul3A_244 = arith.constant 7 : i32
          %mul3A_245 = arith.muli %mul3A_227, %mul3A_244 : i32
          %add3A_246 = arith.constant 0 : i32
          %add3A_247 = arith.addi %mul3A_245, %add3A_246 : i32
          %dma_start3A_248 = arith.constant 0 : i32
          %dma_start3A_249 = arith.constant 0 : i32
          %dma_start3A_250 = tpu.memref_slice %arg11[%dma_start3A_248, %dma_start3A_249] : memref<896x8xf32, #tpu.memory_space<vmem>> -> memref<128x8xf32, #tpu.memory_space<vmem>>
          %dma_start3A_251 = arith.constant 0 : i32
          %dma_start3A_252 = tpu.memref_slice %arg10[%add3A_247, %dma_start3A_251] : memref<49x128xi32, #tpu.memory_space<vmem>> -> memref<1x128xi32, #tpu.memory_space<vmem>>
          %dma_start3A_253 = tpu.memref_squeeze %dma_start3A_252 : memref<1x128xi32, #tpu.memory_space<vmem>> -> memref<128xi32, #tpu.memory_space<vmem>>
          %dma_start3A_254 = arith.constant 0 : i32
          %dma_start3A_255 = arith.constant 0 : i32
          %dma_start3A_256 = tpu.memref_slice %arg8[%dma_start3A_254, %dma_start3A_255] : memref<158464x8xf32, #tpu.memory_space<vmem_shared>> -> memref<158464x8xf32, #tpu.memory_space<vmem_shared>>
          tpu.enqueue_indirect_dma source(%dma_start3A_250 : memref<128x8xf32, #tpu.memory_space<vmem>>) target(%dma_start3A_256 : memref<158464x8xf32, #tpu.memory_space<vmem_shared>>) offsets(%dma_start3A_253 : memref<128xi32, #tpu.memory_space<vmem>>) semaphore(%arg18 : memref<!tpu.dma_semaphore, #tpu.memory_space<semaphore_mem>>) {add = true}
          %mul3A_257 = arith.constant 7 : i32
          %mul3A_258 = arith.muli %mul3A_227, %mul3A_257 : i32
          %add3A_259 = arith.constant 1 : i32
          %add3A_260 = arith.addi %mul3A_258, %add3A_259 : i32
          %dma_start3A_261 = arith.constant 128 : i32
          %dma_start3A_262 = arith.constant 0 : i32
          %dma_start3A_263 = tpu.memref_slice %arg11[%dma_start3A_261, %dma_start3A_262] : memref<896x8xf32, #tpu.memory_space<vmem>> -> memref<128x8xf32, #tpu.memory_space<vmem>>
          %dma_start3A_264 = arith.constant 0 : i32
          %dma_start3A_265 = tpu.memref_slice %arg10[%add3A_260, %dma_start3A_264] : memref<49x128xi32, #tpu.memory_space<vmem>> -> memref<1x128xi32, #tpu.memory_space<vmem>>
          %dma_start3A_266 = tpu.memref_squeeze %dma_start3A_265 : memref<1x128xi32, #tpu.memory_space<vmem>> -> memref<128xi32, #tpu.memory_space<vmem>>
          %dma_start3A_267 = arith.constant 0 : i32
          %dma_start3A_268 = arith.constant 0 : i32
          %dma_start3A_269 = tpu.memref_slice %arg8[%dma_start3A_267, %dma_start3A_268] : memref<158464x8xf32, #tpu.memory_space<vmem_shared>> -> memref<158464x8xf32, #tpu.memory_space<vmem_shared>>
          tpu.enqueue_indirect_dma source(%dma_start3A_263 : memref<128x8xf32, #tpu.memory_space<vmem>>) target(%dma_start3A_269 : memref<158464x8xf32, #tpu.memory_space<vmem_shared>>) offsets(%dma_start3A_266 : memref<128xi32, #tpu.memory_space<vmem>>) semaphore(%arg18 : memref<!tpu.dma_semaphore, #tpu.memory_space<semaphore_mem>>) {add = true}
          %mul3A_270 = arith.constant 7 : i32
          %mul3A_271 = arith.muli %mul3A_227, %mul3A_270 : i32
          %add3A_272 = arith.constant 2 : i32
          %add3A_273 = arith.addi %mul3A_271, %add3A_272 : i32
          %dma_start3A_274 = arith.constant 256 : i32
          %dma_start3A_275 = arith.constant 0 : i32
          %dma_start3A_276 = tpu.memref_slice %arg11[%dma_start3A_274, %dma_start3A_275] : memref<896x8xf32, #tpu.memory_space<vmem>> -> memref<128x8xf32, #tpu.memory_space<vmem>>
          %dma_start3A_277 = arith.constant 0 : i32
          %dma_start3A_278 = tpu.memref_slice %arg10[%add3A_273, %dma_start3A_277] : memref<49x128xi32, #tpu.memory_space<vmem>> -> memref<1x128xi32, #tpu.memory_space<vmem>>
          %dma_start3A_279 = tpu.memref_squeeze %dma_start3A_278 : memref<1x128xi32, #tpu.memory_space<vmem>> -> memref<128xi32, #tpu.memory_space<vmem>>
          %dma_start3A_280 = arith.constant 0 : i32
          %dma_start3A_281 = arith.constant 0 : i32
          %dma_start3A_282 = tpu.memref_slice %arg8[%dma_start3A_280, %dma_start3A_281] : memref<158464x8xf32, #tpu.memory_space<vmem_shared>> -> memref<158464x8xf32, #tpu.memory_space<vmem_shared>>
          tpu.enqueue_indirect_dma source(%dma_start3A_276 : memref<128x8xf32, #tpu.memory_space<vmem>>) target(%dma_start3A_282 : memref<158464x8xf32, #tpu.memory_space<vmem_shared>>) offsets(%dma_start3A_279 : memref<128xi32, #tpu.memory_space<vmem>>) semaphore(%arg18 : memref<!tpu.dma_semaphore, #tpu.memory_space<semaphore_mem>>) {add = true}
          %mul3A_283 = arith.constant 7 : i32
          %mul3A_284 = arith.muli %mul3A_227, %mul3A_283 : i32
          %add3A_285 = arith.constant 3 : i32
          %add3A_286 = arith.addi %mul3A_284, %add3A_285 : i32
          %dma_start3A_287 = arith.constant 384 : i32
          %dma_start3A_288 = arith.constant 0 : i32
          %dma_start3A_289 = tpu.memref_slice %arg11[%dma_start3A_287, %dma_start3A_288] : memref<896x8xf32, #tpu.memory_space<vmem>> -> memref<128x8xf32, #tpu.memory_space<vmem>>
          %dma_start3A_290 = arith.constant 0 : i32
          %dma_start3A_291 = tpu.memref_slice %arg10[%add3A_286, %dma_start3A_290] : memref<49x128xi32, #tpu.memory_space<vmem>> -> memref<1x128xi32, #tpu.memory_space<vmem>>
          %dma_start3A_292 = tpu.memref_squeeze %dma_start3A_291 : memref<1x128xi32, #tpu.memory_space<vmem>> -> memref<128xi32, #tpu.memory_space<vmem>>
          %dma_start3A_293 = arith.constant 0 : i32
          %dma_start3A_294 = arith.constant 0 : i32
          %dma_start3A_295 = tpu.memref_slice %arg8[%dma_start3A_293, %dma_start3A_294] : memref<158464x8xf32, #tpu.memory_space<vmem_shared>> -> memref<158464x8xf32, #tpu.memory_space<vmem_shared>>
          tpu.enqueue_indirect_dma source(%dma_start3A_289 : memref<128x8xf32, #tpu.memory_space<vmem>>) target(%dma_start3A_295 : memref<158464x8xf32, #tpu.memory_space<vmem_shared>>) offsets(%dma_start3A_292 : memref<128xi32, #tpu.memory_space<vmem>>) semaphore(%arg18 : memref<!tpu.dma_semaphore, #tpu.memory_space<semaphore_mem>>) {add = true}
          %mul3A_296 = arith.constant 7 : i32
          %mul3A_297 = arith.muli %mul3A_227, %mul3A_296 : i32
          %add3A_298 = arith.constant 4 : i32
          %add3A_299 = arith.addi %mul3A_297, %add3A_298 : i32
          %dma_start3A_300 = arith.constant 512 : i32
          %dma_start3A_301 = arith.constant 0 : i32
          %dma_start3A_302 = tpu.memref_slice %arg11[%dma_start3A_300, %dma_start3A_301] : memref<896x8xf32, #tpu.memory_space<vmem>> -> memref<128x8xf32, #tpu.memory_space<vmem>>
          %dma_start3A_303 = arith.constant 0 : i32
          %dma_start3A_304 = tpu.memref_slice %arg10[%add3A_299, %dma_start3A_303] : memref<49x128xi32, #tpu.memory_space<vmem>> -> memref<1x128xi32, #tpu.memory_space<vmem>>
          %dma_start3A_305 = tpu.memref_squeeze %dma_start3A_304 : memref<1x128xi32, #tpu.memory_space<vmem>> -> memref<128xi32, #tpu.memory_space<vmem>>
          %dma_start3A_306 = arith.constant 0 : i32
          %dma_start3A_307 = arith.constant 0 : i32
          %dma_start3A_308 = tpu.memref_slice %arg8[%dma_start3A_306, %dma_start3A_307] : memref<158464x8xf32, #tpu.memory_space<vmem_shared>> -> memref<158464x8xf32, #tpu.memory_space<vmem_shared>>
          tpu.enqueue_indirect_dma source(%dma_start3A_302 : memref<128x8xf32, #tpu.memory_space<vmem>>) target(%dma_start3A_308 : memref<158464x8xf32, #tpu.memory_space<vmem_shared>>) offsets(%dma_start3A_305 : memref<128xi32, #tpu.memory_space<vmem>>) semaphore(%arg18 : memref<!tpu.dma_semaphore, #tpu.memory_space<semaphore_mem>>) {add = true}
          %mul3A_309 = arith.constant 7 : i32
          %mul3A_310 = arith.muli %mul3A_227, %mul3A_309 : i32
          %add3A_311 = arith.constant 5 : i32
          %add3A_312 = arith.addi %mul3A_310, %add3A_311 : i32
          %dma_start3A_313 = arith.constant 640 : i32
          %dma_start3A_314 = arith.constant 0 : i32
          %dma_start3A_315 = tpu.memref_slice %arg11[%dma_start3A_313, %dma_start3A_314] : memref<896x8xf32, #tpu.memory_space<vmem>> -> memref<128x8xf32, #tpu.memory_space<vmem>>
          %dma_start3A_316 = arith.constant 0 : i32
          %dma_start3A_317 = tpu.memref_slice %arg10[%add3A_312, %dma_start3A_316] : memref<49x128xi32, #tpu.memory_space<vmem>> -> memref<1x128xi32, #tpu.memory_space<vmem>>
          %dma_start3A_318 = tpu.memref_squeeze %dma_start3A_317 : memref<1x128xi32, #tpu.memory_space<vmem>> -> memref<128xi32, #tpu.memory_space<vmem>>
          %dma_start3A_319 = arith.constant 0 : i32
          %dma_start3A_320 = arith.constant 0 : i32
          %dma_start3A_321 = tpu.memref_slice %arg8[%dma_start3A_319, %dma_start3A_320] : memref<158464x8xf32, #tpu.memory_space<vmem_shared>> -> memref<158464x8xf32, #tpu.memory_space<vmem_shared>>
          tpu.enqueue_indirect_dma source(%dma_start3A_315 : memref<128x8xf32, #tpu.memory_space<vmem>>) target(%dma_start3A_321 : memref<158464x8xf32, #tpu.memory_space<vmem_shared>>) offsets(%dma_start3A_318 : memref<128xi32, #tpu.memory_space<vmem>>) semaphore(%arg18 : memref<!tpu.dma_semaphore, #tpu.memory_space<semaphore_mem>>) {add = true}
          %mul3A_322 = arith.constant 7 : i32
          %mul3A_323 = arith.muli %mul3A_227, %mul3A_322 : i32
          %add3A_324 = arith.constant 6 : i32
          %add3A_325 = arith.addi %mul3A_323, %add3A_324 : i32
          %dma_start3A_326 = arith.constant 768 : i32
          %dma_start3A_327 = arith.constant 0 : i32
          %dma_start3A_328 = tpu.memref_slice %arg11[%dma_start3A_326, %dma_start3A_327] : memref<896x8xf32, #tpu.memory_space<vmem>> -> memref<128x8xf32, #tpu.memory_space<vmem>>
          %dma_start3A_329 = arith.constant 0 : i32
          %dma_start3A_330 = tpu.memref_slice %arg10[%add3A_325, %dma_start3A_329] : memref<49x128xi32, #tpu.memory_space<vmem>> -> memref<1x128xi32, #tpu.memory_space<vmem>>
          %dma_start3A_331 = tpu.memref_squeeze %dma_start3A_330 : memref<1x128xi32, #tpu.memory_space<vmem>> -> memref<128xi32, #tpu.memory_space<vmem>>
          %dma_start3A_332 = arith.constant 0 : i32
          %dma_start3A_333 = arith.constant 0 : i32
          %dma_start3A_334 = tpu.memref_slice %arg8[%dma_start3A_332, %dma_start3A_333] : memref<158464x8xf32, #tpu.memory_space<vmem_shared>> -> memref<158464x8xf32, #tpu.memory_space<vmem_shared>>
          tpu.enqueue_indirect_dma source(%dma_start3A_328 : memref<128x8xf32, #tpu.memory_space<vmem>>) target(%dma_start3A_334 : memref<158464x8xf32, #tpu.memory_space<vmem_shared>>) offsets(%dma_start3A_331 : memref<128xi32, #tpu.memory_space<vmem>>) semaphore(%arg18 : memref<!tpu.dma_semaphore, #tpu.memory_space<semaphore_mem>>) {add = true}
          %mul3A_335 = arith.constant 7 : i32
          %mul3A_336 = arith.muli %mul3A_227, %mul3A_335 : i32
          %add3A_337 = arith.constant 0 : i32
          %add3A_338 = arith.addi %mul3A_336, %add3A_337 : i32
          %dma_wait3A_339 = arith.constant 0 : i32
          %dma_wait3A_340 = arith.constant 0 : i32
          %dma_wait3A_341 = tpu.memref_slice %arg11[%dma_wait3A_339, %dma_wait3A_340] : memref<896x8xf32, #tpu.memory_space<vmem>> -> memref<128x8xf32, #tpu.memory_space<vmem>>
          %dma_wait3A_342 = arith.constant 0 : i32
          %dma_wait3A_343 = tpu.memref_slice %arg10[%add3A_338, %dma_wait3A_342] : memref<49x128xi32, #tpu.memory_space<vmem>> -> memref<1x128xi32, #tpu.memory_space<vmem>>
          %dma_wait3A_344 = tpu.memref_squeeze %dma_wait3A_343 : memref<1x128xi32, #tpu.memory_space<vmem>> -> memref<128xi32, #tpu.memory_space<vmem>>
          %dma_wait3A_345 = arith.constant 0 : i32
          %dma_wait3A_346 = arith.constant 0 : i32
          %dma_wait3A_347 = tpu.memref_slice %arg8[%dma_wait3A_345, %dma_wait3A_346] : memref<158464x8xf32, #tpu.memory_space<vmem_shared>> -> memref<158464x8xf32, #tpu.memory_space<vmem_shared>>
          tpu.wait_indirect_dma semaphore(%arg18 : memref<!tpu.dma_semaphore, #tpu.memory_space<semaphore_mem>>) src(%dma_wait3A_341 : memref<128x8xf32, #tpu.memory_space<vmem>>) dst(%dma_wait3A_347 : memref<158464x8xf32, #tpu.memory_space<vmem_shared>>)
          %mul3A_348 = arith.constant 7 : i32
          %mul3A_349 = arith.muli %mul3A_227, %mul3A_348 : i32
          %add3A_350 = arith.constant 1 : i32
          %add3A_351 = arith.addi %mul3A_349, %add3A_350 : i32
          %dma_wait3A_352 = arith.constant 128 : i32
          %dma_wait3A_353 = arith.constant 0 : i32
          %dma_wait3A_354 = tpu.memref_slice %arg11[%dma_wait3A_352, %dma_wait3A_353] : memref<896x8xf32, #tpu.memory_space<vmem>> -> memref<128x8xf32, #tpu.memory_space<vmem>>
          %dma_wait3A_355 = arith.constant 0 : i32
          %dma_wait3A_356 = tpu.memref_slice %arg10[%add3A_351, %dma_wait3A_355] : memref<49x128xi32, #tpu.memory_space<vmem>> -> memref<1x128xi32, #tpu.memory_space<vmem>>
          %dma_wait3A_357 = tpu.memref_squeeze %dma_wait3A_356 : memref<1x128xi32, #tpu.memory_space<vmem>> -> memref<128xi32, #tpu.memory_space<vmem>>
          %dma_wait3A_358 = arith.constant 0 : i32
          %dma_wait3A_359 = arith.constant 0 : i32
          %dma_wait3A_360 = tpu.memref_slice %arg8[%dma_wait3A_358, %dma_wait3A_359] : memref<158464x8xf32, #tpu.memory_space<vmem_shared>> -> memref<158464x8xf32, #tpu.memory_space<vmem_shared>>
          tpu.wait_indirect_dma semaphore(%arg18 : memref<!tpu.dma_semaphore, #tpu.memory_space<semaphore_mem>>) src(%dma_wait3A_354 : memref<128x8xf32, #tpu.memory_space<vmem>>) dst(%dma_wait3A_360 : memref<158464x8xf32, #tpu.memory_space<vmem_shared>>)
          %mul3A_361 = arith.constant 7 : i32
          %mul3A_362 = arith.muli %mul3A_227, %mul3A_361 : i32
          %add3A_363 = arith.constant 2 : i32
          %add3A_364 = arith.addi %mul3A_362, %add3A_363 : i32
          %dma_wait3A_365 = arith.constant 256 : i32
          %dma_wait3A_366 = arith.constant 0 : i32
          %dma_wait3A_367 = tpu.memref_slice %arg11[%dma_wait3A_365, %dma_wait3A_366] : memref<896x8xf32, #tpu.memory_space<vmem>> -> memref<128x8xf32, #tpu.memory_space<vmem>>
          %dma_wait3A_368 = arith.constant 0 : i32
          %dma_wait3A_369 = tpu.memref_slice %arg10[%add3A_364, %dma_wait3A_368] : memref<49x128xi32, #tpu.memory_space<vmem>> -> memref<1x128xi32, #tpu.memory_space<vmem>>
          %dma_wait3A_370 = tpu.memref_squeeze %dma_wait3A_369 : memref<1x128xi32, #tpu.memory_space<vmem>> -> memref<128xi32, #tpu.memory_space<vmem>>
          %dma_wait3A_371 = arith.constant 0 : i32
          %dma_wait3A_372 = arith.constant 0 : i32
          %dma_wait3A_373 = tpu.memref_slice %arg8[%dma_wait3A_371, %dma_wait3A_372] : memref<158464x8xf32, #tpu.memory_space<vmem_shared>> -> memref<158464x8xf32, #tpu.memory_space<vmem_shared>>
          tpu.wait_indirect_dma semaphore(%arg18 : memref<!tpu.dma_semaphore, #tpu.memory_space<semaphore_mem>>) src(%dma_wait3A_367 : memref<128x8xf32, #tpu.memory_space<vmem>>) dst(%dma_wait3A_373 : memref<158464x8xf32, #tpu.memory_space<vmem_shared>>)
          %mul3A_374 = arith.constant 7 : i32
          %mul3A_375 = arith.muli %mul3A_227, %mul3A_374 : i32
          %add3A_376 = arith.constant 3 : i32
          %add3A_377 = arith.addi %mul3A_375, %add3A_376 : i32
          %dma_wait3A_378 = arith.constant 384 : i32
          %dma_wait3A_379 = arith.constant 0 : i32
          %dma_wait3A_380 = tpu.memref_slice %arg11[%dma_wait3A_378, %dma_wait3A_379] : memref<896x8xf32, #tpu.memory_space<vmem>> -> memref<128x8xf32, #tpu.memory_space<vmem>>
          %dma_wait3A_381 = arith.constant 0 : i32
          %dma_wait3A_382 = tpu.memref_slice %arg10[%add3A_377, %dma_wait3A_381] : memref<49x128xi32, #tpu.memory_space<vmem>> -> memref<1x128xi32, #tpu.memory_space<vmem>>
          %dma_wait3A_383 = tpu.memref_squeeze %dma_wait3A_382 : memref<1x128xi32, #tpu.memory_space<vmem>> -> memref<128xi32, #tpu.memory_space<vmem>>
          %dma_wait3A_384 = arith.constant 0 : i32
          %dma_wait3A_385 = arith.constant 0 : i32
          %dma_wait3A_386 = tpu.memref_slice %arg8[%dma_wait3A_384, %dma_wait3A_385] : memref<158464x8xf32, #tpu.memory_space<vmem_shared>> -> memref<158464x8xf32, #tpu.memory_space<vmem_shared>>
          tpu.wait_indirect_dma semaphore(%arg18 : memref<!tpu.dma_semaphore, #tpu.memory_space<semaphore_mem>>) src(%dma_wait3A_380 : memref<128x8xf32, #tpu.memory_space<vmem>>) dst(%dma_wait3A_386 : memref<158464x8xf32, #tpu.memory_space<vmem_shared>>)
          %mul3A_387 = arith.constant 7 : i32
          %mul3A_388 = arith.muli %mul3A_227, %mul3A_387 : i32
          %add3A_389 = arith.constant 4 : i32
          %add3A_390 = arith.addi %mul3A_388, %add3A_389 : i32
          %dma_wait3A_391 = arith.constant 512 : i32
          %dma_wait3A_392 = arith.constant 0 : i32
          %dma_wait3A_393 = tpu.memref_slice %arg11[%dma_wait3A_391, %dma_wait3A_392] : memref<896x8xf32, #tpu.memory_space<vmem>> -> memref<128x8xf32, #tpu.memory_space<vmem>>
          %dma_wait3A_394 = arith.constant 0 : i32
          %dma_wait3A_395 = tpu.memref_slice %arg10[%add3A_390, %dma_wait3A_394] : memref<49x128xi32, #tpu.memory_space<vmem>> -> memref<1x128xi32, #tpu.memory_space<vmem>>
          %dma_wait3A_396 = tpu.memref_squeeze %dma_wait3A_395 : memref<1x128xi32, #tpu.memory_space<vmem>> -> memref<128xi32, #tpu.memory_space<vmem>>
          %dma_wait3A_397 = arith.constant 0 : i32
          %dma_wait3A_398 = arith.constant 0 : i32
          %dma_wait3A_399 = tpu.memref_slice %arg8[%dma_wait3A_397, %dma_wait3A_398] : memref<158464x8xf32, #tpu.memory_space<vmem_shared>> -> memref<158464x8xf32, #tpu.memory_space<vmem_shared>>
          tpu.wait_indirect_dma semaphore(%arg18 : memref<!tpu.dma_semaphore, #tpu.memory_space<semaphore_mem>>) src(%dma_wait3A_393 : memref<128x8xf32, #tpu.memory_space<vmem>>) dst(%dma_wait3A_399 : memref<158464x8xf32, #tpu.memory_space<vmem_shared>>)
          %mul3A_400 = arith.constant 7 : i32
          %mul3A_401 = arith.muli %mul3A_227, %mul3A_400 : i32
          %add3A_402 = arith.constant 5 : i32
          %add3A_403 = arith.addi %mul3A_401, %add3A_402 : i32
          %dma_wait3A_404 = arith.constant 640 : i32
          %dma_wait3A_405 = arith.constant 0 : i32
          %dma_wait3A_406 = tpu.memref_slice %arg11[%dma_wait3A_404, %dma_wait3A_405] : memref<896x8xf32, #tpu.memory_space<vmem>> -> memref<128x8xf32, #tpu.memory_space<vmem>>
          %dma_wait3A_407 = arith.constant 0 : i32
          %dma_wait3A_408 = tpu.memref_slice %arg10[%add3A_403, %dma_wait3A_407] : memref<49x128xi32, #tpu.memory_space<vmem>> -> memref<1x128xi32, #tpu.memory_space<vmem>>
          %dma_wait3A_409 = tpu.memref_squeeze %dma_wait3A_408 : memref<1x128xi32, #tpu.memory_space<vmem>> -> memref<128xi32, #tpu.memory_space<vmem>>
          %dma_wait3A_410 = arith.constant 0 : i32
          %dma_wait3A_411 = arith.constant 0 : i32
          %dma_wait3A_412 = tpu.memref_slice %arg8[%dma_wait3A_410, %dma_wait3A_411] : memref<158464x8xf32, #tpu.memory_space<vmem_shared>> -> memref<158464x8xf32, #tpu.memory_space<vmem_shared>>
          tpu.wait_indirect_dma semaphore(%arg18 : memref<!tpu.dma_semaphore, #tpu.memory_space<semaphore_mem>>) src(%dma_wait3A_406 : memref<128x8xf32, #tpu.memory_space<vmem>>) dst(%dma_wait3A_412 : memref<158464x8xf32, #tpu.memory_space<vmem_shared>>)
          %mul3A_413 = arith.constant 7 : i32
          %mul3A_414 = arith.muli %mul3A_227, %mul3A_413 : i32
          %add3A_415 = arith.constant 6 : i32
          %add3A_416 = arith.addi %mul3A_414, %add3A_415 : i32
          %dma_wait3A_417 = arith.constant 768 : i32
          %dma_wait3A_418 = arith.constant 0 : i32
          %dma_wait3A_419 = tpu.memref_slice %arg11[%dma_wait3A_417, %dma_wait3A_418] : memref<896x8xf32, #tpu.memory_space<vmem>> -> memref<128x8xf32, #tpu.memory_space<vmem>>
          %dma_wait3A_420 = arith.constant 0 : i32
          %dma_wait3A_421 = tpu.memref_slice %arg10[%add3A_416, %dma_wait3A_420] : memref<49x128xi32, #tpu.memory_space<vmem>> -> memref<1x128xi32, #tpu.memory_space<vmem>>
          %dma_wait3A_422 = tpu.memref_squeeze %dma_wait3A_421 : memref<1x128xi32, #tpu.memory_space<vmem>> -> memref<128xi32, #tpu.memory_space<vmem>>
          %dma_wait3A_423 = arith.constant 0 : i32
          %dma_wait3A_424 = arith.constant 0 : i32
          %dma_wait3A_425 = tpu.memref_slice %arg8[%dma_wait3A_423, %dma_wait3A_424] : memref<158464x8xf32, #tpu.memory_space<vmem_shared>> -> memref<158464x8xf32, #tpu.memory_space<vmem_shared>>
          tpu.wait_indirect_dma semaphore(%arg18 : memref<!tpu.dma_semaphore, #tpu.memory_space<semaphore_mem>>) src(%dma_wait3A_419 : memref<128x8xf32, #tpu.memory_space<vmem>>) dst(%dma_wait3A_425 : memref<158464x8xf32, #tpu.memory_space<vmem_shared>>)
          %add3A_426 = arith.constant 2 : i32
          %add3A_427 = arith.addi %mul3A_227, %add3A_426 : i32
          %mul3A_428 = arith.constant 896 : i32
          %mul3A_429 = arith.muli %add3A_427, %mul3A_428 : i32
          %add3A_430 = arith.addi %mul3A_4, %mul3A_429 : i32
          %dma_start3A_431 = tpu.memref_slice %arg2[%select_n3A, %add3A_430, %mul3A_48] : memref<2x100352x128xf32, #tpu.memory_space<hbm>> -> memref<1x896x8xf32, #tpu.memory_space<hbm>>
          %dma_start3A_432 = tpu.memref_squeeze %dma_start3A_431 : memref<1x896x8xf32, #tpu.memory_space<hbm>> -> memref<896x8xf32, #tpu.memory_space<hbm>>
          %dma_start3A_433 = tpu.memref_slice %arg2[%select_n3A, %add3A_430, %mul3A_48] : memref<2x100352x128xf32, #tpu.memory_space<hbm>> -> memref<1x896x8xf32, #tpu.memory_space<hbm>>
          %dma_start3A_434 = tpu.memref_squeeze %dma_start3A_433 : memref<1x896x8xf32, #tpu.memory_space<hbm>> -> memref<896x8xf32, #tpu.memory_space<hbm>>
          tpu.enqueue_dma source(%dma_start3A_434 : memref<896x8xf32, #tpu.memory_space<hbm>>) target(%arg11 : memref<896x8xf32, #tpu.memory_space<vmem>>) target_semaphore(%arg16 : memref<!tpu.dma_semaphore, #tpu.memory_space<semaphore_mem>>)
          %add3A_435 = arith.constant 1 : i32
          %add3A_436 = arith.addi %mul3A_227, %add3A_435 : i32
          %mul3A_437 = arith.constant 896 : i32
          %mul3A_438 = arith.muli %add3A_436, %mul3A_437 : i32
          %add3A_439 = arith.addi %mul3A_4, %mul3A_438 : i32
          %dma_wait3A_440 = tpu.memref_slice %arg2[%select_n3A, %add3A_439, %mul3A_48] : memref<2x100352x128xf32, #tpu.memory_space<hbm>> -> memref<1x896x8xf32, #tpu.memory_space<hbm>>
          %dma_wait3A_441 = tpu.memref_squeeze %dma_wait3A_440 : memref<1x896x8xf32, #tpu.memory_space<hbm>> -> memref<896x8xf32, #tpu.memory_space<hbm>>
          %dma_wait3A_442 = tpu.memref_slice %arg2[%select_n3A, %add3A_439, %mul3A_48] : memref<2x100352x128xf32, #tpu.memory_space<hbm>> -> memref<1x896x8xf32, #tpu.memory_space<hbm>>
          %dma_wait3A_443 = tpu.memref_squeeze %dma_wait3A_442 : memref<1x896x8xf32, #tpu.memory_space<hbm>> -> memref<896x8xf32, #tpu.memory_space<hbm>>
          tpu.wait_dma2 semaphore(%arg17 : memref<!tpu.dma_semaphore, #tpu.memory_space<semaphore_mem>>) src(%dma_wait3A_443 : memref<896x8xf32, #tpu.memory_space<hbm>>) dst(%arg12 : memref<896x8xf32, #tpu.memory_space<vmem>>)
          %add3A_444 = arith.constant 1 : i32
          %add3A_445 = arith.addi %mul3A_227, %add3A_444 : i32
          %mul3A_446 = arith.constant 7 : i32
          %mul3A_447 = arith.muli %add3A_445, %mul3A_446 : i32
          %add3A_448 = arith.constant 0 : i32
          %add3A_449 = arith.addi %mul3A_447, %add3A_448 : i32
          %dma_start3A_450 = arith.constant 0 : i32
          %dma_start3A_451 = arith.constant 0 : i32
          %dma_start3A_452 = tpu.memref_slice %arg12[%dma_start3A_450, %dma_start3A_451] : memref<896x8xf32, #tpu.memory_space<vmem>> -> memref<128x8xf32, #tpu.memory_space<vmem>>
          %dma_start3A_453 = arith.constant 0 : i32
          %dma_start3A_454 = tpu.memref_slice %arg10[%add3A_449, %dma_start3A_453] : memref<49x128xi32, #tpu.memory_space<vmem>> -> memref<1x128xi32, #tpu.memory_space<vmem>>
          %dma_start3A_455 = tpu.memref_squeeze %dma_start3A_454 : memref<1x128xi32, #tpu.memory_space<vmem>> -> memref<128xi32, #tpu.memory_space<vmem>>
          %dma_start3A_456 = arith.constant 0 : i32
          %dma_start3A_457 = arith.constant 0 : i32
          %dma_start3A_458 = tpu.memref_slice %arg8[%dma_start3A_456, %dma_start3A_457] : memref<158464x8xf32, #tpu.memory_space<vmem_shared>> -> memref<158464x8xf32, #tpu.memory_space<vmem_shared>>
          tpu.enqueue_indirect_dma source(%dma_start3A_452 : memref<128x8xf32, #tpu.memory_space<vmem>>) target(%dma_start3A_458 : memref<158464x8xf32, #tpu.memory_space<vmem_shared>>) offsets(%dma_start3A_455 : memref<128xi32, #tpu.memory_space<vmem>>) semaphore(%arg18 : memref<!tpu.dma_semaphore, #tpu.memory_space<semaphore_mem>>) {add = true}
          %mul3A_459 = arith.constant 7 : i32
          %mul3A_460 = arith.muli %add3A_445, %mul3A_459 : i32
          %add3A_461 = arith.constant 1 : i32
          %add3A_462 = arith.addi %mul3A_460, %add3A_461 : i32
          %dma_start3A_463 = arith.constant 128 : i32
          %dma_start3A_464 = arith.constant 0 : i32
          %dma_start3A_465 = tpu.memref_slice %arg12[%dma_start3A_463, %dma_start3A_464] : memref<896x8xf32, #tpu.memory_space<vmem>> -> memref<128x8xf32, #tpu.memory_space<vmem>>
          %dma_start3A_466 = arith.constant 0 : i32
          %dma_start3A_467 = tpu.memref_slice %arg10[%add3A_462, %dma_start3A_466] : memref<49x128xi32, #tpu.memory_space<vmem>> -> memref<1x128xi32, #tpu.memory_space<vmem>>
          %dma_start3A_468 = tpu.memref_squeeze %dma_start3A_467 : memref<1x128xi32, #tpu.memory_space<vmem>> -> memref<128xi32, #tpu.memory_space<vmem>>
          %dma_start3A_469 = arith.constant 0 : i32
          %dma_start3A_470 = arith.constant 0 : i32
          %dma_start3A_471 = tpu.memref_slice %arg8[%dma_start3A_469, %dma_start3A_470] : memref<158464x8xf32, #tpu.memory_space<vmem_shared>> -> memref<158464x8xf32, #tpu.memory_space<vmem_shared>>
          tpu.enqueue_indirect_dma source(%dma_start3A_465 : memref<128x8xf32, #tpu.memory_space<vmem>>) target(%dma_start3A_471 : memref<158464x8xf32, #tpu.memory_space<vmem_shared>>) offsets(%dma_start3A_468 : memref<128xi32, #tpu.memory_space<vmem>>) semaphore(%arg18 : memref<!tpu.dma_semaphore, #tpu.memory_space<semaphore_mem>>) {add = true}
          %mul3A_472 = arith.constant 7 : i32
          %mul3A_473 = arith.muli %add3A_445, %mul3A_472 : i32
          %add3A_474 = arith.constant 2 : i32
          %add3A_475 = arith.addi %mul3A_473, %add3A_474 : i32
          %dma_start3A_476 = arith.constant 256 : i32
          %dma_start3A_477 = arith.constant 0 : i32
          %dma_start3A_478 = tpu.memref_slice %arg12[%dma_start3A_476, %dma_start3A_477] : memref<896x8xf32, #tpu.memory_space<vmem>> -> memref<128x8xf32, #tpu.memory_space<vmem>>
          %dma_start3A_479 = arith.constant 0 : i32
          %dma_start3A_480 = tpu.memref_slice %arg10[%add3A_475, %dma_start3A_479] : memref<49x128xi32, #tpu.memory_space<vmem>> -> memref<1x128xi32, #tpu.memory_space<vmem>>
          %dma_start3A_481 = tpu.memref_squeeze %dma_start3A_480 : memref<1x128xi32, #tpu.memory_space<vmem>> -> memref<128xi32, #tpu.memory_space<vmem>>
          %dma_start3A_482 = arith.constant 0 : i32
          %dma_start3A_483 = arith.constant 0 : i32
          %dma_start3A_484 = tpu.memref_slice %arg8[%dma_start3A_482, %dma_start3A_483] : memref<158464x8xf32, #tpu.memory_space<vmem_shared>> -> memref<158464x8xf32, #tpu.memory_space<vmem_shared>>
          tpu.enqueue_indirect_dma source(%dma_start3A_478 : memref<128x8xf32, #tpu.memory_space<vmem>>) target(%dma_start3A_484 : memref<158464x8xf32, #tpu.memory_space<vmem_shared>>) offsets(%dma_start3A_481 : memref<128xi32, #tpu.memory_space<vmem>>) semaphore(%arg18 : memref<!tpu.dma_semaphore, #tpu.memory_space<semaphore_mem>>) {add = true}
          %mul3A_485 = arith.constant 7 : i32
          %mul3A_486 = arith.muli %add3A_445, %mul3A_485 : i32
          %add3A_487 = arith.constant 3 : i32
          %add3A_488 = arith.addi %mul3A_486, %add3A_487 : i32
          %dma_start3A_489 = arith.constant 384 : i32
          %dma_start3A_490 = arith.constant 0 : i32
          %dma_start3A_491 = tpu.memref_slice %arg12[%dma_start3A_489, %dma_start3A_490] : memref<896x8xf32, #tpu.memory_space<vmem>> -> memref<128x8xf32, #tpu.memory_space<vmem>>
          %dma_start3A_492 = arith.constant 0 : i32
          %dma_start3A_493 = tpu.memref_slice %arg10[%add3A_488, %dma_start3A_492] : memref<49x128xi32, #tpu.memory_space<vmem>> -> memref<1x128xi32, #tpu.memory_space<vmem>>
          %dma_start3A_494 = tpu.memref_squeeze %dma_start3A_493 : memref<1x128xi32, #tpu.memory_space<vmem>> -> memref<128xi32, #tpu.memory_space<vmem>>
          %dma_start3A_495 = arith.constant 0 : i32
          %dma_start3A_496 = arith.constant 0 : i32
          %dma_start3A_497 = tpu.memref_slice %arg8[%dma_start3A_495, %dma_start3A_496] : memref<158464x8xf32, #tpu.memory_space<vmem_shared>> -> memref<158464x8xf32, #tpu.memory_space<vmem_shared>>
          tpu.enqueue_indirect_dma source(%dma_start3A_491 : memref<128x8xf32, #tpu.memory_space<vmem>>) target(%dma_start3A_497 : memref<158464x8xf32, #tpu.memory_space<vmem_shared>>) offsets(%dma_start3A_494 : memref<128xi32, #tpu.memory_space<vmem>>) semaphore(%arg18 : memref<!tpu.dma_semaphore, #tpu.memory_space<semaphore_mem>>) {add = true}
          %mul3A_498 = arith.constant 7 : i32
          %mul3A_499 = arith.muli %add3A_445, %mul3A_498 : i32
          %add3A_500 = arith.constant 4 : i32
          %add3A_501 = arith.addi %mul3A_499, %add3A_500 : i32
          %dma_start3A_502 = arith.constant 512 : i32
          %dma_start3A_503 = arith.constant 0 : i32
          %dma_start3A_504 = tpu.memref_slice %arg12[%dma_start3A_502, %dma_start3A_503] : memref<896x8xf32, #tpu.memory_space<vmem>> -> memref<128x8xf32, #tpu.memory_space<vmem>>
          %dma_start3A_505 = arith.constant 0 : i32
          %dma_start3A_506 = tpu.memref_slice %arg10[%add3A_501, %dma_start3A_505] : memref<49x128xi32, #tpu.memory_space<vmem>> -> memref<1x128xi32, #tpu.memory_space<vmem>>
          %dma_start3A_507 = tpu.memref_squeeze %dma_start3A_506 : memref<1x128xi32, #tpu.memory_space<vmem>> -> memref<128xi32, #tpu.memory_space<vmem>>
          %dma_start3A_508 = arith.constant 0 : i32
          %dma_start3A_509 = arith.constant 0 : i32
          %dma_start3A_510 = tpu.memref_slice %arg8[%dma_start3A_508, %dma_start3A_509] : memref<158464x8xf32, #tpu.memory_space<vmem_shared>> -> memref<158464x8xf32, #tpu.memory_space<vmem_shared>>
          tpu.enqueue_indirect_dma source(%dma_start3A_504 : memref<128x8xf32, #tpu.memory_space<vmem>>) target(%dma_start3A_510 : memref<158464x8xf32, #tpu.memory_space<vmem_shared>>) offsets(%dma_start3A_507 : memref<128xi32, #tpu.memory_space<vmem>>) semaphore(%arg18 : memref<!tpu.dma_semaphore, #tpu.memory_space<semaphore_mem>>) {add = true}
          %mul3A_511 = arith.constant 7 : i32
          %mul3A_512 = arith.muli %add3A_445, %mul3A_511 : i32
          %add3A_513 = arith.constant 5 : i32
          %add3A_514 = arith.addi %mul3A_512, %add3A_513 : i32
          %dma_start3A_515 = arith.constant 640 : i32
          %dma_start3A_516 = arith.constant 0 : i32
          %dma_start3A_517 = tpu.memref_slice %arg12[%dma_start3A_515, %dma_start3A_516] : memref<896x8xf32, #tpu.memory_space<vmem>> -> memref<128x8xf32, #tpu.memory_space<vmem>>
          %dma_start3A_518 = arith.constant 0 : i32
          %dma_start3A_519 = tpu.memref_slice %arg10[%add3A_514, %dma_start3A_518] : memref<49x128xi32, #tpu.memory_space<vmem>> -> memref<1x128xi32, #tpu.memory_space<vmem>>
          %dma_start3A_520 = tpu.memref_squeeze %dma_start3A_519 : memref<1x128xi32, #tpu.memory_space<vmem>> -> memref<128xi32, #tpu.memory_space<vmem>>
          %dma_start3A_521 = arith.constant 0 : i32
          %dma_start3A_522 = arith.constant 0 : i32
          %dma_start3A_523 = tpu.memref_slice %arg8[%dma_start3A_521, %dma_start3A_522] : memref<158464x8xf32, #tpu.memory_space<vmem_shared>> -> memref<158464x8xf32, #tpu.memory_space<vmem_shared>>
          tpu.enqueue_indirect_dma source(%dma_start3A_517 : memref<128x8xf32, #tpu.memory_space<vmem>>) target(%dma_start3A_523 : memref<158464x8xf32, #tpu.memory_space<vmem_shared>>) offsets(%dma_start3A_520 : memref<128xi32, #tpu.memory_space<vmem>>) semaphore(%arg18 : memref<!tpu.dma_semaphore, #tpu.memory_space<semaphore_mem>>) {add = true}
          %mul3A_524 = arith.constant 7 : i32
          %mul3A_525 = arith.muli %add3A_445, %mul3A_524 : i32
          %add3A_526 = arith.constant 6 : i32
          %add3A_527 = arith.addi %mul3A_525, %add3A_526 : i32
          %dma_start3A_528 = arith.constant 768 : i32
          %dma_start3A_529 = arith.constant 0 : i32
          %dma_start3A_530 = tpu.memref_slice %arg12[%dma_start3A_528, %dma_start3A_529] : memref<896x8xf32, #tpu.memory_space<vmem>> -> memref<128x8xf32, #tpu.memory_space<vmem>>
          %dma_start3A_531 = arith.constant 0 : i32
          %dma_start3A_532 = tpu.memref_slice %arg10[%add3A_527, %dma_start3A_531] : memref<49x128xi32, #tpu.memory_space<vmem>> -> memref<1x128xi32, #tpu.memory_space<vmem>>
          %dma_start3A_533 = tpu.memref_squeeze %dma_start3A_532 : memref<1x128xi32, #tpu.memory_space<vmem>> -> memref<128xi32, #tpu.memory_space<vmem>>
          %dma_start3A_534 = arith.constant 0 : i32
          %dma_start3A_535 = arith.constant 0 : i32
          %dma_start3A_536 = tpu.memref_slice %arg8[%dma_start3A_534, %dma_start3A_535] : memref<158464x8xf32, #tpu.memory_space<vmem_shared>> -> memref<158464x8xf32, #tpu.memory_space<vmem_shared>>
          tpu.enqueue_indirect_dma source(%dma_start3A_530 : memref<128x8xf32, #tpu.memory_space<vmem>>) target(%dma_start3A_536 : memref<158464x8xf32, #tpu.memory_space<vmem_shared>>) offsets(%dma_start3A_533 : memref<128xi32, #tpu.memory_space<vmem>>) semaphore(%arg18 : memref<!tpu.dma_semaphore, #tpu.memory_space<semaphore_mem>>) {add = true}
          %mul3A_537 = arith.constant 7 : i32
          %mul3A_538 = arith.muli %add3A_445, %mul3A_537 : i32
          %add3A_539 = arith.constant 0 : i32
          %add3A_540 = arith.addi %mul3A_538, %add3A_539 : i32
          %dma_wait3A_541 = arith.constant 0 : i32
          %dma_wait3A_542 = arith.constant 0 : i32
          %dma_wait3A_543 = tpu.memref_slice %arg12[%dma_wait3A_541, %dma_wait3A_542] : memref<896x8xf32, #tpu.memory_space<vmem>> -> memref<128x8xf32, #tpu.memory_space<vmem>>
          %dma_wait3A_544 = arith.constant 0 : i32
          %dma_wait3A_545 = tpu.memref_slice %arg10[%add3A_540, %dma_wait3A_544] : memref<49x128xi32, #tpu.memory_space<vmem>> -> memref<1x128xi32, #tpu.memory_space<vmem>>
          %dma_wait3A_546 = tpu.memref_squeeze %dma_wait3A_545 : memref<1x128xi32, #tpu.memory_space<vmem>> -> memref<128xi32, #tpu.memory_space<vmem>>
          %dma_wait3A_547 = arith.constant 0 : i32
          %dma_wait3A_548 = arith.constant 0 : i32
          %dma_wait3A_549 = tpu.memref_slice %arg8[%dma_wait3A_547, %dma_wait3A_548] : memref<158464x8xf32, #tpu.memory_space<vmem_shared>> -> memref<158464x8xf32, #tpu.memory_space<vmem_shared>>
          tpu.wait_indirect_dma semaphore(%arg18 : memref<!tpu.dma_semaphore, #tpu.memory_space<semaphore_mem>>) src(%dma_wait3A_543 : memref<128x8xf32, #tpu.memory_space<vmem>>) dst(%dma_wait3A_549 : memref<158464x8xf32, #tpu.memory_space<vmem_shared>>)
          %mul3A_550 = arith.constant 7 : i32
          %mul3A_551 = arith.muli %add3A_445, %mul3A_550 : i32
          %add3A_552 = arith.constant 1 : i32
          %add3A_553 = arith.addi %mul3A_551, %add3A_552 : i32
          %dma_wait3A_554 = arith.constant 128 : i32
          %dma_wait3A_555 = arith.constant 0 : i32
          %dma_wait3A_556 = tpu.memref_slice %arg12[%dma_wait3A_554, %dma_wait3A_555] : memref<896x8xf32, #tpu.memory_space<vmem>> -> memref<128x8xf32, #tpu.memory_space<vmem>>
          %dma_wait3A_557 = arith.constant 0 : i32
          %dma_wait3A_558 = tpu.memref_slice %arg10[%add3A_553, %dma_wait3A_557] : memref<49x128xi32, #tpu.memory_space<vmem>> -> memref<1x128xi32, #tpu.memory_space<vmem>>
          %dma_wait3A_559 = tpu.memref_squeeze %dma_wait3A_558 : memref<1x128xi32, #tpu.memory_space<vmem>> -> memref<128xi32, #tpu.memory_space<vmem>>
          %dma_wait3A_560 = arith.constant 0 : i32
          %dma_wait3A_561 = arith.constant 0 : i32
          %dma_wait3A_562 = tpu.memref_slice %arg8[%dma_wait3A_560, %dma_wait3A_561] : memref<158464x8xf32, #tpu.memory_space<vmem_shared>> -> memref<158464x8xf32, #tpu.memory_space<vmem_shared>>
          tpu.wait_indirect_dma semaphore(%arg18 : memref<!tpu.dma_semaphore, #tpu.memory_space<semaphore_mem>>) src(%dma_wait3A_556 : memref<128x8xf32, #tpu.memory_space<vmem>>) dst(%dma_wait3A_562 : memref<158464x8xf32, #tpu.memory_space<vmem_shared>>)
          %mul3A_563 = arith.constant 7 : i32
          %mul3A_564 = arith.muli %add3A_445, %mul3A_563 : i32
          %add3A_565 = arith.constant 2 : i32
          %add3A_566 = arith.addi %mul3A_564, %add3A_565 : i32
          %dma_wait3A_567 = arith.constant 256 : i32
          %dma_wait3A_568 = arith.constant 0 : i32
          %dma_wait3A_569 = tpu.memref_slice %arg12[%dma_wait3A_567, %dma_wait3A_568] : memref<896x8xf32, #tpu.memory_space<vmem>> -> memref<128x8xf32, #tpu.memory_space<vmem>>
          %dma_wait3A_570 = arith.constant 0 : i32
          %dma_wait3A_571 = tpu.memref_slice %arg10[%add3A_566, %dma_wait3A_570] : memref<49x128xi32, #tpu.memory_space<vmem>> -> memref<1x128xi32, #tpu.memory_space<vmem>>
          %dma_wait3A_572 = tpu.memref_squeeze %dma_wait3A_571 : memref<1x128xi32, #tpu.memory_space<vmem>> -> memref<128xi32, #tpu.memory_space<vmem>>
          %dma_wait3A_573 = arith.constant 0 : i32
          %dma_wait3A_574 = arith.constant 0 : i32
          %dma_wait3A_575 = tpu.memref_slice %arg8[%dma_wait3A_573, %dma_wait3A_574] : memref<158464x8xf32, #tpu.memory_space<vmem_shared>> -> memref<158464x8xf32, #tpu.memory_space<vmem_shared>>
          tpu.wait_indirect_dma semaphore(%arg18 : memref<!tpu.dma_semaphore, #tpu.memory_space<semaphore_mem>>) src(%dma_wait3A_569 : memref<128x8xf32, #tpu.memory_space<vmem>>) dst(%dma_wait3A_575 : memref<158464x8xf32, #tpu.memory_space<vmem_shared>>)
          %mul3A_576 = arith.constant 7 : i32
          %mul3A_577 = arith.muli %add3A_445, %mul3A_576 : i32
          %add3A_578 = arith.constant 3 : i32
          %add3A_579 = arith.addi %mul3A_577, %add3A_578 : i32
          %dma_wait3A_580 = arith.constant 384 : i32
          %dma_wait3A_581 = arith.constant 0 : i32
          %dma_wait3A_582 = tpu.memref_slice %arg12[%dma_wait3A_580, %dma_wait3A_581] : memref<896x8xf32, #tpu.memory_space<vmem>> -> memref<128x8xf32, #tpu.memory_space<vmem>>
          %dma_wait3A_583 = arith.constant 0 : i32
          %dma_wait3A_584 = tpu.memref_slice %arg10[%add3A_579, %dma_wait3A_583] : memref<49x128xi32, #tpu.memory_space<vmem>> -> memref<1x128xi32, #tpu.memory_space<vmem>>
          %dma_wait3A_585 = tpu.memref_squeeze %dma_wait3A_584 : memref<1x128xi32, #tpu.memory_space<vmem>> -> memref<128xi32, #tpu.memory_space<vmem>>
          %dma_wait3A_586 = arith.constant 0 : i32
          %dma_wait3A_587 = arith.constant 0 : i32
          %dma_wait3A_588 = tpu.memref_slice %arg8[%dma_wait3A_586, %dma_wait3A_587] : memref<158464x8xf32, #tpu.memory_space<vmem_shared>> -> memref<158464x8xf32, #tpu.memory_space<vmem_shared>>
          tpu.wait_indirect_dma semaphore(%arg18 : memref<!tpu.dma_semaphore, #tpu.memory_space<semaphore_mem>>) src(%dma_wait3A_582 : memref<128x8xf32, #tpu.memory_space<vmem>>) dst(%dma_wait3A_588 : memref<158464x8xf32, #tpu.memory_space<vmem_shared>>)
          %mul3A_589 = arith.constant 7 : i32
          %mul3A_590 = arith.muli %add3A_445, %mul3A_589 : i32
          %add3A_591 = arith.constant 4 : i32
          %add3A_592 = arith.addi %mul3A_590, %add3A_591 : i32
          %dma_wait3A_593 = arith.constant 512 : i32
          %dma_wait3A_594 = arith.constant 0 : i32
          %dma_wait3A_595 = tpu.memref_slice %arg12[%dma_wait3A_593, %dma_wait3A_594] : memref<896x8xf32, #tpu.memory_space<vmem>> -> memref<128x8xf32, #tpu.memory_space<vmem>>
          %dma_wait3A_596 = arith.constant 0 : i32
          %dma_wait3A_597 = tpu.memref_slice %arg10[%add3A_592, %dma_wait3A_596] : memref<49x128xi32, #tpu.memory_space<vmem>> -> memref<1x128xi32, #tpu.memory_space<vmem>>
          %dma_wait3A_598 = tpu.memref_squeeze %dma_wait3A_597 : memref<1x128xi32, #tpu.memory_space<vmem>> -> memref<128xi32, #tpu.memory_space<vmem>>
          %dma_wait3A_599 = arith.constant 0 : i32
          %dma_wait3A_600 = arith.constant 0 : i32
          %dma_wait3A_601 = tpu.memref_slice %arg8[%dma_wait3A_599, %dma_wait3A_600] : memref<158464x8xf32, #tpu.memory_space<vmem_shared>> -> memref<158464x8xf32, #tpu.memory_space<vmem_shared>>
          tpu.wait_indirect_dma semaphore(%arg18 : memref<!tpu.dma_semaphore, #tpu.memory_space<semaphore_mem>>) src(%dma_wait3A_595 : memref<128x8xf32, #tpu.memory_space<vmem>>) dst(%dma_wait3A_601 : memref<158464x8xf32, #tpu.memory_space<vmem_shared>>)
          %mul3A_602 = arith.constant 7 : i32
          %mul3A_603 = arith.muli %add3A_445, %mul3A_602 : i32
          %add3A_604 = arith.constant 5 : i32
          %add3A_605 = arith.addi %mul3A_603, %add3A_604 : i32
          %dma_wait3A_606 = arith.constant 640 : i32
          %dma_wait3A_607 = arith.constant 0 : i32
          %dma_wait3A_608 = tpu.memref_slice %arg12[%dma_wait3A_606, %dma_wait3A_607] : memref<896x8xf32, #tpu.memory_space<vmem>> -> memref<128x8xf32, #tpu.memory_space<vmem>>
          %dma_wait3A_609 = arith.constant 0 : i32
          %dma_wait3A_610 = tpu.memref_slice %arg10[%add3A_605, %dma_wait3A_609] : memref<49x128xi32, #tpu.memory_space<vmem>> -> memref<1x128xi32, #tpu.memory_space<vmem>>
          %dma_wait3A_611 = tpu.memref_squeeze %dma_wait3A_610 : memref<1x128xi32, #tpu.memory_space<vmem>> -> memref<128xi32, #tpu.memory_space<vmem>>
          %dma_wait3A_612 = arith.constant 0 : i32
          %dma_wait3A_613 = arith.constant 0 : i32
          %dma_wait3A_614 = tpu.memref_slice %arg8[%dma_wait3A_612, %dma_wait3A_613] : memref<158464x8xf32, #tpu.memory_space<vmem_shared>> -> memref<158464x8xf32, #tpu.memory_space<vmem_shared>>
          tpu.wait_indirect_dma semaphore(%arg18 : memref<!tpu.dma_semaphore, #tpu.memory_space<semaphore_mem>>) src(%dma_wait3A_608 : memref<128x8xf32, #tpu.memory_space<vmem>>) dst(%dma_wait3A_614 : memref<158464x8xf32, #tpu.memory_space<vmem_shared>>)
          %mul3A_615 = arith.constant 7 : i32
          %mul3A_616 = arith.muli %add3A_445, %mul3A_615 : i32
          %add3A_617 = arith.constant 6 : i32
          %add3A_618 = arith.addi %mul3A_616, %add3A_617 : i32
          %dma_wait3A_619 = arith.constant 768 : i32
          %dma_wait3A_620 = arith.constant 0 : i32
          %dma_wait3A_621 = tpu.memref_slice %arg12[%dma_wait3A_619, %dma_wait3A_620] : memref<896x8xf32, #tpu.memory_space<vmem>> -> memref<128x8xf32, #tpu.memory_space<vmem>>
          %dma_wait3A_622 = arith.constant 0 : i32
          %dma_wait3A_623 = tpu.memref_slice %arg10[%add3A_618, %dma_wait3A_622] : memref<49x128xi32, #tpu.memory_space<vmem>> -> memref<1x128xi32, #tpu.memory_space<vmem>>
          %dma_wait3A_624 = tpu.memref_squeeze %dma_wait3A_623 : memref<1x128xi32, #tpu.memory_space<vmem>> -> memref<128xi32, #tpu.memory_space<vmem>>
          %dma_wait3A_625 = arith.constant 0 : i32
          %dma_wait3A_626 = arith.constant 0 : i32
          %dma_wait3A_627 = tpu.memref_slice %arg8[%dma_wait3A_625, %dma_wait3A_626] : memref<158464x8xf32, #tpu.memory_space<vmem_shared>> -> memref<158464x8xf32, #tpu.memory_space<vmem_shared>>
          tpu.wait_indirect_dma semaphore(%arg18 : memref<!tpu.dma_semaphore, #tpu.memory_space<semaphore_mem>>) src(%dma_wait3A_621 : memref<128x8xf32, #tpu.memory_space<vmem>>) dst(%dma_wait3A_627 : memref<158464x8xf32, #tpu.memory_space<vmem_shared>>)
        }
        %scan3A_79 = arith.constant 3 : i32
        %add3A_80 = arith.constant 5376 : i32
        %add3A_81 = arith.addi %mul3A_4, %add3A_80 : i32
        %dma_wait3A = tpu.memref_slice %arg2[%select_n3A, %add3A_81, %mul3A_48] : memref<2x100352x128xf32, #tpu.memory_space<hbm>> -> memref<1x896x8xf32, #tpu.memory_space<hbm>>
        %dma_wait3A_82 = tpu.memref_squeeze %dma_wait3A : memref<1x896x8xf32, #tpu.memory_space<hbm>> -> memref<896x8xf32, #tpu.memory_space<hbm>>
        %dma_wait3A_83 = tpu.memref_slice %arg2[%select_n3A, %add3A_81, %mul3A_48] : memref<2x100352x128xf32, #tpu.memory_space<hbm>> -> memref<1x896x8xf32, #tpu.memory_space<hbm>>
        %dma_wait3A_84 = tpu.memref_squeeze %dma_wait3A_83 : memref<1x896x8xf32, #tpu.memory_space<hbm>> -> memref<896x8xf32, #tpu.memory_space<hbm>>
        tpu.wait_dma2 semaphore(%arg16 : memref<!tpu.dma_semaphore, #tpu.memory_space<semaphore_mem>>) src(%dma_wait3A_84 : memref<896x8xf32, #tpu.memory_space<hbm>>) dst(%arg11 : memref<896x8xf32, #tpu.memory_space<vmem>>)
        %dma_start3A_85 = arith.constant 42 : i32
        %dma_start3A_86 = arith.constant 0 : i32
        %dma_start3A_87 = arith.constant 0 : i32
        %dma_start3A_88 = tpu.memref_slice %arg11[%dma_start3A_86, %dma_start3A_87] : memref<896x8xf32, #tpu.memory_space<vmem>> -> memref<128x8xf32, #tpu.memory_space<vmem>>
        %dma_start3A_89 = arith.constant 0 : i32
        %dma_start3A_90 = tpu.memref_slice %arg10[%dma_start3A_85, %dma_start3A_89] : memref<49x128xi32, #tpu.memory_space<vmem>> -> memref<1x128xi32, #tpu.memory_space<vmem>>
        %dma_start3A_91 = tpu.memref_squeeze %dma_start3A_90 : memref<1x128xi32, #tpu.memory_space<vmem>> -> memref<128xi32, #tpu.memory_space<vmem>>
        %dma_start3A_92 = arith.constant 0 : i32
        %dma_start3A_93 = arith.constant 0 : i32
        %dma_start3A_94 = tpu.memref_slice %arg8[%dma_start3A_92, %dma_start3A_93] : memref<158464x8xf32, #tpu.memory_space<vmem_shared>> -> memref<158464x8xf32, #tpu.memory_space<vmem_shared>>
        tpu.enqueue_indirect_dma source(%dma_start3A_88 : memref<128x8xf32, #tpu.memory_space<vmem>>) target(%dma_start3A_94 : memref<158464x8xf32, #tpu.memory_space<vmem_shared>>) offsets(%dma_start3A_91 : memref<128xi32, #tpu.memory_space<vmem>>) semaphore(%arg18 : memref<!tpu.dma_semaphore, #tpu.memory_space<semaphore_mem>>) {add = true}
        %dma_start3A_95 = arith.constant 43 : i32
        %dma_start3A_96 = arith.constant 128 : i32
        %dma_start3A_97 = arith.constant 0 : i32
        %dma_start3A_98 = tpu.memref_slice %arg11[%dma_start3A_96, %dma_start3A_97] : memref<896x8xf32, #tpu.memory_space<vmem>> -> memref<128x8xf32, #tpu.memory_space<vmem>>
        %dma_start3A_99 = arith.constant 0 : i32
        %dma_start3A_100 = tpu.memref_slice %arg10[%dma_start3A_95, %dma_start3A_99] : memref<49x128xi32, #tpu.memory_space<vmem>> -> memref<1x128xi32, #tpu.memory_space<vmem>>
        %dma_start3A_101 = tpu.memref_squeeze %dma_start3A_100 : memref<1x128xi32, #tpu.memory_space<vmem>> -> memref<128xi32, #tpu.memory_space<vmem>>
        %dma_start3A_102 = arith.constant 0 : i32
        %dma_start3A_103 = arith.constant 0 : i32
        %dma_start3A_104 = tpu.memref_slice %arg8[%dma_start3A_102, %dma_start3A_103] : memref<158464x8xf32, #tpu.memory_space<vmem_shared>> -> memref<158464x8xf32, #tpu.memory_space<vmem_shared>>
        tpu.enqueue_indirect_dma source(%dma_start3A_98 : memref<128x8xf32, #tpu.memory_space<vmem>>) target(%dma_start3A_104 : memref<158464x8xf32, #tpu.memory_space<vmem_shared>>) offsets(%dma_start3A_101 : memref<128xi32, #tpu.memory_space<vmem>>) semaphore(%arg18 : memref<!tpu.dma_semaphore, #tpu.memory_space<semaphore_mem>>) {add = true}
        %dma_start3A_105 = arith.constant 44 : i32
        %dma_start3A_106 = arith.constant 256 : i32
        %dma_start3A_107 = arith.constant 0 : i32
        %dma_start3A_108 = tpu.memref_slice %arg11[%dma_start3A_106, %dma_start3A_107] : memref<896x8xf32, #tpu.memory_space<vmem>> -> memref<128x8xf32, #tpu.memory_space<vmem>>
        %dma_start3A_109 = arith.constant 0 : i32
        %dma_start3A_110 = tpu.memref_slice %arg10[%dma_start3A_105, %dma_start3A_109] : memref<49x128xi32, #tpu.memory_space<vmem>> -> memref<1x128xi32, #tpu.memory_space<vmem>>
        %dma_start3A_111 = tpu.memref_squeeze %dma_start3A_110 : memref<1x128xi32, #tpu.memory_space<vmem>> -> memref<128xi32, #tpu.memory_space<vmem>>
        %dma_start3A_112 = arith.constant 0 : i32
        %dma_start3A_113 = arith.constant 0 : i32
        %dma_start3A_114 = tpu.memref_slice %arg8[%dma_start3A_112, %dma_start3A_113] : memref<158464x8xf32, #tpu.memory_space<vmem_shared>> -> memref<158464x8xf32, #tpu.memory_space<vmem_shared>>
        tpu.enqueue_indirect_dma source(%dma_start3A_108 : memref<128x8xf32, #tpu.memory_space<vmem>>) target(%dma_start3A_114 : memref<158464x8xf32, #tpu.memory_space<vmem_shared>>) offsets(%dma_start3A_111 : memref<128xi32, #tpu.memory_space<vmem>>) semaphore(%arg18 : memref<!tpu.dma_semaphore, #tpu.memory_space<semaphore_mem>>) {add = true}
        %dma_start3A_115 = arith.constant 45 : i32
        %dma_start3A_116 = arith.constant 384 : i32
        %dma_start3A_117 = arith.constant 0 : i32
        %dma_start3A_118 = tpu.memref_slice %arg11[%dma_start3A_116, %dma_start3A_117] : memref<896x8xf32, #tpu.memory_space<vmem>> -> memref<128x8xf32, #tpu.memory_space<vmem>>
        %dma_start3A_119 = arith.constant 0 : i32
        %dma_start3A_120 = tpu.memref_slice %arg10[%dma_start3A_115, %dma_start3A_119] : memref<49x128xi32, #tpu.memory_space<vmem>> -> memref<1x128xi32, #tpu.memory_space<vmem>>
        %dma_start3A_121 = tpu.memref_squeeze %dma_start3A_120 : memref<1x128xi32, #tpu.memory_space<vmem>> -> memref<128xi32, #tpu.memory_space<vmem>>
        %dma_start3A_122 = arith.constant 0 : i32
        %dma_start3A_123 = arith.constant 0 : i32
        %dma_start3A_124 = tpu.memref_slice %arg8[%dma_start3A_122, %dma_start3A_123] : memref<158464x8xf32, #tpu.memory_space<vmem_shared>> -> memref<158464x8xf32, #tpu.memory_space<vmem_shared>>
        tpu.enqueue_indirect_dma source(%dma_start3A_118 : memref<128x8xf32, #tpu.memory_space<vmem>>) target(%dma_start3A_124 : memref<158464x8xf32, #tpu.memory_space<vmem_shared>>) offsets(%dma_start3A_121 : memref<128xi32, #tpu.memory_space<vmem>>) semaphore(%arg18 : memref<!tpu.dma_semaphore, #tpu.memory_space<semaphore_mem>>) {add = true}
        %dma_start3A_125 = arith.constant 46 : i32
        %dma_start3A_126 = arith.constant 512 : i32
        %dma_start3A_127 = arith.constant 0 : i32
        %dma_start3A_128 = tpu.memref_slice %arg11[%dma_start3A_126, %dma_start3A_127] : memref<896x8xf32, #tpu.memory_space<vmem>> -> memref<128x8xf32, #tpu.memory_space<vmem>>
        %dma_start3A_129 = arith.constant 0 : i32
        %dma_start3A_130 = tpu.memref_slice %arg10[%dma_start3A_125, %dma_start3A_129] : memref<49x128xi32, #tpu.memory_space<vmem>> -> memref<1x128xi32, #tpu.memory_space<vmem>>
        %dma_start3A_131 = tpu.memref_squeeze %dma_start3A_130 : memref<1x128xi32, #tpu.memory_space<vmem>> -> memref<128xi32, #tpu.memory_space<vmem>>
        %dma_start3A_132 = arith.constant 0 : i32
        %dma_start3A_133 = arith.constant 0 : i32
        %dma_start3A_134 = tpu.memref_slice %arg8[%dma_start3A_132, %dma_start3A_133] : memref<158464x8xf32, #tpu.memory_space<vmem_shared>> -> memref<158464x8xf32, #tpu.memory_space<vmem_shared>>
        tpu.enqueue_indirect_dma source(%dma_start3A_128 : memref<128x8xf32, #tpu.memory_space<vmem>>) target(%dma_start3A_134 : memref<158464x8xf32, #tpu.memory_space<vmem_shared>>) offsets(%dma_start3A_131 : memref<128xi32, #tpu.memory_space<vmem>>) semaphore(%arg18 : memref<!tpu.dma_semaphore, #tpu.memory_space<semaphore_mem>>) {add = true}
        %dma_start3A_135 = arith.constant 47 : i32
        %dma_start3A_136 = arith.constant 640 : i32
        %dma_start3A_137 = arith.constant 0 : i32
        %dma_start3A_138 = tpu.memref_slice %arg11[%dma_start3A_136, %dma_start3A_137] : memref<896x8xf32, #tpu.memory_space<vmem>> -> memref<128x8xf32, #tpu.memory_space<vmem>>
        %dma_start3A_139 = arith.constant 0 : i32
        %dma_start3A_140 = tpu.memref_slice %arg10[%dma_start3A_135, %dma_start3A_139] : memref<49x128xi32, #tpu.memory_space<vmem>> -> memref<1x128xi32, #tpu.memory_space<vmem>>
        %dma_start3A_141 = tpu.memref_squeeze %dma_start3A_140 : memref<1x128xi32, #tpu.memory_space<vmem>> -> memref<128xi32, #tpu.memory_space<vmem>>
        %dma_start3A_142 = arith.constant 0 : i32
        %dma_start3A_143 = arith.constant 0 : i32
        %dma_start3A_144 = tpu.memref_slice %arg8[%dma_start3A_142, %dma_start3A_143] : memref<158464x8xf32, #tpu.memory_space<vmem_shared>> -> memref<158464x8xf32, #tpu.memory_space<vmem_shared>>
        tpu.enqueue_indirect_dma source(%dma_start3A_138 : memref<128x8xf32, #tpu.memory_space<vmem>>) target(%dma_start3A_144 : memref<158464x8xf32, #tpu.memory_space<vmem_shared>>) offsets(%dma_start3A_141 : memref<128xi32, #tpu.memory_space<vmem>>) semaphore(%arg18 : memref<!tpu.dma_semaphore, #tpu.memory_space<semaphore_mem>>) {add = true}
        %dma_start3A_145 = arith.constant 48 : i32
        %dma_start3A_146 = arith.constant 768 : i32
        %dma_start3A_147 = arith.constant 0 : i32
        %dma_start3A_148 = tpu.memref_slice %arg11[%dma_start3A_146, %dma_start3A_147] : memref<896x8xf32, #tpu.memory_space<vmem>> -> memref<128x8xf32, #tpu.memory_space<vmem>>
        %dma_start3A_149 = arith.constant 0 : i32
        %dma_start3A_150 = tpu.memref_slice %arg10[%dma_start3A_145, %dma_start3A_149] : memref<49x128xi32, #tpu.memory_space<vmem>> -> memref<1x128xi32, #tpu.memory_space<vmem>>
        %dma_start3A_151 = tpu.memref_squeeze %dma_start3A_150 : memref<1x128xi32, #tpu.memory_space<vmem>> -> memref<128xi32, #tpu.memory_space<vmem>>
        %dma_start3A_152 = arith.constant 0 : i32
        %dma_start3A_153 = arith.constant 0 : i32
        %dma_start3A_154 = tpu.memref_slice %arg8[%dma_start3A_152, %dma_start3A_153] : memref<158464x8xf32, #tpu.memory_space<vmem_shared>> -> memref<158464x8xf32, #tpu.memory_space<vmem_shared>>
        tpu.enqueue_indirect_dma source(%dma_start3A_148 : memref<128x8xf32, #tpu.memory_space<vmem>>) target(%dma_start3A_154 : memref<158464x8xf32, #tpu.memory_space<vmem_shared>>) offsets(%dma_start3A_151 : memref<128xi32, #tpu.memory_space<vmem>>) semaphore(%arg18 : memref<!tpu.dma_semaphore, #tpu.memory_space<semaphore_mem>>) {add = true}
        %dma_wait3A_155 = arith.constant 42 : i32
        %dma_wait3A_156 = arith.constant 0 : i32
        %dma_wait3A_157 = arith.constant 0 : i32
        %dma_wait3A_158 = tpu.memref_slice %arg11[%dma_wait3A_156, %dma_wait3A_157] : memref<896x8xf32, #tpu.memory_space<vmem>> -> memref<128x8xf32, #tpu.memory_space<vmem>>
        %dma_wait3A_159 = arith.constant 0 : i32
        %dma_wait3A_160 = tpu.memref_slice %arg10[%dma_wait3A_155, %dma_wait3A_159] : memref<49x128xi32, #tpu.memory_space<vmem>> -> memref<1x128xi32, #tpu.memory_space<vmem>>
        %dma_wait3A_161 = tpu.memref_squeeze %dma_wait3A_160 : memref<1x128xi32, #tpu.memory_space<vmem>> -> memref<128xi32, #tpu.memory_space<vmem>>
        %dma_wait3A_162 = arith.constant 0 : i32
        %dma_wait3A_163 = arith.constant 0 : i32
        %dma_wait3A_164 = tpu.memref_slice %arg8[%dma_wait3A_162, %dma_wait3A_163] : memref<158464x8xf32, #tpu.memory_space<vmem_shared>> -> memref<158464x8xf32, #tpu.memory_space<vmem_shared>>
        tpu.wait_indirect_dma semaphore(%arg18 : memref<!tpu.dma_semaphore, #tpu.memory_space<semaphore_mem>>) src(%dma_wait3A_158 : memref<128x8xf32, #tpu.memory_space<vmem>>) dst(%dma_wait3A_164 : memref<158464x8xf32, #tpu.memory_space<vmem_shared>>)
        %dma_wait3A_165 = arith.constant 43 : i32
        %dma_wait3A_166 = arith.constant 128 : i32
        %dma_wait3A_167 = arith.constant 0 : i32
        %dma_wait3A_168 = tpu.memref_slice %arg11[%dma_wait3A_166, %dma_wait3A_167] : memref<896x8xf32, #tpu.memory_space<vmem>> -> memref<128x8xf32, #tpu.memory_space<vmem>>
        %dma_wait3A_169 = arith.constant 0 : i32
        %dma_wait3A_170 = tpu.memref_slice %arg10[%dma_wait3A_165, %dma_wait3A_169] : memref<49x128xi32, #tpu.memory_space<vmem>> -> memref<1x128xi32, #tpu.memory_space<vmem>>
        %dma_wait3A_171 = tpu.memref_squeeze %dma_wait3A_170 : memref<1x128xi32, #tpu.memory_space<vmem>> -> memref<128xi32, #tpu.memory_space<vmem>>
        %dma_wait3A_172 = arith.constant 0 : i32
        %dma_wait3A_173 = arith.constant 0 : i32
        %dma_wait3A_174 = tpu.memref_slice %arg8[%dma_wait3A_172, %dma_wait3A_173] : memref<158464x8xf32, #tpu.memory_space<vmem_shared>> -> memref<158464x8xf32, #tpu.memory_space<vmem_shared>>
        tpu.wait_indirect_dma semaphore(%arg18 : memref<!tpu.dma_semaphore, #tpu.memory_space<semaphore_mem>>) src(%dma_wait3A_168 : memref<128x8xf32, #tpu.memory_space<vmem>>) dst(%dma_wait3A_174 : memref<158464x8xf32, #tpu.memory_space<vmem_shared>>)
        %dma_wait3A_175 = arith.constant 44 : i32
        %dma_wait3A_176 = arith.constant 256 : i32
        %dma_wait3A_177 = arith.constant 0 : i32
        %dma_wait3A_178 = tpu.memref_slice %arg11[%dma_wait3A_176, %dma_wait3A_177] : memref<896x8xf32, #tpu.memory_space<vmem>> -> memref<128x8xf32, #tpu.memory_space<vmem>>
        %dma_wait3A_179 = arith.constant 0 : i32
        %dma_wait3A_180 = tpu.memref_slice %arg10[%dma_wait3A_175, %dma_wait3A_179] : memref<49x128xi32, #tpu.memory_space<vmem>> -> memref<1x128xi32, #tpu.memory_space<vmem>>
        %dma_wait3A_181 = tpu.memref_squeeze %dma_wait3A_180 : memref<1x128xi32, #tpu.memory_space<vmem>> -> memref<128xi32, #tpu.memory_space<vmem>>
        %dma_wait3A_182 = arith.constant 0 : i32
        %dma_wait3A_183 = arith.constant 0 : i32
        %dma_wait3A_184 = tpu.memref_slice %arg8[%dma_wait3A_182, %dma_wait3A_183] : memref<158464x8xf32, #tpu.memory_space<vmem_shared>> -> memref<158464x8xf32, #tpu.memory_space<vmem_shared>>
        tpu.wait_indirect_dma semaphore(%arg18 : memref<!tpu.dma_semaphore, #tpu.memory_space<semaphore_mem>>) src(%dma_wait3A_178 : memref<128x8xf32, #tpu.memory_space<vmem>>) dst(%dma_wait3A_184 : memref<158464x8xf32, #tpu.memory_space<vmem_shared>>)
        %dma_wait3A_185 = arith.constant 45 : i32
        %dma_wait3A_186 = arith.constant 384 : i32
        %dma_wait3A_187 = arith.constant 0 : i32
        %dma_wait3A_188 = tpu.memref_slice %arg11[%dma_wait3A_186, %dma_wait3A_187] : memref<896x8xf32, #tpu.memory_space<vmem>> -> memref<128x8xf32, #tpu.memory_space<vmem>>
        %dma_wait3A_189 = arith.constant 0 : i32
        %dma_wait3A_190 = tpu.memref_slice %arg10[%dma_wait3A_185, %dma_wait3A_189] : memref<49x128xi32, #tpu.memory_space<vmem>> -> memref<1x128xi32, #tpu.memory_space<vmem>>
        %dma_wait3A_191 = tpu.memref_squeeze %dma_wait3A_190 : memref<1x128xi32, #tpu.memory_space<vmem>> -> memref<128xi32, #tpu.memory_space<vmem>>
        %dma_wait3A_192 = arith.constant 0 : i32
        %dma_wait3A_193 = arith.constant 0 : i32
        %dma_wait3A_194 = tpu.memref_slice %arg8[%dma_wait3A_192, %dma_wait3A_193] : memref<158464x8xf32, #tpu.memory_space<vmem_shared>> -> memref<158464x8xf32, #tpu.memory_space<vmem_shared>>
        tpu.wait_indirect_dma semaphore(%arg18 : memref<!tpu.dma_semaphore, #tpu.memory_space<semaphore_mem>>) src(%dma_wait3A_188 : memref<128x8xf32, #tpu.memory_space<vmem>>) dst(%dma_wait3A_194 : memref<158464x8xf32, #tpu.memory_space<vmem_shared>>)
        %dma_wait3A_195 = arith.constant 46 : i32
        %dma_wait3A_196 = arith.constant 512 : i32
        %dma_wait3A_197 = arith.constant 0 : i32
        %dma_wait3A_198 = tpu.memref_slice %arg11[%dma_wait3A_196, %dma_wait3A_197] : memref<896x8xf32, #tpu.memory_space<vmem>> -> memref<128x8xf32, #tpu.memory_space<vmem>>
        %dma_wait3A_199 = arith.constant 0 : i32
        %dma_wait3A_200 = tpu.memref_slice %arg10[%dma_wait3A_195, %dma_wait3A_199] : memref<49x128xi32, #tpu.memory_space<vmem>> -> memref<1x128xi32, #tpu.memory_space<vmem>>
        %dma_wait3A_201 = tpu.memref_squeeze %dma_wait3A_200 : memref<1x128xi32, #tpu.memory_space<vmem>> -> memref<128xi32, #tpu.memory_space<vmem>>
        %dma_wait3A_202 = arith.constant 0 : i32
        %dma_wait3A_203 = arith.constant 0 : i32
        %dma_wait3A_204 = tpu.memref_slice %arg8[%dma_wait3A_202, %dma_wait3A_203] : memref<158464x8xf32, #tpu.memory_space<vmem_shared>> -> memref<158464x8xf32, #tpu.memory_space<vmem_shared>>
        tpu.wait_indirect_dma semaphore(%arg18 : memref<!tpu.dma_semaphore, #tpu.memory_space<semaphore_mem>>) src(%dma_wait3A_198 : memref<128x8xf32, #tpu.memory_space<vmem>>) dst(%dma_wait3A_204 : memref<158464x8xf32, #tpu.memory_space<vmem_shared>>)
        %dma_wait3A_205 = arith.constant 47 : i32
        %dma_wait3A_206 = arith.constant 640 : i32
        %dma_wait3A_207 = arith.constant 0 : i32
        %dma_wait3A_208 = tpu.memref_slice %arg11[%dma_wait3A_206, %dma_wait3A_207] : memref<896x8xf32, #tpu.memory_space<vmem>> -> memref<128x8xf32, #tpu.memory_space<vmem>>
        %dma_wait3A_209 = arith.constant 0 : i32
        %dma_wait3A_210 = tpu.memref_slice %arg10[%dma_wait3A_205, %dma_wait3A_209] : memref<49x128xi32, #tpu.memory_space<vmem>> -> memref<1x128xi32, #tpu.memory_space<vmem>>
        %dma_wait3A_211 = tpu.memref_squeeze %dma_wait3A_210 : memref<1x128xi32, #tpu.memory_space<vmem>> -> memref<128xi32, #tpu.memory_space<vmem>>
        %dma_wait3A_212 = arith.constant 0 : i32
        %dma_wait3A_213 = arith.constant 0 : i32
        %dma_wait3A_214 = tpu.memref_slice %arg8[%dma_wait3A_212, %dma_wait3A_213] : memref<158464x8xf32, #tpu.memory_space<vmem_shared>> -> memref<158464x8xf32, #tpu.memory_space<vmem_shared>>
        tpu.wait_indirect_dma semaphore(%arg18 : memref<!tpu.dma_semaphore, #tpu.memory_space<semaphore_mem>>) src(%dma_wait3A_208 : memref<128x8xf32, #tpu.memory_space<vmem>>) dst(%dma_wait3A_214 : memref<158464x8xf32, #tpu.memory_space<vmem_shared>>)
        %dma_wait3A_215 = arith.constant 48 : i32
        %dma_wait3A_216 = arith.constant 768 : i32
        %dma_wait3A_217 = arith.constant 0 : i32
        %dma_wait3A_218 = tpu.memref_slice %arg11[%dma_wait3A_216, %dma_wait3A_217] : memref<896x8xf32, #tpu.memory_space<vmem>> -> memref<128x8xf32, #tpu.memory_space<vmem>>
        %dma_wait3A_219 = arith.constant 0 : i32
        %dma_wait3A_220 = tpu.memref_slice %arg10[%dma_wait3A_215, %dma_wait3A_219] : memref<49x128xi32, #tpu.memory_space<vmem>> -> memref<1x128xi32, #tpu.memory_space<vmem>>
        %dma_wait3A_221 = tpu.memref_squeeze %dma_wait3A_220 : memref<1x128xi32, #tpu.memory_space<vmem>> -> memref<128xi32, #tpu.memory_space<vmem>>
        %dma_wait3A_222 = arith.constant 0 : i32
        %dma_wait3A_223 = arith.constant 0 : i32
        %dma_wait3A_224 = tpu.memref_slice %arg8[%dma_wait3A_222, %dma_wait3A_223] : memref<158464x8xf32, #tpu.memory_space<vmem_shared>> -> memref<158464x8xf32, #tpu.memory_space<vmem_shared>>
        tpu.wait_indirect_dma semaphore(%arg18 : memref<!tpu.dma_semaphore, #tpu.memory_space<semaphore_mem>>) src(%dma_wait3A_218 : memref<128x8xf32, #tpu.memory_space<vmem>>) dst(%dma_wait3A_224 : memref<158464x8xf32, #tpu.memory_space<vmem_shared>>)
      } else {
      }
      %convert_element_type3A_55 = arith.extui %eq3A_14 : i1 to i32
      %cond3A_56 = arith.constant 0 : i32
      %cond3A_57 = arith.cmpi ne, %convert_element_type3A_55, %cond3A_56 : i32
      scf.if %cond3A_57 {
        %scan3A_69 = arith.constant 0 : i32
        %scan3A_70 = arith.constant 0 : i32
        %scan3A_71 = arith.constant 7 : i32
        %scan3A_72 = arith.addi %scan3A_70, %scan3A_71 : i32
        %scan3A_73 = arith.constant 1 : i32
        scf.for %scan3A_75 = %scan3A_70 to %scan3A_72 step %scan3A_73  : i32 {
          %mul3A_76 = arith.constant 7 : i32
          %mul3A_77 = arith.muli %scan3A_75, %mul3A_76 : i32
          %add3A_78 = arith.constant 0 : i32
          %add3A_79 = arith.addi %mul3A_77, %add3A_78 : i32
          %dma_start3A = arith.constant 0 : i32
          %dma_start3A_80 = tpu.memref_slice %arg10[%add3A_79, %dma_start3A] : memref<49x128xi32, #tpu.memory_space<vmem>> -> memref<1x128xi32, #tpu.memory_space<vmem>>
          %dma_start3A_81 = tpu.memref_squeeze %dma_start3A_80 : memref<1x128xi32, #tpu.memory_space<vmem>> -> memref<128xi32, #tpu.memory_space<vmem>>
          %dma_start3A_82 = arith.constant 0 : i32
          %dma_start3A_83 = arith.constant 0 : i32
          %dma_start3A_84 = tpu.memref_slice %arg8[%dma_start3A_82, %dma_start3A_83] : memref<158464x8xf32, #tpu.memory_space<vmem_shared>> -> memref<158464x8xf32, #tpu.memory_space<vmem_shared>>
          tpu.enqueue_indirect_dma source(%arg13 : memref<128x8xf32, #tpu.memory_space<vmem>>) target(%dma_start3A_84 : memref<158464x8xf32, #tpu.memory_space<vmem_shared>>) offsets(%dma_start3A_81 : memref<128xi32, #tpu.memory_space<vmem>>) semaphore(%arg18 : memref<!tpu.dma_semaphore, #tpu.memory_space<semaphore_mem>>) {add = true}
          %mul3A_85 = arith.constant 7 : i32
          %mul3A_86 = arith.muli %scan3A_75, %mul3A_85 : i32
          %add3A_87 = arith.constant 1 : i32
          %add3A_88 = arith.addi %mul3A_86, %add3A_87 : i32
          %dma_start3A_89 = arith.constant 0 : i32
          %dma_start3A_90 = tpu.memref_slice %arg10[%add3A_88, %dma_start3A_89] : memref<49x128xi32, #tpu.memory_space<vmem>> -> memref<1x128xi32, #tpu.memory_space<vmem>>
          %dma_start3A_91 = tpu.memref_squeeze %dma_start3A_90 : memref<1x128xi32, #tpu.memory_space<vmem>> -> memref<128xi32, #tpu.memory_space<vmem>>
          %dma_start3A_92 = arith.constant 0 : i32
          %dma_start3A_93 = arith.constant 0 : i32
          %dma_start3A_94 = tpu.memref_slice %arg8[%dma_start3A_92, %dma_start3A_93] : memref<158464x8xf32, #tpu.memory_space<vmem_shared>> -> memref<158464x8xf32, #tpu.memory_space<vmem_shared>>
          tpu.enqueue_indirect_dma source(%arg13 : memref<128x8xf32, #tpu.memory_space<vmem>>) target(%dma_start3A_94 : memref<158464x8xf32, #tpu.memory_space<vmem_shared>>) offsets(%dma_start3A_91 : memref<128xi32, #tpu.memory_space<vmem>>) semaphore(%arg18 : memref<!tpu.dma_semaphore, #tpu.memory_space<semaphore_mem>>) {add = true}
          %mul3A_95 = arith.constant 7 : i32
          %mul3A_96 = arith.muli %scan3A_75, %mul3A_95 : i32
          %add3A_97 = arith.constant 2 : i32
          %add3A_98 = arith.addi %mul3A_96, %add3A_97 : i32
          %dma_start3A_99 = arith.constant 0 : i32
          %dma_start3A_100 = tpu.memref_slice %arg10[%add3A_98, %dma_start3A_99] : memref<49x128xi32, #tpu.memory_space<vmem>> -> memref<1x128xi32, #tpu.memory_space<vmem>>
          %dma_start3A_101 = tpu.memref_squeeze %dma_start3A_100 : memref<1x128xi32, #tpu.memory_space<vmem>> -> memref<128xi32, #tpu.memory_space<vmem>>
          %dma_start3A_102 = arith.constant 0 : i32
          %dma_start3A_103 = arith.constant 0 : i32
          %dma_start3A_104 = tpu.memref_slice %arg8[%dma_start3A_102, %dma_start3A_103] : memref<158464x8xf32, #tpu.memory_space<vmem_shared>> -> memref<158464x8xf32, #tpu.memory_space<vmem_shared>>
          tpu.enqueue_indirect_dma source(%arg13 : memref<128x8xf32, #tpu.memory_space<vmem>>) target(%dma_start3A_104 : memref<158464x8xf32, #tpu.memory_space<vmem_shared>>) offsets(%dma_start3A_101 : memref<128xi32, #tpu.memory_space<vmem>>) semaphore(%arg18 : memref<!tpu.dma_semaphore, #tpu.memory_space<semaphore_mem>>) {add = true}
          %mul3A_105 = arith.constant 7 : i32
          %mul3A_106 = arith.muli %scan3A_75, %mul3A_105 : i32
          %add3A_107 = arith.constant 3 : i32
          %add3A_108 = arith.addi %mul3A_106, %add3A_107 : i32
          %dma_start3A_109 = arith.constant 0 : i32
          %dma_start3A_110 = tpu.memref_slice %arg10[%add3A_108, %dma_start3A_109] : memref<49x128xi32, #tpu.memory_space<vmem>> -> memref<1x128xi32, #tpu.memory_space<vmem>>
          %dma_start3A_111 = tpu.memref_squeeze %dma_start3A_110 : memref<1x128xi32, #tpu.memory_space<vmem>> -> memref<128xi32, #tpu.memory_space<vmem>>
          %dma_start3A_112 = arith.constant 0 : i32
          %dma_start3A_113 = arith.constant 0 : i32
          %dma_start3A_114 = tpu.memref_slice %arg8[%dma_start3A_112, %dma_start3A_113] : memref<158464x8xf32, #tpu.memory_space<vmem_shared>> -> memref<158464x8xf32, #tpu.memory_space<vmem_shared>>
          tpu.enqueue_indirect_dma source(%arg13 : memref<128x8xf32, #tpu.memory_space<vmem>>) target(%dma_start3A_114 : memref<158464x8xf32, #tpu.memory_space<vmem_shared>>) offsets(%dma_start3A_111 : memref<128xi32, #tpu.memory_space<vmem>>) semaphore(%arg18 : memref<!tpu.dma_semaphore, #tpu.memory_space<semaphore_mem>>) {add = true}
          %mul3A_115 = arith.constant 7 : i32
          %mul3A_116 = arith.muli %scan3A_75, %mul3A_115 : i32
          %add3A_117 = arith.constant 4 : i32
          %add3A_118 = arith.addi %mul3A_116, %add3A_117 : i32
          %dma_start3A_119 = arith.constant 0 : i32
          %dma_start3A_120 = tpu.memref_slice %arg10[%add3A_118, %dma_start3A_119] : memref<49x128xi32, #tpu.memory_space<vmem>> -> memref<1x128xi32, #tpu.memory_space<vmem>>
          %dma_start3A_121 = tpu.memref_squeeze %dma_start3A_120 : memref<1x128xi32, #tpu.memory_space<vmem>> -> memref<128xi32, #tpu.memory_space<vmem>>
          %dma_start3A_122 = arith.constant 0 : i32
          %dma_start3A_123 = arith.constant 0 : i32
          %dma_start3A_124 = tpu.memref_slice %arg8[%dma_start3A_122, %dma_start3A_123] : memref<158464x8xf32, #tpu.memory_space<vmem_shared>> -> memref<158464x8xf32, #tpu.memory_space<vmem_shared>>
          tpu.enqueue_indirect_dma source(%arg13 : memref<128x8xf32, #tpu.memory_space<vmem>>) target(%dma_start3A_124 : memref<158464x8xf32, #tpu.memory_space<vmem_shared>>) offsets(%dma_start3A_121 : memref<128xi32, #tpu.memory_space<vmem>>) semaphore(%arg18 : memref<!tpu.dma_semaphore, #tpu.memory_space<semaphore_mem>>) {add = true}
          %mul3A_125 = arith.constant 7 : i32
          %mul3A_126 = arith.muli %scan3A_75, %mul3A_125 : i32
          %add3A_127 = arith.constant 5 : i32
          %add3A_128 = arith.addi %mul3A_126, %add3A_127 : i32
          %dma_start3A_129 = arith.constant 0 : i32
          %dma_start3A_130 = tpu.memref_slice %arg10[%add3A_128, %dma_start3A_129] : memref<49x128xi32, #tpu.memory_space<vmem>> -> memref<1x128xi32, #tpu.memory_space<vmem>>
          %dma_start3A_131 = tpu.memref_squeeze %dma_start3A_130 : memref<1x128xi32, #tpu.memory_space<vmem>> -> memref<128xi32, #tpu.memory_space<vmem>>
          %dma_start3A_132 = arith.constant 0 : i32
          %dma_start3A_133 = arith.constant 0 : i32
          %dma_start3A_134 = tpu.memref_slice %arg8[%dma_start3A_132, %dma_start3A_133] : memref<158464x8xf32, #tpu.memory_space<vmem_shared>> -> memref<158464x8xf32, #tpu.memory_space<vmem_shared>>
          tpu.enqueue_indirect_dma source(%arg13 : memref<128x8xf32, #tpu.memory_space<vmem>>) target(%dma_start3A_134 : memref<158464x8xf32, #tpu.memory_space<vmem_shared>>) offsets(%dma_start3A_131 : memref<128xi32, #tpu.memory_space<vmem>>) semaphore(%arg18 : memref<!tpu.dma_semaphore, #tpu.memory_space<semaphore_mem>>) {add = true}
          %mul3A_135 = arith.constant 7 : i32
          %mul3A_136 = arith.muli %scan3A_75, %mul3A_135 : i32
          %add3A_137 = arith.constant 6 : i32
          %add3A_138 = arith.addi %mul3A_136, %add3A_137 : i32
          %dma_start3A_139 = arith.constant 0 : i32
          %dma_start3A_140 = tpu.memref_slice %arg10[%add3A_138, %dma_start3A_139] : memref<49x128xi32, #tpu.memory_space<vmem>> -> memref<1x128xi32, #tpu.memory_space<vmem>>
          %dma_start3A_141 = tpu.memref_squeeze %dma_start3A_140 : memref<1x128xi32, #tpu.memory_space<vmem>> -> memref<128xi32, #tpu.memory_space<vmem>>
          %dma_start3A_142 = arith.constant 0 : i32
          %dma_start3A_143 = arith.constant 0 : i32
          %dma_start3A_144 = tpu.memref_slice %arg8[%dma_start3A_142, %dma_start3A_143] : memref<158464x8xf32, #tpu.memory_space<vmem_shared>> -> memref<158464x8xf32, #tpu.memory_space<vmem_shared>>
          tpu.enqueue_indirect_dma source(%arg13 : memref<128x8xf32, #tpu.memory_space<vmem>>) target(%dma_start3A_144 : memref<158464x8xf32, #tpu.memory_space<vmem_shared>>) offsets(%dma_start3A_141 : memref<128xi32, #tpu.memory_space<vmem>>) semaphore(%arg18 : memref<!tpu.dma_semaphore, #tpu.memory_space<semaphore_mem>>) {add = true}
          %mul3A_145 = arith.constant 7 : i32
          %mul3A_146 = arith.muli %scan3A_75, %mul3A_145 : i32
          %add3A_147 = arith.constant 0 : i32
          %add3A_148 = arith.addi %mul3A_146, %add3A_147 : i32
          %dma_wait3A = arith.constant 0 : i32
          %dma_wait3A_149 = tpu.memref_slice %arg10[%add3A_148, %dma_wait3A] : memref<49x128xi32, #tpu.memory_space<vmem>> -> memref<1x128xi32, #tpu.memory_space<vmem>>
          %dma_wait3A_150 = tpu.memref_squeeze %dma_wait3A_149 : memref<1x128xi32, #tpu.memory_space<vmem>> -> memref<128xi32, #tpu.memory_space<vmem>>
          %dma_wait3A_151 = arith.constant 0 : i32
          %dma_wait3A_152 = arith.constant 0 : i32
          %dma_wait3A_153 = tpu.memref_slice %arg8[%dma_wait3A_151, %dma_wait3A_152] : memref<158464x8xf32, #tpu.memory_space<vmem_shared>> -> memref<158464x8xf32, #tpu.memory_space<vmem_shared>>
          tpu.wait_indirect_dma semaphore(%arg18 : memref<!tpu.dma_semaphore, #tpu.memory_space<semaphore_mem>>) src(%arg13 : memref<128x8xf32, #tpu.memory_space<vmem>>) dst(%dma_wait3A_153 : memref<158464x8xf32, #tpu.memory_space<vmem_shared>>)
          %mul3A_154 = arith.constant 7 : i32
          %mul3A_155 = arith.muli %scan3A_75, %mul3A_154 : i32
          %add3A_156 = arith.constant 1 : i32
          %add3A_157 = arith.addi %mul3A_155, %add3A_156 : i32
          %dma_wait3A_158 = arith.constant 0 : i32
          %dma_wait3A_159 = tpu.memref_slice %arg10[%add3A_157, %dma_wait3A_158] : memref<49x128xi32, #tpu.memory_space<vmem>> -> memref<1x128xi32, #tpu.memory_space<vmem>>
          %dma_wait3A_160 = tpu.memref_squeeze %dma_wait3A_159 : memref<1x128xi32, #tpu.memory_space<vmem>> -> memref<128xi32, #tpu.memory_space<vmem>>
          %dma_wait3A_161 = arith.constant 0 : i32
          %dma_wait3A_162 = arith.constant 0 : i32
          %dma_wait3A_163 = tpu.memref_slice %arg8[%dma_wait3A_161, %dma_wait3A_162] : memref<158464x8xf32, #tpu.memory_space<vmem_shared>> -> memref<158464x8xf32, #tpu.memory_space<vmem_shared>>
          tpu.wait_indirect_dma semaphore(%arg18 : memref<!tpu.dma_semaphore, #tpu.memory_space<semaphore_mem>>) src(%arg13 : memref<128x8xf32, #tpu.memory_space<vmem>>) dst(%dma_wait3A_163 : memref<158464x8xf32, #tpu.memory_space<vmem_shared>>)
          %mul3A_164 = arith.constant 7 : i32
          %mul3A_165 = arith.muli %scan3A_75, %mul3A_164 : i32
          %add3A_166 = arith.constant 2 : i32
          %add3A_167 = arith.addi %mul3A_165, %add3A_166 : i32
          %dma_wait3A_168 = arith.constant 0 : i32
          %dma_wait3A_169 = tpu.memref_slice %arg10[%add3A_167, %dma_wait3A_168] : memref<49x128xi32, #tpu.memory_space<vmem>> -> memref<1x128xi32, #tpu.memory_space<vmem>>
          %dma_wait3A_170 = tpu.memref_squeeze %dma_wait3A_169 : memref<1x128xi32, #tpu.memory_space<vmem>> -> memref<128xi32, #tpu.memory_space<vmem>>
          %dma_wait3A_171 = arith.constant 0 : i32
          %dma_wait3A_172 = arith.constant 0 : i32
          %dma_wait3A_173 = tpu.memref_slice %arg8[%dma_wait3A_171, %dma_wait3A_172] : memref<158464x8xf32, #tpu.memory_space<vmem_shared>> -> memref<158464x8xf32, #tpu.memory_space<vmem_shared>>
          tpu.wait_indirect_dma semaphore(%arg18 : memref<!tpu.dma_semaphore, #tpu.memory_space<semaphore_mem>>) src(%arg13 : memref<128x8xf32, #tpu.memory_space<vmem>>) dst(%dma_wait3A_173 : memref<158464x8xf32, #tpu.memory_space<vmem_shared>>)
          %mul3A_174 = arith.constant 7 : i32
          %mul3A_175 = arith.muli %scan3A_75, %mul3A_174 : i32
          %add3A_176 = arith.constant 3 : i32
          %add3A_177 = arith.addi %mul3A_175, %add3A_176 : i32
          %dma_wait3A_178 = arith.constant 0 : i32
          %dma_wait3A_179 = tpu.memref_slice %arg10[%add3A_177, %dma_wait3A_178] : memref<49x128xi32, #tpu.memory_space<vmem>> -> memref<1x128xi32, #tpu.memory_space<vmem>>
          %dma_wait3A_180 = tpu.memref_squeeze %dma_wait3A_179 : memref<1x128xi32, #tpu.memory_space<vmem>> -> memref<128xi32, #tpu.memory_space<vmem>>
          %dma_wait3A_181 = arith.constant 0 : i32
          %dma_wait3A_182 = arith.constant 0 : i32
          %dma_wait3A_183 = tpu.memref_slice %arg8[%dma_wait3A_181, %dma_wait3A_182] : memref<158464x8xf32, #tpu.memory_space<vmem_shared>> -> memref<158464x8xf32, #tpu.memory_space<vmem_shared>>
          tpu.wait_indirect_dma semaphore(%arg18 : memref<!tpu.dma_semaphore, #tpu.memory_space<semaphore_mem>>) src(%arg13 : memref<128x8xf32, #tpu.memory_space<vmem>>) dst(%dma_wait3A_183 : memref<158464x8xf32, #tpu.memory_space<vmem_shared>>)
          %mul3A_184 = arith.constant 7 : i32
          %mul3A_185 = arith.muli %scan3A_75, %mul3A_184 : i32
          %add3A_186 = arith.constant 4 : i32
          %add3A_187 = arith.addi %mul3A_185, %add3A_186 : i32
          %dma_wait3A_188 = arith.constant 0 : i32
          %dma_wait3A_189 = tpu.memref_slice %arg10[%add3A_187, %dma_wait3A_188] : memref<49x128xi32, #tpu.memory_space<vmem>> -> memref<1x128xi32, #tpu.memory_space<vmem>>
          %dma_wait3A_190 = tpu.memref_squeeze %dma_wait3A_189 : memref<1x128xi32, #tpu.memory_space<vmem>> -> memref<128xi32, #tpu.memory_space<vmem>>
          %dma_wait3A_191 = arith.constant 0 : i32
          %dma_wait3A_192 = arith.constant 0 : i32
          %dma_wait3A_193 = tpu.memref_slice %arg8[%dma_wait3A_191, %dma_wait3A_192] : memref<158464x8xf32, #tpu.memory_space<vmem_shared>> -> memref<158464x8xf32, #tpu.memory_space<vmem_shared>>
          tpu.wait_indirect_dma semaphore(%arg18 : memref<!tpu.dma_semaphore, #tpu.memory_space<semaphore_mem>>) src(%arg13 : memref<128x8xf32, #tpu.memory_space<vmem>>) dst(%dma_wait3A_193 : memref<158464x8xf32, #tpu.memory_space<vmem_shared>>)
          %mul3A_194 = arith.constant 7 : i32
          %mul3A_195 = arith.muli %scan3A_75, %mul3A_194 : i32
          %add3A_196 = arith.constant 5 : i32
          %add3A_197 = arith.addi %mul3A_195, %add3A_196 : i32
          %dma_wait3A_198 = arith.constant 0 : i32
          %dma_wait3A_199 = tpu.memref_slice %arg10[%add3A_197, %dma_wait3A_198] : memref<49x128xi32, #tpu.memory_space<vmem>> -> memref<1x128xi32, #tpu.memory_space<vmem>>
          %dma_wait3A_200 = tpu.memref_squeeze %dma_wait3A_199 : memref<1x128xi32, #tpu.memory_space<vmem>> -> memref<128xi32, #tpu.memory_space<vmem>>
          %dma_wait3A_201 = arith.constant 0 : i32
          %dma_wait3A_202 = arith.constant 0 : i32
          %dma_wait3A_203 = tpu.memref_slice %arg8[%dma_wait3A_201, %dma_wait3A_202] : memref<158464x8xf32, #tpu.memory_space<vmem_shared>> -> memref<158464x8xf32, #tpu.memory_space<vmem_shared>>
          tpu.wait_indirect_dma semaphore(%arg18 : memref<!tpu.dma_semaphore, #tpu.memory_space<semaphore_mem>>) src(%arg13 : memref<128x8xf32, #tpu.memory_space<vmem>>) dst(%dma_wait3A_203 : memref<158464x8xf32, #tpu.memory_space<vmem_shared>>)
          %mul3A_204 = arith.constant 7 : i32
          %mul3A_205 = arith.muli %scan3A_75, %mul3A_204 : i32
          %add3A_206 = arith.constant 6 : i32
          %add3A_207 = arith.addi %mul3A_205, %add3A_206 : i32
          %dma_wait3A_208 = arith.constant 0 : i32
          %dma_wait3A_209 = tpu.memref_slice %arg10[%add3A_207, %dma_wait3A_208] : memref<49x128xi32, #tpu.memory_space<vmem>> -> memref<1x128xi32, #tpu.memory_space<vmem>>
          %dma_wait3A_210 = tpu.memref_squeeze %dma_wait3A_209 : memref<1x128xi32, #tpu.memory_space<vmem>> -> memref<128xi32, #tpu.memory_space<vmem>>
          %dma_wait3A_211 = arith.constant 0 : i32
          %dma_wait3A_212 = arith.constant 0 : i32
          %dma_wait3A_213 = tpu.memref_slice %arg8[%dma_wait3A_211, %dma_wait3A_212] : memref<158464x8xf32, #tpu.memory_space<vmem_shared>> -> memref<158464x8xf32, #tpu.memory_space<vmem_shared>>
          tpu.wait_indirect_dma semaphore(%arg18 : memref<!tpu.dma_semaphore, #tpu.memory_space<semaphore_mem>>) src(%arg13 : memref<128x8xf32, #tpu.memory_space<vmem>>) dst(%dma_wait3A_213 : memref<158464x8xf32, #tpu.memory_space<vmem_shared>>)
        }
        %scan3A_74 = arith.constant 7 : i32
      } else {
      }
      %barrier3A_58 = arith.constant 0 : index
      tpu.barrier barrier_id(%barrier3A_58)
      %not3A_59 = arith.constant true
      %not3A_60 = arith.xori %eq3A_14, %not3A_59 : i1
      %and3A_61 = arith.andi %lt3A_13, %not3A_60 : i1
      %convert_element_type3A_62 = arith.extui %and3A_61 : i1 to i32
      %cond3A_63 = arith.constant 0 : i32
      %cond3A_64 = arith.cmpi ne, %convert_element_type3A_62, %cond3A_63 : i32
      scf.if %cond3A_64 {
        %add3A_69 = arith.constant 0 : i32
        %add3A_70 = arith.addi %mul3A_2, %add3A_69 : i32
        %dma_start3A = arith.constant 0 : i32
        %dma_start3A_71 = tpu.memref_slice %arg8[%add3A_70, %dma_start3A] : memref<158464x8xf32, #tpu.memory_space<vmem_shared>> -> memref<1238x8xf32, #tpu.memory_space<vmem_shared>>
        %dma_start3A_72 = arith.constant 0 : i32
        %dma_start3A_73 = tpu.memref_slice %arg8[%add3A_70, %dma_start3A_72] : memref<158464x8xf32, #tpu.memory_space<vmem_shared>> -> memref<1238x8xf32, #tpu.memory_space<vmem_shared>>
        tpu.enqueue_dma source(%dma_start3A_73 : memref<1238x8xf32, #tpu.memory_space<vmem_shared>>) target(%arg14 : memref<1238x8xf32, #tpu.memory_space<vmem>>) target_semaphore(%arg16 : memref<!tpu.dma_semaphore, #tpu.memory_space<semaphore_mem>>)
        %scan3A_74 = arith.constant 0 : i32
        %scan3A_75 = arith.constant 0 : i32
        %scan3A_76 = arith.constant 3 : i32
        %scan3A_77 = arith.addi %scan3A_75, %scan3A_76 : i32
        %scan3A_78 = arith.constant 1 : i32
        scf.for %scan3A_101 = %scan3A_75 to %scan3A_77 step %scan3A_78  : i32 {
          %mul3A_102 = arith.constant 2 : i32
          %mul3A_103 = arith.muli %scan3A_101, %mul3A_102 : i32
          %add3A_104 = arith.constant 1 : i32
          %add3A_105 = arith.addi %mul3A_103, %add3A_104 : i32
          %mul3A_106 = arith.constant 1238 : i32
          %mul3A_107 = arith.muli %add3A_105, %mul3A_106 : i32
          %add3A_108 = arith.addi %mul3A_2, %mul3A_107 : i32
          %dma_start3A_109 = arith.constant 0 : i32
          %dma_start3A_110 = tpu.memref_slice %arg8[%add3A_108, %dma_start3A_109] : memref<158464x8xf32, #tpu.memory_space<vmem_shared>> -> memref<1238x8xf32, #tpu.memory_space<vmem_shared>>
          %dma_start3A_111 = arith.constant 0 : i32
          %dma_start3A_112 = tpu.memref_slice %arg8[%add3A_108, %dma_start3A_111] : memref<158464x8xf32, #tpu.memory_space<vmem_shared>> -> memref<1238x8xf32, #tpu.memory_space<vmem_shared>>
          tpu.enqueue_dma source(%dma_start3A_112 : memref<1238x8xf32, #tpu.memory_space<vmem_shared>>) target(%arg15 : memref<1238x8xf32, #tpu.memory_space<vmem>>) target_semaphore(%arg17 : memref<!tpu.dma_semaphore, #tpu.memory_space<semaphore_mem>>)
          %mul3A_113 = arith.constant 1238 : i32
          %mul3A_114 = arith.muli %mul3A_103, %mul3A_113 : i32
          %add3A_115 = arith.addi %mul3A_2, %mul3A_114 : i32
          %dma_wait3A_116 = arith.constant 0 : i32
          %dma_wait3A_117 = tpu.memref_slice %arg8[%add3A_115, %dma_wait3A_116] : memref<158464x8xf32, #tpu.memory_space<vmem_shared>> -> memref<1238x8xf32, #tpu.memory_space<vmem_shared>>
          %dma_wait3A_118 = arith.constant 0 : i32
          %dma_wait3A_119 = tpu.memref_slice %arg8[%add3A_115, %dma_wait3A_118] : memref<158464x8xf32, #tpu.memory_space<vmem_shared>> -> memref<1238x8xf32, #tpu.memory_space<vmem_shared>>
          tpu.wait_dma2 semaphore(%arg16 : memref<!tpu.dma_semaphore, #tpu.memory_space<semaphore_mem>>) src(%dma_wait3A_119 : memref<1238x8xf32, #tpu.memory_space<vmem_shared>>) dst(%arg14 : memref<1238x8xf32, #tpu.memory_space<vmem>>)
          %mul3A_120 = arith.constant 1238 : i32
          %mul3A_121 = arith.muli %mul3A_103, %mul3A_120 : i32
          %add3A_122 = arith.addi %mul3A_2, %mul3A_121 : i32
          "tpu.region"() ({
            %run_scoped3A = tpu.sem_alloc : memref<!tpu.dma_semaphore, #tpu.memory_space<semaphore_mem>>
            %dma_start3A_146 = tpu.memref_slice %arg6[%select_n3A, %add3A_122, %mul3A_48] : memref<2x158464x128xf32, #tpu.memory_space<hbm>> -> memref<1x1238x8xf32, #tpu.memory_space<hbm>>
            %dma_start3A_147 = tpu.memref_squeeze %dma_start3A_146 : memref<1x1238x8xf32, #tpu.memory_space<hbm>> -> memref<1238x8xf32, #tpu.memory_space<hbm>>
            %dma_start3A_148 = tpu.memref_slice %arg6[%select_n3A, %add3A_122, %mul3A_48] : memref<2x158464x128xf32, #tpu.memory_space<hbm>> -> memref<1x1238x8xf32, #tpu.memory_space<hbm>>
            %dma_start3A_149 = tpu.memref_squeeze %dma_start3A_148 : memref<1x1238x8xf32, #tpu.memory_space<hbm>> -> memref<1238x8xf32, #tpu.memory_space<hbm>>
            tpu.enqueue_dma source(%arg14 : memref<1238x8xf32, #tpu.memory_space<vmem>>) target(%dma_start3A_149 : memref<1238x8xf32, #tpu.memory_space<hbm>>) target_semaphore(%run_scoped3A : memref<!tpu.dma_semaphore, #tpu.memory_space<semaphore_mem>>)
            %dma_wait3A_150 = tpu.memref_slice %arg6[%select_n3A, %add3A_122, %mul3A_48] : memref<2x158464x128xf32, #tpu.memory_space<hbm>> -> memref<1x1238x8xf32, #tpu.memory_space<hbm>>
            %dma_wait3A_151 = tpu.memref_squeeze %dma_wait3A_150 : memref<1x1238x8xf32, #tpu.memory_space<hbm>> -> memref<1238x8xf32, #tpu.memory_space<hbm>>
            %dma_wait3A_152 = tpu.memref_slice %arg6[%select_n3A, %add3A_122, %mul3A_48] : memref<2x158464x128xf32, #tpu.memory_space<hbm>> -> memref<1x1238x8xf32, #tpu.memory_space<hbm>>
            %dma_wait3A_153 = tpu.memref_squeeze %dma_wait3A_152 : memref<1x1238x8xf32, #tpu.memory_space<hbm>> -> memref<1238x8xf32, #tpu.memory_space<hbm>>
            tpu.wait_dma2 semaphore(%run_scoped3A : memref<!tpu.dma_semaphore, #tpu.memory_space<semaphore_mem>>) src(%arg14 : memref<1238x8xf32, #tpu.memory_space<vmem>>) dst(%dma_wait3A_153 : memref<1238x8xf32, #tpu.memory_space<hbm>>)
            tpu.yield
          }) : () -> ()
          %add3A_123 = arith.constant 2 : i32
          %add3A_124 = arith.addi %mul3A_103, %add3A_123 : i32
          %mul3A_125 = arith.constant 1238 : i32
          %mul3A_126 = arith.muli %add3A_124, %mul3A_125 : i32
          %add3A_127 = arith.addi %mul3A_2, %mul3A_126 : i32
          %dma_start3A_128 = arith.constant 0 : i32
          %dma_start3A_129 = tpu.memref_slice %arg8[%add3A_127, %dma_start3A_128] : memref<158464x8xf32, #tpu.memory_space<vmem_shared>> -> memref<1238x8xf32, #tpu.memory_space<vmem_shared>>
          %dma_start3A_130 = arith.constant 0 : i32
          %dma_start3A_131 = tpu.memref_slice %arg8[%add3A_127, %dma_start3A_130] : memref<158464x8xf32, #tpu.memory_space<vmem_shared>> -> memref<1238x8xf32, #tpu.memory_space<vmem_shared>>
          tpu.enqueue_dma source(%dma_start3A_131 : memref<1238x8xf32, #tpu.memory_space<vmem_shared>>) target(%arg14 : memref<1238x8xf32, #tpu.memory_space<vmem>>) target_semaphore(%arg16 : memref<!tpu.dma_semaphore, #tpu.memory_space<semaphore_mem>>)
          %add3A_132 = arith.constant 1 : i32
          %add3A_133 = arith.addi %mul3A_103, %add3A_132 : i32
          %mul3A_134 = arith.constant 1238 : i32
          %mul3A_135 = arith.muli %add3A_133, %mul3A_134 : i32
          %add3A_136 = arith.addi %mul3A_2, %mul3A_135 : i32
          %dma_wait3A_137 = arith.constant 0 : i32
          %dma_wait3A_138 = tpu.memref_slice %arg8[%add3A_136, %dma_wait3A_137] : memref<158464x8xf32, #tpu.memory_space<vmem_shared>> -> memref<1238x8xf32, #tpu.memory_space<vmem_shared>>
          %dma_wait3A_139 = arith.constant 0 : i32
          %dma_wait3A_140 = tpu.memref_slice %arg8[%add3A_136, %dma_wait3A_139] : memref<158464x8xf32, #tpu.memory_space<vmem_shared>> -> memref<1238x8xf32, #tpu.memory_space<vmem_shared>>
          tpu.wait_dma2 semaphore(%arg17 : memref<!tpu.dma_semaphore, #tpu.memory_space<semaphore_mem>>) src(%dma_wait3A_140 : memref<1238x8xf32, #tpu.memory_space<vmem_shared>>) dst(%arg15 : memref<1238x8xf32, #tpu.memory_space<vmem>>)
          %add3A_141 = arith.constant 1 : i32
          %add3A_142 = arith.addi %mul3A_103, %add3A_141 : i32
          %mul3A_143 = arith.constant 1238 : i32
          %mul3A_144 = arith.muli %add3A_142, %mul3A_143 : i32
          %add3A_145 = arith.addi %mul3A_2, %mul3A_144 : i32
          "tpu.region"() ({
            %run_scoped3A = tpu.sem_alloc : memref<!tpu.dma_semaphore, #tpu.memory_space<semaphore_mem>>
            %dma_start3A_146 = tpu.memref_slice %arg6[%select_n3A, %add3A_145, %mul3A_48] : memref<2x158464x128xf32, #tpu.memory_space<hbm>> -> memref<1x1238x8xf32, #tpu.memory_space<hbm>>
            %dma_start3A_147 = tpu.memref_squeeze %dma_start3A_146 : memref<1x1238x8xf32, #tpu.memory_space<hbm>> -> memref<1238x8xf32, #tpu.memory_space<hbm>>
            %dma_start3A_148 = tpu.memref_slice %arg6[%select_n3A, %add3A_145, %mul3A_48] : memref<2x158464x128xf32, #tpu.memory_space<hbm>> -> memref<1x1238x8xf32, #tpu.memory_space<hbm>>
            %dma_start3A_149 = tpu.memref_squeeze %dma_start3A_148 : memref<1x1238x8xf32, #tpu.memory_space<hbm>> -> memref<1238x8xf32, #tpu.memory_space<hbm>>
            tpu.enqueue_dma source(%arg15 : memref<1238x8xf32, #tpu.memory_space<vmem>>) target(%dma_start3A_149 : memref<1238x8xf32, #tpu.memory_space<hbm>>) target_semaphore(%run_scoped3A : memref<!tpu.dma_semaphore, #tpu.memory_space<semaphore_mem>>)
            %dma_wait3A_150 = tpu.memref_slice %arg6[%select_n3A, %add3A_145, %mul3A_48] : memref<2x158464x128xf32, #tpu.memory_space<hbm>> -> memref<1x1238x8xf32, #tpu.memory_space<hbm>>
            %dma_wait3A_151 = tpu.memref_squeeze %dma_wait3A_150 : memref<1x1238x8xf32, #tpu.memory_space<hbm>> -> memref<1238x8xf32, #tpu.memory_space<hbm>>
            %dma_wait3A_152 = tpu.memref_slice %arg6[%select_n3A, %add3A_145, %mul3A_48] : memref<2x158464x128xf32, #tpu.memory_space<hbm>> -> memref<1x1238x8xf32, #tpu.memory_space<hbm>>
            %dma_wait3A_153 = tpu.memref_squeeze %dma_wait3A_152 : memref<1x1238x8xf32, #tpu.memory_space<hbm>> -> memref<1238x8xf32, #tpu.memory_space<hbm>>
            tpu.wait_dma2 semaphore(%run_scoped3A : memref<!tpu.dma_semaphore, #tpu.memory_space<semaphore_mem>>) src(%arg15 : memref<1238x8xf32, #tpu.memory_space<vmem>>) dst(%dma_wait3A_153 : memref<1238x8xf32, #tpu.memory_space<hbm>>)
            tpu.yield
          }) : () -> ()
        }
        %scan3A_79 = arith.constant 3 : i32
        %add3A_80 = arith.constant 8666 : i32
        %add3A_81 = arith.addi %mul3A_2, %add3A_80 : i32
        %dma_start3A_82 = arith.constant 0 : i32
        %dma_start3A_83 = tpu.memref_slice %arg8[%add3A_81, %dma_start3A_82] : memref<158464x8xf32, #tpu.memory_space<vmem_shared>> -> memref<1238x8xf32, #tpu.memory_space<vmem_shared>>
        %dma_start3A_84 = arith.constant 0 : i32
        %dma_start3A_85 = tpu.memref_slice %arg8[%add3A_81, %dma_start3A_84] : memref<158464x8xf32, #tpu.memory_space<vmem_shared>> -> memref<1238x8xf32, #tpu.memory_space<vmem_shared>>
        tpu.enqueue_dma source(%dma_start3A_85 : memref<1238x8xf32, #tpu.memory_space<vmem_shared>>) target(%arg15 : memref<1238x8xf32, #tpu.memory_space<vmem>>) target_semaphore(%arg17 : memref<!tpu.dma_semaphore, #tpu.memory_space<semaphore_mem>>)
        %add3A_86 = arith.constant 7428 : i32
        %add3A_87 = arith.addi %mul3A_2, %add3A_86 : i32
        %dma_wait3A = arith.constant 0 : i32
        %dma_wait3A_88 = tpu.memref_slice %arg8[%add3A_87, %dma_wait3A] : memref<158464x8xf32, #tpu.memory_space<vmem_shared>> -> memref<1238x8xf32, #tpu.memory_space<vmem_shared>>
        %dma_wait3A_89 = arith.constant 0 : i32
        %dma_wait3A_90 = tpu.memref_slice %arg8[%add3A_87, %dma_wait3A_89] : memref<158464x8xf32, #tpu.memory_space<vmem_shared>> -> memref<1238x8xf32, #tpu.memory_space<vmem_shared>>
        tpu.wait_dma2 semaphore(%arg16 : memref<!tpu.dma_semaphore, #tpu.memory_space<semaphore_mem>>) src(%dma_wait3A_90 : memref<1238x8xf32, #tpu.memory_space<vmem_shared>>) dst(%arg14 : memref<1238x8xf32, #tpu.memory_space<vmem>>)
        %add3A_91 = arith.constant 7428 : i32
        %add3A_92 = arith.addi %mul3A_2, %add3A_91 : i32
        "tpu.region"() ({
          %run_scoped3A = tpu.sem_alloc : memref<!tpu.dma_semaphore, #tpu.memory_space<semaphore_mem>>
          %dma_start3A_101 = tpu.memref_slice %arg6[%select_n3A, %add3A_92, %mul3A_48] : memref<2x158464x128xf32, #tpu.memory_space<hbm>> -> memref<1x1238x8xf32, #tpu.memory_space<hbm>>
          %dma_start3A_102 = tpu.memref_squeeze %dma_start3A_101 : memref<1x1238x8xf32, #tpu.memory_space<hbm>> -> memref<1238x8xf32, #tpu.memory_space<hbm>>
          %dma_start3A_103 = tpu.memref_slice %arg6[%select_n3A, %add3A_92, %mul3A_48] : memref<2x158464x128xf32, #tpu.memory_space<hbm>> -> memref<1x1238x8xf32, #tpu.memory_space<hbm>>
          %dma_start3A_104 = tpu.memref_squeeze %dma_start3A_103 : memref<1x1238x8xf32, #tpu.memory_space<hbm>> -> memref<1238x8xf32, #tpu.memory_space<hbm>>
          tpu.enqueue_dma source(%arg14 : memref<1238x8xf32, #tpu.memory_space<vmem>>) target(%dma_start3A_104 : memref<1238x8xf32, #tpu.memory_space<hbm>>) target_semaphore(%run_scoped3A : memref<!tpu.dma_semaphore, #tpu.memory_space<semaphore_mem>>)
          %dma_wait3A_105 = tpu.memref_slice %arg6[%select_n3A, %add3A_92, %mul3A_48] : memref<2x158464x128xf32, #tpu.memory_space<hbm>> -> memref<1x1238x8xf32, #tpu.memory_space<hbm>>
          %dma_wait3A_106 = tpu.memref_squeeze %dma_wait3A_105 : memref<1x1238x8xf32, #tpu.memory_space<hbm>> -> memref<1238x8xf32, #tpu.memory_space<hbm>>
          %dma_wait3A_107 = tpu.memref_slice %arg6[%select_n3A, %add3A_92, %mul3A_48] : memref<2x158464x128xf32, #tpu.memory_space<hbm>> -> memref<1x1238x8xf32, #tpu.memory_space<hbm>>
          %dma_wait3A_108 = tpu.memref_squeeze %dma_wait3A_107 : memref<1x1238x8xf32, #tpu.memory_space<hbm>> -> memref<1238x8xf32, #tpu.memory_space<hbm>>
          tpu.wait_dma2 semaphore(%run_scoped3A : memref<!tpu.dma_semaphore, #tpu.memory_space<semaphore_mem>>) src(%arg14 : memref<1238x8xf32, #tpu.memory_space<vmem>>) dst(%dma_wait3A_108 : memref<1238x8xf32, #tpu.memory_space<hbm>>)
          tpu.yield
        }) : () -> ()
        %add3A_93 = arith.constant 8666 : i32
        %add3A_94 = arith.addi %mul3A_2, %add3A_93 : i32
        %dma_wait3A_95 = arith.constant 0 : i32
        %dma_wait3A_96 = tpu.memref_slice %arg8[%add3A_94, %dma_wait3A_95] : memref<158464x8xf32, #tpu.memory_space<vmem_shared>> -> memref<1238x8xf32, #tpu.memory_space<vmem_shared>>
        %dma_wait3A_97 = arith.constant 0 : i32
        %dma_wait3A_98 = tpu.memref_slice %arg8[%add3A_94, %dma_wait3A_97] : memref<158464x8xf32, #tpu.memory_space<vmem_shared>> -> memref<1238x8xf32, #tpu.memory_space<vmem_shared>>
        tpu.wait_dma2 semaphore(%arg17 : memref<!tpu.dma_semaphore, #tpu.memory_space<semaphore_mem>>) src(%dma_wait3A_98 : memref<1238x8xf32, #tpu.memory_space<vmem_shared>>) dst(%arg15 : memref<1238x8xf32, #tpu.memory_space<vmem>>)
        %add3A_99 = arith.constant 8666 : i32
        %add3A_100 = arith.addi %mul3A_2, %add3A_99 : i32
        "tpu.region"() ({
          %run_scoped3A = tpu.sem_alloc : memref<!tpu.dma_semaphore, #tpu.memory_space<semaphore_mem>>
          %dma_start3A_101 = tpu.memref_slice %arg6[%select_n3A, %add3A_100, %mul3A_48] : memref<2x158464x128xf32, #tpu.memory_space<hbm>> -> memref<1x1238x8xf32, #tpu.memory_space<hbm>>
          %dma_start3A_102 = tpu.memref_squeeze %dma_start3A_101 : memref<1x1238x8xf32, #tpu.memory_space<hbm>> -> memref<1238x8xf32, #tpu.memory_space<hbm>>
          %dma_start3A_103 = tpu.memref_slice %arg6[%select_n3A, %add3A_100, %mul3A_48] : memref<2x158464x128xf32, #tpu.memory_space<hbm>> -> memref<1x1238x8xf32, #tpu.memory_space<hbm>>
          %dma_start3A_104 = tpu.memref_squeeze %dma_start3A_103 : memref<1x1238x8xf32, #tpu.memory_space<hbm>> -> memref<1238x8xf32, #tpu.memory_space<hbm>>
          tpu.enqueue_dma source(%arg15 : memref<1238x8xf32, #tpu.memory_space<vmem>>) target(%dma_start3A_104 : memref<1238x8xf32, #tpu.memory_space<hbm>>) target_semaphore(%run_scoped3A : memref<!tpu.dma_semaphore, #tpu.memory_space<semaphore_mem>>)
          %dma_wait3A_105 = tpu.memref_slice %arg6[%select_n3A, %add3A_100, %mul3A_48] : memref<2x158464x128xf32, #tpu.memory_space<hbm>> -> memref<1x1238x8xf32, #tpu.memory_space<hbm>>
          %dma_wait3A_106 = tpu.memref_squeeze %dma_wait3A_105 : memref<1x1238x8xf32, #tpu.memory_space<hbm>> -> memref<1238x8xf32, #tpu.memory_space<hbm>>
          %dma_wait3A_107 = tpu.memref_slice %arg6[%select_n3A, %add3A_100, %mul3A_48] : memref<2x158464x128xf32, #tpu.memory_space<hbm>> -> memref<1x1238x8xf32, #tpu.memory_space<hbm>>
          %dma_wait3A_108 = tpu.memref_squeeze %dma_wait3A_107 : memref<1x1238x8xf32, #tpu.memory_space<hbm>> -> memref<1238x8xf32, #tpu.memory_space<hbm>>
          tpu.wait_dma2 semaphore(%run_scoped3A : memref<!tpu.dma_semaphore, #tpu.memory_space<semaphore_mem>>) src(%arg15 : memref<1238x8xf32, #tpu.memory_space<vmem>>) dst(%dma_wait3A_108 : memref<1238x8xf32, #tpu.memory_space<hbm>>)
          tpu.yield
        }) : () -> ()
      } else {
      }
      %convert_element_type3A_65 = arith.extui %eq3A_14 : i1 to i32
      %cond3A_66 = arith.constant 0 : i32
      %cond3A_67 = arith.cmpi ne, %convert_element_type3A_65, %cond3A_66 : i32
      scf.if %cond3A_67 {
        %add3A_69 = arith.constant 0 : i32
        %add3A_70 = arith.addi %mul3A_2, %add3A_69 : i32
        %dma_start3A = arith.constant 0 : i32
        %dma_start3A_71 = tpu.memref_slice %arg8[%add3A_70, %dma_start3A] : memref<158464x8xf32, #tpu.memory_space<vmem_shared>> -> memref<1238x8xf32, #tpu.memory_space<vmem_shared>>
        %dma_start3A_72 = arith.constant 0 : i32
        %dma_start3A_73 = tpu.memref_slice %arg8[%add3A_70, %dma_start3A_72] : memref<158464x8xf32, #tpu.memory_space<vmem_shared>> -> memref<1238x8xf32, #tpu.memory_space<vmem_shared>>
        tpu.enqueue_dma source(%dma_start3A_73 : memref<1238x8xf32, #tpu.memory_space<vmem_shared>>) target(%arg14 : memref<1238x8xf32, #tpu.memory_space<vmem>>) target_semaphore(%arg16 : memref<!tpu.dma_semaphore, #tpu.memory_space<semaphore_mem>>)
        %scan3A_74 = arith.constant 0 : i32
        %scan3A_75 = arith.constant 0 : i32
        %scan3A_76 = arith.constant 8 : i32
        %scan3A_77 = arith.addi %scan3A_75, %scan3A_76 : i32
        %scan3A_78 = arith.constant 1 : i32
        scf.for %scan3A_80 = %scan3A_75 to %scan3A_77 step %scan3A_78  : i32 {
          %mul3A_81 = arith.constant 1238 : i32
          %mul3A_82 = arith.muli %scan3A_80, %mul3A_81 : i32
          %add3A_83 = arith.addi %mul3A_2, %mul3A_82 : i32
          %dma_wait3A = arith.constant 0 : i32
          %dma_wait3A_84 = tpu.memref_slice %arg8[%add3A_83, %dma_wait3A] : memref<158464x8xf32, #tpu.memory_space<vmem_shared>> -> memref<1238x8xf32, #tpu.memory_space<vmem_shared>>
          %dma_wait3A_85 = arith.constant 0 : i32
          %dma_wait3A_86 = tpu.memref_slice %arg8[%add3A_83, %dma_wait3A_85] : memref<158464x8xf32, #tpu.memory_space<vmem_shared>> -> memref<1238x8xf32, #tpu.memory_space<vmem_shared>>
          tpu.wait_dma2 semaphore(%arg16 : memref<!tpu.dma_semaphore, #tpu.memory_space<semaphore_mem>>) src(%dma_wait3A_86 : memref<1238x8xf32, #tpu.memory_space<vmem_shared>>) dst(%arg14 : memref<1238x8xf32, #tpu.memory_space<vmem>>)
          %mul3A_87 = arith.constant 1238 : i32
          %mul3A_88 = arith.muli %scan3A_80, %mul3A_87 : i32
          %add3A_89 = arith.addi %mul3A_2, %mul3A_88 : i32
          "tpu.region"() ({
            %run_scoped3A = tpu.sem_alloc : memref<!tpu.dma_semaphore, #tpu.memory_space<semaphore_mem>>
            %dma_start3A_95 = arith.constant 0 : i32
            %dma_start3A_96 = tpu.memref_slice %arg7[%add3A_89, %dma_start3A_95] : memref<158464x8xf32, #tpu.memory_space<hbm>> -> memref<1238x8xf32, #tpu.memory_space<hbm>>
            %dma_start3A_97 = arith.constant 0 : i32
            %dma_start3A_98 = tpu.memref_slice %arg7[%add3A_89, %dma_start3A_97] : memref<158464x8xf32, #tpu.memory_space<hbm>> -> memref<1238x8xf32, #tpu.memory_space<hbm>>
            tpu.enqueue_dma source(%arg14 : memref<1238x8xf32, #tpu.memory_space<vmem>>) target(%dma_start3A_98 : memref<1238x8xf32, #tpu.memory_space<hbm>>) target_semaphore(%run_scoped3A : memref<!tpu.dma_semaphore, #tpu.memory_space<semaphore_mem>>)
            %dma_wait3A_99 = arith.constant 0 : i32
            %dma_wait3A_100 = tpu.memref_slice %arg7[%add3A_89, %dma_wait3A_99] : memref<158464x8xf32, #tpu.memory_space<hbm>> -> memref<1238x8xf32, #tpu.memory_space<hbm>>
            %dma_wait3A_101 = arith.constant 0 : i32
            %dma_wait3A_102 = tpu.memref_slice %arg7[%add3A_89, %dma_wait3A_101] : memref<158464x8xf32, #tpu.memory_space<hbm>> -> memref<1238x8xf32, #tpu.memory_space<hbm>>
            tpu.wait_dma2 semaphore(%run_scoped3A : memref<!tpu.dma_semaphore, #tpu.memory_space<semaphore_mem>>) src(%arg14 : memref<1238x8xf32, #tpu.memory_space<vmem>>) dst(%dma_wait3A_102 : memref<1238x8xf32, #tpu.memory_space<hbm>>)
            tpu.yield
          }) : () -> ()
          %lt3A_90 = arith.constant 7 : i32
          %lt3A_91 = arith.cmpi slt, %scan3A_80, %lt3A_90 : i32
          %convert_element_type3A_92 = arith.extui %lt3A_91 : i1 to i32
          %cond3A_93 = arith.constant 0 : i32
          %cond3A_94 = arith.cmpi ne, %convert_element_type3A_92, %cond3A_93 : i32
          scf.if %cond3A_94 {
            %add3A_95 = arith.constant 1 : i32
            %add3A_96 = arith.addi %scan3A_80, %add3A_95 : i32
            %mul3A_97 = arith.constant 1238 : i32
            %mul3A_98 = arith.muli %add3A_96, %mul3A_97 : i32
            %add3A_99 = arith.addi %mul3A_2, %mul3A_98 : i32
            %dma_start3A_100 = arith.constant 0 : i32
            %dma_start3A_101 = tpu.memref_slice %arg8[%add3A_99, %dma_start3A_100] : memref<158464x8xf32, #tpu.memory_space<vmem_shared>> -> memref<1238x8xf32, #tpu.memory_space<vmem_shared>>
            %dma_start3A_102 = arith.constant 0 : i32
            %dma_start3A_103 = tpu.memref_slice %arg8[%add3A_99, %dma_start3A_102] : memref<158464x8xf32, #tpu.memory_space<vmem_shared>> -> memref<1238x8xf32, #tpu.memory_space<vmem_shared>>
            tpu.enqueue_dma source(%dma_start3A_103 : memref<1238x8xf32, #tpu.memory_space<vmem_shared>>) target(%arg14 : memref<1238x8xf32, #tpu.memory_space<vmem>>) target_semaphore(%arg16 : memref<!tpu.dma_semaphore, #tpu.memory_space<semaphore_mem>>)
          } else {
          }
        }
        %scan3A_79 = arith.constant 8 : i32
      } else {
      }
      %barrier3A_68 = arith.constant 0 : index
      tpu.barrier barrier_id(%barrier3A_68)
    }
    %scan3A_9 = arith.constant 17 : i32
    return
  }
}

module attributes {stable_mosaic.version = 14 : i64} {
  func.func @_k1_body(%arg0: i32, %arg1: memref<1024x128xf32, #tpu.memory_space<vmem>>, %arg2: memref<4x1024xf32, #tpu.memory_space<vmem>>, %arg3: memref<1x1xf32, #tpu.memory_space<vmem>>, %arg4: memref<128x128xf32, #tpu.memory_space<vmem>>, %arg5: memref<1x128xf32, #tpu.memory_space<vmem>>, %arg6: memref<1x128xf32, #tpu.memory_space<vmem>>, %arg7: memref<4x128xf32, #tpu.memory_space<vmem>>, %arg8: memref<2x1024x128xf32, #tpu.memory_space<vmem>>, %arg9: memref<8x128xi32, #tpu.memory_space<vmem>>) attributes {dimension_semantics = [#tpu.dimension_semantics<arbitrary>], iteration_bounds = array<i64: 98>, scalar_prefetch = 0 : i64, scratch_operands = 0 : i64, tpu.core_type = #tpu.core_type<tc>, window_params = [{transform_indices = @transform_0, window_bounds = array<i64: 1024, 128>}, {transform_indices = @transform_1, window_bounds = array<i64: 4, 1024>}, {pipeline_mode = #tpu.pipeline_mode<synchronous>, transform_indices = @transform_2, window_bounds = array<i64: 1, 1>}, {pipeline_mode = #tpu.pipeline_mode<synchronous>, transform_indices = @transform_3, window_bounds = array<i64: 128, 128>}, {pipeline_mode = #tpu.pipeline_mode<synchronous>, transform_indices = @transform_4, window_bounds = array<i64: 1, 128>}, {pipeline_mode = #tpu.pipeline_mode<synchronous>, transform_indices = @transform_5, window_bounds = array<i64: 1, 128>}, {pipeline_mode = #tpu.pipeline_mode<synchronous>, transform_indices = @transform_6, window_bounds = array<i64: 4, 128>}, {transform_indices = @transform_7, window_bounds = array<i64: 2, 1024, 128>}, {transform_indices = @transform_8, window_bounds = array<i64: 8, 128>}]} {
    %get3A = arith.constant 0 : index
    %get3A_0 = arith.constant 0 : index
    %get3A_1 = vector.load %arg1[%get3A, %get3A_0] : memref<1024x128xf32, #tpu.memory_space<vmem>>, vector<1024x128xf32>
    %get3A_2 = arith.constant 0 : index
    %get3A_3 = arith.constant 0 : index
    %get3A_4 = vector.load %arg4[%get3A_2, %get3A_3] : memref<128x128xf32, #tpu.memory_space<vmem>>, vector<128x128xf32>
    %dot_general3A = arith.constant dense<0.000000e+00> : vector<1024x128xf32>
    %dot_general3A_5 = tpu.matmul %get3A_1, %get3A_4, %dot_general3A {dimension_numbers = #tpu.dot_dimension_numbers<[1], [0], [0], [1], [0, 0, 1, 1], [], []>, transpose_lhs_hint = false} : vector<1024x128xf32>, vector<128x128xf32>, vector<1024x128xf32> -> vector<1024x128xf32>
    %reduce_sum3A = arith.constant dense<0.000000e+00> : vector<1024xf32>
    %reduce_sum3A_6 = vector.multi_reduction <add>, %dot_general3A_5, %reduce_sum3A [1] : vector<1024x128xf32> to vector<1024xf32>
    %broadcast_in_dim3A = vector.shape_cast %reduce_sum3A_6 : vector<1024xf32> to vector<1024x1xf32>
    %div3A = arith.constant 1.280000e+02 : f32
    %div3A_7 = vector.broadcast %div3A : f32 to vector<1024x1xf32>
    %div3A_8 = arith.divf %broadcast_in_dim3A, %div3A_7 : vector<1024x1xf32>
    %sub3A = vector.broadcast %div3A_8 : vector<1024x1xf32> to vector<1024x128xf32>
    %sub3A_9 = arith.subf %dot_general3A_5, %sub3A : vector<1024x128xf32>
    %mul3A = arith.mulf %sub3A_9, %sub3A_9 : vector<1024x128xf32>
    %reduce_sum3A_10 = arith.constant dense<0.000000e+00> : vector<1024xf32>
    %reduce_sum3A_11 = vector.multi_reduction <add>, %mul3A, %reduce_sum3A_10 [1] : vector<1024x128xf32> to vector<1024xf32>
    %broadcast_in_dim3A_12 = vector.shape_cast %reduce_sum3A_11 : vector<1024xf32> to vector<1024x1xf32>
    %div3A_13 = arith.constant 1.280000e+02 : f32
    %div3A_14 = vector.broadcast %div3A_13 : f32 to vector<1024x1xf32>
    %div3A_15 = arith.divf %broadcast_in_dim3A_12, %div3A_14 : vector<1024x1xf32>
    %add3A = arith.constant 9.99999997E-7 : f32
    %add3A_16 = vector.broadcast %add3A : f32 to vector<1024x1xf32>
    %add3A_17 = arith.addf %div3A_15, %add3A_16 : vector<1024x1xf32>
    %rsqrt3A = math.rsqrt %add3A_17 : vector<1024x1xf32>
    %mul3A_18 = vector.broadcast %rsqrt3A : vector<1024x1xf32> to vector<1024x128xf32>
    %mul3A_19 = arith.mulf %sub3A_9, %mul3A_18 : vector<1024x128xf32>
    %get3A_20 = arith.constant 0 : index
    %get3A_21 = arith.constant 0 : index
    %get3A_22 = vector.load %arg5[%get3A_20, %get3A_21] : memref<1x128xf32, #tpu.memory_space<vmem>>, vector<1x128xf32>
    %mul3A_23 = vector.broadcast %get3A_22 : vector<1x128xf32> to vector<1024x128xf32>
    %mul3A_24 = arith.mulf %mul3A_19, %mul3A_23 : vector<1024x128xf32>
    %get3A_25 = arith.constant 0 : index
    %get3A_26 = arith.constant 0 : index
    %get3A_27 = vector.load %arg6[%get3A_25, %get3A_26] : memref<1x128xf32, #tpu.memory_space<vmem>>, vector<1x128xf32>
    %add3A_28 = vector.broadcast %get3A_27 : vector<1x128xf32> to vector<1024x128xf32>
    %add3A_29 = arith.addf %mul3A_24, %add3A_28 : vector<1024x128xf32>
    %get3A_30 = arith.constant 0 : index
    %get3A_31 = arith.constant 0 : index
    %get3A_32 = vector.load %arg2[%get3A_30, %get3A_31] : memref<4x1024xf32, #tpu.memory_space<vmem>>, vector<4x1024xf32>
    %get3A_33 = arith.constant 0 : index
    %get3A_34 = arith.constant 0 : index
    %get3A_35 = vector.load %arg7[%get3A_33, %get3A_34] : memref<4x128xf32, #tpu.memory_space<vmem>>, vector<4x128xf32>
    %dot_general3A_36 = arith.constant dense<0.000000e+00> : vector<1024x128xf32>
    %dot_general3A_37 = tpu.matmul %get3A_32, %get3A_35, %dot_general3A_36 {dimension_numbers = #tpu.dot_dimension_numbers<[0], [0], [1], [1], [0, 1, 1, 1], [], []>, transpose_lhs_hint = false} : vector<4x1024xf32>, vector<4x128xf32>, vector<1024x128xf32> -> vector<1024x128xf32>
    %mul3A_38 = arith.constant 0.318309873 : f32
    %mul3A_39 = vector.broadcast %mul3A_38 : f32 to vector<1024x128xf32>
    %mul3A_40 = arith.mulf %dot_general3A_37, %mul3A_39 : vector<1024x128xf32>
    %add3A_41 = arith.constant 5.000000e-01 : f32
    %add3A_42 = vector.broadcast %add3A_41 : f32 to vector<1024x128xf32>
    %add3A_43 = arith.addf %mul3A_40, %add3A_42 : vector<1024x128xf32>
    %floor3A = math.floor %add3A_43 : vector<1024x128xf32>
    %mul3A_44 = arith.constant 3.14159274 : f32
    %mul3A_45 = vector.broadcast %mul3A_44 : f32 to vector<1024x128xf32>
    %mul3A_46 = arith.mulf %floor3A, %mul3A_45 : vector<1024x128xf32>
    %sub3A_47 = arith.subf %dot_general3A_37, %mul3A_46 : vector<1024x128xf32>
    %mul3A_48 = arith.constant -8.74227765E-8 : f32
    %mul3A_49 = vector.broadcast %mul3A_48 : f32 to vector<1024x128xf32>
    %mul3A_50 = arith.mulf %floor3A, %mul3A_49 : vector<1024x128xf32>
    %sub3A_51 = arith.subf %sub3A_47, %mul3A_50 : vector<1024x128xf32>
    %mul3A_52 = arith.constant 5.000000e-01 : f32
    %mul3A_53 = vector.broadcast %mul3A_52 : f32 to vector<1024x128xf32>
    %mul3A_54 = arith.mulf %mul3A_53, %floor3A : vector<1024x128xf32>
    %floor3A_55 = math.floor %mul3A_54 : vector<1024x128xf32>
    %mul3A_56 = arith.constant 2.000000e+00 : f32
    %mul3A_57 = vector.broadcast %mul3A_56 : f32 to vector<1024x128xf32>
    %mul3A_58 = arith.mulf %mul3A_57, %floor3A_55 : vector<1024x128xf32>
    %sub3A_59 = arith.subf %floor3A, %mul3A_58 : vector<1024x128xf32>
    %mul3A_60 = arith.constant 2.000000e+00 : f32
    %mul3A_61 = vector.broadcast %mul3A_60 : f32 to vector<1024x128xf32>
    %mul3A_62 = arith.mulf %mul3A_61, %sub3A_59 : vector<1024x128xf32>
    %sub3A_63 = arith.constant 1.000000e+00 : f32
    %sub3A_64 = vector.broadcast %sub3A_63 : f32 to vector<1024x128xf32>
    %sub3A_65 = arith.subf %sub3A_64, %mul3A_62 : vector<1024x128xf32>
    %mul3A_66 = arith.mulf %sub3A_51, %sub3A_51 : vector<1024x128xf32>
    %mul3A_67 = arith.constant 2.61290029E-6 : f32
    %mul3A_68 = vector.broadcast %mul3A_67 : f32 to vector<1024x128xf32>
    %mul3A_69 = arith.mulf %mul3A_68, %mul3A_66 : vector<1024x128xf32>
    %add3A_70 = arith.constant -1.9812485E-4 : f32
    %add3A_71 = vector.broadcast %add3A_70 : f32 to vector<1024x128xf32>
    %add3A_72 = arith.addf %mul3A_69, %add3A_71 : vector<1024x128xf32>
    %mul3A_73 = arith.mulf %add3A_72, %mul3A_66 : vector<1024x128xf32>
    %add3A_74 = arith.constant 0.00833309721 : f32
    %add3A_75 = vector.broadcast %add3A_74 : f32 to vector<1024x128xf32>
    %add3A_76 = arith.addf %mul3A_73, %add3A_75 : vector<1024x128xf32>
    %mul3A_77 = arith.mulf %add3A_76, %mul3A_66 : vector<1024x128xf32>
    %add3A_78 = arith.constant -0.166666597 : f32
    %add3A_79 = vector.broadcast %add3A_78 : f32 to vector<1024x128xf32>
    %add3A_80 = arith.addf %mul3A_77, %add3A_79 : vector<1024x128xf32>
    %mul3A_81 = arith.mulf %add3A_80, %mul3A_66 : vector<1024x128xf32>
    %add3A_82 = arith.constant 1.000000e+00 : f32
    %add3A_83 = vector.broadcast %add3A_82 : f32 to vector<1024x128xf32>
    %add3A_84 = arith.addf %mul3A_81, %add3A_83 : vector<1024x128xf32>
    %mul3A_85 = arith.mulf %add3A_84, %sub3A_51 : vector<1024x128xf32>
    %mul3A_86 = arith.constant -2.61149495E-7 : f32
    %mul3A_87 = vector.broadcast %mul3A_86 : f32 to vector<1024x128xf32>
    %mul3A_88 = arith.mulf %mul3A_87, %mul3A_66 : vector<1024x128xf32>
    %add3A_89 = arith.constant 2.47637672E-5 : f32
    %add3A_90 = vector.broadcast %add3A_89 : f32 to vector<1024x128xf32>
    %add3A_91 = arith.addf %mul3A_88, %add3A_90 : vector<1024x128xf32>
    %mul3A_92 = arith.mulf %add3A_91, %mul3A_66 : vector<1024x128xf32>
    %add3A_93 = arith.constant -0.00138884329 : f32
    %add3A_94 = vector.broadcast %add3A_93 : f32 to vector<1024x128xf32>
    %add3A_95 = arith.addf %mul3A_92, %add3A_94 : vector<1024x128xf32>
    %mul3A_96 = arith.mulf %add3A_95, %mul3A_66 : vector<1024x128xf32>
    %add3A_97 = arith.constant 0.0416666418 : f32
    %add3A_98 = vector.broadcast %add3A_97 : f32 to vector<1024x128xf32>
    %add3A_99 = arith.addf %mul3A_96, %add3A_98 : vector<1024x128xf32>
    %mul3A_100 = arith.mulf %add3A_99, %mul3A_66 : vector<1024x128xf32>
    %add3A_101 = arith.constant -5.000000e-01 : f32
    %add3A_102 = vector.broadcast %add3A_101 : f32 to vector<1024x128xf32>
    %add3A_103 = arith.addf %mul3A_100, %add3A_102 : vector<1024x128xf32>
    %mul3A_104 = arith.mulf %add3A_103, %mul3A_66 : vector<1024x128xf32>
    %add3A_105 = arith.constant 1.000000e+00 : f32
    %add3A_106 = vector.broadcast %add3A_105 : f32 to vector<1024x128xf32>
    %add3A_107 = arith.addf %mul3A_104, %add3A_106 : vector<1024x128xf32>
    %mul3A_108 = arith.mulf %sub3A_65, %mul3A_85 : vector<1024x128xf32>
    %mul3A_109 = arith.mulf %sub3A_65, %add3A_107 : vector<1024x128xf32>
    %mul3A_110 = arith.mulf %add3A_29, %mul3A_109 : vector<1024x128xf32>
    %mul3A_111 = arith.mulf %add3A_29, %mul3A_108 : vector<1024x128xf32>
    %stack3A = vector.shape_cast %mul3A_110 : vector<1024x128xf32> to vector<1x1024x128xf32>
    %stack3A_112 = vector.shape_cast %mul3A_111 : vector<1024x128xf32> to vector<1x1024x128xf32>
    %stack3A_113 = tpu.concatenate %stack3A, %stack3A_112 in 0 : vector<1x1024x128xf32>, vector<1x1024x128xf32> -> vector<2x1024x128xf32>
    %swap3A = arith.constant 0 : index
    %swap3A_114 = arith.constant 0 : index
    %swap3A_115 = arith.constant 0 : index
    %swap3A_116 = vector.load %arg8[%swap3A, %swap3A_114, %swap3A_115] : memref<2x1024x128xf32, #tpu.memory_space<vmem>>, vector<2x1024x128xf32>
    tpu.vector_store %arg8[%swap3A, %swap3A_114, %swap3A_115], %stack3A_113 {strides = array<i32>} : memref<2x1024x128xf32, #tpu.memory_space<vmem>>, vector<2x1024x128xf32>,
    %get3A_117 = arith.constant 0 : index
    %get3A_118 = arith.constant 0 : index
    %get3A_119 = vector.load %arg3[%get3A_117, %get3A_118] : memref<1x1xf32, #tpu.memory_space<vmem>>, vector<1x1xf32>
    %get3A_120 = vector.extract %get3A_119[0, 0] : f32 from vector<1x1xf32>
    %slice3A = vector.extract_strided_slice %get3A_32 {offsets = [0, 0], sizes = [1, 1024], strides = [1, 1]} : vector<4x1024xf32> to vector<1x1024xf32>
    %squeeze3A = vector.shape_cast %slice3A : vector<1x1024xf32> to vector<1024xf32>
    %mul3A_121 = vector.broadcast %get3A_120 : f32 to vector<1024xf32>
    %mul3A_122 = arith.mulf %squeeze3A, %mul3A_121 : vector<1024xf32>
    %floor3A_123 = math.floor %mul3A_122 : vector<1024xf32>
    %slice3A_124 = vector.extract_strided_slice %get3A_32 {offsets = [1, 0], sizes = [1, 1024], strides = [1, 1]} : vector<4x1024xf32> to vector<1x1024xf32>
    %squeeze3A_125 = vector.shape_cast %slice3A_124 : vector<1x1024xf32> to vector<1024xf32>
    %mul3A_126 = vector.broadcast %get3A_120 : f32 to vector<1024xf32>
    %mul3A_127 = arith.mulf %squeeze3A_125, %mul3A_126 : vector<1024xf32>
    %floor3A_128 = math.floor %mul3A_127 : vector<1024xf32>
    %slice3A_129 = vector.extract_strided_slice %get3A_32 {offsets = [2, 0], sizes = [1, 1024], strides = [1, 1]} : vector<4x1024xf32> to vector<1x1024xf32>
    %squeeze3A_130 = vector.shape_cast %slice3A_129 : vector<1x1024xf32> to vector<1024xf32>
    %mul3A_131 = vector.broadcast %get3A_120 : f32 to vector<1024xf32>
    %mul3A_132 = arith.mulf %squeeze3A_130, %mul3A_131 : vector<1024xf32>
    %floor3A_133 = math.floor %mul3A_132 : vector<1024xf32>
    %slice3A_134 = vector.extract_strided_slice %get3A_32 {offsets = [3, 0], sizes = [1, 1024], strides = [1, 1]} : vector<4x1024xf32> to vector<1x1024xf32>
    %squeeze3A_135 = vector.shape_cast %slice3A_134 : vector<1x1024xf32> to vector<1024xf32>
    %mul3A_136 = arith.constant 3.400000e+01 : f32
    %mul3A_137 = vector.broadcast %mul3A_136 : f32 to vector<1024xf32>
    %mul3A_138 = arith.mulf %squeeze3A_135, %mul3A_137 : vector<1024xf32>
    %add3A_139 = arith.addf %mul3A_138, %floor3A_123 : vector<1024xf32>
    %add3A_140 = arith.constant 1.000000e+00 : f32
    %add3A_141 = vector.broadcast %add3A_140 : f32 to vector<1024xf32>
    %add3A_142 = arith.addf %add3A_139, %add3A_141 : vector<1024xf32>
    %mul3A_143 = arith.constant 3.400000e+01 : f32
    %mul3A_144 = vector.broadcast %mul3A_143 : f32 to vector<1024xf32>
    %mul3A_145 = arith.mulf %add3A_142, %mul3A_144 : vector<1024xf32>
    %add3A_146 = arith.addf %mul3A_145, %floor3A_128 : vector<1024xf32>
    %add3A_147 = arith.constant 1.000000e+00 : f32
    %add3A_148 = vector.broadcast %add3A_147 : f32 to vector<1024xf32>
    %add3A_149 = arith.addf %add3A_146, %add3A_148 : vector<1024xf32>
    %mul3A_150 = arith.constant 3.400000e+01 : f32
    %mul3A_151 = vector.broadcast %mul3A_150 : f32 to vector<1024xf32>
    %mul3A_152 = arith.mulf %add3A_149, %mul3A_151 : vector<1024xf32>
    %add3A_153 = arith.addf %mul3A_152, %floor3A_133 : vector<1024xf32>
    %add3A_154 = arith.constant 1.000000e+00 : f32
    %add3A_155 = vector.broadcast %add3A_154 : f32 to vector<1024xf32>
    %add3A_156 = arith.addf %add3A_153, %add3A_155 : vector<1024xf32>
    %convert_element_type3A = arith.fptosi %add3A_156 : vector<1024xf32> to vector<1024xi32>
    %reshape3A = vector.shape_cast %convert_element_type3A : vector<1024xi32> to vector<8x128xi32>
    %swap3A_157 = arith.constant 0 : index
    %swap3A_158 = arith.constant 0 : index
    %swap3A_159 = vector.load %arg9[%swap3A_157, %swap3A_158] : memref<8x128xi32, #tpu.memory_space<vmem>>, vector<8x128xi32>
    tpu.vector_store %arg9[%swap3A_157, %swap3A_158], %reshape3A {strides = array<i32>} : memref<8x128xi32, #tpu.memory_space<vmem>>, vector<8x128xi32>,
    return
  }
  func.func @transform_0(%arg0: i32) -> (i32, i32) {
    %c0_i32 = arith.constant 0 : i32
    %c0_i32_0 = arith.constant 0 : i32
    return %arg0, %c0_i32 : i32, i32
  }
  func.func @transform_1(%arg0: i32) -> (i32, i32) {
    %c0_i32 = arith.constant 0 : i32
    %c0_i32_0 = arith.constant 0 : i32
    return %c0_i32, %arg0 : i32, i32
  }
  func.func @transform_2(%arg0: i32) -> (i32, i32) {
    %c0_i32 = arith.constant 0 : i32
    %c0_i32_0 = arith.constant 0 : i32
    %c0_i32_1 = arith.constant 0 : i32
    return %c0_i32, %c0_i32_0 : i32, i32
  }
  func.func @transform_3(%arg0: i32) -> (i32, i32) {
    %c0_i32 = arith.constant 0 : i32
    %c0_i32_0 = arith.constant 0 : i32
    %c0_i32_1 = arith.constant 0 : i32
    return %c0_i32, %c0_i32_0 : i32, i32
  }
  func.func @transform_4(%arg0: i32) -> (i32, i32) {
    %c0_i32 = arith.constant 0 : i32
    %c0_i32_0 = arith.constant 0 : i32
    %c0_i32_1 = arith.constant 0 : i32
    return %c0_i32, %c0_i32_0 : i32, i32
  }
  func.func @transform_5(%arg0: i32) -> (i32, i32) {
    %c0_i32 = arith.constant 0 : i32
    %c0_i32_0 = arith.constant 0 : i32
    %c0_i32_1 = arith.constant 0 : i32
    return %c0_i32, %c0_i32_0 : i32, i32
  }
  func.func @transform_6(%arg0: i32) -> (i32, i32) {
    %c0_i32 = arith.constant 0 : i32
    %c0_i32_0 = arith.constant 0 : i32
    %c0_i32_1 = arith.constant 0 : i32
    return %c0_i32, %c0_i32_0 : i32, i32
  }
  func.func @transform_7(%arg0: i32) -> (i32, i32, i32) {
    %c0_i32 = arith.constant 0 : i32
    %c0_i32_0 = arith.constant 0 : i32
    %c0_i32_1 = arith.constant 0 : i32
    return %c0_i32, %arg0, %c0_i32_0 : i32, i32, i32
  }
  func.func @transform_8(%arg0: i32) -> (i32, i32) {
    %c0_i32 = arith.constant 0 : i32
    %c0_i32_0 = arith.constant 0 : i32
    return %arg0, %c0_i32 : i32, i32
  }
}

module attributes {stable_mosaic.version = 14 : i64} {
  func.func @_k3_body(%arg0: i32, %arg1: memref<2x2312x128xf32, #tpu.memory_space<vmem>>, %arg2: memref<2312x8xf32, #tpu.memory_space<vmem>>, %arg3: memref<2x2312x128xf32, #tpu.memory_space<vmem>>, %arg4: memref<3x2x1156x128xf32, #tpu.memory_space<vmem>>, %arg5: memref<3x1156x8xf32, #tpu.memory_space<vmem>>) attributes {dimension_semantics = [#tpu.dimension_semantics<arbitrary>], iteration_bounds = array<i64: 69>, scalar_prefetch = 0 : i64, scratch_operands = 2 : i64, tpu.core_type = #tpu.core_type<tc>, window_params = [{transform_indices = @transform_0, window_bounds = array<i64: 2, 2312, 128>}, {transform_indices = @transform_1, window_bounds = array<i64: 2312, 8>}, {transform_indices = @transform_2, window_bounds = array<i64: 2, 2312, 128>}]} {
    %get3A = arith.constant 0 : index
    %get3A_0 = arith.constant 0 : index
    %get3A_1 = arith.constant 0 : index
    %get3A_2 = vector.load %arg1[%get3A, %get3A_0, %get3A_1] : memref<2x2312x128xf32, #tpu.memory_space<vmem>>, vector<2x2312x128xf32>
    %broadcast_in_dim3A = arith.constant 0.000000e+00 : f32
    %broadcast_in_dim3A_3 = vector.broadcast %broadcast_in_dim3A : f32 to vector<2x1x128xf32>
    %slice3A = vector.extract_strided_slice %get3A_2 {offsets = [0, 1, 0], sizes = [2, 2311, 128], strides = [1, 1, 1]} : vector<2x2312x128xf32> to vector<2x2311x128xf32>
    %concatenate3A = tpu.concatenate %slice3A, %broadcast_in_dim3A_3 in 1 : vector<2x2311x128xf32>, vector<2x1x128xf32> -> vector<2x2312x128xf32>
    %add3A = arith.addf %get3A_2, %concatenate3A : vector<2x2312x128xf32>
    %broadcast_in_dim3A_4 = arith.constant 0.000000e+00 : f32
    %broadcast_in_dim3A_5 = vector.broadcast %broadcast_in_dim3A_4 : f32 to vector<2x1x128xf32>
    %slice3A_6 = vector.extract_strided_slice %get3A_2 {offsets = [0, 0, 0], sizes = [2, 2311, 128], strides = [1, 1, 1]} : vector<2x2312x128xf32> to vector<2x2311x128xf32>
    %concatenate3A_7 = tpu.concatenate %broadcast_in_dim3A_5, %slice3A_6 in 1 : vector<2x1x128xf32>, vector<2x2311x128xf32> -> vector<2x2312x128xf32>
    %add3A_8 = arith.addf %add3A, %concatenate3A_7 : vector<2x2312x128xf32>
    %broadcast_in_dim3A_9 = arith.constant 0.000000e+00 : f32
    %broadcast_in_dim3A_10 = vector.broadcast %broadcast_in_dim3A_9 : f32 to vector<2x34x128xf32>
    %slice3A_11 = vector.extract_strided_slice %add3A_8 {offsets = [0, 34, 0], sizes = [2, 2278, 128], strides = [1, 1, 1]} : vector<2x2312x128xf32> to vector<2x2278x128xf32>
    %concatenate3A_12 = tpu.concatenate %slice3A_11, %broadcast_in_dim3A_10 in 1 : vector<2x2278x128xf32>, vector<2x34x128xf32> -> vector<2x2312x128xf32>
    %add3A_13 = arith.addf %add3A_8, %concatenate3A_12 : vector<2x2312x128xf32>
    %broadcast_in_dim3A_14 = arith.constant 0.000000e+00 : f32
    %broadcast_in_dim3A_15 = vector.broadcast %broadcast_in_dim3A_14 : f32 to vector<2x34x128xf32>
    %slice3A_16 = vector.extract_strided_slice %add3A_8 {offsets = [0, 0, 0], sizes = [2, 2278, 128], strides = [1, 1, 1]} : vector<2x2312x128xf32> to vector<2x2278x128xf32>
    %concatenate3A_17 = tpu.concatenate %broadcast_in_dim3A_15, %slice3A_16 in 1 : vector<2x34x128xf32>, vector<2x2278x128xf32> -> vector<2x2312x128xf32>
    %add3A_18 = arith.addf %add3A_13, %concatenate3A_17 : vector<2x2312x128xf32>
    %get3A_19 = arith.constant 0 : index
    %get3A_20 = arith.constant 0 : index
    %get3A_21 = vector.load %arg2[%get3A_19, %get3A_20] : memref<2312x8xf32, #tpu.memory_space<vmem>>, vector<2312x8xf32>
    %broadcast_in_dim3A_22 = arith.constant 0.000000e+00 : f32
    %broadcast_in_dim3A_23 = vector.broadcast %broadcast_in_dim3A_22 : f32 to vector<1x8xf32>
    %slice3A_24 = vector.extract_strided_slice %get3A_21 {offsets = [1, 0], sizes = [2311, 8], strides = [1, 1]} : vector<2312x8xf32> to vector<2311x8xf32>
    %concatenate3A_25 = tpu.concatenate %slice3A_24, %broadcast_in_dim3A_23 in 0 : vector<2311x8xf32>, vector<1x8xf32> -> vector<2312x8xf32>
    %add3A_26 = arith.addf %get3A_21, %concatenate3A_25 : vector<2312x8xf32>
    %broadcast_in_dim3A_27 = arith.constant 0.000000e+00 : f32
    %broadcast_in_dim3A_28 = vector.broadcast %broadcast_in_dim3A_27 : f32 to vector<1x8xf32>
    %slice3A_29 = vector.extract_strided_slice %get3A_21 {offsets = [0, 0], sizes = [2311, 8], strides = [1, 1]} : vector<2312x8xf32> to vector<2311x8xf32>
    %concatenate3A_30 = tpu.concatenate %broadcast_in_dim3A_28, %slice3A_29 in 0 : vector<1x8xf32>, vector<2311x8xf32> -> vector<2312x8xf32>
    %add3A_31 = arith.addf %add3A_26, %concatenate3A_30 : vector<2312x8xf32>
    %broadcast_in_dim3A_32 = arith.constant 0.000000e+00 : f32
    %broadcast_in_dim3A_33 = vector.broadcast %broadcast_in_dim3A_32 : f32 to vector<34x8xf32>
    %slice3A_34 = vector.extract_strided_slice %add3A_31 {offsets = [34, 0], sizes = [2278, 8], strides = [1, 1]} : vector<2312x8xf32> to vector<2278x8xf32>
    %concatenate3A_35 = tpu.concatenate %slice3A_34, %broadcast_in_dim3A_33 in 0 : vector<2278x8xf32>, vector<34x8xf32> -> vector<2312x8xf32>
    %add3A_36 = arith.addf %add3A_31, %concatenate3A_35 : vector<2312x8xf32>
    %broadcast_in_dim3A_37 = arith.constant 0.000000e+00 : f32
    %broadcast_in_dim3A_38 = vector.broadcast %broadcast_in_dim3A_37 : f32 to vector<34x8xf32>
    %slice3A_39 = vector.extract_strided_slice %add3A_31 {offsets = [0, 0], sizes = [2278, 8], strides = [1, 1]} : vector<2312x8xf32> to vector<2278x8xf32>
    %concatenate3A_40 = tpu.concatenate %broadcast_in_dim3A_38, %slice3A_39 in 0 : vector<34x8xf32>, vector<2278x8xf32> -> vector<2312x8xf32>
    %add3A_41 = arith.addf %add3A_36, %concatenate3A_40 : vector<2312x8xf32>
    %slice3A_42 = vector.extract_strided_slice %add3A_18 {offsets = [0, 0, 0], sizes = [2, 1156, 128], strides = [1, 1, 1]} : vector<2x2312x128xf32> to vector<2x1156x128xf32>
    %slice3A_43 = vector.extract_strided_slice %add3A_18 {offsets = [0, 1156, 0], sizes = [2, 1156, 128], strides = [1, 1, 1]} : vector<2x2312x128xf32> to vector<2x1156x128xf32>
    %slice3A_44 = vector.extract_strided_slice %add3A_41 {offsets = [0, 0], sizes = [1156, 8], strides = [1, 1]} : vector<2312x8xf32> to vector<1156x8xf32>
    %slice3A_45 = vector.extract_strided_slice %add3A_41 {offsets = [1156, 0], sizes = [1156, 8], strides = [1, 1]} : vector<2312x8xf32> to vector<1156x8xf32>
    %get3A_46 = arith.constant 2 : index
    %get3A_47 = arith.constant 0 : index
    %get3A_48 = arith.constant 0 : index
    %get3A_49 = arith.constant 0 : index
    %get3A_50 = vector.load %arg4[%get3A_46, %get3A_47, %get3A_48, %get3A_49] : memref<3x2x1156x128xf32, #tpu.memory_space<vmem>>, vector<1x2x1156x128xf32>
    %get3A_51 = vector.shape_cast %get3A_50 : vector<1x2x1156x128xf32> to vector<2x1156x128xf32>
    %get3A_52 = arith.constant 0 : index
    %get3A_53 = arith.constant 0 : index
    %get3A_54 = arith.constant 0 : index
    %get3A_55 = arith.constant 0 : index
    %get3A_56 = vector.load %arg4[%get3A_52, %get3A_53, %get3A_54, %get3A_55] : memref<3x2x1156x128xf32, #tpu.memory_space<vmem>>, vector<1x2x1156x128xf32>
    %get3A_57 = vector.shape_cast %get3A_56 : vector<1x2x1156x128xf32> to vector<2x1156x128xf32>
    %add3A_58 = arith.addf %get3A_51, %get3A_57 : vector<2x1156x128xf32>
    %get3A_59 = arith.constant 1 : index
    %get3A_60 = arith.constant 0 : index
    %get3A_61 = arith.constant 0 : index
    %get3A_62 = arith.constant 0 : index
    %get3A_63 = vector.load %arg4[%get3A_59, %get3A_60, %get3A_61, %get3A_62] : memref<3x2x1156x128xf32, #tpu.memory_space<vmem>>, vector<1x2x1156x128xf32>
    %get3A_64 = vector.shape_cast %get3A_63 : vector<1x2x1156x128xf32> to vector<2x1156x128xf32>
    %add3A_65 = arith.addf %add3A_58, %get3A_64 : vector<2x1156x128xf32>
    %get3A_66 = arith.constant 0 : index
    %get3A_67 = arith.constant 0 : index
    %get3A_68 = arith.constant 0 : index
    %get3A_69 = arith.constant 0 : index
    %get3A_70 = vector.load %arg4[%get3A_66, %get3A_67, %get3A_68, %get3A_69] : memref<3x2x1156x128xf32, #tpu.memory_space<vmem>>, vector<1x2x1156x128xf32>
    %get3A_71 = vector.shape_cast %get3A_70 : vector<1x2x1156x128xf32> to vector<2x1156x128xf32>
    %get3A_72 = arith.constant 1 : index
    %get3A_73 = arith.constant 0 : index
    %get3A_74 = arith.constant 0 : index
    %get3A_75 = arith.constant 0 : index
    %get3A_76 = vector.load %arg4[%get3A_72, %get3A_73, %get3A_74, %get3A_75] : memref<3x2x1156x128xf32, #tpu.memory_space<vmem>>, vector<1x2x1156x128xf32>
    %get3A_77 = vector.shape_cast %get3A_76 : vector<1x2x1156x128xf32> to vector<2x1156x128xf32>
    %add3A_78 = arith.addf %get3A_71, %get3A_77 : vector<2x1156x128xf32>
    %add3A_79 = arith.addf %add3A_78, %slice3A_42 : vector<2x1156x128xf32>
    %get3A_80 = arith.constant 2 : index
    %get3A_81 = arith.constant 0 : index
    %get3A_82 = arith.constant 0 : index
    %get3A_83 = vector.load %arg5[%get3A_80, %get3A_81, %get3A_82] : memref<3x1156x8xf32, #tpu.memory_space<vmem>>, vector<1x1156x8xf32>
    %get3A_84 = vector.shape_cast %get3A_83 : vector<1x1156x8xf32> to vector<1156x8xf32>
    %get3A_85 = arith.constant 0 : index
    %get3A_86 = arith.constant 0 : index
    %get3A_87 = arith.constant 0 : index
    %get3A_88 = vector.load %arg5[%get3A_85, %get3A_86, %get3A_87] : memref<3x1156x8xf32, #tpu.memory_space<vmem>>, vector<1x1156x8xf32>
    %get3A_89 = vector.shape_cast %get3A_88 : vector<1x1156x8xf32> to vector<1156x8xf32>
    %add3A_90 = arith.addf %get3A_84, %get3A_89 : vector<1156x8xf32>
    %get3A_91 = arith.constant 1 : index
    %get3A_92 = arith.constant 0 : index
    %get3A_93 = arith.constant 0 : index
    %get3A_94 = vector.load %arg5[%get3A_91, %get3A_92, %get3A_93] : memref<3x1156x8xf32, #tpu.memory_space<vmem>>, vector<1x1156x8xf32>
    %get3A_95 = vector.shape_cast %get3A_94 : vector<1x1156x8xf32> to vector<1156x8xf32>
    %add3A_96 = arith.addf %add3A_90, %get3A_95 : vector<1156x8xf32>
    %get3A_97 = arith.constant 0 : index
    %get3A_98 = arith.constant 0 : index
    %get3A_99 = arith.constant 0 : index
    %get3A_100 = vector.load %arg5[%get3A_97, %get3A_98, %get3A_99] : memref<3x1156x8xf32, #tpu.memory_space<vmem>>, vector<1x1156x8xf32>
    %get3A_101 = vector.shape_cast %get3A_100 : vector<1x1156x8xf32> to vector<1156x8xf32>
    %get3A_102 = arith.constant 1 : index
    %get3A_103 = arith.constant 0 : index
    %get3A_104 = arith.constant 0 : index
    %get3A_105 = vector.load %arg5[%get3A_102, %get3A_103, %get3A_104] : memref<3x1156x8xf32, #tpu.memory_space<vmem>>, vector<1x1156x8xf32>
    %get3A_106 = vector.shape_cast %get3A_105 : vector<1x1156x8xf32> to vector<1156x8xf32>
    %add3A_107 = arith.addf %get3A_101, %get3A_106 : vector<1156x8xf32>
    %add3A_108 = arith.addf %add3A_107, %slice3A_44 : vector<1156x8xf32>
    %slice3A_109 = vector.extract_strided_slice %add3A_96 {offsets = [0, 0], sizes = [1156, 1], strides = [1, 1]} : vector<1156x8xf32> to vector<1156x1xf32>
    %broadcast_in_dim3A_110 = vector.shape_cast %slice3A_109 : vector<1156x1xf32> to vector<1x1156x1xf32>
    %div3A = vector.broadcast %broadcast_in_dim3A_110 : vector<1x1156x1xf32> to vector<2x1156x128xf32>
    %div3A_111 = arith.divf %add3A_65, %div3A : vector<2x1156x128xf32>
    %slice3A_112 = vector.extract_strided_slice %add3A_108 {offsets = [0, 0], sizes = [1156, 1], strides = [1, 1]} : vector<1156x8xf32> to vector<1156x1xf32>
    %broadcast_in_dim3A_113 = vector.shape_cast %slice3A_112 : vector<1156x1xf32> to vector<1x1156x1xf32>
    %div3A_114 = vector.broadcast %broadcast_in_dim3A_113 : vector<1x1156x1xf32> to vector<2x1156x128xf32>
    %div3A_115 = arith.divf %add3A_79, %div3A_114 : vector<2x1156x128xf32>
    %concatenate3A_116 = tpu.concatenate %div3A_111, %div3A_115 in 1 : vector<2x1156x128xf32>, vector<2x1156x128xf32> -> vector<2x2312x128xf32>
    %swap3A = arith.constant 0 : index
    %swap3A_117 = arith.constant 0 : index
    %swap3A_118 = arith.constant 0 : index
    %swap3A_119 = vector.load %arg3[%swap3A, %swap3A_117, %swap3A_118] : memref<2x2312x128xf32, #tpu.memory_space<vmem>>, vector<2x2312x128xf32>
    tpu.vector_store %arg3[%swap3A, %swap3A_117, %swap3A_118], %concatenate3A_116 {strides = array<i32>} : memref<2x2312x128xf32, #tpu.memory_space<vmem>>, vector<2x2312x128xf32>,
    %get3A_120 = arith.constant 1 : index
    %get3A_121 = arith.constant 0 : index
    %get3A_122 = arith.constant 0 : index
    %get3A_123 = arith.constant 0 : index
    %get3A_124 = vector.load %arg4[%get3A_120, %get3A_121, %get3A_122, %get3A_123] : memref<3x2x1156x128xf32, #tpu.memory_space<vmem>>, vector<1x2x1156x128xf32>
    %get3A_125 = vector.shape_cast %get3A_124 : vector<1x2x1156x128xf32> to vector<2x1156x128xf32>
    %swap3A_126 = arith.constant 2 : index
    %swap3A_127 = arith.constant 0 : index
    %swap3A_128 = arith.constant 0 : index
    %swap3A_129 = arith.constant 0 : index
    %swap3A_130 = vector.load %arg4[%swap3A_126, %swap3A_127, %swap3A_128, %swap3A_129] : memref<3x2x1156x128xf32, #tpu.memory_space<vmem>>, vector<1x2x1156x128xf32>
    %swap3A_131 = vector.shape_cast %swap3A_130 : vector<1x2x1156x128xf32> to vector<2x1156x128xf32>
    %swap3A_132 = vector.shape_cast %get3A_125 : vector<2x1156x128xf32> to vector<1x2x1156x128xf32>
    tpu.vector_store %arg4[%swap3A_126, %swap3A_127, %swap3A_128, %swap3A_129], %swap3A_132 {strides = array<i32>} : memref<3x2x1156x128xf32, #tpu.memory_space<vmem>>, vector<1x2x1156x128xf32>,
    %swap3A_133 = arith.constant 0 : index
    %swap3A_134 = arith.constant 0 : index
    %swap3A_135 = arith.constant 0 : index
    %swap3A_136 = arith.constant 0 : index
    %swap3A_137 = vector.load %arg4[%swap3A_133, %swap3A_134, %swap3A_135, %swap3A_136] : memref<3x2x1156x128xf32, #tpu.memory_space<vmem>>, vector<1x2x1156x128xf32>
    %swap3A_138 = vector.shape_cast %swap3A_137 : vector<1x2x1156x128xf32> to vector<2x1156x128xf32>
    %swap3A_139 = vector.shape_cast %slice3A_42 : vector<2x1156x128xf32> to vector<1x2x1156x128xf32>
    tpu.vector_store %arg4[%swap3A_133, %swap3A_134, %swap3A_135, %swap3A_136], %swap3A_139 {strides = array<i32>} : memref<3x2x1156x128xf32, #tpu.memory_space<vmem>>, vector<1x2x1156x128xf32>,
    %swap3A_140 = arith.constant 1 : index
    %swap3A_141 = arith.constant 0 : index
    %swap3A_142 = arith.constant 0 : index
    %swap3A_143 = arith.constant 0 : index
    %swap3A_144 = vector.load %arg4[%swap3A_140, %swap3A_141, %swap3A_142, %swap3A_143] : memref<3x2x1156x128xf32, #tpu.memory_space<vmem>>, vector<1x2x1156x128xf32>
    %swap3A_145 = vector.shape_cast %swap3A_144 : vector<1x2x1156x128xf32> to vector<2x1156x128xf32>
    %swap3A_146 = vector.shape_cast %slice3A_43 : vector<2x1156x128xf32> to vector<1x2x1156x128xf32>
    tpu.vector_store %arg4[%swap3A_140, %swap3A_141, %swap3A_142, %swap3A_143], %swap3A_146 {strides = array<i32>} : memref<3x2x1156x128xf32, #tpu.memory_space<vmem>>, vector<1x2x1156x128xf32>,
    %get3A_147 = arith.constant 1 : index
    %get3A_148 = arith.constant 0 : index
    %get3A_149 = arith.constant 0 : index
    %get3A_150 = vector.load %arg5[%get3A_147, %get3A_148, %get3A_149] : memref<3x1156x8xf32, #tpu.memory_space<vmem>>, vector<1x1156x8xf32>
    %get3A_151 = vector.shape_cast %get3A_150 : vector<1x1156x8xf32> to vector<1156x8xf32>
    %swap3A_152 = arith.constant 2 : index
    %swap3A_153 = arith.constant 0 : index
    %swap3A_154 = arith.constant 0 : index
    %swap3A_155 = vector.load %arg5[%swap3A_152, %swap3A_153, %swap3A_154] : memref<3x1156x8xf32, #tpu.memory_space<vmem>>, vector<1x1156x8xf32>
    %swap3A_156 = vector.shape_cast %swap3A_155 : vector<1x1156x8xf32> to vector<1156x8xf32>
    %swap3A_157 = vector.shape_cast %get3A_151 : vector<1156x8xf32> to vector<1x1156x8xf32>
    tpu.vector_store %arg5[%swap3A_152, %swap3A_153, %swap3A_154], %swap3A_157 {strides = array<i32>} : memref<3x1156x8xf32, #tpu.memory_space<vmem>>, vector<1x1156x8xf32>,
    %swap3A_158 = arith.constant 0 : index
    %swap3A_159 = arith.constant 0 : index
    %swap3A_160 = arith.constant 0 : index
    %swap3A_161 = vector.load %arg5[%swap3A_158, %swap3A_159, %swap3A_160] : memref<3x1156x8xf32, #tpu.memory_space<vmem>>, vector<1x1156x8xf32>
    %swap3A_162 = vector.shape_cast %swap3A_161 : vector<1x1156x8xf32> to vector<1156x8xf32>
    %swap3A_163 = vector.shape_cast %slice3A_44 : vector<1156x8xf32> to vector<1x1156x8xf32>
    tpu.vector_store %arg5[%swap3A_158, %swap3A_159, %swap3A_160], %swap3A_163 {strides = array<i32>} : memref<3x1156x8xf32, #tpu.memory_space<vmem>>, vector<1x1156x8xf32>,
    %swap3A_164 = arith.constant 1 : index
    %swap3A_165 = arith.constant 0 : index
    %swap3A_166 = arith.constant 0 : index
    %swap3A_167 = vector.load %arg5[%swap3A_164, %swap3A_165, %swap3A_166] : memref<3x1156x8xf32, #tpu.memory_space<vmem>>, vector<1x1156x8xf32>
    %swap3A_168 = vector.shape_cast %swap3A_167 : vector<1x1156x8xf32> to vector<1156x8xf32>
    %swap3A_169 = vector.shape_cast %slice3A_45 : vector<1156x8xf32> to vector<1x1156x8xf32>
    tpu.vector_store %arg5[%swap3A_164, %swap3A_165, %swap3A_166], %swap3A_169 {strides = array<i32>} : memref<3x1156x8xf32, #tpu.memory_space<vmem>>, vector<1x1156x8xf32>,
    return
  }
  func.func @transform_0(%arg0: i32) -> (i32, i32, i32) {
    %min3A = arith.constant 67 : i32
    %min3A_0 = arith.minsi %arg0, %min3A : i32
    %c0_i32 = arith.constant 0 : i32
    %c0_i32_1 = arith.constant 0 : i32
    %c0_i32_2 = arith.constant 0 : i32
    return %c0_i32, %min3A_0, %c0_i32_1 : i32, i32, i32
  }
  func.func @transform_1(%arg0: i32) -> (i32, i32) {
    %min3A = arith.constant 67 : i32
    %min3A_0 = arith.minsi %arg0, %min3A : i32
    %c0_i32 = arith.constant 0 : i32
    %c0_i32_1 = arith.constant 0 : i32
    return %min3A_0, %c0_i32 : i32, i32
  }
  func.func @transform_2(%arg0: i32) -> (i32, i32, i32) {
    %sub3A = arith.constant 1 : i32
    %sub3A_0 = arith.subi %arg0, %sub3A : i32
    %max3A = arith.constant 0 : i32
    %max3A_1 = arith.maxsi %sub3A_0, %max3A : i32
    %c0_i32 = arith.constant 0 : i32
    %c0_i32_2 = arith.constant 0 : i32
    %c0_i32_3 = arith.constant 0 : i32
    return %c0_i32, %max3A_1, %c0_i32_2 : i32, i32, i32
  }
}

module attributes {stable_mosaic.version = 14 : i64} {
  func.func @_k5_body(%arg0: i32, %arg1: memref<1024x128xf32, #tpu.memory_space<vmem>>, %arg2: memref<1024x128xf32, #tpu.memory_space<vmem>>, %arg3: memref<4x1024xf32, #tpu.memory_space<vmem>>, %arg4: memref<4x128xf32, #tpu.memory_space<vmem>>, %arg5: memref<1024x128xf32, #tpu.memory_space<vmem>>) attributes {dimension_semantics = [#tpu.dimension_semantics<arbitrary>], iteration_bounds = array<i64: 98>, scalar_prefetch = 0 : i64, scratch_operands = 0 : i64, tpu.core_type = #tpu.core_type<tc>, window_params = [{transform_indices = @transform_0, window_bounds = array<i64: 1024, 128>}, {transform_indices = @transform_1, window_bounds = array<i64: 1024, 128>}, {transform_indices = @transform_2, window_bounds = array<i64: 4, 1024>}, {pipeline_mode = #tpu.pipeline_mode<synchronous>, transform_indices = @transform_3, window_bounds = array<i64: 4, 128>}, {transform_indices = @transform_4, window_bounds = array<i64: 1024, 128>}]} {
    %get3A = arith.constant 0 : index
    %get3A_0 = arith.constant 0 : index
    %get3A_1 = vector.load %arg3[%get3A, %get3A_0] : memref<4x1024xf32, #tpu.memory_space<vmem>>, vector<4x1024xf32>
    %get3A_2 = arith.constant 0 : index
    %get3A_3 = arith.constant 0 : index
    %get3A_4 = vector.load %arg4[%get3A_2, %get3A_3] : memref<4x128xf32, #tpu.memory_space<vmem>>, vector<4x128xf32>
    %dot_general3A = arith.constant dense<0.000000e+00> : vector<1024x128xf32>
    %dot_general3A_5 = tpu.matmul %get3A_1, %get3A_4, %dot_general3A {dimension_numbers = #tpu.dot_dimension_numbers<[0], [0], [1], [1], [0, 1, 1, 1], [], []>, transpose_lhs_hint = false} : vector<4x1024xf32>, vector<4x128xf32>, vector<1024x128xf32> -> vector<1024x128xf32>
    %mul3A = arith.constant 0.318309873 : f32
    %mul3A_6 = vector.broadcast %mul3A : f32 to vector<1024x128xf32>
    %mul3A_7 = arith.mulf %dot_general3A_5, %mul3A_6 : vector<1024x128xf32>
    %add3A = arith.constant 5.000000e-01 : f32
    %add3A_8 = vector.broadcast %add3A : f32 to vector<1024x128xf32>
    %add3A_9 = arith.addf %mul3A_7, %add3A_8 : vector<1024x128xf32>
    %floor3A = math.floor %add3A_9 : vector<1024x128xf32>
    %mul3A_10 = arith.constant 3.14159274 : f32
    %mul3A_11 = vector.broadcast %mul3A_10 : f32 to vector<1024x128xf32>
    %mul3A_12 = arith.mulf %floor3A, %mul3A_11 : vector<1024x128xf32>
    %sub3A = arith.subf %dot_general3A_5, %mul3A_12 : vector<1024x128xf32>
    %mul3A_13 = arith.constant -8.74227765E-8 : f32
    %mul3A_14 = vector.broadcast %mul3A_13 : f32 to vector<1024x128xf32>
    %mul3A_15 = arith.mulf %floor3A, %mul3A_14 : vector<1024x128xf32>
    %sub3A_16 = arith.subf %sub3A, %mul3A_15 : vector<1024x128xf32>
    %mul3A_17 = arith.constant 5.000000e-01 : f32
    %mul3A_18 = vector.broadcast %mul3A_17 : f32 to vector<1024x128xf32>
    %mul3A_19 = arith.mulf %mul3A_18, %floor3A : vector<1024x128xf32>
    %floor3A_20 = math.floor %mul3A_19 : vector<1024x128xf32>
    %mul3A_21 = arith.constant 2.000000e+00 : f32
    %mul3A_22 = vector.broadcast %mul3A_21 : f32 to vector<1024x128xf32>
    %mul3A_23 = arith.mulf %mul3A_22, %floor3A_20 : vector<1024x128xf32>
    %sub3A_24 = arith.subf %floor3A, %mul3A_23 : vector<1024x128xf32>
    %mul3A_25 = arith.constant 2.000000e+00 : f32
    %mul3A_26 = vector.broadcast %mul3A_25 : f32 to vector<1024x128xf32>
    %mul3A_27 = arith.mulf %mul3A_26, %sub3A_24 : vector<1024x128xf32>
    %sub3A_28 = arith.constant 1.000000e+00 : f32
    %sub3A_29 = vector.broadcast %sub3A_28 : f32 to vector<1024x128xf32>
    %sub3A_30 = arith.subf %sub3A_29, %mul3A_27 : vector<1024x128xf32>
    %mul3A_31 = arith.mulf %sub3A_16, %sub3A_16 : vector<1024x128xf32>
    %mul3A_32 = arith.constant 2.61290029E-6 : f32
    %mul3A_33 = vector.broadcast %mul3A_32 : f32 to vector<1024x128xf32>
    %mul3A_34 = arith.mulf %mul3A_33, %mul3A_31 : vector<1024x128xf32>
    %add3A_35 = arith.constant -1.9812485E-4 : f32
    %add3A_36 = vector.broadcast %add3A_35 : f32 to vector<1024x128xf32>
    %add3A_37 = arith.addf %mul3A_34, %add3A_36 : vector<1024x128xf32>
    %mul3A_38 = arith.mulf %add3A_37, %mul3A_31 : vector<1024x128xf32>
    %add3A_39 = arith.constant 0.00833309721 : f32
    %add3A_40 = vector.broadcast %add3A_39 : f32 to vector<1024x128xf32>
    %add3A_41 = arith.addf %mul3A_38, %add3A_40 : vector<1024x128xf32>
    %mul3A_42 = arith.mulf %add3A_41, %mul3A_31 : vector<1024x128xf32>
    %add3A_43 = arith.constant -0.166666597 : f32
    %add3A_44 = vector.broadcast %add3A_43 : f32 to vector<1024x128xf32>
    %add3A_45 = arith.addf %mul3A_42, %add3A_44 : vector<1024x128xf32>
    %mul3A_46 = arith.mulf %add3A_45, %mul3A_31 : vector<1024x128xf32>
    %add3A_47 = arith.constant 1.000000e+00 : f32
    %add3A_48 = vector.broadcast %add3A_47 : f32 to vector<1024x128xf32>
    %add3A_49 = arith.addf %mul3A_46, %add3A_48 : vector<1024x128xf32>
    %mul3A_50 = arith.mulf %add3A_49, %sub3A_16 : vector<1024x128xf32>
    %mul3A_51 = arith.constant -2.61149495E-7 : f32
    %mul3A_52 = vector.broadcast %mul3A_51 : f32 to vector<1024x128xf32>
    %mul3A_53 = arith.mulf %mul3A_52, %mul3A_31 : vector<1024x128xf32>
    %add3A_54 = arith.constant 2.47637672E-5 : f32
    %add3A_55 = vector.broadcast %add3A_54 : f32 to vector<1024x128xf32>
    %add3A_56 = arith.addf %mul3A_53, %add3A_55 : vector<1024x128xf32>
    %mul3A_57 = arith.mulf %add3A_56, %mul3A_31 : vector<1024x128xf32>
    %add3A_58 = arith.constant -0.00138884329 : f32
    %add3A_59 = vector.broadcast %add3A_58 : f32 to vector<1024x128xf32>
    %add3A_60 = arith.addf %mul3A_57, %add3A_59 : vector<1024x128xf32>
    %mul3A_61 = arith.mulf %add3A_60, %mul3A_31 : vector<1024x128xf32>
    %add3A_62 = arith.constant 0.0416666418 : f32
    %add3A_63 = vector.broadcast %add3A_62 : f32 to vector<1024x128xf32>
    %add3A_64 = arith.addf %mul3A_61, %add3A_63 : vector<1024x128xf32>
    %mul3A_65 = arith.mulf %add3A_64, %mul3A_31 : vector<1024x128xf32>
    %add3A_66 = arith.constant -5.000000e-01 : f32
    %add3A_67 = vector.broadcast %add3A_66 : f32 to vector<1024x128xf32>
    %add3A_68 = arith.addf %mul3A_65, %add3A_67 : vector<1024x128xf32>
    %mul3A_69 = arith.mulf %add3A_68, %mul3A_31 : vector<1024x128xf32>
    %add3A_70 = arith.constant 1.000000e+00 : f32
    %add3A_71 = vector.broadcast %add3A_70 : f32 to vector<1024x128xf32>
    %add3A_72 = arith.addf %mul3A_69, %add3A_71 : vector<1024x128xf32>
    %mul3A_73 = arith.mulf %sub3A_30, %mul3A_50 : vector<1024x128xf32>
    %mul3A_74 = arith.mulf %sub3A_30, %add3A_72 : vector<1024x128xf32>
    %get3A_75 = arith.constant 0 : index
    %get3A_76 = arith.constant 0 : index
    %get3A_77 = vector.load %arg1[%get3A_75, %get3A_76] : memref<1024x128xf32, #tpu.memory_space<vmem>>, vector<1024x128xf32>
    %mul3A_78 = arith.mulf %get3A_77, %mul3A_74 : vector<1024x128xf32>
    %get3A_79 = arith.constant 0 : index
    %get3A_80 = arith.constant 0 : index
    %get3A_81 = vector.load %arg2[%get3A_79, %get3A_80] : memref<1024x128xf32, #tpu.memory_space<vmem>>, vector<1024x128xf32>
    %mul3A_82 = arith.mulf %get3A_81, %mul3A_73 : vector<1024x128xf32>
    %add3A_83 = arith.addf %mul3A_78, %mul3A_82 : vector<1024x128xf32>
    %swap3A = arith.constant 0 : index
    %swap3A_84 = arith.constant 0 : index
    %swap3A_85 = vector.load %arg5[%swap3A, %swap3A_84] : memref<1024x128xf32, #tpu.memory_space<vmem>>, vector<1024x128xf32>
    tpu.vector_store %arg5[%swap3A, %swap3A_84], %add3A_83 {strides = array<i32>} : memref<1024x128xf32, #tpu.memory_space<vmem>>, vector<1024x128xf32>,
    return
  }
  func.func @transform_0(%arg0: i32) -> (i32, i32) {
    %c0_i32 = arith.constant 0 : i32
    %c0_i32_0 = arith.constant 0 : i32
    return %arg0, %c0_i32 : i32, i32
  }
  func.func @transform_1(%arg0: i32) -> (i32, i32) {
    %c0_i32 = arith.constant 0 : i32
    %c0_i32_0 = arith.constant 0 : i32
    return %arg0, %c0_i32 : i32, i32
  }
  func.func @transform_2(%arg0: i32) -> (i32, i32) {
    %c0_i32 = arith.constant 0 : i32
    %c0_i32_0 = arith.constant 0 : i32
    return %c0_i32, %arg0 : i32, i32
  }
  func.func @transform_3(%arg0: i32) -> (i32, i32) {
    %c0_i32 = arith.constant 0 : i32
    %c0_i32_0 = arith.constant 0 : i32
    %c0_i32_1 = arith.constant 0 : i32
    return %c0_i32, %c0_i32_0 : i32, i32
  }
  func.func @transform_4(%arg0: i32) -> (i32, i32) {
    %c0_i32 = arith.constant 0 : i32
    %c0_i32_0 = arith.constant 0 : i32
    return %arg0, %c0_i32 : i32, i32
  }
}

</mosaic_0001>

<sc_bundles>
// kernel: kernel.10.cloned.1.call-start
scs
__scs_entry_jumppad:
0x0: {  	(pc) =	sbr.rel $0x88, $3  }
0x1: {  	(tag) =	ssettag $0x0;
	lr =	simm.s32 $0x1  }
0x2: {  	[smem:$0x3F9A] =	sst lr;
	_ =	strace $0xD0000000  }
0x3: {  	_ = 	snop  }
0x4: {  	_ = 	snop  }
0x5: {  	_ = 	snop  }
0x6: {  	_ = 	snop  }
0x7: {  	_ = 	snop  }
__scs_overlays_trampoline_lowered:
0x8: {  	[smem:$0x3FA9] =	sst s0  }
0x9: {  	[smem:$0x3FAA] =	sst s1  }
0xa: {  	[smem:$0x3FAB] =	sst s2  }
0xb: {  	[smem:$0x3FAC] =	sst s3  }
0xc: {  	[smem:$0x3FAD] =	sst s4  }
0xd: {  	[smem:$0x3FAE] =	sst s5  }
0xe: {  	[smem:$0x3FAF] =	sst s6  }
0xf: {  	[smem:$0x3FB0] =	sst s7  }
0x10: {  	[smem:$0x3FB1] =	sst s8  }
0x11: {  	[smem:$0x3FB2] =	sst s9;
	s0 =	simm.s32 @!p0 $0x0  }
0x12: {  	s1 =	sld [smem:$0x3F98];
	s0 =	simm.s32 @p0 $0x1  }
0x13: {  	[smem:$0x3FB3] =	sst s0;
	s0 =	simm.s32 @!p1 $0x0  }
0x14: {  	s2 =	sld [smem:$0x3F97];
	s0 =	simm.s32 @p1 $0x1  }
0x15: {  	[smem:$0x3FB4] =	sst s0;
	s0 =	simm.s32 @!p2 $0x0  }
0x16: {  	s3 =	sld [smem:$0x3FDB];
	s0 =	simm.s32 @p2 $0x1  }
0x17: {  	s4 =	simm.s32 $0x1BF5;
	[smem:$0x3FB6] =	sst s0  }
0x18: {  	s0 =	sld [smem:$0x3F99];
	_ =	swait.ge [sflag:s4], $0x0  }
0x19: {  	s7 =	sld [smem:$0x3F9A]  }
0x1a: {  	s8 =	sadd.s32 $0xFFFFE003, lr  }
0x1b: {  	s9 =	sadd.s32 $0xFFFFFEF7, lr;
	s5 =	simm.s32 $0xFFFFFFFF;
	p2 =	slt.u32 s8, $0xFFFFF086  }
0x1c: {  	p1 =	slt.u32 s9, $0xF7A;
	s5 =	simm.s32 @!p2 $0x0  }
0x1d: {  	s5 =	simm.s32 @p1 $0x1;
	p0 =	seq.s32 s7, s2  }
0x1e: {  	s7 =	smul.u32 @!p0 $0xF7A, s2;
	p2 =	seq.s32 @!p0 s5, $0x0  }
0x1f: {  	s9 =	smul.u32 $0xF7A, s1;
	s8 =	simm.s32 @!p0 $0x1BF5;
	p2 =	por !p2, p0  }
0x20: {  	[sflag:s8] =	ssyncset.s32 @!p0 $0xFFFFF086;
	s6 =	sadd.s32 @!p0 s3, s7;
	s7 =	simm.s32 @!p0 $0x108  }
0x21: {  	s3 =	sadd.s32 s3, s9;
	s6 =	sadd.s32 @!p0 $0x88, s6;
	s7 =	simm.s32 @p2 $0x1082  }
0x22: {  	[simem:s7], [sflag:s8] =	dma.local @!p0 [hbm:s6], $0xF7A  }
0x23: {  	s9 =	sor.u32 $0xD0000000, s2;
	s6 =	simm.s32 $0x108;
	_ =	swait.ge @!p0 [sflag:s8], $0x0  }
0x24: {  	s3 =	sadd.s32 $0x88, s3;
	s6 =	simm.s32 @!p1 $0x1082;
	[sflag:s4] =	ssyncset.s32 $0xFFFFF086  }
0x25: {  	[simem:s6], [sflag:s4] =	dma.local [hbm:s3], $0xF7A  }
0x26: {  	[smem:$0x3F9A] =	sst s1;
	(tag) =	ssettag s2;
	_ =	strace s9  }
0x27: {  	s1 =	sld [smem:$0x3FAA]  }
0x28: {  	s2 =	sld [smem:$0x3FAB]  }
0x29: {  	s4 =	sld [smem:$0x3FAD]  }
0x2a: {  	p0 =	seq.s32 s5, $0x0;
	s5 =	sld [smem:$0x3FAE]  }
0x2b: {  	s6 =	sld [smem:$0x3FAF]  }
0x2c: {  	s7 =	sld [smem:$0x3FB0]  }
0x2d: {  	s3 =	simm.s32 $0x108;
	s8 =	sld [smem:$0x3FB1]  }
0x2e: {  	s3 =	simm.s32 @!p0 $0x1082;
	s9 =	sld [smem:$0x3FB2]  }
0x2f: {  	lr =	sadd.s32 s0, s3;
	s0 =	sld [smem:$0x3FA9]  }
0x30: {  	s3 =	sld [smem:$0x3FAC]  }
0x31: {  	[smem:$0x3FB5] =	sst s10  }
0x32: {  	s10 =	sld [smem:$0x3FB3];
	_ =	sdelay $0x3  }
0x33: {  	p0 =	seq.s32 s10, $0x1;
	s10 =	sld [smem:$0x3FB5];
	_ =	sdelay $0x3  }
0x34: {  	[smem:$0x3FB5] =	sst s10  }
0x35: {  	s10 =	sld [smem:$0x3FB4];
	_ =	sdelay $0x3  }
0x36: {  	p1 =	seq.s32 s10, $0x1;
	s10 =	sld [smem:$0x3FB5];
	_ =	sdelay $0x3  }
0x37: {  	[smem:$0x3FB5] =	sst s10  }
0x38: {  	s10 =	sld [smem:$0x3FB6]  }
0x39: {  	_ = 	snop;
	(pc) =	sbr.ind lr, $3  }
0x3a: {  	_ = 	snop  }
0x3b: {  	_ = 	snop  }
0x3c: {  	p2 =	seq.s32 s10, $0x1;
	s10 =	sld [smem:$0x3FB5]  }
0x3d: {  	_ =	shalt  }
0x3e: {  	_ =	shalt  }
0x3f: {  	_ =	shalt  }
0x40: {  	_ =	shalt  }
0x41: {  	_ =	shalt  }
0x42: {  	_ =	shalt  }
0x43: {  	_ =	shalt  }
0x44: {  	_ =	shalt  }
0x45: {  	_ =	shalt  }
0x46: {  	_ =	shalt  }
0x47: {  	_ =	shalt  }
0x48: {  	_ =	shalt  }
0x49: {  	_ =	shalt  }
0x4a: {  	_ =	shalt  }
0x4b: {  	_ =	shalt  }
0x4c: {  	_ =	shalt  }
0x4d: {  	_ =	shalt  }
0x4e: {  	_ =	shalt  }
0x4f: {  	_ =	shalt  }
0x50: {  	_ =	shalt  }
0x51: {  	_ =	shalt  }
0x52: {  	_ =	shalt  }
0x53: {  	_ =	shalt  }
0x54: {  	_ =	shalt  }
0x55: {  	_ =	shalt  }
0x56: {  	_ =	shalt  }
0x57: {  	_ =	shalt  }
0x58: {  	_ =	shalt  }
0x59: {  	_ =	shalt  }
0x5a: {  	_ =	shalt  }
0x5b: {  	_ =	shalt  }
0x5c: {  	_ =	shalt  }
0x5d: {  	_ =	shalt  }
0x5e: {  	_ =	shalt  }
0x5f: {  	_ =	shalt  }
0x60: {  	_ =	shalt  }
0x61: {  	_ =	shalt  }
0x62: {  	_ =	shalt  }
0x63: {  	_ =	shalt  }
0x64: {  	_ =	shalt  }
0x65: {  	_ =	shalt  }
0x66: {  	_ =	shalt  }
0x67: {  	_ =	shalt  }
0x68: {  	_ =	shalt  }
0x69: {  	_ =	shalt  }
0x6a: {  	_ =	shalt  }
0x6b: {  	_ =	shalt  }
0x6c: {  	_ =	shalt  }
0x6d: {  	_ =	shalt  }
0x6e: {  	_ =	shalt  }
0x6f: {  	_ =	shalt  }
0x70: {  	_ =	shalt  }
0x71: {  	_ =	shalt  }
0x72: {  	_ =	shalt  }
0x73: {  	_ =	shalt  }
0x74: {  	_ =	shalt  }
0x75: {  	_ =	shalt  }
0x76: {  	_ =	shalt  }
0x77: {  	_ =	shalt  }
0x78: {  	_ =	shalt  }
0x79: {  	_ =	shalt  }
0x7a: {  	_ =	shalt  }
0x7b: {  	_ =	shalt  }
0x7c: {  	_ =	shalt  }
0x7d: {  	_ =	shalt  }
0x7e: {  	_ =	shalt  }
0x7f: {  	_ =	shalt  }
0x80: {  	_ =	shalt  }
0x81: {  	_ =	shalt  }
0x82: {  	_ =	shalt  }
0x83: {  	_ =	shalt  }
0x84: {  	_ =	shalt  }
0x85: {  	_ =	shalt  }
0x86: {  	_ =	shalt  }
0x87: {  	_ =	shalt  }
.Lfunc_end0:
.L_simem_size_0:
called_computation.1_lowered:
.L_overlay_start_0:
0x88: {  	s2 =	sld [smem:$0x3FD9]  }
0x89: {  	s3 =	sld [smem:$0x3FFE];
	_ =	sdelay $0x1  }
0x8a: {  	s1 =	srdreg.scid  }
0x8b: {  	s0 =	sand.u32 $0x1, s1  }
0x8c: {  	s16 =	sshll.u32 s0, $0xA;
	s2 =	sadd.s32 s3, s2  }
0x8d: {  	s2 =	sadd.s32 s2, s16  }
0x8e: {  	[smem:$0x3FC1] =	sst s2  }
0x8f: {  	_ = 	snop  }
0x90: {  	(tm) =	ssettm $0x1  }
0x91: {  	s17 =	sld [smem:$0x3FFB];
	_ =	sdelay $0x3  }
0x92: {  	_ =	strace s17  }
0x93: {  	s2 =	sld [smem:$0x3FFC];
	_ =	sdelay $0x3  }
0x94: {  	_ =	strace s2  }
0x95: {  	s2 =	sld [smem:$0x3FFD];
	_ =	sdelay $0x3  }
0x96: {  	_ =	strace s2  }
0x97: {  	_ =	strace $0x8FFFFFFF  }
0x98: {  	s18 =	sld [smem:$0x3FDB];
	_ =	sdelay $0x1  }
0x99: {  	s19 =	simm.s32 $_scs_section_size  }
0x9a: {  	s4 =	simm.s32 $_size__tile_overlayer_lowered;
	s5 =	simm.s32 $_tile_overlayer_lowered  }
0x9b: {  	s22 =	simm.s32 $0x1BFF;
	s21 =	sshll.u32 s5, $0x1;
	s2 =	sadd.s32 s19, s18  }
0x9c: {  	s6 =	simm.s32 $0x0;
	s20 =	sshll.u32 s4, $0x1;
	s4 =	sadd.s32 s21, s2  }
0x9d: {  	[timem:s6], [sflag:s22] =	dma.local [hbm:s4], s20  }
0x9e: {  	_ =	swait.ge [sflag:s22], s20  }
0x9f: {  	s3 =	ssub.s32 $0x0, s20;
	[sflag:s22] =	ssyncset.done $0x0  }
0xa0: {  	[sflag:s22] =	ssyncadd.s32 s3;
	_ =	sdelay $0x1  }
0xa1: {  	s23 =	simm.s32 $0x1B8B  }
0xa2: {  	_ =	swait.ge [sflag:s23], $0x1  }
0xa3: {  	[sflag:s23] =	ssyncset.done $0x0  }
0xa4: {  	s25 =	simm.s32 $0x1B8E;
	s24 =	sld [smem:$0x3FFE];
	[sflag:s23] =	ssyncadd.s32 $0xFFFFFFFF  }
0xa5: {  	s26 =	simm.s32 $execute0_lowered;
	[smem:$0x3FD2] =	sst s25  }
0xa6: {  	s4 =	sshll.u32 s26, $0x1;
	_ =	strace $0x80000049;
	[dreg:$0x1] =	wrdreg $0xFFFFFFFF  }
0xa7: {  	s28 =	simm.s32 $_size_execute0_lowered;
	s2 =	sadd.s32 s2, s4;
	[dreg:$0x0] =	wrdreg $0x0  }
0xa8: {  	s4 =	sshll.u32 s28, $0x1;
	[dreg:$0x2] =	wrdreg s2  }
0xa9: {  	[dreg:$0x3] =	wrdreg s4  }
0xaa: {  	[dreg:$0x4] =	wrdreg $0xC0  }
0xab: {  	_ =	task [dreg:s6], $0x5FFFF  }
0xac: {  	[dreg:$0x1] =	wrdreg $0xFFFFFFFF  }
0xad: {  	[dreg:$0x0] =	wrdreg $0x60  }
0xae: {  	[dreg:$0x2] =	wrdreg s24  }
0xaf: {  	[dreg:$0x3] =	wrdreg $0x9  }
0xb0: {  	_ =	task.clear_ibuf [dreg:s6], $0x4FFFF;
	_ =	strace $0x90000049  }
0xb1: {  	s29 =	simm.s32 $0x9;
	_ =	strace $0x8000004B  }
0xb2: {  	_ =	swait.ge [sflag:s29], $0x1  }
0xb3: {  	[sflag:s29] =	ssyncadd.s32 $0xFFFFFFFF  }
0xb4: {  	_ =	strace $0x9000004B  }
0xb5: {  	_ =	sfence  }
0xb6: {  	s30 =	sld [smem:$0x0];
	_ =	sdelay $0x2  }
0xb7: {  	s31 =	sshll.u32 s1, $0xD;
	s1 =	sshrl.u32 s1, $0x2  }
0xb8: {  	s3 =	sand.u32 $0x4000, s31;
	s1 =	sadd.s32 s1, s30  }
0xb9: {  	s0 =	sor.u32 s3, s0;
	s1 =	sshll.u32 s1, $0x11  }
0xba: {  	s0 =	sor.u32 s1, s0  }
0xbb: {  	s0 =	sadd.s32 $0x8F2B, s0  }
0xbc: {  	[sflag:s0] =	ssyncadd.remote.s32 $0x1  }
0xbd: {  	_ =	sfence.sel $0xFFFF  }
0xbe: {  	[dreg:$0x0] =	wrdreg $0xFFFFFFFF;
	(pc) =	sbr.abs _section_cstart, $3  }
0xbf: {  	[dreg:$0x1] =	wrdreg $0xFFFFFFFF  }
0xc0: {  	_ =	task.clear_ibuf [dreg:s6], $0x2FFFF;
	_ =	strace $0x9FFFFFFF  }
0xc1: {  	(tm) =	ssettm $0x7FFFFFFF  }
tec
execute0_lowered:
.L_overlay_start_1:
0x0: {  	(tag) =	ssettag $0x1  }
0x1: {  	s1 =	stileid.u32  }
0x2: {  	p0 =	sgt.u32 s1, $0xD  }
.Ltmp0:
0x3: {  	_ = 	snop;
	(pc) =	sbr.rel @p0 .LBB2_7-.Ltmp0, $4  }
0x4: {  	_ = 	snop  }
0x5: {  	s2 =	simm.s32 $0x0  }
0x6: {  	[smem:$0x7FF] =	sst s2  }
0x7: {  	s0 =	rddreg [dreg:$0x0];
	_ =	strace $0x8000004A  }
0x8: {  	s1 =	srdreg.scid;
	s10 =	stileid.u32;
	s12 =	sadd.s32 $0x31E400, s0  }
0x9: {  	s17 =	sadd.s32 $0xE400, s0;
	s18 =	sadd.s32 $0x196400, s0;
	s20 =	simm.s32 $0x3  }
0xa: {  	s21 =	simm.s32 $0x80;
	s28 =	simm.s32 $0x2;
	s29 =	simm.s32 $0x0  }
0xb: {  	s1 =	sand.u32 $0x1, s1;
	s3 =	sshll.u32 s10, $0x1;
	s13 =	smul.u32 $0xE0000, s10  }
0xc: {  	s5 =	sor.u32 s1, s3;
	s3 =	sadd.s32 $0x7F7C00, s0;
	s14 =	smul.u32 $0x70000, s1  }
0xd: {  	s4 =	sshll.u32 s1, $0x9;
	s25 =	ssub.s32 $0x2, s1;
	s6 =	smul.u32 $0x70000, s5  }
0xe: {  	s22 =	sor.u32 $0x1000, s4;
	s24 =	sor.u32 $0xD80, s4;
	s5 =	smul.u32 $0x1C0, s5  }
0xf: {  	s7 =	sor.u32 $0x1D80, s4;
	s1 =	sshrl.u32 s25, $0x1;
	[dreg:$0x2] =	wrdreg s22  }
0x10: {  	s16 =	sor.u32 $0x100, s4;
	[dreg:$0x3] =	wrdreg s24;
	s15 =	sadd.s32 s14, s13  }
0x11: {  	s22 =	simm.s32 $0x2000;
	s24 =	simm.s32 $0xA000;
	s23 =	sshrl.u32 s6, $0x3  }
0x12: {  	s5 =	sand.u32 $0x3F80, s5;
	s26 =	sshrl.u32 s15, $0x3;
	s30 =	sor.u32 $0x4000, s15  }
0x13: {  	s9 =	sadd.s32 $0xD000, s23;
	s0 =	sadd.s32 $0xD800, s23;
	s12 =	sadd.s32 s12, s5  }
0x14: {  	s14 =	sadd.s32 s26, s18;
	s15 =	sadd.s32 s26, s17;
	s31 =	sshrl.u32 s30, $0x3  }
0x15: {  	s23 =	simm.s32 $0x6000;
	s26 =	simm.s32 $0x1;
	s8 =	sadd.s32 s17, s9  }
0x16: {  	s9 =	sadd.s32 s18, s9;
	s10 =	sadd.s32 s17, s0;
	s11 =	sadd.s32 s18, s0  }
0x17: {  	s0 =	ssub.s32 s25, s1;
	s18 =	sadd.s32 s31, s18;
	s19 =	sadd.s32 s31, s17  }
0x18: {  	s25 =	simm.s32 $0xE000;
	s13 =	smax.u32 s0, $0x1;
	s0 =	sor.u32 $0x1100, s4  }
.LBB2_2:
0x19: {  	s1 =	simm.s32 $0x0  }
0x1a: {  	[tilespmem:s1], [sflag:$0x3] =	stream.linear.gather [hbm4b:s12+s1], $0x1000, $0x38;
	[tilespmem:$0x12000] =	vst v63  }
0x1b: {  	_ =	swait.ge [sflag:s20], $0x1000  }
0x1c: {  	[sflag:s20] =	ssyncset.done $0x0  }
0x1d: {  	s17 =	simm.s32 $0x0;
	[sflag:s20] =	ssyncadd.s32 $0xFFFFF000  }
0x1e: {  	v1 =	vld [tilespmem:s17+$0x70]  }
0x1f: {  	v4 =	vld [tilespmem:s17+$0x0]  }
0x20: {  	v5 =	vld [tilespmem:s17+$0x10]  }
0x21: {  	v3 =	vld [tilespmem:s17+$0x20]  }
0x22: {  	v2 =	vld [tilespmem:s17+$0x30]  }
0x23: {  	v0 =	vld [tilespmem:s17+$0x40];
	v6 =	vadd.s32 $0x26B00, v1  }
0x24: {  	v1 =	vld [tilespmem:s17+$0x50];
	v4 =	vadd.s32 $0x26B00, v4;
	[tilespmem:s17+$0x1070] =	vst v6  }
0x25: {  	s5 =	simm.s32 $0x400;
	s1 =	simm.s32 $0x80;
	v5 =	vadd.s32 $0x26B00, v5;
	[tilespmem:s17+$0x1000] =	vst v4;
	v4 =	vld [tilespmem:s17+$0x60]  }
.LBB2_3:
0x26: {  	p0 =	sne.s32 s5, $0x3E00;
	v6 =	vld [tilespmem:s1+$0x70];
	[tilespmem:s17+$0x1010] =	vst v5;
	v3 =	vadd.s32 $0x26B00, v3  }
0x27: {  	v5 =	vld [tilespmem:s1+$0x0];
	[tilespmem:s17+$0x1020] =	vst v3;
	v2 =	vadd.s32 $0x26B00, v2  }
0x28: {  	v7 =	vld [tilespmem:s1+$0x10];
	[tilespmem:s17+$0x1030] =	vst v2;
	v0 =	vadd.s32 $0x26B00, v0  }
.Ltmp1:
0x29: {  	v3 =	vld [tilespmem:s1+$0x20];
	[tilespmem:s17+$0x1040] =	vst v0;
	v0 =	vadd.s32 $0x26B00, v1;
	(pc) =	sbr.rel @p0 .LBB2_3-.Ltmp1, $4  }
0x2a: {  	v2 =	vld [tilespmem:s1+$0x30];
	[tilespmem:s17+$0x1050] =	vst v0;
	v1 =	vadd.s32 $0x26B00, v4  }
0x2b: {  	v0 =	vld [tilespmem:s1+$0x40];
	v4 =	vadd.s32 $0x26B00, v6;
	[tilespmem:s17+$0x1060] =	vst v1;
	s17 =	smov.u32 s1  }
0x2c: {  	v5 =	vadd.s32 $0x26B00, v5;
	v1 =	vld [tilespmem:s17+$0x50];
	[tilespmem:s17+$0x1070] =	vst v4  }
0x2d: {  	s1 =	sshra.s32 s5, $0x2;
	s5 =	sadd.s32 $0x200, s5;
	[tilespmem:s17+$0x1000] =	vst v5;
	v5 =	vadd.s32 $0x26B00, v7;
	v4 =	vld [tilespmem:s17+$0x60]  }
0x2e: {  	v6 =	vld [tilespmem:s1+$0x70];
	[tilespmem:s17+$0x1010] =	vst v5;
	v3 =	vadd.s32 $0x26B00, v3  }
0x2f: {  	v5 =	vld [tilespmem:s1+$0x0];
	[tilespmem:s17+$0x1020] =	vst v3;
	v2 =	vadd.s32 $0x26B00, v2  }
0x30: {  	v3 =	vld [tilespmem:s1+$0x10];
	[tilespmem:s17+$0x1030] =	vst v2;
	v0 =	vadd.s32 $0x26B00, v0  }
0x31: {  	v2 =	vld [tilespmem:s1+$0x20];
	[tilespmem:s17+$0x1040] =	vst v0;
	v51 =	vadd.s32 $0x26B00, v1  }
0x32: {  	v52 =	vld [tilespmem:s1+$0x30];
	[tilespmem:s17+$0x1050] =	vst v51;
	v53 =	vadd.s32 $0x26B00, v4  }
0x33: {  	v54 =	vld [tilespmem:s1+$0x40];
	[tilespmem:s17+$0x1060] =	vst v53;
	v55 =	vadd.s32 $0x26B00, v6  }
0x34: {  	v56 =	vld [tilespmem:s1+$0x50];
	v5 =	vadd.s32 $0x26B00, v5;
	[tilespmem:s1+$0x1070] =	vst v55  }
0x35: {  	v58 =	vld [tilespmem:s1+$0x60];
	[tilespmem:s1+$0x1000] =	vst v5;
	v57 =	vadd.s32 $0x26B00, v3  }
0x36: {  	[tilespmem:s1+$0x1010] =	vst v57;
	v59 =	vadd.s32 $0x26B00, v2  }
0x37: {  	[tilespmem:s1+$0x1020] =	vst v59;
	v60 =	vadd.s32 $0x26B00, v52  }
0x38: {  	[tilespmem:s1+$0x1030] =	vst v60;
	v61 =	vadd.s32 $0x26B00, v54  }
0x39: {  	[tilespmem:s1+$0x1040] =	vst v61;
	v62 =	vadd.s32 $0x26B00, v56  }
0x3a: {  	v63 =	vadd.s32 $0x26B00, v58;
	[tilespmem:s1+$0x1050] =	vst v62  }
0x3b: {  	[tilespmem:s1+$0x1060] =	vst v63  }
0x3c: {  	[tilespmem:s22], [sflag:$0x1] =	stream.indirect.gather [hbm4b:s3+s21], $0x80, s4, s21, $0xb8;
	[tilespmem:$0x12000] =	vst v63  }
0x3d: {  	s17 =	rddreg [dreg:$0x2]  }
0x3e: {  	[tilespmem:s23], [sflag:$0x1] =	stream.indirect.gather [hbm4b:s3+s21], $0x80, s17, s21, $0xb8;
	[tilespmem:$0x12000] =	vst v63  }
0x3f: {  	s5 =	sadd.s32 $0xFFFFFF80, s16  }
0x40: {  	[tilespmem:s24], [sflag:$0x2] =	stream.indirect.gather [hbm4b:s3+s21], $0x80, s5, s21, $0xb8;
	[tilespmem:$0x12000] =	vst v63  }
0x41: {  	s6 =	sadd.s32 $0xFFFFFF80, s0  }
0x42: {  	[tilespmem:s25], [sflag:$0x2] =	stream.indirect.gather [hbm4b:s3+s21], $0x80, s6, s21, $0xb8;
	[tilespmem:$0x12000] =	vst v63  }
0x43: {  	_ =	swait.ge [sflag:s26], $0x4000  }
0x44: {  	[sflag:s26] =	ssyncset.done $0x0  }
0x45: {  	[sflag:s26] =	ssyncadd.s32 $0xFFFFC000  }
0x46: {  	_ =	swait.ge [sflag:s26], $0x4000  }
0x47: {  	[sflag:s26] =	ssyncset.done $0x0  }
0x48: {  	s17 =	sadd.s32 $0x0, s15;
	[sflag:s26] =	ssyncadd.s32 $0xFFFFC000  }
0x49: {  	[hbm4b:s17+s2] =	stream.linear.scatter [tilespmem:s22], [sflag:$0x3], $0x4000, $0x38;
	[tilespmem:$0x12000] =	vst v63  }
0x4a: {  	_ =	swait.ge [sflag:s20], $0x4000  }
0x4b: {  	[sflag:s20] =	ssyncset.done $0x0  }
0x4c: {  	s5 =	sadd.s32 $0x0, s14;
	[sflag:s20] =	ssyncadd.s32 $0xFFFFC000  }
0x4d: {  	[hbm4b:s5+s2] =	stream.linear.scatter [tilespmem:s23], [sflag:$0x3], $0x4000, $0x38;
	[tilespmem:$0x12000] =	vst v63  }
0x4e: {  	_ =	swait.ge [sflag:s20], $0x4000  }
0x4f: {  	[sflag:s20] =	ssyncset.done $0x0  }
0x50: {  	[sflag:s20] =	ssyncadd.s32 $0xFFFFC000  }
0x51: {  	[tilespmem:s22], [sflag:$0x1] =	stream.indirect.gather [hbm4b:s3+s21], $0x80, s16, s21, $0xb8;
	[tilespmem:$0x12000] =	vst v63  }
0x52: {  	_ = 	snop  }
0x53: {  	[tilespmem:s23], [sflag:$0x1] =	stream.indirect.gather [hbm4b:s3+s21], $0x80, s0, s21, $0xb8;
	[tilespmem:$0x12000] =	vst v63  }
0x54: {  	_ =	swait.ge [sflag:s28], $0x4000  }
0x55: {  	[sflag:s28] =	ssyncset.done $0x0  }
0x56: {  	[sflag:s28] =	ssyncadd.s32 $0xFFFFC000  }
0x57: {  	_ =	swait.ge [sflag:s28], $0x4000  }
0x58: {  	[sflag:s28] =	ssyncset.done $0x0  }
0x59: {  	s6 =	sadd.s32 $0x0, s19;
	[sflag:s28] =	ssyncadd.s32 $0xFFFFC000  }
0x5a: {  	[hbm4b:s6+s2] =	stream.linear.scatter [tilespmem:s24], [sflag:$0x3], $0x4000, $0x38;
	[tilespmem:$0x12000] =	vst v63  }
0x5b: {  	_ =	swait.ge [sflag:s20], $0x4000  }
0x5c: {  	[sflag:s20] =	ssyncset.done $0x0  }
0x5d: {  	s17 =	sadd.s32 $0x0, s18;
	[sflag:s20] =	ssyncadd.s32 $0xFFFFC000  }
0x5e: {  	[hbm4b:s17+s2] =	stream.linear.scatter [tilespmem:s25], [sflag:$0x3], $0x4000, $0x38;
	[tilespmem:$0x12000] =	vst v63  }
0x5f: {  	s30 =	simm.s32 $0x1000;
	s31 =	sadd.s32 $0x100, s16;
	_ =	swait.ge [sflag:s20], $0x4000  }
0x60: {  	s1 =	simm.s32 $0x2000;
	s17 =	smov.u32 s0;
	[sflag:s20] =	ssyncset.done $0x0  }
.LBB2_5:
0x61: {  	s6 =	sadd.s32 $0xFFFFFF80, s31  }
0x62: {  	[sflag:s20] =	ssyncadd.s32 $0xFFFFC000;
	s17 =	sadd.s32 $0x100, s17;
	s5 =	smov.u32 s1  }
0x63: {  	[tilespmem:s24], [sflag:$0x2] =	stream.indirect.gather [hbm4b:s3+s21], $0x80, s6, s21, $0xb8;
	[tilespmem:$0x12000] =	vst v63  }
0x64: {  	p0 =	sne.s32 s1, $0xC000;
	s1 =	sadd.s32 $0x1000, s1;
	s6 =	sadd.s32 $0xFFFFFF80, s17  }
0x65: {  	[tilespmem:s25], [sflag:$0x2] =	stream.indirect.gather [hbm4b:s3+s21], $0x80, s6, s21, $0xb8;
	[tilespmem:$0x12000] =	vst v63  }
0x66: {  	_ =	swait.ge [sflag:s26], $0x4000  }
0x67: {  	[sflag:s26] =	ssyncset.done $0x0  }
0x68: {  	[sflag:s26] =	ssyncadd.s32 $0xFFFFC000  }
0x69: {  	_ =	swait.ge [sflag:s26], $0x4000  }
0x6a: {  	[sflag:s26] =	ssyncset.done $0x0  }
0x6b: {  	s6 =	sadd.s32 s30, s15;
	[sflag:s26] =	ssyncadd.s32 $0xFFFFC000  }
0x6c: {  	[hbm4b:s6+s2] =	stream.linear.scatter [tilespmem:s22], [sflag:$0x3], $0x4000, $0x38;
	[tilespmem:$0x12000] =	vst v63  }
0x6d: {  	_ =	swait.ge [sflag:s20], $0x4000  }
0x6e: {  	[sflag:s20] =	ssyncset.done $0x0  }
0x6f: {  	s6 =	sadd.s32 s30, s14;
	[sflag:s20] =	ssyncadd.s32 $0xFFFFC000  }
0x70: {  	[hbm4b:s6+s2] =	stream.linear.scatter [tilespmem:s23], [sflag:$0x3], $0x4000, $0x38;
	[tilespmem:$0x12000] =	vst v63  }
0x71: {  	_ =	swait.ge [sflag:s20], $0x4000  }
0x72: {  	[sflag:s20] =	ssyncset.done $0x0  }
0x73: {  	[sflag:s20] =	ssyncadd.s32 $0xFFFFC000  }
0x74: {  	[tilespmem:s22], [sflag:$0x1] =	stream.indirect.gather [hbm4b:s3+s21], $0x80, s31, s21, $0xb8;
	[tilespmem:$0x12000] =	vst v63  }
0x75: {  	_ = 	snop  }
0x76: {  	[tilespmem:s23], [sflag:$0x1] =	stream.indirect.gather [hbm4b:s3+s21], $0x80, s17, s21, $0xb8;
	[tilespmem:$0x12000] =	vst v63  }
0x77: {  	_ =	swait.ge [sflag:s28], $0x4000  }
0x78: {  	[sflag:s28] =	ssyncset.done $0x0  }
0x79: {  	[sflag:s28] =	ssyncadd.s32 $0xFFFFC000  }
0x7a: {  	_ =	swait.ge [sflag:s28], $0x4000  }
0x7b: {  	[sflag:s28] =	ssyncset.done $0x0  }
0x7c: {  	s6 =	sadd.s32 s30, s19;
	[sflag:s28] =	ssyncadd.s32 $0xFFFFC000  }
0x7d: {  	[hbm4b:s6+s2] =	stream.linear.scatter [tilespmem:s24], [sflag:$0x3], $0x4000, $0x38;
	[tilespmem:$0x12000] =	vst v63  }
0x7e: {  	_ =	swait.ge [sflag:s20], $0x4000  }
.Ltmp2:
0x7f: {  	[sflag:s20] =	ssyncset.done $0x0;
	(pc) =	sbr.rel @p0 .LBB2_5-.Ltmp2, $4  }
0x80: {  	s6 =	sadd.s32 s30, s18;
	s30 =	smov.u32 s5;
	[sflag:s20] =	ssyncadd.s32 $0xFFFFC000  }
0x81: {  	[hbm4b:s6+s2] =	stream.linear.scatter [tilespmem:s25], [sflag:$0x3], $0x4000, $0x38;
	[tilespmem:$0x12000] =	vst v63  }
0x82: {  	_ =	swait.ge [sflag:s20], $0x4000  }
0x83: {  	s31 =	sadd.s32 $0x100, s31;
	[sflag:s20] =	ssyncset.done $0x0  }
0x84: {  	s1 =	sadd.s32 $0xFFFFFF80, s31;
	[sflag:s20] =	ssyncadd.s32 $0xFFFFC000;
	s5 =	sadd.s32 $0x100, s17  }
0x85: {  	[tilespmem:s24], [sflag:$0x2] =	stream.indirect.gather [hbm4b:s3+s21], $0x80, s1, s21, $0xb8;
	[tilespmem:$0x12000] =	vst v63  }
0x86: {  	s6 =	sadd.s32 $0xFFFFFF80, s5  }
0x87: {  	[tilespmem:s25], [sflag:$0x2] =	stream.indirect.gather [hbm4b:s3+s21], $0x80, s6, s21, $0xb8;
	[tilespmem:$0x12000] =	vst v63  }
0x88: {  	_ =	swait.ge [sflag:s26], $0x4000  }
0x89: {  	[sflag:s26] =	ssyncset.done $0x0  }
0x8a: {  	[sflag:s26] =	ssyncadd.s32 $0xFFFFC000  }
0x8b: {  	_ =	swait.ge [sflag:s26], $0x4000  }
0x8c: {  	[sflag:s26] =	ssyncset.done $0x0  }
0x8d: {  	s17 =	sadd.s32 s30, s15;
	[sflag:s26] =	ssyncadd.s32 $0xFFFFC000  }
0x8e: {  	[hbm4b:s17+s2] =	stream.linear.scatter [tilespmem:s22], [sflag:$0x3], $0x4000, $0x38;
	[tilespmem:$0x12000] =	vst v63  }
0x8f: {  	_ =	swait.ge [sflag:s20], $0x4000  }
0x90: {  	[sflag:s20] =	ssyncset.done $0x0  }
0x91: {  	s6 =	sadd.s32 s30, s14;
	[sflag:s20] =	ssyncadd.s32 $0xFFFFC000  }
0x92: {  	[hbm4b:s6+s2] =	stream.linear.scatter [tilespmem:s23], [sflag:$0x3], $0x4000, $0x38;
	[tilespmem:$0x12000] =	vst v63  }
0x93: {  	_ =	swait.ge [sflag:s20], $0x4000  }
0x94: {  	[sflag:s20] =	ssyncset.done $0x0  }
0x95: {  	[sflag:s20] =	ssyncadd.s32 $0xFFFFC000  }
0x96: {  	[tilespmem:s22], [sflag:$0x1] =	stream.indirect.gather [hbm4b:s3+s21], $0x80, s31, s21, $0xb8;
	[tilespmem:$0x12000] =	vst v63  }
0x97: {  	_ = 	snop  }
0x98: {  	[tilespmem:s23], [sflag:$0x1] =	stream.indirect.gather [hbm4b:s3+s21], $0x80, s5, s21, $0xb8;
	[tilespmem:$0x12000] =	vst v63  }
0x99: {  	_ =	swait.ge [sflag:s28], $0x4000  }
0x9a: {  	[sflag:s28] =	ssyncset.done $0x0  }
0x9b: {  	[sflag:s28] =	ssyncadd.s32 $0xFFFFC000  }
0x9c: {  	_ =	swait.ge [sflag:s28], $0x4000  }
0x9d: {  	[sflag:s28] =	ssyncset.done $0x0  }
0x9e: {  	s17 =	sadd.s32 s30, s19;
	[sflag:s28] =	ssyncadd.s32 $0xFFFFC000  }
0x9f: {  	[hbm4b:s17+s2] =	stream.linear.scatter [tilespmem:s24], [sflag:$0x3], $0x4000, $0x38;
	[tilespmem:$0x12000] =	vst v63  }
0xa0: {  	_ =	swait.ge [sflag:s20], $0x4000  }
0xa1: {  	[sflag:s20] =	ssyncset.done $0x0  }
0xa2: {  	s30 =	sadd.s32 s30, s18;
	[sflag:s20] =	ssyncadd.s32 $0xFFFFC000  }
0xa3: {  	[hbm4b:s30+s2] =	stream.linear.scatter [tilespmem:s25], [sflag:$0x3], $0x4000, $0x38;
	[tilespmem:$0x12000] =	vst v63  }
0xa4: {  	_ =	swait.ge [sflag:s20], $0x4000  }
0xa5: {  	[sflag:s20] =	ssyncset.done $0x0  }
0xa6: {  	s31 =	rddreg [dreg:$0x3];
	[sflag:s20] =	ssyncadd.s32 $0xFFFFC000  }
0xa7: {  	[tilespmem:s24], [sflag:$0x2] =	stream.indirect.gather [hbm4b:s3+s21], $0x80, s31, s21, $0xb8;
	[tilespmem:$0x12000] =	vst v63  }
0xa8: {  	_ = 	snop  }
0xa9: {  	[tilespmem:s25], [sflag:$0x2] =	stream.indirect.gather [hbm4b:s3+s21], $0x80, s7, s21, $0xb8;
	[tilespmem:$0x12000] =	vst v63  }
0xaa: {  	_ =	swait.ge [sflag:s26], $0x4000  }
0xab: {  	[sflag:s26] =	ssyncset.done $0x0  }
0xac: {  	[sflag:s26] =	ssyncadd.s32 $0xFFFFC000  }
0xad: {  	_ =	swait.ge [sflag:s26], $0x4000  }
0xae: {  	[sflag:s26] =	ssyncset.done $0x0  }
0xaf: {  	[sflag:s26] =	ssyncadd.s32 $0xFFFFC000  }
0xb0: {  	[hbm4b:s8+s2] =	stream.linear.scatter [tilespmem:s22], [sflag:$0x3], $0x4000, $0x38;
	[tilespmem:$0x12000] =	vst v63  }
0xb1: {  	_ =	swait.ge [sflag:s20], $0x4000  }
0xb2: {  	[sflag:s20] =	ssyncset.done $0x0  }
0xb3: {  	[sflag:s20] =	ssyncadd.s32 $0xFFFFC000  }
0xb4: {  	[hbm4b:s9+s2] =	stream.linear.scatter [tilespmem:s23], [sflag:$0x3], $0x4000, $0x38;
	[tilespmem:$0x12000] =	vst v63  }
0xb5: {  	_ =	swait.ge [sflag:s20], $0x4000  }
0xb6: {  	[sflag:s20] =	ssyncset.done $0x0  }
0xb7: {  	[sflag:s20] =	ssyncadd.s32 $0xFFFFC000  }
0xb8: {  	_ =	swait.ge [sflag:s28], $0x4000  }
0xb9: {  	[sflag:s28] =	ssyncset.done $0x0  }
0xba: {  	[sflag:s28] =	ssyncadd.s32 $0xFFFFC000  }
0xbb: {  	_ =	swait.ge [sflag:s28], $0x4000  }
0xbc: {  	[sflag:s28] =	ssyncset.done $0x0  }
0xbd: {  	[sflag:s28] =	ssyncadd.s32 $0xFFFFC000  }
0xbe: {  	[hbm4b:s10+s2] =	stream.linear.scatter [tilespmem:s24], [sflag:$0x3], $0x4000, $0x38;
	[tilespmem:$0x12000] =	vst v63  }
0xbf: {  	s29 =	sadd.s32 $0x1, s29;
	_ =	swait.ge [sflag:s20], $0x4000  }
0xc0: {  	p0 =	sne.s32 s29, s13;
	[sflag:s20] =	ssyncset.done $0x0  }
.Ltmp3:
0xc1: {  	[sflag:s20] =	ssyncadd.s32 $0xFFFFC000;
	(pc) =	sbr.rel @p0 .LBB2_2-.Ltmp3, $4  }
0xc2: {  	[hbm4b:s11+s2] =	stream.linear.scatter [tilespmem:s25], [sflag:$0x3], $0x4000, $0x38;
	[tilespmem:$0x12000] =	vst v63  }
0xc3: {  	_ =	swait.ge [sflag:s20], $0x4000  }
0xc4: {  	[sflag:s20] =	ssyncset.done $0x0  }
0xc5: {  	[sflag:s20] =	ssyncadd.s32 $0xFFFFC000  }
.LBB2_7:
0xc6: {  	_ =	sfence.sel $0x180000  }
0xc7: {  	[bflag:$0x0] =	sbarrier.arrive $0xFFFF  }
0xc8: {  	_ =	strace $0x9000004A  }
0xc9: {  	s0 =	stileid.u32;
	[bflag:$0x2] =	sbarrier.arrive $0xFFFF  }
0xca: {  	p0 =	sne.s32 s0, $0x0;
	s0 =	rddreg [dreg:$0x1]  }
0xcb: {  	s0 =	sadd.s32 @!p0 $0x100000, s0  }
0xcc: {  	[sflag:s0] =	ssyncadd.tile.s32 @!p0 $0x1;
	_ =	shalt  }
.Lfunc_end2:
_tile_overlayer_lowered:
.L_overlay_start_2:
0xcd: {  	(tag) =	ssettag $0x2  }
0xce: {  	s0 =	rddreg [dreg:$0x0];
	s2 =	stileid.u32  }
0xcf: {  	s1 =	rddreg [dreg:$0x1];
	p0 =	sne.s32 s2, $0x0  }
0xd0: {  	s3 =	rddreg [dreg:$0x2];
	[bflag:$0x3] =	sbarrier.arrive $0xFFFF;
	s2 =	simm.s32 @!p0 $0x1C03  }
0xd1: {  	[timem:s3], [sflag:s2] =	dma.local @!p0 [hbm:s0], s1  }
0xd2: {  	s0 =	simm.s32 @!p0 $0x3  }
0xd3: {  	_ =	swait.ge @!p0 [sflag:s0], s1  }
0xd4: {  	s1 =	ssub.s32 @!p0 $0x0, s1;
	[sflag:s0] =	ssyncset.done @!p0 $0x0  }
0xd5: {  	[sflag:s0] =	ssyncadd.s32 @!p0 s1  }
0xd6: {  	[bflag:$0x3] =	sbarrier.arrive $0xFFFF  }
0xd7: {  	_ =	shalt  }

// kernel: kernel.7.cloned.1.call-start
scs
__scs_entry_jumppad:
0x0: {  	(pc) =	sbr.rel $0x88, $3  }
0x1: {  	(tag) =	ssettag $0x0;
	lr =	simm.s32 $0x1  }
0x2: {  	[smem:$0x3F9A] =	sst lr;
	_ =	strace $0xD0000000  }
0x3: {  	_ = 	snop  }
0x4: {  	_ = 	snop  }
0x5: {  	_ = 	snop  }
0x6: {  	_ = 	snop  }
0x7: {  	_ = 	snop  }
__scs_overlays_trampoline_lowered:
0x8: {  	[smem:$0x3FA9] =	sst s0  }
0x9: {  	[smem:$0x3FAA] =	sst s1  }
0xa: {  	[smem:$0x3FAB] =	sst s2  }
0xb: {  	[smem:$0x3FAC] =	sst s3  }
0xc: {  	[smem:$0x3FAD] =	sst s4  }
0xd: {  	[smem:$0x3FAE] =	sst s5  }
0xe: {  	[smem:$0x3FAF] =	sst s6  }
0xf: {  	[smem:$0x3FB0] =	sst s7  }
0x10: {  	[smem:$0x3FB1] =	sst s8  }
0x11: {  	[smem:$0x3FB2] =	sst s9;
	s0 =	simm.s32 @!p0 $0x0  }
0x12: {  	s1 =	sld [smem:$0x3F98];
	s0 =	simm.s32 @p0 $0x1  }
0x13: {  	[smem:$0x3FB3] =	sst s0;
	s0 =	simm.s32 @!p1 $0x0  }
0x14: {  	s2 =	sld [smem:$0x3F97];
	s0 =	simm.s32 @p1 $0x1  }
0x15: {  	[smem:$0x3FB4] =	sst s0;
	s0 =	simm.s32 @!p2 $0x0  }
0x16: {  	s3 =	sld [smem:$0x3FDB];
	s0 =	simm.s32 @p2 $0x1  }
0x17: {  	s4 =	simm.s32 $0x1BF5;
	[smem:$0x3FB6] =	sst s0  }
0x18: {  	s0 =	sld [smem:$0x3F99];
	_ =	swait.ge [sflag:s4], $0x0  }
0x19: {  	s7 =	sld [smem:$0x3F9A]  }
0x1a: {  	s8 =	sadd.s32 $0xFFFFE003, lr  }
0x1b: {  	s9 =	sadd.s32 $0xFFFFFEF7, lr;
	s5 =	simm.s32 $0xFFFFFFFF;
	p2 =	slt.u32 s8, $0xFFFFF086  }
0x1c: {  	p1 =	slt.u32 s9, $0xF7A;
	s5 =	simm.s32 @!p2 $0x0  }
0x1d: {  	s5 =	simm.s32 @p1 $0x1;
	p0 =	seq.s32 s7, s2  }
0x1e: {  	s7 =	smul.u32 @!p0 $0xF7A, s2;
	p2 =	seq.s32 @!p0 s5, $0x0  }
0x1f: {  	s9 =	smul.u32 $0xF7A, s1;
	s8 =	simm.s32 @!p0 $0x1BF5;
	p2 =	por !p2, p0  }
0x20: {  	[sflag:s8] =	ssyncset.s32 @!p0 $0xFFFFF086;
	s6 =	sadd.s32 @!p0 s3, s7;
	s7 =	simm.s32 @!p0 $0x108  }
0x21: {  	s3 =	sadd.s32 s3, s9;
	s6 =	sadd.s32 @!p0 $0x88, s6;
	s7 =	simm.s32 @p2 $0x1082  }
0x22: {  	[simem:s7], [sflag:s8] =	dma.local @!p0 [hbm:s6], $0xF7A  }
0x23: {  	s9 =	sor.u32 $0xD0000000, s2;
	s6 =	simm.s32 $0x108;
	_ =	swait.ge @!p0 [sflag:s8], $0x0  }
0x24: {  	s3 =	sadd.s32 $0x88, s3;
	s6 =	simm.s32 @!p1 $0x1082;
	[sflag:s4] =	ssyncset.s32 $0xFFFFF086  }
0x25: {  	[simem:s6], [sflag:s4] =	dma.local [hbm:s3], $0xF7A  }
0x26: {  	[smem:$0x3F9A] =	sst s1;
	(tag) =	ssettag s2;
	_ =	strace s9  }
0x27: {  	s1 =	sld [smem:$0x3FAA]  }
0x28: {  	s2 =	sld [smem:$0x3FAB]  }
0x29: {  	s4 =	sld [smem:$0x3FAD]  }
0x2a: {  	p0 =	seq.s32 s5, $0x0;
	s5 =	sld [smem:$0x3FAE]  }
0x2b: {  	s6 =	sld [smem:$0x3FAF]  }
0x2c: {  	s7 =	sld [smem:$0x3FB0]  }
0x2d: {  	s3 =	simm.s32 $0x108;
	s8 =	sld [smem:$0x3FB1]  }
0x2e: {  	s3 =	simm.s32 @!p0 $0x1082;
	s9 =	sld [smem:$0x3FB2]  }
0x2f: {  	lr =	sadd.s32 s0, s3;
	s0 =	sld [smem:$0x3FA9]  }
0x30: {  	s3 =	sld [smem:$0x3FAC]  }
0x31: {  	[smem:$0x3FB5] =	sst s10  }
0x32: {  	s10 =	sld [smem:$0x3FB3];
	_ =	sdelay $0x3  }
0x33: {  	p0 =	seq.s32 s10, $0x1;
	s10 =	sld [smem:$0x3FB5];
	_ =	sdelay $0x3  }
0x34: {  	[smem:$0x3FB5] =	sst s10  }
0x35: {  	s10 =	sld [smem:$0x3FB4];
	_ =	sdelay $0x3  }
0x36: {  	p1 =	seq.s32 s10, $0x1;
	s10 =	sld [smem:$0x3FB5];
	_ =	sdelay $0x3  }
0x37: {  	[smem:$0x3FB5] =	sst s10  }
0x38: {  	s10 =	sld [smem:$0x3FB6]  }
0x39: {  	_ = 	snop;
	(pc) =	sbr.ind lr, $3  }
0x3a: {  	_ = 	snop  }
0x3b: {  	_ = 	snop  }
0x3c: {  	p2 =	seq.s32 s10, $0x1;
	s10 =	sld [smem:$0x3FB5]  }
0x3d: {  	_ =	shalt  }
0x3e: {  	_ =	shalt  }
0x3f: {  	_ =	shalt  }
0x40: {  	_ =	shalt  }
0x41: {  	_ =	shalt  }
0x42: {  	_ =	shalt  }
0x43: {  	_ =	shalt  }
0x44: {  	_ =	shalt  }
0x45: {  	_ =	shalt  }
0x46: {  	_ =	shalt  }
0x47: {  	_ =	shalt  }
0x48: {  	_ =	shalt  }
0x49: {  	_ =	shalt  }
0x4a: {  	_ =	shalt  }
0x4b: {  	_ =	shalt  }
0x4c: {  	_ =	shalt  }
0x4d: {  	_ =	shalt  }
0x4e: {  	_ =	shalt  }
0x4f: {  	_ =	shalt  }
0x50: {  	_ =	shalt  }
0x51: {  	_ =	shalt  }
0x52: {  	_ =	shalt  }
0x53: {  	_ =	shalt  }
0x54: {  	_ =	shalt  }
0x55: {  	_ =	shalt  }
0x56: {  	_ =	shalt  }
0x57: {  	_ =	shalt  }
0x58: {  	_ =	shalt  }
0x59: {  	_ =	shalt  }
0x5a: {  	_ =	shalt  }
0x5b: {  	_ =	shalt  }
0x5c: {  	_ =	shalt  }
0x5d: {  	_ =	shalt  }
0x5e: {  	_ =	shalt  }
0x5f: {  	_ =	shalt  }
0x60: {  	_ =	shalt  }
0x61: {  	_ =	shalt  }
0x62: {  	_ =	shalt  }
0x63: {  	_ =	shalt  }
0x64: {  	_ =	shalt  }
0x65: {  	_ =	shalt  }
0x66: {  	_ =	shalt  }
0x67: {  	_ =	shalt  }
0x68: {  	_ =	shalt  }
0x69: {  	_ =	shalt  }
0x6a: {  	_ =	shalt  }
0x6b: {  	_ =	shalt  }
0x6c: {  	_ =	shalt  }
0x6d: {  	_ =	shalt  }
0x6e: {  	_ =	shalt  }
0x6f: {  	_ =	shalt  }
0x70: {  	_ =	shalt  }
0x71: {  	_ =	shalt  }
0x72: {  	_ =	shalt  }
0x73: {  	_ =	shalt  }
0x74: {  	_ =	shalt  }
0x75: {  	_ =	shalt  }
0x76: {  	_ =	shalt  }
0x77: {  	_ =	shalt  }
0x78: {  	_ =	shalt  }
0x79: {  	_ =	shalt  }
0x7a: {  	_ =	shalt  }
0x7b: {  	_ =	shalt  }
0x7c: {  	_ =	shalt  }
0x7d: {  	_ =	shalt  }
0x7e: {  	_ =	shalt  }
0x7f: {  	_ =	shalt  }
0x80: {  	_ =	shalt  }
0x81: {  	_ =	shalt  }
0x82: {  	_ =	shalt  }
0x83: {  	_ =	shalt  }
0x84: {  	_ =	shalt  }
0x85: {  	_ =	shalt  }
0x86: {  	_ =	shalt  }
0x87: {  	_ =	shalt  }
.Lfunc_end0:
.L_simem_size_0:
called_computation_lowered:
.L_overlay_start_0:
0x88: {  	s2 =	sld [smem:$0x3FD9]  }
0x89: {  	s3 =	sld [smem:$0x3FFE];
	_ =	sdelay $0x1  }
0x8a: {  	s1 =	srdreg.scid  }
0x8b: {  	s0 =	sand.u32 $0x1, s1  }
0x8c: {  	s17 =	sshll.u32 s0, $0xA;
	s2 =	sadd.s32 s3, s2  }
0x8d: {  	s2 =	sadd.s32 s2, s17  }
0x8e: {  	[smem:$0x3FC1] =	sst s2  }
0x8f: {  	_ = 	snop  }
0x90: {  	s2 =	sld [smem:$0x3FD0];
	(tm) =	ssettm $0x1  }
0x91: {  	s18 =	sld [smem:$0x3FFB];
	_ =	sdelay $0x3  }
0x92: {  	_ =	strace s18  }
0x93: {  	s3 =	sld [smem:$0x3FFC];
	_ =	sdelay $0x3  }
0x94: {  	_ =	strace s3  }
0x95: {  	s3 =	sld [smem:$0x3FFD];
	_ =	sdelay $0x3  }
0x96: {  	_ =	strace s3  }
0x97: {  	_ =	strace $0x8FFFFFFF  }
0x98: {  	s19 =	sld [smem:$0x3FDB];
	_ =	sdelay $0x1  }
0x99: {  	s4 =	simm.s32 $_scs_section_size  }
0x9a: {  	s5 =	simm.s32 $_size__tile_overlayer_lowered;
	s6 =	simm.s32 $_tile_overlayer_lowered  }
0x9b: {  	s22 =	simm.s32 $0x1BFF;
	s21 =	sshll.u32 s6, $0x1;
	s3 =	sadd.s32 s4, s19  }
0x9c: {  	s7 =	simm.s32 $0x0;
	s20 =	sshll.u32 s5, $0x1;
	s5 =	sadd.s32 s21, s3  }
0x9d: {  	[timem:s7], [sflag:s22] =	dma.local [hbm:s5], s20  }
0x9e: {  	_ =	swait.ge [sflag:s22], s20  }
0x9f: {  	s4 =	ssub.s32 $0x0, s20;
	[sflag:s22] =	ssyncset.done $0x0  }
0xa0: {  	[sflag:s22] =	ssyncadd.s32 s4;
	_ =	sdelay $0x1  }
0xa1: {  	s23 =	simm.s32 $0x1B8B  }
0xa2: {  	_ =	swait.ge [sflag:s23], $0x1  }
0xa3: {  	[sflag:s23] =	ssyncset.done $0x0  }
0xa4: {  	s25 =	simm.s32 $0x1B8E;
	s24 =	sld [smem:$0x3FFE];
	[sflag:s23] =	ssyncadd.s32 $0xFFFFFFFF  }
0xa5: {  	s26 =	simm.s32 $execute0_lowered;
	[smem:$0x3FD2] =	sst s25  }
0xa6: {  	s5 =	sshll.u32 s26, $0x1;
	_ =	strace $0x80000046;
	[dreg:$0x1] =	wrdreg $0xFFFFFFFF  }
0xa7: {  	s28 =	simm.s32 $_size_execute0_lowered;
	s3 =	sadd.s32 s3, s5;
	[dreg:$0x0] =	wrdreg $0x0  }
0xa8: {  	s5 =	sshll.u32 s28, $0x1;
	[dreg:$0x2] =	wrdreg s3  }
0xa9: {  	[dreg:$0x3] =	wrdreg s5  }
0xaa: {  	[dreg:$0x4] =	wrdreg $0xC0  }
0xab: {  	_ =	task [dreg:s7], $0x5FFFF  }
0xac: {  	[dreg:$0x1] =	wrdreg $0xFFFFFFFF  }
0xad: {  	[dreg:$0x0] =	wrdreg $0x60  }
0xae: {  	[dreg:$0x2] =	wrdreg s24  }
0xaf: {  	[dreg:$0x3] =	wrdreg s2  }
0xb0: {  	[dreg:$0x4] =	wrdreg $0x0  }
0xb1: {  	[dreg:$0x5] =	wrdreg $0x9  }
0xb2: {  	_ =	task.clear_ibuf [dreg:s7], $0x6FFFF;
	_ =	strace $0x90000046  }
0xb3: {  	s29 =	simm.s32 $0x9;
	_ =	strace $0x80000048  }
0xb4: {  	_ =	swait.ge [sflag:s29], $0x1  }
0xb5: {  	[sflag:s29] =	ssyncadd.s32 $0xFFFFFFFF  }
0xb6: {  	_ =	strace $0x90000048  }
0xb7: {  	_ =	sfence  }
0xb8: {  	s30 =	sld [smem:$0x0];
	_ =	sdelay $0x2  }
0xb9: {  	s31 =	sshll.u32 s1, $0xD;
	s1 =	sshrl.u32 s1, $0x2  }
0xba: {  	s3 =	sand.u32 $0x4000, s31;
	s1 =	sadd.s32 s1, s30  }
0xbb: {  	s0 =	sor.u32 s3, s0;
	s1 =	sshll.u32 s1, $0x11  }
0xbc: {  	s0 =	sor.u32 s1, s0  }
0xbd: {  	s0 =	sadd.s32 $0x8F2B, s0  }
0xbe: {  	[sflag:s0] =	ssyncadd.remote.s32 $0x1  }
0xbf: {  	_ =	sfence.sel $0xFFFF  }
0xc0: {  	[dreg:$0x0] =	wrdreg $0xFFFFFFFF;
	(pc) =	sbr.abs _section_cstart, $3  }
0xc1: {  	[dreg:$0x1] =	wrdreg $0xFFFFFFFF  }
0xc2: {  	_ =	task.clear_ibuf [dreg:s7], $0x2FFFF;
	_ =	strace $0x9FFFFFFF  }
0xc3: {  	(tm) =	ssettm $0x7FFFFFFF  }
tec
execute0_lowered:
.L_overlay_start_1:
0x0: {  	(tag) =	ssettag $0x1  }
0x1: {  	s0 =	rddreg [dreg:$0x0]  }
0x2: {  	s1 =	rddreg [dreg:$0x1]  }
0x3: {  	s2 =	rddreg [dreg:$0x2];
	s3 =	simm.s32 $0x0;
	s9 =	stileid.u32  }
0x4: {  	s5 =	srdreg.scid;
	s17 =	simm.s32 $0x194B0;
	[smem:$0x7FF] =	sst s3  }
0x5: {  	s18 =	smul.u32 $0x310, s9;
	s4 =	sadd.s32 $0xE400, s0;
	s6 =	sadd.s32 $0x321600, s0  }
0x6: {  	s20 =	sadd.s32 $0x1E00, s0;
	_ =	strace $0x80000047;
	[dreg:$0xa] =	wrdreg s6  }
0x7: {  	s31 =	sand.u32 $0x1, s5;
	s19 =	smul.u32 $0x4D600, s9;
	[dreg:$0xc] =	wrdreg s20  }
0x8: {  	s7 =	smul.u32 $0x26B0, s9;
	s8 =	sadd.s32 $0x321C00, s0;
	[dreg:$0x4] =	wrdreg s17  }
0x9: {  	[dreg:$0xb] =	wrdreg s31;
	s5 =	sshrl.u32 s19, $0x2;
	s19 =	simm.s32 $0x198B0  }
0xa: {  	s17 =	smul.u32 $0xC4000, s9;
	s12 =	sadd.s32 s1, s7;
	[dreg:$0x5] =	wrdreg s19  }
0xb: {  	s21 =	ssub.s32 $0x2, s31;
	s3 =	sadd.s32 s18, s0;
	[dreg:$0x12] =	wrdreg s12  }
0xc: {  	s23 =	sadd.s32 $0x21DA, s7;
	s3 =	sadd.s32 $0x31E400, s3;
	[smem:$0x7FB] =	sst s17  }
0xd: {  	s26 =	sadd.s32 $0x4D6, s7;
	s30 =	sshll.u32 s23, $0x7;
	[dreg:$0xe] =	wrdreg s3  }
0xe: {  	s10 =	sadd.s32 $0x9AC, s7;
	s16 =	sshll.u32 s26, $0x7;
	[dreg:$0x11] =	wrdreg s30  }
0xf: {  	s22 =	sshrl.u32 s21, $0x1;
	s18 =	sshll.u32 s10, $0x7;
	[dreg:$0x16] =	wrdreg s16  }
0x10: {  	s0 =	ssub.s32 s21, s22;
	s21 =	simm.s32 $0x19CB0;
	[dreg:$0x18] =	wrdreg s18  }
0x11: {  	s25 =	sshll.u32 s23, $0x3;
	s23 =	simm.s32 $0x1A0B0;
	[dreg:$0x6] =	wrdreg s21  }
0x12: {  	s11 =	sadd.s32 s5, s2;
	s19 =	sadd.s32 $0x4D6, s12;
	[dreg:$0x7] =	wrdreg s23  }
0x13: {  	s24 =	sadd.s32 $0x26B0, s11;
	[smem:$0x7F3] =	sst s19  }
0x14: {  	s20 =	sadd.s32 $0x1358, s7;
	s3 =	sadd.s32 s25, s2;
	[dreg:$0xf] =	wrdreg s24  }
0x15: {  	s5 =	sshll.u32 s10, $0x3;
	s0 =	smax.u32 s0, $0x1;
	[dreg:$0x10] =	wrdreg s3  }
0x16: {  	s22 =	sshll.u32 s20, $0x3;
	s14 =	sadd.s32 s5, s2;
	[dreg:$0x13] =	wrdreg s0  }
0x17: {  	s13 =	sadd.s32 $0xE82, s7;
	s5 =	sadd.s32 s22, s2;
	[dreg:$0x15] =	wrdreg s14  }
0x18: {  	s25 =	sadd.s32 $0x182E, s7;
	s7 =	sadd.s32 $0x4D60, s11;
	[dreg:$0x19] =	wrdreg s5  }
0x19: {  	s16 =	sadd.s32 $0x10ED0, s11;
	[dreg:$0x1e] =	wrdreg s7  }
0x1a: {  	s21 =	sadd.s32 $0xE82, s12;
	[smem:$0x7F0] =	sst s16  }
0x1b: {  	s22 =	sadd.s32 $0x1358, s12;
	[smem:$0x7F5] =	sst s21  }
0x1c: {  	s23 =	sadd.s32 $0x182E, s12;
	[smem:$0x7F6] =	sst s22  }
0x1d: {  	s29 =	simm.s32 $0x3;
	s28 =	sadd.s32 $0xE820, s11;
	[smem:$0x7F7] =	sst s23  }
0x1e: {  	s1 =	simm.s32 $0x0;
	s24 =	simm.s32 $0x1A4B0;
	[smem:$0x7FD] =	sst s28  }
0x1f: {  	s3 =	sshll.u32 s26, $0x3;
	s26 =	simm.s32 $0x1A8B0;
	[dreg:$0x8] =	wrdreg s24  }
0x20: {  	s15 =	sshll.u32 s13, $0x3;
	s6 =	sshll.u32 s25, $0x7;
	[dreg:$0x9] =	wrdreg s26  }
0x21: {  	s10 =	sadd.s32 $0x7410, s11;
	s14 =	sadd.s32 $0x9AC0, s11;
	[dreg:$0x1d] =	wrdreg s6  }
0x22: {  	s30 =	sshll.u32 s25, $0x3;
	s25 =	sadd.s32 $0x21DA, s12;
	[smem:$0x7EE] =	sst s14  }
0x23: {  	s19 =	simm.s32 $0x190B0;
	s5 =	smov.u32 s11;
	[smem:$0x7F9] =	sst s25  }
0x24: {  	s23 =	simm.s32 $0x4;
	s0 =	sadd.s32 s3, s2;
	[dreg:$0xd] =	wrdreg s5  }
0x25: {  	s7 =	simm.s32 $0x1B0B0;
	s3 =	sshll.u32 s13, $0x7;
	[dreg:$0x14] =	wrdreg s0  }
0x26: {  	s21 =	simm.s32 $0x180B0;
	s24 =	sadd.s32 $0x1D04, s12;
	[dreg:$0x1a] =	wrdreg s3  }
0x27: {  	s22 =	simm.s32 $0x184B0;
	s26 =	sadd.s32 $0x38000, s17;
	[smem:$0x7F8] =	sst s24  }
0x28: {  	s13 =	smul.u32 $0x135800, s9;
	s9 =	smov.u32 s10;
	[smem:$0x7FA] =	sst s26  }
0x29: {  	s25 =	simm.s32 $0x80;
	s0 =	sadd.s32 s15, s2;
	[dreg:$0x1f] =	wrdreg s9  }
0x2a: {  	s10 =	simm.s32 $0x1;
	s3 =	sshll.u32 s20, $0x7;
	[dreg:$0x17] =	wrdreg s0  }
0x2b: {  	s14 =	simm.s32 $0x178B0;
	s15 =	sadd.s32 $0xC170, s11;
	[dreg:$0x1c] =	wrdreg s3  }
0x2c: {  	s20 =	sadd.s32 $0x9AC, s12;
	s24 =	simm.s32 $0x1ACB0;
	[smem:$0x7EF] =	sst s15  }
.Ltmp0:
0x2d: {  	s11 =	simm.s32 $0x188B0;
	[smem:$0x7F1] =	sst s13;
	(pc) =	sbr.rel .LBB2_1-.Ltmp0, $4  }
0x2e: {  	s12 =	simm.s32 $0x18CB0;
	s0 =	sadd.s32 s30, s2;
	[smem:$0x7F4] =	sst s20  }
0x2f: {  	s18 =	sadd.s32 $0xE8200, s13;
	s30 =	sadd.s32 $0x1C000, s17;
	[dreg:$0x1b] =	wrdreg s0  }
0x30: {  	s15 =	simm.s32 $0x8;
	s13 =	simm.s32 $0x2;
	[smem:$0x7F2] =	sst s18  }
0x31: {  	s20 =	simm.s32 $0x17CB0;
	[smem:$0x7FC] =	sst s30;
	s18 =	simm.s32 $0x174B0  }
.LBB2_15:
0x32: {  	s1 =	sld [smem:$0x7ED];
	_ =	sdelay $0x2  }
0x33: {  	s0 =	rddreg [dreg:$0x13];
	s1 =	sadd.s32 $0x1, s1  }
0x34: {  	p0 =	sne.s32 s1, s0  }
.Ltmp1:
0x35: {  	_ = 	snop;
	(pc) =	sbr.rel @!p0 .LBB2_16-.Ltmp1, $1  }
0x36: {  	_ =	sdelay $0x3  }
.LBB2_1:
0x37: {  	[smem:$0x7ED] =	sst s1  }
0x38: {  	s0 =	simm.s32 $0x0;
	s16 =	rddreg [dreg:$0xa];
	s3 =	simm.s32 $0x13580  }
0x39: {  	[tilespmem:s3], [sflag:$0x4] =	stream.linear.gather [hbm4b:s16+s0], $0x26B0, $0x38;
	[tilespmem:$0x1FE10] =	vst v63  }
0x3a: {  	_ =	swait.ge [sflag:s23], $0x26B0  }
0x3b: {  	[sflag:s23] =	ssyncset.done $0x0  }
0x3c: {  	s17 =	rddreg [dreg:$0xc];
	[sflag:s23] =	ssyncadd.s32 $0xFFFFD950  }
0x3d: {  	[tilespmem:s24], [sflag:$0x4] =	stream.linear.gather [hbm4b:s17+s0], $0x400, $0x38;
	[tilespmem:$0x1FE10] =	vst v63  }
0x3e: {  	_ =	swait.ge [sflag:s23], $0x400  }
0x3f: {  	s30 =	simm.s32 $0x15C30;
	[sflag:s23] =	ssyncset.done $0x0  }
.Ltmp2:
0x40: {  	s26 =	rddreg [dreg:$0xe];
	[sflag:s23] =	ssyncadd.s32 $0xFFFFFC00;
	(pc) =	sbr.rel .LBB2_2-.Ltmp2, $4  }
0x41: {  	[tilespmem:s30], [sflag:$0x4] =	stream.linear.gather [hbm4b:s26+s0], $0x1880, $0x38;
	[tilespmem:$0x1FE10] =	vst v63  }
0x42: {  	_ =	swait.ge [sflag:s23], $0x1880  }
0x43: {  	[sflag:s23] =	ssyncset.done $0x0  }
0x44: {  	s6 =	smov.u32 s31;
	s17 =	simm.s32 $0x0;
	[sflag:s23] =	ssyncadd.s32 $0xFFFFE780  }
.LBB2_14:
0x45: {  	s17 =	sadd.s32 $0x1, s17  }
0x46: {  	p0 =	sne.s32 s17, $0x11  }
.Ltmp3:
0x47: {  	_ = 	snop;
	(pc) =	sbr.rel @!p0 .LBB2_15-.Ltmp3, $3  }
0x48: {  	_ =	sdelay $0x1  }
0x49: {  	[bflag:$0x0] =	sbarrier.arrive $0xFFFF  }
0x4a: {  	s6 =	sadd.s32 $0x2, s6  }
.LBB2_2:
0x4b: {  	s1 =	sshll.u32 s17, $0x1  }
0x4c: {  	s1 =	sor.u32 s31, s1  }
0x4d: {  	p0 =	sgt.u32 s1, $0x20  }
0x4e: {  	s3 =	simm.s32 @!p0 $0x13580  }
0x4f: {  	[spmem:s5] =	stream.linear.scatter @!p0 [tilespmem:s3], [sflag:$0x3], $0x26B0, $0x38;
	[tilespmem:$0x1FE10] =	vst v63  }
0x50: {  	s0 =	rddreg [dreg:$0xf]  }
0x51: {  	[spmem:s0] =	stream.linear.scatter @!p0 [tilespmem:s3], [sflag:$0x3], $0x26B0, $0x38;
	[tilespmem:$0x1FE10] =	vst v63  }
0x52: {  	s0 =	rddreg [dreg:$0x1e]  }
0x53: {  	[spmem:s0] =	stream.linear.scatter @!p0 [tilespmem:s3], [sflag:$0x3], $0x26B0, $0x38;
	[tilespmem:$0x1FE10] =	vst v63  }
0x54: {  	s0 =	sld [smem:$0x7EE]  }
0x55: {  	[spmem:s9] =	stream.linear.scatter @!p0 [tilespmem:s3], [sflag:$0x3], $0x26B0, $0x38;
	[tilespmem:$0x1FE10] =	vst v63  }
0x56: {  	_ = 	snop  }
0x57: {  	[spmem:s0] =	stream.linear.scatter @!p0 [tilespmem:s3], [sflag:$0x3], $0x26B0, $0x38;
	[tilespmem:$0x1FE10] =	vst v63  }
0x58: {  	s0 =	sld [smem:$0x7EF];
	_ =	sdelay $0x2  }
0x59: {  	[spmem:s0] =	stream.linear.scatter @!p0 [tilespmem:s3], [sflag:$0x3], $0x26B0, $0x38;
	[tilespmem:$0x1FE10] =	vst v63  }
0x5a: {  	s0 =	sld [smem:$0x7F0]  }
0x5b: {  	[spmem:s28] =	stream.linear.scatter @!p0 [tilespmem:s3], [sflag:$0x3], $0x26B0, $0x38;
	[tilespmem:$0x1FE10] =	vst v63  }
0x5c: {  	_ = 	snop  }
0x5d: {  	[spmem:s0] =	stream.linear.scatter @!p0 [tilespmem:s3], [sflag:$0x3], $0x26B0, $0x38;
	[tilespmem:$0x1FE10] =	vst v63  }
0x5e: {  	s3 =	simm.s32 @!p0 $0x3  }
0x5f: {  	_ =	swait.ge @!p0 [sflag:s3], $0x26B0  }
0x60: {  	[sflag:s3] =	ssyncset.done @!p0 $0x0  }
0x61: {  	[sflag:s3] =	ssyncadd.s32 @!p0 $0xFFFFD950  }
0x62: {  	_ =	swait.ge @!p0 [sflag:s3], $0x26B0  }
0x63: {  	[sflag:s3] =	ssyncset.done @!p0 $0x0  }
0x64: {  	[sflag:s3] =	ssyncadd.s32 @!p0 $0xFFFFD950  }
0x65: {  	_ =	swait.ge @!p0 [sflag:s3], $0x26B0  }
0x66: {  	[sflag:s3] =	ssyncset.done @!p0 $0x0  }
0x67: {  	[sflag:s3] =	ssyncadd.s32 @!p0 $0xFFFFD950  }
0x68: {  	_ =	swait.ge @!p0 [sflag:s3], $0x26B0  }
0x69: {  	[sflag:s3] =	ssyncset.done @!p0 $0x0  }
0x6a: {  	[sflag:s3] =	ssyncadd.s32 @!p0 $0xFFFFD950  }
0x6b: {  	_ =	swait.ge @!p0 [sflag:s3], $0x26B0  }
0x6c: {  	[sflag:s3] =	ssyncset.done @!p0 $0x0  }
0x6d: {  	[sflag:s3] =	ssyncadd.s32 @!p0 $0xFFFFD950  }
0x6e: {  	_ =	swait.ge @!p0 [sflag:s3], $0x26B0  }
0x6f: {  	[sflag:s3] =	ssyncset.done @!p0 $0x0  }
0x70: {  	[sflag:s3] =	ssyncadd.s32 @!p0 $0xFFFFD950  }
0x71: {  	_ =	swait.ge @!p0 [sflag:s3], $0x26B0  }
0x72: {  	[sflag:s3] =	ssyncset.done @!p0 $0x0  }
0x73: {  	[sflag:s3] =	ssyncadd.s32 @!p0 $0xFFFFD950  }
0x74: {  	_ =	swait.ge @!p0 [sflag:s3], $0x26B0  }
0x75: {  	[sflag:s3] =	ssyncset.done @!p0 $0x0  }
0x76: {  	[sflag:s3] =	ssyncadd.s32 @!p0 $0xFFFFD950;
	p0 =	seq.s32 s17, $0x10  }
.Ltmp4:
0x77: {  	_ = 	snop;
	(pc) =	sbr.rel @p0 .LBB2_6-.Ltmp4, $3  }
0x78: {  	_ =	sdelay $0x1  }
0x79: {  	s16 =	sshll.u32 s1, $0x3;
	[bflag:$0x0] =	sbarrier.arrive $0xFFFF  }
0x7a: {  	s26 =	sshrl.u32 s17, $0x3;
	s16 =	sand.u32 $0x78, s16  }
0x7b: {  	s0 =	sld [smem:$0x7FB]  }
0x7c: {  	s3 =	smul.u32 $0xC40000, s26;
	s9 =	sld [smem:$0x7FC]  }
0x7d: {  	_ = 	snop  }
0x7e: {  	s28 =	sshll.u32 s6, $0x3;
	s30 =	sadd.s32 s0, s3  }
0x7f: {  	s31 =	sand.u32 $0x78, s28;
	s28 =	sadd.s32 s3, s9;
	s30 =	sor.u32 s30, s16  }
0x80: {  	s28 =	sadd.s32 s31, s28;
	s30 =	sshrl.u32 s30, $0x3  }
0x81: {  	s28 =	sshrl.u32 s28, $0x3;
	s30 =	sadd.s32 s4, s30  }
0x82: {  	[tilespmem:s18], [sflag:$0x1] =	stream.strided.gather [hbm4b:s30+s15], $0x1C00, s25, s15, $0x38;
	[tilespmem:$0x1FE10] =	vst v63  }
0x83: {  	s28 =	sadd.s32 s28, s4  }
0x84: {  	[tilespmem:s19], [sflag:$0x2] =	stream.strided.gather [hbm4b:s28+s15], $0x1C00, s25, s15, $0x38;
	[tilespmem:$0x1FE10] =	vst v63  }
0x85: {  	_ =	swait.ge [sflag:s10], $0x1C00  }
0x86: {  	[sflag:s10] =	ssyncset.done $0x0  }
0x87: {  	s30 =	simm.s32 $0x15C30;
	[sflag:s10] =	ssyncadd.s32 $0xFFFFE400  }
0x88: {  	[spmem:s2] =	stream.indirect.scatter.add.f32 [tilespmem:s18], [sflag:$0x3], $0x8, s30, s25, $0xb8;
	[tilespmem:$0x1FE10] =	vst v63  }
0x89: {  	s30 =	simm.s32 $0x15CB0  }
0x8a: {  	[spmem:s2] =	stream.indirect.scatter.add.f32 [tilespmem:s14], [sflag:$0x3], $0x8, s30, s25, $0xb8;
	[tilespmem:$0x1FE10] =	vst v63  }
0x8b: {  	s30 =	simm.s32 $0x15D30  }
0x8c: {  	[spmem:s2] =	stream.indirect.scatter.add.f32 [tilespmem:s20], [sflag:$0x3], $0x8, s30, s25, $0xb8;
	[tilespmem:$0x1FE10] =	vst v63  }
0x8d: {  	s30 =	simm.s32 $0x15DB0  }
0x8e: {  	[spmem:s2] =	stream.indirect.scatter.add.f32 [tilespmem:s21], [sflag:$0x3], $0x8, s30, s25, $0xb8;
	[tilespmem:$0x1FE10] =	vst v63  }
0x8f: {  	s30 =	simm.s32 $0x15E30  }
0x90: {  	[spmem:s2] =	stream.indirect.scatter.add.f32 [tilespmem:s22], [sflag:$0x3], $0x8, s30, s25, $0xb8;
	[tilespmem:$0x1FE10] =	vst v63  }
0x91: {  	s30 =	simm.s32 $0x15EB0  }
0x92: {  	[spmem:s2] =	stream.indirect.scatter.add.f32 [tilespmem:s11], [sflag:$0x3], $0x8, s30, s25, $0xb8;
	[tilespmem:$0x1FE10] =	vst v63  }
0x93: {  	s30 =	simm.s32 $0x15F30  }
0x94: {  	[spmem:s2] =	stream.indirect.scatter.add.f32 [tilespmem:s12], [sflag:$0x3], $0x8, s30, s25, $0xb8;
	[tilespmem:$0x1FE10] =	vst v63  }
0x95: {  	_ =	swait.ge [sflag:s29], $0x400  }
0x96: {  	[sflag:s29] =	ssyncset.done $0x0  }
0x97: {  	[sflag:s29] =	ssyncadd.s32 $0xFFFFFC00  }
0x98: {  	_ =	swait.ge [sflag:s29], $0x400  }
0x99: {  	[sflag:s29] =	ssyncset.done $0x0  }
0x9a: {  	[sflag:s29] =	ssyncadd.s32 $0xFFFFFC00  }
0x9b: {  	_ =	swait.ge [sflag:s29], $0x400  }
0x9c: {  	[sflag:s29] =	ssyncset.done $0x0  }
0x9d: {  	[sflag:s29] =	ssyncadd.s32 $0xFFFFFC00  }
0x9e: {  	_ =	swait.ge [sflag:s29], $0x400  }
0x9f: {  	[sflag:s29] =	ssyncset.done $0x0  }
0xa0: {  	[sflag:s29] =	ssyncadd.s32 $0xFFFFFC00  }
0xa1: {  	_ =	swait.ge [sflag:s29], $0x400  }
0xa2: {  	[sflag:s29] =	ssyncset.done $0x0  }
0xa3: {  	[sflag:s29] =	ssyncadd.s32 $0xFFFFFC00  }
0xa4: {  	_ =	swait.ge [sflag:s29], $0x400  }
0xa5: {  	s5 =	sld [smem:$0x7FA];
	_ =	sdelay $0x1  }
0xa6: {  	[sflag:s29] =	ssyncset.done $0x0  }
0xa7: {  	[sflag:s29] =	ssyncadd.s32 $0xFFFFFC00;
	s3 =	sadd.s32 s3, s5  }
0xa8: {  	_ =	swait.ge [sflag:s29], $0x400;
	s30 =	sadd.s32 s31, s3  }
0xa9: {  	[sflag:s29] =	ssyncset.done $0x0;
	s3 =	sshrl.u32 s30, $0x3  }
0xaa: {  	[sflag:s29] =	ssyncadd.s32 $0xFFFFFC00;
	s3 =	sadd.s32 s4, s3  }
0xab: {  	[tilespmem:s18], [sflag:$0x1] =	stream.strided.gather [hbm4b:s3+s15], $0x1C00, s25, s15, $0x38;
	[tilespmem:$0x1FE10] =	vst v63  }
0xac: {  	_ =	swait.ge [sflag:s13], $0x1C00  }
0xad: {  	[sflag:s13] =	ssyncset.done $0x0  }
0xae: {  	s9 =	simm.s32 $0x15FB0;
	[sflag:s13] =	ssyncadd.s32 $0xFFFFE400  }
0xaf: {  	[spmem:s2] =	stream.indirect.scatter.add.f32 [tilespmem:s19], [sflag:$0x3], $0x8, s9, s25, $0xb8;
	[tilespmem:$0x1FE10] =	vst v63  }
0xb0: {  	s0 =	simm.s32 $0x16030;
	s31 =	rddreg [dreg:$0x4]  }
0xb1: {  	[spmem:s2] =	stream.indirect.scatter.add.f32 [tilespmem:s31], [sflag:$0x3], $0x8, s0, s25, $0xb8;
	[tilespmem:$0x1FE10] =	vst v63  }
0xb2: {  	s5 =	simm.s32 $0x160B0;
	s9 =	rddreg [dreg:$0x5]  }
0xb3: {  	[spmem:s2] =	stream.indirect.scatter.add.f32 [tilespmem:s9], [sflag:$0x3], $0x8, s5, s25, $0xb8;
	[tilespmem:$0x1FE10] =	vst v63  }
0xb4: {  	s31 =	rddreg [dreg:$0x6];
	s9 =	simm.s32 $0x16130  }
0xb5: {  	[spmem:s2] =	stream.indirect.scatter.add.f32 [tilespmem:s31], [sflag:$0x3], $0x8, s9, s25, $0xb8;
	[tilespmem:$0x1FE10] =	vst v63  }
0xb6: {  	s0 =	rddreg [dreg:$0x7];
	s5 =	simm.s32 $0x161B0  }
0xb7: {  	[spmem:s2] =	stream.indirect.scatter.add.f32 [tilespmem:s0], [sflag:$0x3], $0x8, s5, s25, $0xb8;
	[tilespmem:$0x1FE10] =	vst v63  }
0xb8: {  	s31 =	rddreg [dreg:$0x8];
	s9 =	simm.s32 $0x16230  }
0xb9: {  	[spmem:s2] =	stream.indirect.scatter.add.f32 [tilespmem:s31], [sflag:$0x3], $0x8, s9, s25, $0xb8;
	[tilespmem:$0x1FE10] =	vst v63  }
0xba: {  	s0 =	rddreg [dreg:$0x9];
	s5 =	simm.s32 $0x162B0  }
0xbb: {  	[spmem:s2] =	stream.indirect.scatter.add.f32 [tilespmem:s0], [sflag:$0x3], $0x8, s5, s25, $0xb8;
	[tilespmem:$0x1FE10] =	vst v63  }
0xbc: {  	_ =	swait.ge [sflag:s29], $0x400  }
0xbd: {  	[sflag:s29] =	ssyncset.done $0x0  }
0xbe: {  	[sflag:s29] =	ssyncadd.s32 $0xFFFFFC00  }
0xbf: {  	_ =	swait.ge [sflag:s29], $0x400  }
0xc0: {  	[sflag:s29] =	ssyncset.done $0x0  }
0xc1: {  	[sflag:s29] =	ssyncadd.s32 $0xFFFFFC00  }
0xc2: {  	_ =	swait.ge [sflag:s29], $0x400  }
0xc3: {  	[sflag:s29] =	ssyncset.done $0x0  }
0xc4: {  	[sflag:s29] =	ssyncadd.s32 $0xFFFFFC00  }
0xc5: {  	_ =	swait.ge [sflag:s29], $0x400  }
0xc6: {  	[sflag:s29] =	ssyncset.done $0x0  }
0xc7: {  	[sflag:s29] =	ssyncadd.s32 $0xFFFFFC00  }
0xc8: {  	_ =	swait.ge [sflag:s29], $0x400  }
0xc9: {  	[sflag:s29] =	ssyncset.done $0x0  }
0xca: {  	[sflag:s29] =	ssyncadd.s32 $0xFFFFFC00  }
0xcb: {  	_ =	swait.ge [sflag:s29], $0x400  }
0xcc: {  	[sflag:s29] =	ssyncset.done $0x0  }
0xcd: {  	[sflag:s29] =	ssyncadd.s32 $0xFFFFFC00  }
0xce: {  	_ =	swait.ge [sflag:s29], $0x400  }
0xcf: {  	s31 =	simm.s32 $0x1C00;
	[sflag:s29] =	ssyncset.done $0x0  }
.LBB2_4:
0xd0: {  	[sflag:s29] =	ssyncadd.s32 $0xFFFFFC00;
	s28 =	sadd.s32 $0x7000, s28  }
0xd1: {  	[tilespmem:s19], [sflag:$0x2] =	stream.strided.gather [hbm4b:s28+s15], $0x1C00, s25, s15, $0x38;
	[tilespmem:$0x1FE10] =	vst v63  }
0xd2: {  	s3 =	smov.u32 s31;
	_ =	swait.ge [sflag:s10], $0x1C00  }
0xd3: {  	s3 =	sshra.s32 s3, $0x2;
	[sflag:s10] =	ssyncset.done $0x0  }
0xd4: {  	s9 =	sadd.s32 $0x15C30, s3;
	[sflag:s10] =	ssyncadd.s32 $0xFFFFE400  }
0xd5: {  	[spmem:s2] =	stream.indirect.scatter.add.f32 [tilespmem:s18], [sflag:$0x3], $0x8, s9, s25, $0xb8;
	[tilespmem:$0x1FE10] =	vst v63  }
0xd6: {  	s0 =	sadd.s32 $0x15CB0, s3  }
0xd7: {  	[spmem:s2] =	stream.indirect.scatter.add.f32 [tilespmem:s14], [sflag:$0x3], $0x8, s0, s25, $0xb8;
	[tilespmem:$0x1FE10] =	vst v63  }
0xd8: {  	s5 =	sadd.s32 $0x15D30, s3  }
0xd9: {  	[spmem:s2] =	stream.indirect.scatter.add.f32 [tilespmem:s20], [sflag:$0x3], $0x8, s5, s25, $0xb8;
	[tilespmem:$0x1FE10] =	vst v63  }
0xda: {  	s0 =	sadd.s32 $0x15DB0, s3  }
0xdb: {  	[spmem:s2] =	stream.indirect.scatter.add.f32 [tilespmem:s21], [sflag:$0x3], $0x8, s0, s25, $0xb8;
	[tilespmem:$0x1FE10] =	vst v63  }
0xdc: {  	s5 =	sadd.s32 $0x15E30, s3  }
0xdd: {  	[spmem:s2] =	stream.indirect.scatter.add.f32 [tilespmem:s22], [sflag:$0x3], $0x8, s5, s25, $0xb8;
	[tilespmem:$0x1FE10] =	vst v63  }
0xde: {  	s0 =	sadd.s32 $0x15EB0, s3  }
0xdf: {  	[spmem:s2] =	stream.indirect.scatter.add.f32 [tilespmem:s11], [sflag:$0x3], $0x8, s0, s25, $0xb8;
	[tilespmem:$0x1FE10] =	vst v63  }
0xe0: {  	s5 =	sadd.s32 $0x15F30, s3  }
0xe1: {  	[spmem:s2] =	stream.indirect.scatter.add.f32 [tilespmem:s12], [sflag:$0x3], $0x8, s5, s25, $0xb8;
	[tilespmem:$0x1FE10] =	vst v63  }
0xe2: {  	_ =	swait.ge [sflag:s29], $0x400  }
0xe3: {  	[sflag:s29] =	ssyncset.done $0x0  }
0xe4: {  	[sflag:s29] =	ssyncadd.s32 $0xFFFFFC00  }
0xe5: {  	_ =	swait.ge [sflag:s29], $0x400  }
0xe6: {  	[sflag:s29] =	ssyncset.done $0x0  }
0xe7: {  	[sflag:s29] =	ssyncadd.s32 $0xFFFFFC00  }
0xe8: {  	_ =	swait.ge [sflag:s29], $0x400  }
0xe9: {  	[sflag:s29] =	ssyncset.done $0x0  }
0xea: {  	[sflag:s29] =	ssyncadd.s32 $0xFFFFFC00  }
0xeb: {  	_ =	swait.ge [sflag:s29], $0x400  }
0xec: {  	[sflag:s29] =	ssyncset.done $0x0  }
0xed: {  	[sflag:s29] =	ssyncadd.s32 $0xFFFFFC00  }
0xee: {  	_ =	swait.ge [sflag:s29], $0x400  }
0xef: {  	[sflag:s29] =	ssyncset.done $0x0  }
0xf0: {  	[sflag:s29] =	ssyncadd.s32 $0xFFFFFC00  }
0xf1: {  	_ =	swait.ge [sflag:s29], $0x400  }
0xf2: {  	[sflag:s29] =	ssyncset.done $0x0  }
0xf3: {  	[sflag:s29] =	ssyncadd.s32 $0xFFFFFC00  }
0xf4: {  	s30 =	sadd.s32 $0x38000, s30;
	_ =	swait.ge [sflag:s29], $0x400  }
0xf5: {  	s0 =	sshrl.u32 s30, $0x3;
	[sflag:s29] =	ssyncset.done $0x0  }
0xf6: {  	s9 =	sadd.s32 s4, s0;
	[sflag:s29] =	ssyncadd.s32 $0xFFFFFC00  }
0xf7: {  	[tilespmem:s18], [sflag:$0x1] =	stream.strided.gather [hbm4b:s9+s15], $0x1C00, s25, s15, $0x38;
	[tilespmem:$0x1FE10] =	vst v63  }
0xf8: {  	_ =	swait.ge [sflag:s13], $0x1C00  }
0xf9: {  	[sflag:s13] =	ssyncset.done $0x0  }
0xfa: {  	s5 =	sadd.s32 $0x15FB0, s3;
	[sflag:s13] =	ssyncadd.s32 $0xFFFFE400  }
0xfb: {  	[spmem:s2] =	stream.indirect.scatter.add.f32 [tilespmem:s19], [sflag:$0x3], $0x8, s5, s25, $0xb8;
	[tilespmem:$0x1FE10] =	vst v63  }
0xfc: {  	s9 =	sadd.s32 $0x16030, s3;
	s0 =	rddreg [dreg:$0x4]  }
0xfd: {  	[spmem:s2] =	stream.indirect.scatter.add.f32 [tilespmem:s0], [sflag:$0x3], $0x8, s9, s25, $0xb8;
	[tilespmem:$0x1FE10] =	vst v63  }
0xfe: {  	s5 =	rddreg [dreg:$0x5];
	s0 =	sadd.s32 $0x160B0, s3  }
0xff: {  	[spmem:s2] =	stream.indirect.scatter.add.f32 [tilespmem:s5], [sflag:$0x3], $0x8, s0, s25, $0xb8;
	[tilespmem:$0x1FE10] =	vst v63  }
0x100: {  	s9 =	rddreg [dreg:$0x6];
	s0 =	sadd.s32 $0x16130, s3  }
0x101: {  	[spmem:s2] =	stream.indirect.scatter.add.f32 [tilespmem:s9], [sflag:$0x3], $0x8, s0, s25, $0xb8;
	[tilespmem:$0x1FE10] =	vst v63  }
0x102: {  	s5 =	rddreg [dreg:$0x7];
	s0 =	sadd.s32 $0x161B0, s3  }
0x103: {  	[spmem:s2] =	stream.indirect.scatter.add.f32 [tilespmem:s5], [sflag:$0x3], $0x8, s0, s25, $0xb8;
	[tilespmem:$0x1FE10] =	vst v63  }
0x104: {  	s9 =	rddreg [dreg:$0x8];
	s0 =	sadd.s32 $0x16230, s3  }
0x105: {  	[spmem:s2] =	stream.indirect.scatter.add.f32 [tilespmem:s9], [sflag:$0x3], $0x8, s0, s25, $0xb8;
	[tilespmem:$0x1FE10] =	vst v63  }
0x106: {  	s5 =	rddreg [dreg:$0x9];
	s9 =	sadd.s32 $0x162B0, s3  }
0x107: {  	[spmem:s2] =	stream.indirect.scatter.add.f32 [tilespmem:s5], [sflag:$0x3], $0x8, s9, s25, $0xb8;
	[tilespmem:$0x1FE10] =	vst v63  }
0x108: {  	_ =	swait.ge [sflag:s29], $0x400  }
0x109: {  	[sflag:s29] =	ssyncset.done $0x0  }
0x10a: {  	[sflag:s29] =	ssyncadd.s32 $0xFFFFFC00  }
0x10b: {  	_ =	swait.ge [sflag:s29], $0x400  }
0x10c: {  	[sflag:s29] =	ssyncset.done $0x0  }
0x10d: {  	[sflag:s29] =	ssyncadd.s32 $0xFFFFFC00  }
0x10e: {  	_ =	swait.ge [sflag:s29], $0x400  }
0x10f: {  	[sflag:s29] =	ssyncset.done $0x0  }
0x110: {  	[sflag:s29] =	ssyncadd.s32 $0xFFFFFC00  }
0x111: {  	_ =	swait.ge [sflag:s29], $0x400  }
0x112: {  	[sflag:s29] =	ssyncset.done $0x0  }
0x113: {  	[sflag:s29] =	ssyncadd.s32 $0xFFFFFC00  }
0x114: {  	_ =	swait.ge [sflag:s29], $0x400  }
0x115: {  	[sflag:s29] =	ssyncset.done $0x0  }
0x116: {  	p1 =	sne.s32 s31, $0x3800;
	[sflag:s29] =	ssyncadd.s32 $0xFFFFFC00  }
.Ltmp5:
0x117: {  	_ =	swait.ge [sflag:s29], $0x400;
	(pc) =	sbr.rel @p1 .LBB2_4-.Ltmp5, $4  }
0x118: {  	[sflag:s29] =	ssyncset.done $0x0  }
0x119: {  	[sflag:s29] =	ssyncadd.s32 $0xFFFFFC00  }
0x11a: {  	_ =	swait.ge [sflag:s29], $0x400  }
0x11b: {  	s31 =	sadd.s32 $0x1C00, s31;
	[sflag:s29] =	ssyncset.done $0x0  }
0x11c: {  	[sflag:s29] =	ssyncadd.s32 $0xFFFFFC00  }
0x11d: {  	_ =	swait.ge [sflag:s10], $0x1C00  }
0x11e: {  	[sflag:s10] =	ssyncset.done $0x0  }
0x11f: {  	s0 =	simm.s32 $0x17130;
	[sflag:s10] =	ssyncadd.s32 $0xFFFFE400  }
0x120: {  	[spmem:s2] =	stream.indirect.scatter.add.f32 [tilespmem:s18], [sflag:$0x3], $0x8, s0, s25, $0xb8;
	[tilespmem:$0x1FE10] =	vst v63  }
0x121: {  	s9 =	simm.s32 $0x171B0  }
0x122: {  	[spmem:s2] =	stream.indirect.scatter.add.f32 [tilespmem:s14], [sflag:$0x3], $0x8, s9, s25, $0xb8;
	[tilespmem:$0x1FE10] =	vst v63  }
0x123: {  	s30 =	simm.s32 $0x17230  }
0x124: {  	[spmem:s2] =	stream.indirect.scatter.add.f32 [tilespmem:s20], [sflag:$0x3], $0x8, s30, s25, $0xb8;
	[tilespmem:$0x1FE10] =	vst v63  }
0x125: {  	s3 =	simm.s32 $0x172B0  }
0x126: {  	[spmem:s2] =	stream.indirect.scatter.add.f32 [tilespmem:s21], [sflag:$0x3], $0x8, s3, s25, $0xb8;
	[tilespmem:$0x1FE10] =	vst v63  }
0x127: {  	s5 =	simm.s32 $0x17330  }
0x128: {  	[spmem:s2] =	stream.indirect.scatter.add.f32 [tilespmem:s22], [sflag:$0x3], $0x8, s5, s25, $0xb8;
	[tilespmem:$0x1FE10] =	vst v63  }
0x129: {  	s9 =	simm.s32 $0x173B0  }
0x12a: {  	[spmem:s2] =	stream.indirect.scatter.add.f32 [tilespmem:s11], [sflag:$0x3], $0x8, s9, s25, $0xb8;
	[tilespmem:$0x1FE10] =	vst v63  }
0x12b: {  	s30 =	simm.s32 $0x17430  }
0x12c: {  	[spmem:s2] =	stream.indirect.scatter.add.f32 [tilespmem:s12], [sflag:$0x3], $0x8, s30, s25, $0xb8;
	[tilespmem:$0x1FE10] =	vst v63  }
0x12d: {  	_ =	swait.ge [sflag:s29], $0x400  }
0x12e: {  	[sflag:s29] =	ssyncset.done $0x0  }
0x12f: {  	[sflag:s29] =	ssyncadd.s32 $0xFFFFFC00  }
0x130: {  	_ =	swait.ge [sflag:s29], $0x400  }
0x131: {  	[sflag:s29] =	ssyncset.done $0x0  }
0x132: {  	[sflag:s29] =	ssyncadd.s32 $0xFFFFFC00  }
0x133: {  	_ =	swait.ge [sflag:s29], $0x400  }
0x134: {  	[sflag:s29] =	ssyncset.done $0x0  }
0x135: {  	[sflag:s29] =	ssyncadd.s32 $0xFFFFFC00  }
0x136: {  	_ =	swait.ge [sflag:s29], $0x400  }
0x137: {  	[sflag:s29] =	ssyncset.done $0x0  }
0x138: {  	[sflag:s29] =	ssyncadd.s32 $0xFFFFFC00  }
0x139: {  	_ =	swait.ge [sflag:s29], $0x400  }
0x13a: {  	[sflag:s29] =	ssyncset.done $0x0  }
0x13b: {  	[sflag:s29] =	ssyncadd.s32 $0xFFFFFC00  }
0x13c: {  	_ =	swait.ge [sflag:s29], $0x400  }
0x13d: {  	[sflag:s29] =	ssyncset.done $0x0  }
0x13e: {  	[sflag:s29] =	ssyncadd.s32 $0xFFFFFC00  }
0x13f: {  	_ =	swait.ge [sflag:s29], $0x400  }
0x140: {  	s31 =	rddreg [dreg:$0xb]  }
0x141: {  	s5 =	rddreg [dreg:$0xd]  }
0x142: {  	[sflag:s29] =	ssyncset.done $0x0;
	s9 =	rddreg [dreg:$0x1f]  }
0x143: {  	s28 =	sld [smem:$0x7FD];
	[sflag:s29] =	ssyncadd.s32 $0xFFFFFC00  }
.LBB2_6:
0x144: {  	p1 =	sne.s32 s1, $0x20  }
.Ltmp6:
0x145: {  	_ = 	snop;
	(pc) =	sbr.rel @p1 .LBB2_10-.Ltmp6, $1  }
0x146: {  	_ =	sdelay $0x3  }
0x147: {  	s0 =	simm.s32 $0x15C30  }
0x148: {  	[spmem:s2] =	stream.indirect.scatter.add.f32 [tilespmem:s24], [sflag:$0x3], $0x8, s0, s25, $0xb8;
	[tilespmem:$0x1FE10] =	vst v63  }
0x149: {  	s1 =	simm.s32 $0x15CB0  }
0x14a: {  	[spmem:s2] =	stream.indirect.scatter.add.f32 [tilespmem:s24], [sflag:$0x3], $0x8, s1, s25, $0xb8;
	[tilespmem:$0x1FE10] =	vst v63  }
0x14b: {  	s3 =	simm.s32 $0x15D30  }
0x14c: {  	[spmem:s2] =	stream.indirect.scatter.add.f32 [tilespmem:s24], [sflag:$0x3], $0x8, s3, s25, $0xb8;
	[tilespmem:$0x1FE10] =	vst v63  }
0x14d: {  	s1 =	simm.s32 $0x15DB0  }
0x14e: {  	[spmem:s2] =	stream.indirect.scatter.add.f32 [tilespmem:s24], [sflag:$0x3], $0x8, s1, s25, $0xb8;
	[tilespmem:$0x1FE10] =	vst v63  }
0x14f: {  	s3 =	simm.s32 $0x15E30  }
0x150: {  	[spmem:s2] =	stream.indirect.scatter.add.f32 [tilespmem:s24], [sflag:$0x3], $0x8, s3, s25, $0xb8;
	[tilespmem:$0x1FE10] =	vst v63  }
0x151: {  	s1 =	simm.s32 $0x15EB0  }
0x152: {  	[spmem:s2] =	stream.indirect.scatter.add.f32 [tilespmem:s24], [sflag:$0x3], $0x8, s1, s25, $0xb8;
	[tilespmem:$0x1FE10] =	vst v63  }
0x153: {  	s3 =	simm.s32 $0x15F30  }
0x154: {  	[spmem:s2] =	stream.indirect.scatter.add.f32 [tilespmem:s24], [sflag:$0x3], $0x8, s3, s25, $0xb8;
	[tilespmem:$0x1FE10] =	vst v63  }
0x155: {  	_ =	swait.ge [sflag:s29], $0x400  }
0x156: {  	[sflag:s29] =	ssyncset.done $0x0  }
0x157: {  	[sflag:s29] =	ssyncadd.s32 $0xFFFFFC00  }
0x158: {  	_ =	swait.ge [sflag:s29], $0x400  }
0x159: {  	[sflag:s29] =	ssyncset.done $0x0  }
0x15a: {  	[sflag:s29] =	ssyncadd.s32 $0xFFFFFC00  }
0x15b: {  	_ =	swait.ge [sflag:s29], $0x400  }
0x15c: {  	[sflag:s29] =	ssyncset.done $0x0  }
0x15d: {  	[sflag:s29] =	ssyncadd.s32 $0xFFFFFC00  }
0x15e: {  	_ =	swait.ge [sflag:s29], $0x400  }
0x15f: {  	[sflag:s29] =	ssyncset.done $0x0  }
0x160: {  	[sflag:s29] =	ssyncadd.s32 $0xFFFFFC00  }
0x161: {  	_ =	swait.ge [sflag:s29], $0x400  }
0x162: {  	[sflag:s29] =	ssyncset.done $0x0  }
0x163: {  	[sflag:s29] =	ssyncadd.s32 $0xFFFFFC00  }
0x164: {  	_ =	swait.ge [sflag:s29], $0x400  }
0x165: {  	[sflag:s29] =	ssyncset.done $0x0  }
0x166: {  	[sflag:s29] =	ssyncadd.s32 $0xFFFFFC00  }
0x167: {  	_ =	swait.ge [sflag:s29], $0x400  }
0x168: {  	s30 =	simm.s32 $0x1C00;
	s28 =	simm.s32 $0x380;
	[sflag:s29] =	ssyncset.done $0x0  }
.LBB2_8:
0x169: {  	s0 =	sadd.s32 $0x15C30, s28  }
0x16a: {  	[sflag:s29] =	ssyncadd.s32 $0xFFFFFC00;
	s3 =	smov.u32 s30;
	s1 =	sadd.s32 $0xE00, s30  }
0x16b: {  	[spmem:s2] =	stream.indirect.scatter.add.f32 [tilespmem:s24], [sflag:$0x3], $0x8, s0, s25, $0xb8;
	[tilespmem:$0x1FE10] =	vst v63  }
0x16c: {  	p2 =	sne.s32 s30, $0x5400;
	s0 =	sadd.s32 $0x15CB0, s28  }
0x16d: {  	[spmem:s2] =	stream.indirect.scatter.add.f32 [tilespmem:s24], [sflag:$0x3], $0x8, s0, s25, $0xb8;
	[tilespmem:$0x1FE10] =	vst v63  }
0x16e: {  	s0 =	sadd.s32 $0x15D30, s28  }
0x16f: {  	[spmem:s2] =	stream.indirect.scatter.add.f32 [tilespmem:s24], [sflag:$0x3], $0x8, s0, s25, $0xb8;
	[tilespmem:$0x1FE10] =	vst v63  }
0x170: {  	s0 =	sadd.s32 $0x15DB0, s28  }
0x171: {  	[spmem:s2] =	stream.indirect.scatter.add.f32 [tilespmem:s24], [sflag:$0x3], $0x8, s0, s25, $0xb8;
	[tilespmem:$0x1FE10] =	vst v63  }
0x172: {  	s0 =	sadd.s32 $0x15E30, s28  }
0x173: {  	[spmem:s2] =	stream.indirect.scatter.add.f32 [tilespmem:s24], [sflag:$0x3], $0x8, s0, s25, $0xb8;
	[tilespmem:$0x1FE10] =	vst v63  }
0x174: {  	s0 =	sadd.s32 $0x15EB0, s28  }
0x175: {  	[spmem:s2] =	stream.indirect.scatter.add.f32 [tilespmem:s24], [sflag:$0x3], $0x8, s0, s25, $0xb8;
	[tilespmem:$0x1FE10] =	vst v63  }
0x176: {  	s0 =	sadd.s32 $0x15F30, s28  }
0x177: {  	[spmem:s2] =	stream.indirect.scatter.add.f32 [tilespmem:s24], [sflag:$0x3], $0x8, s0, s25, $0xb8;
	[tilespmem:$0x1FE10] =	vst v63  }
0x178: {  	_ =	swait.ge [sflag:s29], $0x400  }
0x179: {  	[sflag:s29] =	ssyncset.done $0x0  }
0x17a: {  	[sflag:s29] =	ssyncadd.s32 $0xFFFFFC00  }
0x17b: {  	_ =	swait.ge [sflag:s29], $0x400  }
0x17c: {  	[sflag:s29] =	ssyncset.done $0x0  }
0x17d: {  	[sflag:s29] =	ssyncadd.s32 $0xFFFFFC00  }
0x17e: {  	_ =	swait.ge [sflag:s29], $0x400  }
0x17f: {  	[sflag:s29] =	ssyncset.done $0x0  }
0x180: {  	[sflag:s29] =	ssyncadd.s32 $0xFFFFFC00  }
0x181: {  	_ =	swait.ge [sflag:s29], $0x400  }
0x182: {  	[sflag:s29] =	ssyncset.done $0x0  }
0x183: {  	[sflag:s29] =	ssyncadd.s32 $0xFFFFFC00  }
0x184: {  	_ =	swait.ge [sflag:s29], $0x400  }
0x185: {  	[sflag:s29] =	ssyncset.done $0x0  }
0x186: {  	[sflag:s29] =	ssyncadd.s32 $0xFFFFFC00  }
.Ltmp7:
0x187: {  	_ =	swait.ge [sflag:s29], $0x400;
	(pc) =	sbr.rel @p2 .LBB2_8-.Ltmp7, $4  }
0x188: {  	[sflag:s29] =	ssyncset.done $0x0  }
0x189: {  	[sflag:s29] =	ssyncadd.s32 $0xFFFFFC00  }
0x18a: {  	_ =	swait.ge [sflag:s29], $0x400  }
0x18b: {  	s30 =	smov.u32 s1;
	s28 =	sshra.s32 s3, $0x2;
	[sflag:s29] =	ssyncset.done $0x0  }
0x18c: {  	s0 =	sadd.s32 $0x15C30, s28;
	[sflag:s29] =	ssyncadd.s32 $0xFFFFFC00  }
0x18d: {  	[spmem:s2] =	stream.indirect.scatter.add.f32 [tilespmem:s24], [sflag:$0x3], $0x8, s0, s25, $0xb8;
	[tilespmem:$0x1FE10] =	vst v63  }
0x18e: {  	s1 =	sadd.s32 $0x15CB0, s28  }
0x18f: {  	[spmem:s2] =	stream.indirect.scatter.add.f32 [tilespmem:s24], [sflag:$0x3], $0x8, s1, s25, $0xb8;
	[tilespmem:$0x1FE10] =	vst v63  }
0x190: {  	s3 =	sadd.s32 $0x15D30, s28  }
0x191: {  	[spmem:s2] =	stream.indirect.scatter.add.f32 [tilespmem:s24], [sflag:$0x3], $0x8, s3, s25, $0xb8;
	[tilespmem:$0x1FE10] =	vst v63  }
0x192: {  	s30 =	sadd.s32 $0x15DB0, s28  }
0x193: {  	[spmem:s2] =	stream.indirect.scatter.add.f32 [tilespmem:s24], [sflag:$0x3], $0x8, s30, s25, $0xb8;
	[tilespmem:$0x1FE10] =	vst v63  }
0x194: {  	s1 =	sadd.s32 $0x15E30, s28  }
0x195: {  	[spmem:s2] =	stream.indirect.scatter.add.f32 [tilespmem:s24], [sflag:$0x3], $0x8, s1, s25, $0xb8;
	[tilespmem:$0x1FE10] =	vst v63  }
0x196: {  	s3 =	sadd.s32 $0x15EB0, s28  }
0x197: {  	[spmem:s2] =	stream.indirect.scatter.add.f32 [tilespmem:s24], [sflag:$0x3], $0x8, s3, s25, $0xb8;
	[tilespmem:$0x1FE10] =	vst v63  }
0x198: {  	s30 =	sadd.s32 $0x15F30, s28  }
0x199: {  	[spmem:s2] =	stream.indirect.scatter.add.f32 [tilespmem:s24], [sflag:$0x3], $0x8, s30, s25, $0xb8;
	[tilespmem:$0x1FE10] =	vst v63  }
0x19a: {  	_ =	swait.ge [sflag:s29], $0x400  }
0x19b: {  	[sflag:s29] =	ssyncset.done $0x0  }
0x19c: {  	[sflag:s29] =	ssyncadd.s32 $0xFFFFFC00  }
0x19d: {  	_ =	swait.ge [sflag:s29], $0x400  }
0x19e: {  	[sflag:s29] =	ssyncset.done $0x0  }
0x19f: {  	[sflag:s29] =	ssyncadd.s32 $0xFFFFFC00  }
0x1a0: {  	_ =	swait.ge [sflag:s29], $0x400  }
0x1a1: {  	[sflag:s29] =	ssyncset.done $0x0  }
0x1a2: {  	[sflag:s29] =	ssyncadd.s32 $0xFFFFFC00  }
0x1a3: {  	_ =	swait.ge [sflag:s29], $0x400  }
0x1a4: {  	[sflag:s29] =	ssyncset.done $0x0  }
0x1a5: {  	[sflag:s29] =	ssyncadd.s32 $0xFFFFFC00  }
0x1a6: {  	_ =	swait.ge [sflag:s29], $0x400  }
0x1a7: {  	[sflag:s29] =	ssyncset.done $0x0  }
0x1a8: {  	[sflag:s29] =	ssyncadd.s32 $0xFFFFFC00  }
0x1a9: {  	_ =	swait.ge [sflag:s29], $0x400  }
0x1aa: {  	[sflag:s29] =	ssyncset.done $0x0  }
0x1ab: {  	[sflag:s29] =	ssyncadd.s32 $0xFFFFFC00  }
0x1ac: {  	_ =	swait.ge [sflag:s29], $0x400  }
0x1ad: {  	[sflag:s29] =	ssyncset.done $0x0  }
0x1ae: {  	s28 =	sld [smem:$0x7FD];
	[sflag:s29] =	ssyncadd.s32 $0xFFFFFC00  }
.LBB2_10:
.Ltmp8:
0x1af: {  	(pc) =	sbr.rel @p0 .LBB2_12-.Ltmp8, $2  }
0x1b0: {  	_ =	sdelay $0x1  }
0x1b1: {  	[bflag:$0x0] =	sbarrier.arrive $0xFFFF;
	_ =	sdelay $0x1  }
0x1b2: {  	[tilespmem:s7], [sflag:$0x1] =	stream.linear.gather [spmem:s5], $0x26B0, $0x38;
	[tilespmem:$0x1FE10] =	vst v63  }
0x1b3: {  	s1 =	smul.u32 $0x1358000, s26;
	s3 =	rddreg [dreg:$0x14];
	s26 =	simm.s32 $0x1D760  }
0x1b4: {  	[tilespmem:s26], [sflag:$0x2] =	stream.linear.gather [spmem:s3], $0x26B0, $0x38;
	[tilespmem:$0x1FE10] =	vst v63  }
0x1b5: {  	_ =	swait.ge [sflag:s10], $0x26B0  }
0x1b6: {  	s30 =	sld [smem:$0x7F1];
	_ =	sdelay $0x1  }
0x1b7: {  	s0 =	sor.u32 s16, s1  }
0x1b8: {  	s3 =	sadd.s32 s0, s30  }
0x1b9: {  	[sflag:s10] =	ssyncset.done $0x0;
	s3 =	sshrl.u32 s3, $0x3  }
0x1ba: {  	[sflag:s10] =	ssyncadd.s32 $0xFFFFD950;
	s3 =	sadd.s32 s8, s3  }
0x1bb: {  	[hbm4b:s3+s15] =	stream.strided.scatter [tilespmem:s7], [sflag:$0x4], $0x26B0, s25, s15, $0x38;
	[tilespmem:$0x1FE10] =	vst v63  }
0x1bc: {  	_ =	swait.ge [sflag:s23], $0x26B0  }
0x1bd: {  	[sflag:s23] =	ssyncset.done $0x0  }
0x1be: {  	s30 =	rddreg [dreg:$0x15];
	[sflag:s23] =	ssyncadd.s32 $0xFFFFD950  }
0x1bf: {  	[tilespmem:s7], [sflag:$0x1] =	stream.linear.gather [spmem:s30], $0x26B0, $0x38;
	[tilespmem:$0x1FE10] =	vst v63  }
0x1c0: {  	_ =	swait.ge [sflag:s13], $0x26B0  }
0x1c1: {  	s30 =	rddreg [dreg:$0x16]  }
0x1c2: {  	s3 =	sadd.s32 s0, s30  }
0x1c3: {  	[sflag:s13] =	ssyncset.done $0x0;
	s3 =	sshrl.u32 s3, $0x3  }
0x1c4: {  	[sflag:s13] =	ssyncadd.s32 $0xFFFFD950;
	s3 =	sadd.s32 s8, s3  }
0x1c5: {  	[hbm4b:s3+s15] =	stream.strided.scatter [tilespmem:s26], [sflag:$0x4], $0x26B0, s25, s15, $0x38;
	[tilespmem:$0x1FE10] =	vst v63  }
0x1c6: {  	_ =	swait.ge [sflag:s23], $0x26B0  }
0x1c7: {  	[sflag:s23] =	ssyncset.done $0x0  }
0x1c8: {  	s30 =	rddreg [dreg:$0x17];
	[sflag:s23] =	ssyncadd.s32 $0xFFFFD950  }
0x1c9: {  	[tilespmem:s26], [sflag:$0x2] =	stream.linear.gather [spmem:s30], $0x26B0, $0x38;
	[tilespmem:$0x1FE10] =	vst v63  }
0x1ca: {  	_ =	swait.ge [sflag:s10], $0x26B0  }
0x1cb: {  	s30 =	rddreg [dreg:$0x18]  }
0x1cc: {  	s3 =	sadd.s32 s0, s30  }
0x1cd: {  	[sflag:s10] =	ssyncset.done $0x0;
	s3 =	sshrl.u32 s3, $0x3  }
0x1ce: {  	[sflag:s10] =	ssyncadd.s32 $0xFFFFD950;
	s3 =	sadd.s32 s8, s3  }
0x1cf: {  	[hbm4b:s3+s15] =	stream.strided.scatter [tilespmem:s7], [sflag:$0x4], $0x26B0, s25, s15, $0x38;
	[tilespmem:$0x1FE10] =	vst v63  }
0x1d0: {  	_ =	swait.ge [sflag:s23], $0x26B0  }
0x1d1: {  	[sflag:s23] =	ssyncset.done $0x0  }
0x1d2: {  	s30 =	rddreg [dreg:$0x19];
	[sflag:s23] =	ssyncadd.s32 $0xFFFFD950  }
0x1d3: {  	[tilespmem:s7], [sflag:$0x1] =	stream.linear.gather [spmem:s30], $0x26B0, $0x38;
	[tilespmem:$0x1FE10] =	vst v63  }
0x1d4: {  	_ =	swait.ge [sflag:s13], $0x26B0  }
0x1d5: {  	s30 =	rddreg [dreg:$0x1a]  }
0x1d6: {  	s3 =	sadd.s32 s0, s30  }
0x1d7: {  	[sflag:s13] =	ssyncset.done $0x0;
	s3 =	sshrl.u32 s3, $0x3  }
0x1d8: {  	[sflag:s13] =	ssyncadd.s32 $0xFFFFD950;
	s3 =	sadd.s32 s8, s3  }
0x1d9: {  	[hbm4b:s3+s15] =	stream.strided.scatter [tilespmem:s26], [sflag:$0x4], $0x26B0, s25, s15, $0x38;
	[tilespmem:$0x1FE10] =	vst v63  }
0x1da: {  	_ =	swait.ge [sflag:s23], $0x26B0  }
0x1db: {  	[sflag:s23] =	ssyncset.done $0x0  }
0x1dc: {  	s30 =	rddreg [dreg:$0x1b];
	[sflag:s23] =	ssyncadd.s32 $0xFFFFD950  }
0x1dd: {  	[tilespmem:s26], [sflag:$0x2] =	stream.linear.gather [spmem:s30], $0x26B0, $0x38;
	[tilespmem:$0x1FE10] =	vst v63  }
0x1de: {  	_ =	swait.ge [sflag:s10], $0x26B0  }
0x1df: {  	s30 =	rddreg [dreg:$0x1c]  }
0x1e0: {  	s3 =	sadd.s32 s0, s30  }
0x1e1: {  	[sflag:s10] =	ssyncset.done $0x0;
	s3 =	sshrl.u32 s3, $0x3  }
0x1e2: {  	[sflag:s10] =	ssyncadd.s32 $0xFFFFD950;
	s3 =	sadd.s32 s8, s3  }
0x1e3: {  	[hbm4b:s3+s15] =	stream.strided.scatter [tilespmem:s7], [sflag:$0x4], $0x26B0, s25, s15, $0x38;
	[tilespmem:$0x1FE10] =	vst v63  }
0x1e4: {  	_ =	swait.ge [sflag:s23], $0x26B0  }
0x1e5: {  	[sflag:s23] =	ssyncset.done $0x0  }
0x1e6: {  	[sflag:s23] =	ssyncadd.s32 $0xFFFFD950  }
0x1e7: {  	[tilespmem:s7], [sflag:$0x1] =	stream.linear.gather [spmem:s28], $0x26B0, $0x38;
	[tilespmem:$0x1FE10] =	vst v63  }
0x1e8: {  	_ =	swait.ge [sflag:s13], $0x26B0  }
0x1e9: {  	s30 =	rddreg [dreg:$0x1d]  }
0x1ea: {  	s0 =	sadd.s32 s0, s30  }
0x1eb: {  	[sflag:s13] =	ssyncset.done $0x0;
	s0 =	sshrl.u32 s0, $0x3  }
0x1ec: {  	[sflag:s13] =	ssyncadd.s32 $0xFFFFD950;
	s0 =	sadd.s32 s8, s0  }
0x1ed: {  	[hbm4b:s0+s15] =	stream.strided.scatter [tilespmem:s26], [sflag:$0x4], $0x26B0, s25, s15, $0x38;
	[tilespmem:$0x1FE10] =	vst v63  }
0x1ee: {  	_ =	swait.ge [sflag:s23], $0x26B0  }
0x1ef: {  	[sflag:s23] =	ssyncset.done $0x0;
	s3 =	sld [smem:$0x7F2]  }
0x1f0: {  	s30 =	rddreg [dreg:$0x10];
	[sflag:s23] =	ssyncadd.s32 $0xFFFFD950  }
0x1f1: {  	[tilespmem:s26], [sflag:$0x2] =	stream.linear.gather [spmem:s30], $0x26B0, $0x38;
	[tilespmem:$0x1FE10] =	vst v63  }
0x1f2: {  	s0 =	sadd.s32 s1, s3  }
0x1f3: {  	_ =	swait.ge [sflag:s10], $0x26B0;
	s0 =	sor.u32 s16, s0  }
0x1f4: {  	[sflag:s10] =	ssyncset.done $0x0;
	s0 =	sshrl.u32 s0, $0x3  }
0x1f5: {  	[sflag:s10] =	ssyncadd.s32 $0xFFFFD950;
	s0 =	sadd.s32 s8, s0  }
0x1f6: {  	[hbm4b:s0+s15] =	stream.strided.scatter [tilespmem:s7], [sflag:$0x4], $0x26B0, s25, s15, $0x38;
	[tilespmem:$0x1FE10] =	vst v63  }
0x1f7: {  	_ =	swait.ge [sflag:s23], $0x26B0  }
0x1f8: {  	[sflag:s23] =	ssyncset.done $0x0;
	s30 =	rddreg [dreg:$0x11]  }
0x1f9: {  	[sflag:s23] =	ssyncadd.s32 $0xFFFFD950;
	s0 =	sadd.s32 s30, s1  }
0x1fa: {  	s0 =	sor.u32 s0, s16;
	_ =	swait.ge [sflag:s13], $0x26B0  }
0x1fb: {  	[sflag:s13] =	ssyncset.done $0x0;
	s0 =	sshrl.u32 s0, $0x3  }
0x1fc: {  	[sflag:s13] =	ssyncadd.s32 $0xFFFFD950;
	s0 =	sadd.s32 s8, s0  }
0x1fd: {  	[hbm4b:s0+s15] =	stream.strided.scatter [tilespmem:s26], [sflag:$0x4], $0x26B0, s25, s15, $0x38;
	[tilespmem:$0x1FE10] =	vst v63  }
0x1fe: {  	_ =	swait.ge [sflag:s23], $0x26B0  }
0x1ff: {  	[sflag:s23] =	ssyncset.done $0x0  }
0x200: {  	[sflag:s23] =	ssyncadd.s32 $0xFFFFD950  }
.LBB2_12:
.Ltmp9:
0x201: {  	(pc) =	sbr.rel @p1 .LBB2_14-.Ltmp9, $1  }
0x202: {  	_ =	sdelay $0x3  }
0x203: {  	[tilespmem:s7], [sflag:$0x1] =	stream.linear.gather [spmem:s5], $0x26B0, $0x38;
	[tilespmem:$0x1FE10] =	vst v63  }
0x204: {  	_ =	swait.ge [sflag:s10], $0x26B0  }
0x205: {  	[sflag:s10] =	ssyncset.done $0x0  }
0x206: {  	s0 =	simm.s32 $0x0;
	s1 =	rddreg [dreg:$0x12];
	[sflag:s10] =	ssyncadd.s32 $0xFFFFD950  }
0x207: {  	[hbm4b:s1+s0] =	stream.linear.scatter [tilespmem:s7], [sflag:$0x4], $0x26B0, $0x38;
	[tilespmem:$0x1FE10] =	vst v63  }
0x208: {  	_ =	swait.ge [sflag:s23], $0x26B0  }
0x209: {  	[sflag:s23] =	ssyncset.done $0x0  }
0x20a: {  	s3 =	rddreg [dreg:$0x14];
	[sflag:s23] =	ssyncadd.s32 $0xFFFFD950  }
0x20b: {  	[tilespmem:s7], [sflag:$0x1] =	stream.linear.gather [spmem:s3], $0x26B0, $0x38;
	[tilespmem:$0x1FE10] =	vst v63  }
0x20c: {  	_ =	swait.ge [sflag:s10], $0x26B0  }
0x20d: {  	s16 =	sld [smem:$0x7F3]  }
0x20e: {  	[sflag:s10] =	ssyncset.done $0x0  }
0x20f: {  	[sflag:s10] =	ssyncadd.s32 $0xFFFFD950  }
0x210: {  	[hbm4b:s16+s0] =	stream.linear.scatter [tilespmem:s7], [sflag:$0x4], $0x26B0, $0x38;
	[tilespmem:$0x1FE10] =	vst v63  }
0x211: {  	_ =	swait.ge [sflag:s23], $0x26B0  }
0x212: {  	[sflag:s23] =	ssyncset.done $0x0  }
0x213: {  	s26 =	rddreg [dreg:$0x15];
	[sflag:s23] =	ssyncadd.s32 $0xFFFFD950  }
0x214: {  	[tilespmem:s7], [sflag:$0x1] =	stream.linear.gather [spmem:s26], $0x26B0, $0x38;
	[tilespmem:$0x1FE10] =	vst v63  }
0x215: {  	_ =	swait.ge [sflag:s10], $0x26B0  }
0x216: {  	s30 =	sld [smem:$0x7F4]  }
0x217: {  	[sflag:s10] =	ssyncset.done $0x0  }
0x218: {  	[sflag:s10] =	ssyncadd.s32 $0xFFFFD950  }
0x219: {  	[hbm4b:s30+s0] =	stream.linear.scatter [tilespmem:s7], [sflag:$0x4], $0x26B0, $0x38;
	[tilespmem:$0x1FE10] =	vst v63  }
0x21a: {  	_ =	swait.ge [sflag:s23], $0x26B0  }
0x21b: {  	[sflag:s23] =	ssyncset.done $0x0  }
0x21c: {  	[sflag:s23] =	ssyncadd.s32 $0xFFFFD950  }
0x21d: {  	[tilespmem:s7], [sflag:$0x1] =	stream.linear.gather [spmem:s9], $0x26B0, $0x38;
	[tilespmem:$0x1FE10] =	vst v63  }
0x21e: {  	_ =	swait.ge [sflag:s10], $0x26B0  }
0x21f: {  	s3 =	sld [smem:$0x7F5]  }
0x220: {  	[sflag:s10] =	ssyncset.done $0x0  }
0x221: {  	[sflag:s10] =	ssyncadd.s32 $0xFFFFD950  }
0x222: {  	[hbm4b:s3+s0] =	stream.linear.scatter [tilespmem:s7], [sflag:$0x4], $0x26B0, $0x38;
	[tilespmem:$0x1FE10] =	vst v63  }
0x223: {  	_ =	swait.ge [sflag:s23], $0x26B0  }
0x224: {  	s16 =	sld [smem:$0x7EE]  }
0x225: {  	[sflag:s23] =	ssyncset.done $0x0  }
0x226: {  	[sflag:s23] =	ssyncadd.s32 $0xFFFFD950  }
0x227: {  	[tilespmem:s7], [sflag:$0x1] =	stream.linear.gather [spmem:s16], $0x26B0, $0x38;
	[tilespmem:$0x1FE10] =	vst v63  }
0x228: {  	_ =	swait.ge [sflag:s10], $0x26B0  }
0x229: {  	s26 =	sld [smem:$0x7F6]  }
0x22a: {  	[sflag:s10] =	ssyncset.done $0x0  }
0x22b: {  	[sflag:s10] =	ssyncadd.s32 $0xFFFFD950  }
0x22c: {  	[hbm4b:s26+s0] =	stream.linear.scatter [tilespmem:s7], [sflag:$0x4], $0x26B0, $0x38;
	[tilespmem:$0x1FE10] =	vst v63  }
0x22d: {  	_ =	swait.ge [sflag:s23], $0x26B0  }
0x22e: {  	s30 =	sld [smem:$0x7EF]  }
0x22f: {  	[sflag:s23] =	ssyncset.done $0x0  }
0x230: {  	[sflag:s23] =	ssyncadd.s32 $0xFFFFD950  }
0x231: {  	[tilespmem:s7], [sflag:$0x1] =	stream.linear.gather [spmem:s30], $0x26B0, $0x38;
	[tilespmem:$0x1FE10] =	vst v63  }
0x232: {  	_ =	swait.ge [sflag:s10], $0x26B0  }
0x233: {  	s3 =	sld [smem:$0x7F7]  }
0x234: {  	[sflag:s10] =	ssyncset.done $0x0  }
0x235: {  	[sflag:s10] =	ssyncadd.s32 $0xFFFFD950  }
0x236: {  	[hbm4b:s3+s0] =	stream.linear.scatter [tilespmem:s7], [sflag:$0x4], $0x26B0, $0x38;
	[tilespmem:$0x1FE10] =	vst v63  }
0x237: {  	_ =	swait.ge [sflag:s23], $0x26B0  }
0x238: {  	[sflag:s23] =	ssyncset.done $0x0  }
0x239: {  	[sflag:s23] =	ssyncadd.s32 $0xFFFFD950  }
0x23a: {  	[tilespmem:s7], [sflag:$0x1] =	stream.linear.gather [spmem:s28], $0x26B0, $0x38;
	[tilespmem:$0x1FE10] =	vst v63  }
0x23b: {  	_ =	swait.ge [sflag:s10], $0x26B0  }
0x23c: {  	s16 =	sld [smem:$0x7F8]  }
0x23d: {  	[sflag:s10] =	ssyncset.done $0x0  }
0x23e: {  	[sflag:s10] =	ssyncadd.s32 $0xFFFFD950  }
0x23f: {  	[hbm4b:s16+s0] =	stream.linear.scatter [tilespmem:s7], [sflag:$0x4], $0x26B0, $0x38;
	[tilespmem:$0x1FE10] =	vst v63  }
0x240: {  	_ =	swait.ge [sflag:s23], $0x26B0  }
0x241: {  	[sflag:s23] =	ssyncset.done $0x0  }
0x242: {  	s26 =	rddreg [dreg:$0x10];
	[sflag:s23] =	ssyncadd.s32 $0xFFFFD950  }
0x243: {  	[tilespmem:s7], [sflag:$0x1] =	stream.linear.gather [spmem:s26], $0x26B0, $0x38;
	[tilespmem:$0x1FE10] =	vst v63  }
0x244: {  	_ =	swait.ge [sflag:s10], $0x26B0  }
0x245: {  	s30 =	sld [smem:$0x7F9]  }
0x246: {  	[sflag:s10] =	ssyncset.done $0x0  }
.Ltmp10:
0x247: {  	[sflag:s10] =	ssyncadd.s32 $0xFFFFD950;
	(pc) =	sbr.rel .LBB2_14-.Ltmp10, $4  }
0x248: {  	[hbm4b:s30+s0] =	stream.linear.scatter [tilespmem:s7], [sflag:$0x4], $0x26B0, $0x38;
	[tilespmem:$0x1FE10] =	vst v63  }
0x249: {  	_ =	swait.ge [sflag:s23], $0x26B0  }
0x24a: {  	[sflag:s23] =	ssyncset.done $0x0  }
0x24b: {  	[sflag:s23] =	ssyncadd.s32 $0xFFFFD950  }
.LBB2_16:
0x24c: {  	_ =	sfence.sel $0x180000  }
0x24d: {  	[bflag:$0x0] =	sbarrier.arrive $0xFFFF  }
0x24e: {  	_ =	strace $0x90000047  }
0x24f: {  	s0 =	stileid.u32;
	[bflag:$0x2] =	sbarrier.arrive $0xFFFF  }
0x250: {  	p0 =	sne.s32 s0, $0x0;
	s0 =	rddreg [dreg:$0x3]  }
0x251: {  	s0 =	sadd.s32 @!p0 $0x100000, s0  }
0x252: {  	[sflag:s0] =	ssyncadd.tile.s32 @!p0 $0x1;
	_ =	shalt  }
.Lfunc_end2:
_tile_overlayer_lowered:
.L_overlay_start_2:
0x253: {  	(tag) =	ssettag $0x2  }
0x254: {  	s0 =	rddreg [dreg:$0x0];
	s2 =	stileid.u32  }
0x255: {  	s1 =	rddreg [dreg:$0x1];
	p0 =	sne.s32 s2, $0x0  }
0x256: {  	s3 =	rddreg [dreg:$0x2];
	[bflag:$0x3] =	sbarrier.arrive $0xFFFF;
	s2 =	simm.s32 @!p0 $0x1C04  }
0x257: {  	[timem:s3], [sflag:s2] =	dma.local @!p0 [hbm:s0], s1  }
0x258: {  	s0 =	simm.s32 @!p0 $0x4  }
0x259: {  	_ =	swait.ge @!p0 [sflag:s0], s1  }
0x25a: {  	s1 =	ssub.s32 @!p0 $0x0, s1;
	[sflag:s0] =	ssyncset.done @!p0 $0x0  }
0x25b: {  	[sflag:s0] =	ssyncadd.s32 @!p0 s1  }
0x25c: {  	[bflag:$0x3] =	sbarrier.arrive $0xFFFF  }
0x25d: {  	_ =	shalt  }

</sc_bundles>
